<compile_context>
chip_gen: v7x
topology: tpu7x:2x2x1
jax: 0.10.2.dev20260603
libtpu: 0.0.44.dev20260713+nightly
codegen_flags: <defaults>
</compile_context>

<pallas_src>
import jax
import jax.numpy as jnp
from jax import lax
from jax.experimental import pallas as pl
from jax.experimental.pallas import tpu as pltpu
from jax.experimental.pallas import tpu_sc as plsc

N = 10000
E = 320000
D = 128
H = 8
DH = 16
D_EDGE = 16

NC = 2
NS = 16
NW = NC * NS
CH = 32
NJ_HI = 314
NJ_LO = 312
ROW = D + 16
RPT = N // NS

EBLK = 12800
PBLK = 2000
NPBLK = N // PBLK


def _pre_body(x_ref, wq_ref, wk_ref, wv_ref, ea_ref, we_ref,
              q_ref, k_ref, v_ref, ep_ref):
    xv = x_ref[...]
    q_ref[...] = jnp.dot(xv, wq_ref[...], preferred_element_type=jnp.float32)
    k_ref[...] = jnp.dot(xv, wk_ref[...], preferred_element_type=jnp.float32)
    v_ref[...] = jnp.dot(xv, wv_ref[...], preferred_element_type=jnp.float32)
    ep_ref[...] = jnp.dot(ea_ref[...], we_ref[...],
                          preferred_element_type=jnp.float32) * 0.25


def _bcast_last(x):
    idx = jnp.full((DH, 1), DH - 1, dtype=jnp.int32)
    dnums = lax.GatherDimensionNumbers(
        offset_dims=(), collapsed_slice_dims=(0,), start_index_map=(0,))
    return lax.gather(x, idx, dnums, (1,),
                      mode=lax.GatherScatterMode.PROMISE_IN_BOUNDS)


def _sc_body(q_hbm, k_hbm, v_hbm, ep_hbm, src_hbm, dst_hbm, out_hbm,
             srcv0, srcv1, dstv0, dstv1, k0, k1, q0, q1, v0, v1, e0, e1,
             msgv, acc, isem0, isem1, gsem0, gsem1):
    c = lax.axis_index("c")
    s = lax.axis_index("s")
    wid = s * NC + c

    srcv = (srcv0, srcv1)
    dstv = (dstv0, dstv1)
    krows = (k0, k1)
    qrows = (q0, q1)
    vrows = (v0, v1)
    eprows = (e0, e1)
    isem = (isem0, isem1)
    gsem = (gsem0, gsem1)

    zvec = jnp.zeros((DH,), jnp.float32)

    @pl.loop(0, CH)
    def _zero_fill(r):
        for j in range(ROW // DH):
            msgv[r, pl.ds(j * DH, DH)] = zvec

    abase = s * RPT

    @pl.loop(0, RPT - (RPT % CH), step=CH)
    def _zero_acc(r0):
        pltpu.sync_copy(msgv, acc.at[pl.ds(abase + r0, CH)])

    pltpu.sync_copy(msgv.at[pl.ds(0, RPT % CH)],
                    acc.at[pl.ds(abase + RPT - (RPT % CH), RPT % CH)])

    plsc.subcore_barrier()

    nj = jnp.where(wid < 8, NJ_HI, NJ_LO)
    jbase = jnp.where(wid < 8, wid * NJ_HI, 8 * NJ_HI + (wid - 8) * NJ_LO)
    iota = lax.iota(jnp.int32, DH)

    def _idx_load(ch, par, sync=False):
        base = (jbase + ch) * CH
        c1 = pltpu.async_copy(src_hbm.at[pl.ds(base, CH)], srcv[par],
                              isem[par])
        c2 = pltpu.async_copy(dst_hbm.at[pl.ds(base, CH)], dstv[par],
                              isem[par])
        if sync:
            c1.wait()
            c2.wait()

    def _idx_wait(par):
        pltpu.make_async_copy(src_hbm.at[pl.ds(0, CH)], srcv[par],
                              isem[par]).wait()
        pltpu.make_async_copy(dst_hbm.at[pl.ds(0, CH)], dstv[par],
                              isem[par]).wait()

    def _gather_issue(ch, par):
        base = (jbase + ch) * CH
        pltpu.async_copy(k_hbm.at[srcv[par]], krows[par], gsem[par])
        pltpu.async_copy(q_hbm.at[dstv[par]], qrows[par], gsem[par])
        pltpu.async_copy(v_hbm.at[srcv[par]], vrows[par], gsem[par])
        pltpu.async_copy(ep_hbm.at[pl.ds(base, CH)], eprows[par], gsem[par])

    def _gather_wait(par):
        for buf in (krows[par], qrows[par], vrows[par], eprows[par]):
            pltpu.make_async_copy(ep_hbm.at[pl.ds(0, CH)], buf,
                                  gsem[par]).wait()

    _idx_load(0, 0, sync=True)
    _gather_issue(0, 0)
    _idx_load(1, 1)

    @pl.loop(0, NJ_HI, step=2)
    def _chunk2(j):
        for b in range(2):
            par = b
            ch = j + b

            @pl.when(ch < nj)
            def _run():
                nxt = 1 - par

                @pl.when(ch + 1 < nj)
                def _prefetch():
                    _idx_wait(nxt)
                    _gather_issue(ch + 1, nxt)

                _gather_wait(par)
                kb, qb, vb, eb = krows[par], qrows[par], vrows[par], \
                    eprows[par]

                @plsc.parallel_loop(0, CH, unroll=4)
                def _edge(i):
                    svec = jnp.zeros((DH,), jnp.float32)
                    for h in range(H):
                        sl = pl.ds(h * DH, DH)
                        kq = kb[i, sl] * qb[i, sl]
                        s3 = kq * eb[i, sl]
                        tot = _bcast_last(plsc.cumsum(s3))
                        tot = jnp.minimum(jnp.maximum(tot, -5.0), 5.0)
                        evec = jnp.exp(tot)
                        msgv[i, sl] = vb[i, sl] * evec
                        svec = svec + jnp.where(iota == h, evec, 0.0)
                    msgv[i, pl.ds(D, DH)] = svec

                pltpu.sync_copy(msgv, acc.at[dstv[par]], add=True)

                @pl.when(ch + 2 < nj)
                def _idx_prefetch():
                    _idx_load(ch + 2, par)

    plsc.subcore_barrier()
    pltpu.sync_copy(acc.at[pl.ds(s * RPT, RPT)],
                    out_hbm.at[pl.ds(c * N + s * RPT, RPT)])


def _ln(h, g, b):
    m = jnp.mean(h, axis=-1, keepdims=True)
    v = jnp.mean((h - m) ** 2, axis=-1, keepdims=True)
    return (h - m) / jnp.sqrt(v + 1e-5) * g + b


def _post_body(p0_ref, p1_ref, x_ref, bsel_ref, wo_ref, bo_ref, g1_ref,
               bv1_ref, w1_ref, bb1_ref, w2_ref, bb2_ref, g2_ref, bv2_ref,
               o_ref):
    wv = p0_ref[:, :D] + p1_ref[:, :D]
    z16 = p0_ref[:, D:] + p1_ref[:, D:]
    zfull = jnp.dot(z16, bsel_ref[...], preferred_element_type=jnp.float32)
    hout = wv / (zfull + 1e-6)
    h = jnp.dot(hout, wo_ref[...], preferred_element_type=jnp.float32)
    h = x_ref[...] + h + bo_ref[...]
    h = _ln(h, g1_ref[...], bv1_ref[...])
    h2 = jnp.dot(h, w1_ref[...], preferred_element_type=jnp.float32)
    h2 = jnp.maximum(h2 + bb1_ref[...], 0.0)
    h2 = jnp.dot(h2, w2_ref[...], preferred_element_type=jnp.float32)
    h2 = h2 + bb2_ref[...]
    h = h + h2
    o_ref[...] = _ln(h, g2_ref[...], bv2_ref[...])


def kernel(x, edge_index, edge_attr, Wq, Wk, We, Wv, Wo, bo, ln1_g, ln1_b,
           W1, b1, W2, b2, ln2_g, ln2_b):
    src = edge_index[0]
    dst = edge_index[1]

    ngrid = E // EBLK
    xblk = N // ngrid
    q, k, v, ep = pl.pallas_call(
        _pre_body,
        grid=(ngrid,),
        in_specs=[
            pl.BlockSpec((xblk, D), lambda i: (i, 0)),
            pl.BlockSpec((D, D), lambda i: (0, 0)),
            pl.BlockSpec((D, D), lambda i: (0, 0)),
            pl.BlockSpec((D, D), lambda i: (0, 0)),
            pl.BlockSpec((EBLK, D_EDGE), lambda i: (i, 0)),
            pl.BlockSpec((D_EDGE, D), lambda i: (0, 0)),
        ],
        out_specs=[
            pl.BlockSpec((xblk, D), lambda i: (i, 0)),
            pl.BlockSpec((xblk, D), lambda i: (i, 0)),
            pl.BlockSpec((xblk, D), lambda i: (i, 0)),
            pl.BlockSpec((EBLK, D), lambda i: (i, 0)),
        ],
        out_shape=[jax.ShapeDtypeStruct((N, D), jnp.float32)] * 3
        + [jax.ShapeDtypeStruct((E, D), jnp.float32)],
    )(x, Wq, Wk, Wv, edge_attr, We)

    mesh = plsc.VectorSubcoreMesh(core_axis_name="c", subcore_axis_name="s",
                                  num_cores=NC, num_subcores=NS)
    partials = pl.kernel(
        _sc_body,
        out_type=jax.ShapeDtypeStruct((2 * N, ROW), jnp.float32),
        mesh=mesh,
        compiler_params=pltpu.CompilerParams(use_tc_tiling_on_sc=False,
                                             needs_layout_passes=False),
        scratch_types=(
            [pltpu.VMEM((CH,), jnp.int32)] * 4
            + [pltpu.VMEM((CH, D), jnp.float32)] * 8
            + [pltpu.VMEM((CH, ROW), jnp.float32),
               pltpu.VMEM_SHARED((N, ROW), jnp.float32),
               pltpu.SemaphoreType.DMA,
               pltpu.SemaphoreType.DMA,
               pltpu.SemaphoreType.DMA,
               pltpu.SemaphoreType.DMA]
        ),
    )(q, k, v, ep, src, dst)

    bsel = (jnp.arange(D, dtype=jnp.int32)[None, :] // DH
            == jnp.arange(DH, dtype=jnp.int32)[:, None]).astype(jnp.float32)

    out = pl.pallas_call(
        _post_body,
        grid=(NPBLK,),
        in_specs=[
            pl.BlockSpec((PBLK, ROW), lambda i: (i, 0)),
            pl.BlockSpec((PBLK, ROW), lambda i: (i + NPBLK, 0)),
            pl.BlockSpec((PBLK, D), lambda i: (i, 0)),
            pl.BlockSpec((DH, D), lambda i: (0, 0)),
            pl.BlockSpec((D, D), lambda i: (0, 0)),
            pl.BlockSpec((1, D), lambda i: (0, 0)),
            pl.BlockSpec((1, D), lambda i: (0, 0)),
            pl.BlockSpec((1, D), lambda i: (0, 0)),
            pl.BlockSpec((D, 2 * D), lambda i: (0, 0)),
            pl.BlockSpec((1, 2 * D), lambda i: (0, 0)),
            pl.BlockSpec((2 * D, D), lambda i: (0, 0)),
            pl.BlockSpec((1, D), lambda i: (0, 0)),
            pl.BlockSpec((1, D), lambda i: (0, 0)),
            pl.BlockSpec((1, D), lambda i: (0, 0)),
        ],
        out_specs=pl.BlockSpec((PBLK, D), lambda i: (i, 0)),
        out_shape=jax.ShapeDtypeStruct((N, D), jnp.float32),
    )(partials, partials, x, bsel, Wo, bo.reshape(1, D), ln1_g.reshape(1, D),
      ln1_b.reshape(1, D), W1, b1.reshape(1, 2 * D), W2, b2.reshape(1, D),
      ln2_g.reshape(1, D), ln2_b.reshape(1, D))

    return out

# --- scband reference (transcript-rebuilt; emitter-appended) ---
"""Pipeline reference for scband-encoder-17549236371616 (READ-ONLY COPY).

The authoritative reference and input builder live on the scoring server;
editing this copy changes nothing except your own understanding.
"""

import jax, jax.numpy as jnp
import numpy as np

N = 10000
E_EDGES = 320000
D_IN = 128
D_OUT = 128
H = 8
DH = D_OUT // H
D_EDGE = 16


def layer_norm(h, g, b):
    m = h.mean(-1, keepdims=True)
    v = ((h - m) ** 2).mean(-1, keepdims=True)
    return (h - m) / jnp.sqrt(v + 1e-5) * g + b


def setup_inputs(seed: int = 0) -> dict:
    key = jax.random.key(seed)
    ks = jax.random.split(key, 16)
    inp = {}
    inp["x"] = jax.random.normal(ks[0], (N, D_IN), dtype=jnp.float32)
    inp["edge_index"] = jax.random.randint(ks[1], (2, E_EDGES), 0, N, dtype=jnp.int32)
    inp["edge_attr"] = jax.random.normal(ks[2], (E_EDGES, D_EDGE), dtype=jnp.float32)
    s = 0.05
    inp["Wq"] = jax.random.normal(ks[3], (D_IN, D_OUT), dtype=jnp.float32) * s
    inp["Wk"] = jax.random.normal(ks[4], (D_IN, D_OUT), dtype=jnp.float32) * s
    inp["We"] = jax.random.normal(ks[5], (D_EDGE, D_OUT), dtype=jnp.float32) * s
    inp["Wv"] = jax.random.normal(ks[6], (D_IN, D_OUT), dtype=jnp.float32) * s
    inp["Wo"] = jax.random.normal(ks[7], (D_OUT, D_OUT), dtype=jnp.float32) * s
    inp["bo"] = jnp.zeros((D_OUT,), dtype=jnp.float32)
    inp["ln1_g"] = jnp.ones((D_OUT,), dtype=jnp.float32)
    inp["ln1_b"] = jnp.zeros((D_OUT,), dtype=jnp.float32)
    inp["W1"] = jax.random.normal(ks[8], (D_OUT, 2 * D_OUT), dtype=jnp.float32) * s
    inp["b1"] = jnp.zeros((2 * D_OUT,), dtype=jnp.float32)
    inp["W2"] = jax.random.normal(ks[9], (2 * D_OUT, D_OUT), dtype=jnp.float32) * s
    inp["b2"] = jnp.zeros((D_OUT,), dtype=jnp.float32)
    inp["ln2_g"] = jnp.ones((D_OUT,), dtype=jnp.float32)
    inp["ln2_b"] = jnp.zeros((D_OUT,), dtype=jnp.float32)
    return inp


def reference(x, edge_index, edge_attr, Wq, Wk, We, Wv, Wo, bo, ln1_g, ln1_b, W1, b1, W2, b2, ln2_g, ln2_b):
    src_idx = edge_index[0]
    dst_idx = edge_index[1]
    Q_h = (x @ Wq).reshape(-1, H, DH)
    K_h = (x @ Wk).reshape(-1, H, DH)
    E_p = (edge_attr @ We).reshape(-1, H, DH)
    V_h = (x @ Wv).reshape(-1, H, DH)
    src = K_h[src_idx]
    dest = Q_h[dst_idx]
    score = src * dest / np.sqrt(DH)
    score = score * E_p
    score = jnp.exp(jnp.clip(score.sum(-1, keepdims=True), -5.0, 5.0))
    msg = V_h[src_idx] * score
    wV = jax.ops.segment_sum(msg, dst_idx, num_segments=N)
    Z = jax.ops.segment_sum(score, dst_idx, num_segments=N)
    h_out = (wV / (Z + 1e-6)).reshape(-1, H * DH)
    h = h_out @ Wo + bo
    h = x + h
    h = layer_norm(h, ln1_g, ln1_b)
    h_in2 = h
    h = jax.nn.relu(h @ W1 + b1)
    h = h @ W2 + b2
    h = h_in2 + h
    h = layer_norm(h, ln2_g, ln2_b)
    return h

if __name__ == "__main__":
    import jax
    _d = setup_inputs()
    print(jax.jit(kernel)(*tuple(_d.values())))

</pallas_src>

<mosaic_0001>
#map = affine_map<(d0, d1) -> (0, 0)>
#map1 = affine_map<(d0, d1) -> (0)>
module attributes {stable_mosaic.version = 14 : i64} {
  func.func @_sc_body(%arg0: i32, %arg1: i32, %arg2: memref<10000x128xf32, #tpu.memory_space<hbm>>, %arg3: memref<10000x128xf32, #tpu.memory_space<hbm>>, %arg4: memref<10000x128xf32, #tpu.memory_space<hbm>>, %arg5: memref<320000x128xf32, #tpu.memory_space<hbm>>, %arg6: memref<320000xi32, #tpu.memory_space<hbm>>, %arg7: memref<320000xi32, #tpu.memory_space<hbm>>, %arg8: memref<20000x144xf32, #tpu.memory_space<hbm>>, %arg9: memref<32xi32, #tpu.memory_space<vmem>>, %arg10: memref<32xi32, #tpu.memory_space<vmem>>, %arg11: memref<32xi32, #tpu.memory_space<vmem>>, %arg12: memref<32xi32, #tpu.memory_space<vmem>>, %arg13: memref<32x128xf32, #tpu.memory_space<vmem>>, %arg14: memref<32x128xf32, #tpu.memory_space<vmem>>, %arg15: memref<32x128xf32, #tpu.memory_space<vmem>>, %arg16: memref<32x128xf32, #tpu.memory_space<vmem>>, %arg17: memref<32x128xf32, #tpu.memory_space<vmem>>, %arg18: memref<32x128xf32, #tpu.memory_space<vmem>>, %arg19: memref<32x128xf32, #tpu.memory_space<vmem>>, %arg20: memref<32x128xf32, #tpu.memory_space<vmem>>, %arg21: memref<32x144xf32, #tpu.memory_space<vmem>>, %arg22: memref<10000x144xf32, #tpu.memory_space<vmem_shared>>, %arg23: memref<!tpu.dma_semaphore, #tpu.memory_space<semaphore_mem>>, %arg24: memref<!tpu.dma_semaphore, #tpu.memory_space<semaphore_mem>>, %arg25: memref<!tpu.dma_semaphore, #tpu.memory_space<semaphore_mem>>, %arg26: memref<!tpu.dma_semaphore, #tpu.memory_space<semaphore_mem>>) attributes {dimension_semantics = [#tpu.dimension_semantics<core_parallel>, #tpu.dimension_semantics<subcore_parallel>], iteration_bounds = array<i64: 2, 16>, scalar_prefetch = 0 : i64, scratch_operands = 18 : i64, tpu.core_type = #tpu.core_type<sc_vector_subcore>, window_params = [{transform_indices = #map}, {transform_indices = #map}, {transform_indices = #map}, {transform_indices = #map}, {transform_indices = #map1}, {transform_indices = #map1}, {transform_indices = #map}]} {
    %mul3A = arith.constant 2 : i32
    %mul3A_0 = arith.muli %arg1, %mul3A : i32
    %add3A = arith.addi %mul3A_0, %arg0 : i32
    %broadcast_in_dim3A = arith.constant 0.000000e+00 : f32
    %broadcast_in_dim3A_1 = vector.broadcast %broadcast_in_dim3A : f32 to vector<16xf32>
    %scan3A = arith.constant 0 : i32
    %scan3A_2 = arith.constant 32 : i32
    %scan3A_3 = arith.addi %scan3A, %scan3A_2 : i32
    %scan3A_4 = arith.constant 1 : i32
    scf.for %scan3A_77 = %scan3A to %scan3A_3 step %scan3A_4  : i32 {
      %mul3A_78 = arith.constant 1 : i32
      %mul3A_79 = arith.muli %scan3A_77, %mul3A_78 : i32
      %add3A_80 = arith.constant 0 : i32
      %add3A_81 = arith.addi %add3A_80, %mul3A_79 : i32
      %swap3A = arith.index_cast %add3A_81 : i32 to index
      %swap3A_82 = arith.constant 0 : index
      %swap3A_83 = tpu.vector_load %arg21[%swap3A, %swap3A_82] {strides = array<i32>} : memref<32x144xf32, #tpu.memory_space<vmem>>, vector<16xf32>,
      tpu.vector_store %arg21[%swap3A, %swap3A_82], %broadcast_in_dim3A_1 {strides = array<i32>} : memref<32x144xf32, #tpu.memory_space<vmem>>, vector<16xf32>,
      %swap3A_84 = arith.index_cast %add3A_81 : i32 to index
      %swap3A_85 = arith.constant 16 : index
      %swap3A_86 = tpu.vector_load %arg21[%swap3A_84, %swap3A_85] {strides = array<i32>} : memref<32x144xf32, #tpu.memory_space<vmem>>, vector<16xf32>,
      tpu.vector_store %arg21[%swap3A_84, %swap3A_85], %broadcast_in_dim3A_1 {strides = array<i32>} : memref<32x144xf32, #tpu.memory_space<vmem>>, vector<16xf32>,
      %swap3A_87 = arith.index_cast %add3A_81 : i32 to index
      %swap3A_88 = arith.constant 32 : index
      %swap3A_89 = tpu.vector_load %arg21[%swap3A_87, %swap3A_88] {strides = array<i32>} : memref<32x144xf32, #tpu.memory_space<vmem>>, vector<16xf32>,
      tpu.vector_store %arg21[%swap3A_87, %swap3A_88], %broadcast_in_dim3A_1 {strides = array<i32>} : memref<32x144xf32, #tpu.memory_space<vmem>>, vector<16xf32>,
      %swap3A_90 = arith.index_cast %add3A_81 : i32 to index
      %swap3A_91 = arith.constant 48 : index
      %swap3A_92 = tpu.vector_load %arg21[%swap3A_90, %swap3A_91] {strides = array<i32>} : memref<32x144xf32, #tpu.memory_space<vmem>>, vector<16xf32>,
      tpu.vector_store %arg21[%swap3A_90, %swap3A_91], %broadcast_in_dim3A_1 {strides = array<i32>} : memref<32x144xf32, #tpu.memory_space<vmem>>, vector<16xf32>,
      %swap3A_93 = arith.index_cast %add3A_81 : i32 to index
      %swap3A_94 = arith.constant 64 : index
      %swap3A_95 = tpu.vector_load %arg21[%swap3A_93, %swap3A_94] {strides = array<i32>} : memref<32x144xf32, #tpu.memory_space<vmem>>, vector<16xf32>,
      tpu.vector_store %arg21[%swap3A_93, %swap3A_94], %broadcast_in_dim3A_1 {strides = array<i32>} : memref<32x144xf32, #tpu.memory_space<vmem>>, vector<16xf32>,
      %swap3A_96 = arith.index_cast %add3A_81 : i32 to index
      %swap3A_97 = arith.constant 80 : index
      %swap3A_98 = tpu.vector_load %arg21[%swap3A_96, %swap3A_97] {strides = array<i32>} : memref<32x144xf32, #tpu.memory_space<vmem>>, vector<16xf32>,
      tpu.vector_store %arg21[%swap3A_96, %swap3A_97], %broadcast_in_dim3A_1 {strides = array<i32>} : memref<32x144xf32, #tpu.memory_space<vmem>>, vector<16xf32>,
      %swap3A_99 = arith.index_cast %add3A_81 : i32 to index
      %swap3A_100 = arith.constant 96 : index
      %swap3A_101 = tpu.vector_load %arg21[%swap3A_99, %swap3A_100] {strides = array<i32>} : memref<32x144xf32, #tpu.memory_space<vmem>>, vector<16xf32>,
      tpu.vector_store %arg21[%swap3A_99, %swap3A_100], %broadcast_in_dim3A_1 {strides = array<i32>} : memref<32x144xf32, #tpu.memory_space<vmem>>, vector<16xf32>,
      %swap3A_102 = arith.index_cast %add3A_81 : i32 to index
      %swap3A_103 = arith.constant 112 : index
      %swap3A_104 = tpu.vector_load %arg21[%swap3A_102, %swap3A_103] {strides = array<i32>} : memref<32x144xf32, #tpu.memory_space<vmem>>, vector<16xf32>,
      tpu.vector_store %arg21[%swap3A_102, %swap3A_103], %broadcast_in_dim3A_1 {strides = array<i32>} : memref<32x144xf32, #tpu.memory_space<vmem>>, vector<16xf32>,
      %swap3A_105 = arith.index_cast %add3A_81 : i32 to index
      %swap3A_106 = arith.constant 128 : index
      %swap3A_107 = tpu.vector_load %arg21[%swap3A_105, %swap3A_106] {strides = array<i32>} : memref<32x144xf32, #tpu.memory_space<vmem>>, vector<16xf32>,
      tpu.vector_store %arg21[%swap3A_105, %swap3A_106], %broadcast_in_dim3A_1 {strides = array<i32>} : memref<32x144xf32, #tpu.memory_space<vmem>>, vector<16xf32>,
    }
    %scan3A_5 = arith.constant 32 : i32
    %mul3A_6 = arith.constant 625 : i32
    %mul3A_7 = arith.muli %arg1, %mul3A_6 : i32
    %scan3A_8 = arith.constant 0 : i32
    %scan3A_9 = arith.constant 19 : i32
    %scan3A_10 = arith.addi %scan3A_8, %scan3A_9 : i32
    %scan3A_11 = arith.constant 1 : i32
    scf.for %scan3A_77 = %scan3A_8 to %scan3A_10 step %scan3A_11  : i32 {
      %mul3A_78 = arith.constant 32 : i32
      %mul3A_79 = arith.muli %scan3A_77, %mul3A_78 : i32
      %add3A_80 = arith.constant 0 : i32
      %add3A_81 = arith.addi %add3A_80, %mul3A_79 : i32
      %add3A_82 = arith.addi %mul3A_7, %add3A_81 : i32
      "tpu.region"() ({
        %run_scoped3A = tpu.sem_alloc : memref<!tpu.dma_semaphore, #tpu.memory_space<semaphore_mem>>
        %dma_start3A_83 = arith.constant 0 : i32
        %dma_start3A_84 = tpu.memref_slice %arg22[%add3A_82, %dma_start3A_83] : memref<10000x144xf32, #tpu.memory_space<vmem_shared>> -> memref<32x144xf32, #tpu.memory_space<vmem_shared>>
        %dma_start3A_85 = arith.constant 0 : i32
        %dma_start3A_86 = tpu.memref_slice %arg22[%add3A_82, %dma_start3A_85] : memref<10000x144xf32, #tpu.memory_space<vmem_shared>> -> memref<32x144xf32, #tpu.memory_space<vmem_shared>>
        tpu.enqueue_dma source(%arg21 : memref<32x144xf32, #tpu.memory_space<vmem>>) target(%dma_start3A_86 : memref<32x144xf32, #tpu.memory_space<vmem_shared>>) target_semaphore(%run_scoped3A : memref<!tpu.dma_semaphore, #tpu.memory_space<semaphore_mem>>)
        %dma_wait3A_87 = arith.constant 0 : i32
        %dma_wait3A_88 = tpu.memref_slice %arg22[%add3A_82, %dma_wait3A_87] : memref<10000x144xf32, #tpu.memory_space<vmem_shared>> -> memref<32x144xf32, #tpu.memory_space<vmem_shared>>
        %dma_wait3A_89 = arith.constant 0 : i32
        %dma_wait3A_90 = tpu.memref_slice %arg22[%add3A_82, %dma_wait3A_89] : memref<10000x144xf32, #tpu.memory_space<vmem_shared>> -> memref<32x144xf32, #tpu.memory_space<vmem_shared>>
        tpu.wait_dma2 semaphore(%run_scoped3A : memref<!tpu.dma_semaphore, #tpu.memory_space<semaphore_mem>>) src(%arg21 : memref<32x144xf32, #tpu.memory_space<vmem>>) dst(%dma_wait3A_90 : memref<32x144xf32, #tpu.memory_space<vmem_shared>>)
        tpu.yield
      }) : () -> ()
    }
    %scan3A_12 = arith.constant 19 : i32
    %add3A_13 = arith.constant 625 : i32
    %add3A_14 = arith.addi %mul3A_7, %add3A_13 : i32
    %sub3A = arith.constant 17 : i32
    %sub3A_15 = arith.subi %add3A_14, %sub3A : i32
    "tpu.region"() ({
      %run_scoped3A = tpu.sem_alloc : memref<!tpu.dma_semaphore, #tpu.memory_space<semaphore_mem>>
      %dma_start3A_77 = arith.constant 0 : i32
      %dma_start3A_78 = arith.constant 0 : i32
      %dma_start3A_79 = tpu.memref_slice %arg21[%dma_start3A_77, %dma_start3A_78] : memref<32x144xf32, #tpu.memory_space<vmem>> -> memref<17x144xf32, #tpu.memory_space<vmem>>
      %dma_start3A_80 = arith.constant 0 : i32
      %dma_start3A_81 = tpu.memref_slice %arg22[%sub3A_15, %dma_start3A_80] : memref<10000x144xf32, #tpu.memory_space<vmem_shared>> -> memref<17x144xf32, #tpu.memory_space<vmem_shared>>
      %dma_start3A_82 = arith.constant 0 : i32
      %dma_start3A_83 = tpu.memref_slice %arg22[%sub3A_15, %dma_start3A_82] : memref<10000x144xf32, #tpu.memory_space<vmem_shared>> -> memref<17x144xf32, #tpu.memory_space<vmem_shared>>
      %dma_start3A_84 = arith.constant 0 : i32
      %dma_start3A_85 = arith.constant 0 : i32
      %dma_start3A_86 = tpu.memref_slice %arg21[%dma_start3A_84, %dma_start3A_85] : memref<32x144xf32, #tpu.memory_space<vmem>> -> memref<17x144xf32, #tpu.memory_space<vmem>>
      tpu.enqueue_dma source(%dma_start3A_86 : memref<17x144xf32, #tpu.memory_space<vmem>>) target(%dma_start3A_83 : memref<17x144xf32, #tpu.memory_space<vmem_shared>>) target_semaphore(%run_scoped3A : memref<!tpu.dma_semaphore, #tpu.memory_space<semaphore_mem>>)
      %dma_wait3A_87 = arith.constant 0 : i32
      %dma_wait3A_88 = arith.constant 0 : i32
      %dma_wait3A_89 = tpu.memref_slice %arg21[%dma_wait3A_87, %dma_wait3A_88] : memref<32x144xf32, #tpu.memory_space<vmem>> -> memref<17x144xf32, #tpu.memory_space<vmem>>
      %dma_wait3A_90 = arith.constant 0 : i32
      %dma_wait3A_91 = tpu.memref_slice %arg22[%sub3A_15, %dma_wait3A_90] : memref<10000x144xf32, #tpu.memory_space<vmem_shared>> -> memref<17x144xf32, #tpu.memory_space<vmem_shared>>
      %dma_wait3A_92 = arith.constant 0 : i32
      %dma_wait3A_93 = tpu.memref_slice %arg22[%sub3A_15, %dma_wait3A_92] : memref<10000x144xf32, #tpu.memory_space<vmem_shared>> -> memref<17x144xf32, #tpu.memory_space<vmem_shared>>
      %dma_wait3A_94 = arith.constant 0 : i32
      %dma_wait3A_95 = arith.constant 0 : i32
      %dma_wait3A_96 = tpu.memref_slice %arg21[%dma_wait3A_94, %dma_wait3A_95] : memref<32x144xf32, #tpu.memory_space<vmem>> -> memref<17x144xf32, #tpu.memory_space<vmem>>
      tpu.wait_dma2 semaphore(%run_scoped3A : memref<!tpu.dma_semaphore, #tpu.memory_space<semaphore_mem>>) src(%dma_wait3A_96 : memref<17x144xf32, #tpu.memory_space<vmem>>) dst(%dma_wait3A_93 : memref<17x144xf32, #tpu.memory_space<vmem_shared>>)
      tpu.yield
    }) : () -> ()
    %barrier3A = arith.constant 0 : index
    tpu.barrier barrier_id(%barrier3A)
    %lt3A = arith.constant 8 : i32
    %lt3A_16 = arith.cmpi slt, %add3A, %lt3A : i32
    %jit3A = arith.constant 314 : i32
    %jit3A_17 = arith.constant 312 : i32
    %select_n3A = arith.select %lt3A_16, %jit3A, %jit3A_17 : i32
    %lt3A_18 = arith.constant 8 : i32
    %lt3A_19 = arith.cmpi slt, %add3A, %lt3A_18 : i32
    %mul3A_20 = arith.constant 314 : i32
    %mul3A_21 = arith.muli %add3A, %mul3A_20 : i32
    %sub3A_22 = arith.constant 8 : i32
    %sub3A_23 = arith.subi %add3A, %sub3A_22 : i32
    %mul3A_24 = arith.constant 312 : i32
    %mul3A_25 = arith.muli %sub3A_23, %mul3A_24 : i32
    %add3A_26 = arith.constant 2512 : i32
    %add3A_27 = arith.addi %add3A_26, %mul3A_25 : i32
    %select_n3A_28 = arith.select %lt3A_19, %mul3A_21, %add3A_27 : i32
    %iota3A = tpu.iota {dimensions = array<i32: 0>} : vector<16xi32>
    %add3A_29 = arith.constant 0 : i32
    %add3A_30 = arith.addi %select_n3A_28, %add3A_29 : i32
    %mul3A_31 = arith.constant 32 : i32
    %mul3A_32 = arith.muli %add3A_30, %mul3A_31 : i32
    %dma_start3A = tpu.memref_slice %arg6[%mul3A_32] : memref<320000xi32, #tpu.memory_space<hbm>> -> memref<32xi32, #tpu.memory_space<hbm>>
    %dma_start3A_33 = tpu.memref_slice %arg6[%mul3A_32] : memref<320000xi32, #tpu.memory_space<hbm>> -> memref<32xi32, #tpu.memory_space<hbm>>
    tpu.enqueue_dma source(%dma_start3A_33 : memref<32xi32, #tpu.memory_space<hbm>>) target(%arg9 : memref<32xi32, #tpu.memory_space<vmem>>) target_semaphore(%arg23 : memref<!tpu.dma_semaphore, #tpu.memory_space<semaphore_mem>>)
    %dma_start3A_34 = tpu.memref_slice %arg7[%mul3A_32] : memref<320000xi32, #tpu.memory_space<hbm>> -> memref<32xi32, #tpu.memory_space<hbm>>
    %dma_start3A_35 = tpu.memref_slice %arg7[%mul3A_32] : memref<320000xi32, #tpu.memory_space<hbm>> -> memref<32xi32, #tpu.memory_space<hbm>>
    tpu.enqueue_dma source(%dma_start3A_35 : memref<32xi32, #tpu.memory_space<hbm>>) target(%arg11 : memref<32xi32, #tpu.memory_space<vmem>>) target_semaphore(%arg23 : memref<!tpu.dma_semaphore, #tpu.memory_space<semaphore_mem>>)
    %dma_wait3A = tpu.memref_slice %arg6[%mul3A_32] : memref<320000xi32, #tpu.memory_space<hbm>> -> memref<32xi32, #tpu.memory_space<hbm>>
    %dma_wait3A_36 = tpu.memref_slice %arg6[%mul3A_32] : memref<320000xi32, #tpu.memory_space<hbm>> -> memref<32xi32, #tpu.memory_space<hbm>>
    tpu.wait_dma2 semaphore(%arg23 : memref<!tpu.dma_semaphore, #tpu.memory_space<semaphore_mem>>) src(%dma_wait3A_36 : memref<32xi32, #tpu.memory_space<hbm>>) dst(%arg9 : memref<32xi32, #tpu.memory_space<vmem>>)
    %dma_wait3A_37 = tpu.memref_slice %arg7[%mul3A_32] : memref<320000xi32, #tpu.memory_space<hbm>> -> memref<32xi32, #tpu.memory_space<hbm>>
    %dma_wait3A_38 = tpu.memref_slice %arg7[%mul3A_32] : memref<320000xi32, #tpu.memory_space<hbm>> -> memref<32xi32, #tpu.memory_space<hbm>>
    tpu.wait_dma2 semaphore(%arg23 : memref<!tpu.dma_semaphore, #tpu.memory_space<semaphore_mem>>) src(%dma_wait3A_38 : memref<32xi32, #tpu.memory_space<hbm>>) dst(%arg11 : memref<32xi32, #tpu.memory_space<vmem>>)
    %add3A_39 = arith.constant 0 : i32
    %add3A_40 = arith.addi %select_n3A_28, %add3A_39 : i32
    %mul3A_41 = arith.constant 32 : i32
    %mul3A_42 = arith.muli %add3A_40, %mul3A_41 : i32
    %dma_start3A_43 = arith.constant 0 : i32
    %dma_start3A_44 = arith.constant 0 : i32
    %dma_start3A_45 = tpu.memref_slice %arg3[%dma_start3A_43, %dma_start3A_44] : memref<10000x128xf32, #tpu.memory_space<hbm>> -> memref<10000x128xf32, #tpu.memory_space<hbm>>
    tpu.enqueue_indirect_dma source(%dma_start3A_45 : memref<10000x128xf32, #tpu.memory_space<hbm>>) target(%arg13 : memref<32x128xf32, #tpu.memory_space<vmem>>) offsets(%arg9 : memref<32xi32, #tpu.memory_space<vmem>>) semaphore(%arg25 : memref<!tpu.dma_semaphore, #tpu.memory_space<semaphore_mem>>)
    %dma_start3A_46 = arith.constant 0 : i32
    %dma_start3A_47 = arith.constant 0 : i32
    %dma_start3A_48 = tpu.memref_slice %arg2[%dma_start3A_46, %dma_start3A_47] : memref<10000x128xf32, #tpu.memory_space<hbm>> -> memref<10000x128xf32, #tpu.memory_space<hbm>>
    tpu.enqueue_indirect_dma source(%dma_start3A_48 : memref<10000x128xf32, #tpu.memory_space<hbm>>) target(%arg15 : memref<32x128xf32, #tpu.memory_space<vmem>>) offsets(%arg11 : memref<32xi32, #tpu.memory_space<vmem>>) semaphore(%arg25 : memref<!tpu.dma_semaphore, #tpu.memory_space<semaphore_mem>>)
    %dma_start3A_49 = arith.constant 0 : i32
    %dma_start3A_50 = arith.constant 0 : i32
    %dma_start3A_51 = tpu.memref_slice %arg4[%dma_start3A_49, %dma_start3A_50] : memref<10000x128xf32, #tpu.memory_space<hbm>> -> memref<10000x128xf32, #tpu.memory_space<hbm>>
    tpu.enqueue_indirect_dma source(%dma_start3A_51 : memref<10000x128xf32, #tpu.memory_space<hbm>>) target(%arg17 : memref<32x128xf32, #tpu.memory_space<vmem>>) offsets(%arg9 : memref<32xi32, #tpu.memory_space<vmem>>) semaphore(%arg25 : memref<!tpu.dma_semaphore, #tpu.memory_space<semaphore_mem>>)
    %dma_start3A_52 = arith.constant 0 : i32
    %dma_start3A_53 = tpu.memref_slice %arg5[%mul3A_42, %dma_start3A_52] : memref<320000x128xf32, #tpu.memory_space<hbm>> -> memref<32x128xf32, #tpu.memory_space<hbm>>
    %dma_start3A_54 = arith.constant 0 : i32
    %dma_start3A_55 = tpu.memref_slice %arg5[%mul3A_42, %dma_start3A_54] : memref<320000x128xf32, #tpu.memory_space<hbm>> -> memref<32x128xf32, #tpu.memory_space<hbm>>
    tpu.enqueue_dma source(%dma_start3A_55 : memref<32x128xf32, #tpu.memory_space<hbm>>) target(%arg19 : memref<32x128xf32, #tpu.memory_space<vmem>>) target_semaphore(%arg25 : memref<!tpu.dma_semaphore, #tpu.memory_space<semaphore_mem>>)
    %add3A_56 = arith.constant 1 : i32
    %add3A_57 = arith.addi %select_n3A_28, %add3A_56 : i32
    %mul3A_58 = arith.constant 32 : i32
    %mul3A_59 = arith.muli %add3A_57, %mul3A_58 : i32
    %dma_start3A_60 = tpu.memref_slice %arg6[%mul3A_59] : memref<320000xi32, #tpu.memory_space<hbm>> -> memref<32xi32, #tpu.memory_space<hbm>>
    %dma_start3A_61 = tpu.memref_slice %arg6[%mul3A_59] : memref<320000xi32, #tpu.memory_space<hbm>> -> memref<32xi32, #tpu.memory_space<hbm>>
    tpu.enqueue_dma source(%dma_start3A_61 : memref<32xi32, #tpu.memory_space<hbm>>) target(%arg10 : memref<32xi32, #tpu.memory_space<vmem>>) target_semaphore(%arg24 : memref<!tpu.dma_semaphore, #tpu.memory_space<semaphore_mem>>)
    %dma_start3A_62 = tpu.memref_slice %arg7[%mul3A_59] : memref<320000xi32, #tpu.memory_space<hbm>> -> memref<32xi32, #tpu.memory_space<hbm>>
    %dma_start3A_63 = tpu.memref_slice %arg7[%mul3A_59] : memref<320000xi32, #tpu.memory_space<hbm>> -> memref<32xi32, #tpu.memory_space<hbm>>
    tpu.enqueue_dma source(%dma_start3A_63 : memref<32xi32, #tpu.memory_space<hbm>>) target(%arg12 : memref<32xi32, #tpu.memory_space<vmem>>) target_semaphore(%arg24 : memref<!tpu.dma_semaphore, #tpu.memory_space<semaphore_mem>>)
    %scan3A_64 = arith.constant 0 : i32
    %scan3A_65 = arith.constant 157 : i32
    %scan3A_66 = arith.addi %scan3A_64, %scan3A_65 : i32
    %scan3A_67 = arith.constant 1 : i32
    scf.for %scan3A_77 = %scan3A_64 to %scan3A_66 step %scan3A_67  : i32 {
      %mul3A_78 = arith.constant 2 : i32
      %mul3A_79 = arith.muli %scan3A_77, %mul3A_78 : i32
      %add3A_80 = arith.constant 0 : i32
      %add3A_81 = arith.addi %add3A_80, %mul3A_79 : i32
      %add3A_82 = arith.constant 0 : i32
      %add3A_83 = arith.addi %add3A_81, %add3A_82 : i32
      %lt3A_84 = arith.cmpi slt, %add3A_83, %select_n3A : i32
      %convert_element_type3A = arith.extui %lt3A_84 : i1 to i32
      %cond3A = arith.constant 0 : i32
      %cond3A_85 = arith.cmpi ne, %convert_element_type3A, %cond3A : i32
      scf.if %cond3A_85 {
        %add3A_92 = arith.constant 1 : i32
        %add3A_93 = arith.addi %add3A_83, %add3A_92 : i32
        %lt3A_94 = arith.cmpi slt, %add3A_93, %select_n3A : i32
        %convert_element_type3A_95 = arith.extui %lt3A_94 : i1 to i32
        %cond3A_96 = arith.constant 0 : i32
        %cond3A_97 = arith.cmpi ne, %convert_element_type3A_95, %cond3A_96 : i32
        scf.if %cond3A_97 {
          %dma_wait3A_130 = arith.constant 0 : i32
          %dma_wait3A_131 = tpu.memref_slice %arg6[%dma_wait3A_130] : memref<320000xi32, #tpu.memory_space<hbm>> -> memref<32xi32, #tpu.memory_space<hbm>>
          %dma_wait3A_132 = arith.constant 0 : i32
          %dma_wait3A_133 = tpu.memref_slice %arg6[%dma_wait3A_132] : memref<320000xi32, #tpu.memory_space<hbm>> -> memref<32xi32, #tpu.memory_space<hbm>>
          tpu.wait_dma2 semaphore(%arg24 : memref<!tpu.dma_semaphore, #tpu.memory_space<semaphore_mem>>) src(%dma_wait3A_133 : memref<32xi32, #tpu.memory_space<hbm>>) dst(%arg10 : memref<32xi32, #tpu.memory_space<vmem>>)
          %dma_wait3A_134 = arith.constant 0 : i32
          %dma_wait3A_135 = tpu.memref_slice %arg7[%dma_wait3A_134] : memref<320000xi32, #tpu.memory_space<hbm>> -> memref<32xi32, #tpu.memory_space<hbm>>
          %dma_wait3A_136 = arith.constant 0 : i32
          %dma_wait3A_137 = tpu.memref_slice %arg7[%dma_wait3A_136] : memref<320000xi32, #tpu.memory_space<hbm>> -> memref<32xi32, #tpu.memory_space<hbm>>
          tpu.wait_dma2 semaphore(%arg24 : memref<!tpu.dma_semaphore, #tpu.memory_space<semaphore_mem>>) src(%dma_wait3A_137 : memref<32xi32, #tpu.memory_space<hbm>>) dst(%arg12 : memref<32xi32, #tpu.memory_space<vmem>>)
          %add3A_138 = arith.constant 1 : i32
          %add3A_139 = arith.addi %add3A_83, %add3A_138 : i32
          %add3A_140 = arith.addi %select_n3A_28, %add3A_139 : i32
          %mul3A_141 = arith.constant 32 : i32
          %mul3A_142 = arith.muli %add3A_140, %mul3A_141 : i32
          %dma_start3A_143 = arith.constant 0 : i32
          %dma_start3A_144 = arith.constant 0 : i32
          %dma_start3A_145 = tpu.memref_slice %arg3[%dma_start3A_143, %dma_start3A_144] : memref<10000x128xf32, #tpu.memory_space<hbm>> -> memref<10000x128xf32, #tpu.memory_space<hbm>>
          tpu.enqueue_indirect_dma source(%dma_start3A_145 : memref<10000x128xf32, #tpu.memory_space<hbm>>) target(%arg14 : memref<32x128xf32, #tpu.memory_space<vmem>>) offsets(%arg10 : memref<32xi32, #tpu.memory_space<vmem>>) semaphore(%arg26 : memref<!tpu.dma_semaphore, #tpu.memory_space<semaphore_mem>>)
          %dma_start3A_146 = arith.constant 0 : i32
          %dma_start3A_147 = arith.constant 0 : i32
          %dma_start3A_148 = tpu.memref_slice %arg2[%dma_start3A_146, %dma_start3A_147] : memref<10000x128xf32, #tpu.memory_space<hbm>> -> memref<10000x128xf32, #tpu.memory_space<hbm>>
          tpu.enqueue_indirect_dma source(%dma_start3A_148 : memref<10000x128xf32, #tpu.memory_space<hbm>>) target(%arg16 : memref<32x128xf32, #tpu.memory_space<vmem>>) offsets(%arg12 : memref<32xi32, #tpu.memory_space<vmem>>) semaphore(%arg26 : memref<!tpu.dma_semaphore, #tpu.memory_space<semaphore_mem>>)
          %dma_start3A_149 = arith.constant 0 : i32
          %dma_start3A_150 = arith.constant 0 : i32
          %dma_start3A_151 = tpu.memref_slice %arg4[%dma_start3A_149, %dma_start3A_150] : memref<10000x128xf32, #tpu.memory_space<hbm>> -> memref<10000x128xf32, #tpu.memory_space<hbm>>
          tpu.enqueue_indirect_dma source(%dma_start3A_151 : memref<10000x128xf32, #tpu.memory_space<hbm>>) target(%arg18 : memref<32x128xf32, #tpu.memory_space<vmem>>) offsets(%arg10 : memref<32xi32, #tpu.memory_space<vmem>>) semaphore(%arg26 : memref<!tpu.dma_semaphore, #tpu.memory_space<semaphore_mem>>)
          %dma_start3A_152 = arith.constant 0 : i32
          %dma_start3A_153 = tpu.memref_slice %arg5[%mul3A_142, %dma_start3A_152] : memref<320000x128xf32, #tpu.memory_space<hbm>> -> memref<32x128xf32, #tpu.memory_space<hbm>>
          %dma_start3A_154 = arith.constant 0 : i32
          %dma_start3A_155 = tpu.memref_slice %arg5[%mul3A_142, %dma_start3A_154] : memref<320000x128xf32, #tpu.memory_space<hbm>> -> memref<32x128xf32, #tpu.memory_space<hbm>>
          tpu.enqueue_dma source(%dma_start3A_155 : memref<32x128xf32, #tpu.memory_space<hbm>>) target(%arg20 : memref<32x128xf32, #tpu.memory_space<vmem>>) target_semaphore(%arg26 : memref<!tpu.dma_semaphore, #tpu.memory_space<semaphore_mem>>)
        } else {
        }
        %dma_wait3A_98 = arith.constant 0 : i32
        %dma_wait3A_99 = arith.constant 0 : i32
        %dma_wait3A_100 = tpu.memref_slice %arg5[%dma_wait3A_98, %dma_wait3A_99] : memref<320000x128xf32, #tpu.memory_space<hbm>> -> memref<32x128xf32, #tpu.memory_space<hbm>>
        %dma_wait3A_101 = arith.constant 0 : i32
        %dma_wait3A_102 = arith.constant 0 : i32
        %dma_wait3A_103 = tpu.memref_slice %arg5[%dma_wait3A_101, %dma_wait3A_102] : memref<320000x128xf32, #tpu.memory_space<hbm>> -> memref<32x128xf32, #tpu.memory_space<hbm>>
        tpu.wait_dma2 semaphore(%arg25 : memref<!tpu.dma_semaphore, #tpu.memory_space<semaphore_mem>>) src(%dma_wait3A_103 : memref<32x128xf32, #tpu.memory_space<hbm>>) dst(%arg13 : memref<32x128xf32, #tpu.memory_space<vmem>>)
        %dma_wait3A_104 = arith.constant 0 : i32
        %dma_wait3A_105 = arith.constant 0 : i32
        %dma_wait3A_106 = tpu.memref_slice %arg5[%dma_wait3A_104, %dma_wait3A_105] : memref<320000x128xf32, #tpu.memory_space<hbm>> -> memref<32x128xf32, #tpu.memory_space<hbm>>
        %dma_wait3A_107 = arith.constant 0 : i32
        %dma_wait3A_108 = arith.constant 0 : i32
        %dma_wait3A_109 = tpu.memref_slice %arg5[%dma_wait3A_107, %dma_wait3A_108] : memref<320000x128xf32, #tpu.memory_space<hbm>> -> memref<32x128xf32, #tpu.memory_space<hbm>>
        tpu.wait_dma2 semaphore(%arg25 : memref<!tpu.dma_semaphore, #tpu.memory_space<semaphore_mem>>) src(%dma_wait3A_109 : memref<32x128xf32, #tpu.memory_space<hbm>>) dst(%arg15 : memref<32x128xf32, #tpu.memory_space<vmem>>)
        %dma_wait3A_110 = arith.constant 0 : i32
        %dma_wait3A_111 = arith.constant 0 : i32
        %dma_wait3A_112 = tpu.memref_slice %arg5[%dma_wait3A_110, %dma_wait3A_111] : memref<320000x128xf32, #tpu.memory_space<hbm>> -> memref<32x128xf32, #tpu.memory_space<hbm>>
        %dma_wait3A_113 = arith.constant 0 : i32
        %dma_wait3A_114 = arith.constant 0 : i32
        %dma_wait3A_115 = tpu.memref_slice %arg5[%dma_wait3A_113, %dma_wait3A_114] : memref<320000x128xf32, #tpu.memory_space<hbm>> -> memref<32x128xf32, #tpu.memory_space<hbm>>
        tpu.wait_dma2 semaphore(%arg25 : memref<!tpu.dma_semaphore, #tpu.memory_space<semaphore_mem>>) src(%dma_wait3A_115 : memref<32x128xf32, #tpu.memory_space<hbm>>) dst(%arg17 : memref<32x128xf32, #tpu.memory_space<vmem>>)
        %dma_wait3A_116 = arith.constant 0 : i32
        %dma_wait3A_117 = arith.constant 0 : i32
        %dma_wait3A_118 = tpu.memref_slice %arg5[%dma_wait3A_116, %dma_wait3A_117] : memref<320000x128xf32, #tpu.memory_space<hbm>> -> memref<32x128xf32, #tpu.memory_space<hbm>>
        %dma_wait3A_119 = arith.constant 0 : i32
        %dma_wait3A_120 = arith.constant 0 : i32
        %dma_wait3A_121 = tpu.memref_slice %arg5[%dma_wait3A_119, %dma_wait3A_120] : memref<320000x128xf32, #tpu.memory_space<hbm>> -> memref<32x128xf32, #tpu.memory_space<hbm>>
        tpu.wait_dma2 semaphore(%arg25 : memref<!tpu.dma_semaphore, #tpu.memory_space<semaphore_mem>>) src(%dma_wait3A_121 : memref<32x128xf32, #tpu.memory_space<hbm>>) dst(%arg19 : memref<32x128xf32, #tpu.memory_space<vmem>>)
        %parallel_loop3A = arith.constant 0 : i32
        %parallel_loop3A_122 = arith.constant 32 : i32
        %parallel_loop3A_123 = arith.constant 1 : i32
        scf.for %parallel_loop3A_130 = %parallel_loop3A to %parallel_loop3A_122 step %parallel_loop3A_123  : i32 {
          %parallel_loop3A_131 = arith.constant 0.000000e+00 : f32
          %parallel_loop3A_132 = vector.broadcast %parallel_loop3A_131 : f32 to vector<16xf32>
          %parallel_loop3A_133 = arith.index_cast %parallel_loop3A_130 : i32 to index
          %parallel_loop3A_134 = arith.constant 0 : index
          %parallel_loop3A_135 = tpu.vector_load %arg13[%parallel_loop3A_133, %parallel_loop3A_134] {strides = array<i32>} : memref<32x128xf32, #tpu.memory_space<vmem>>, vector<16xf32>,
          %parallel_loop3A_136 = arith.index_cast %parallel_loop3A_130 : i32 to index
          %parallel_loop3A_137 = arith.constant 0 : index
          %parallel_loop3A_138 = tpu.vector_load %arg15[%parallel_loop3A_136, %parallel_loop3A_137] {strides = array<i32>} : memref<32x128xf32, #tpu.memory_space<vmem>>, vector<16xf32>,
          %parallel_loop3A_139 = arith.mulf %parallel_loop3A_135, %parallel_loop3A_138 : vector<16xf32>
          %parallel_loop3A_140 = arith.index_cast %parallel_loop3A_130 : i32 to index
          %parallel_loop3A_141 = arith.constant 0 : index
          %parallel_loop3A_142 = tpu.vector_load %arg19[%parallel_loop3A_140, %parallel_loop3A_141] {strides = array<i32>} : memref<32x128xf32, #tpu.memory_space<vmem>>, vector<16xf32>,
          %parallel_loop3A_143 = arith.mulf %parallel_loop3A_139, %parallel_loop3A_142 : vector<16xf32>
          %parallel_loop3A_144 = arith.constant true
          %parallel_loop3A_145 = vector.broadcast %parallel_loop3A_144 : i1 to vector<16xi1>
          %parallel_loop3A_146 = tpu.scan <sum>, %parallel_loop3A_143 masked %parallel_loop3A_145 : vector<16xf32>, vector<16xi1> -> vector<16xf32>
          %parallel_loop3A_147 = arith.constant 15 : i32
          %parallel_loop3A_148 = vector.broadcast %parallel_loop3A_147 : i32 to vector<16x1xi32>
          %parallel_loop3A_149 = vector.shape_cast %parallel_loop3A_148 : vector<16x1xi32> to vector<16xi32>
          %parallel_loop3A_150 = tpu.dynamic_gather %parallel_loop3A_146[%parallel_loop3A_149] in [0] : vector<16xf32>, vector<16xi32> -> vector<16xf32>
          %parallel_loop3A_151 = arith.constant -5.000000e+00 : f32
          %parallel_loop3A_152 = vector.broadcast %parallel_loop3A_151 : f32 to vector<16xf32>
          %parallel_loop3A_153 = arith.maximumf %parallel_loop3A_150, %parallel_loop3A_152 : vector<16xf32>
          %parallel_loop3A_154 = arith.constant 5.000000e+00 : f32
          %parallel_loop3A_155 = vector.broadcast %parallel_loop3A_154 : f32 to vector<16xf32>
          %parallel_loop3A_156 = arith.minimumf %parallel_loop3A_153, %parallel_loop3A_155 : vector<16xf32>
          %parallel_loop3A_157 = math.exp %parallel_loop3A_156 : vector<16xf32>
          %parallel_loop3A_158 = arith.index_cast %parallel_loop3A_130 : i32 to index
          %parallel_loop3A_159 = arith.constant 0 : index
          %parallel_loop3A_160 = tpu.vector_load %arg17[%parallel_loop3A_158, %parallel_loop3A_159] {strides = array<i32>} : memref<32x128xf32, #tpu.memory_space<vmem>>, vector<16xf32>,
          %parallel_loop3A_161 = arith.mulf %parallel_loop3A_160, %parallel_loop3A_157 : vector<16xf32>
          %parallel_loop3A_162 = arith.index_cast %parallel_loop3A_130 : i32 to index
          %parallel_loop3A_163 = arith.constant 0 : index
          %parallel_loop3A_164 = tpu.vector_load %arg21[%parallel_loop3A_162, %parallel_loop3A_163] {strides = array<i32>} : memref<32x144xf32, #tpu.memory_space<vmem>>, vector<16xf32>,
          tpu.vector_store %arg21[%parallel_loop3A_162, %parallel_loop3A_163], %parallel_loop3A_161 {strides = array<i32>} : memref<32x144xf32, #tpu.memory_space<vmem>>, vector<16xf32>,
          %parallel_loop3A_165 = arith.constant 0 : i32
          %parallel_loop3A_166 = vector.broadcast %parallel_loop3A_165 : i32 to vector<16xi32>
          %parallel_loop3A_167 = arith.cmpi eq, %iota3A, %parallel_loop3A_166 : vector<16xi32>
          %parallel_loop3A_168 = arith.constant 0.000000e+00 : f32
          %parallel_loop3A_169 = vector.broadcast %parallel_loop3A_168 : f32 to vector<16xf32>
          %parallel_loop3A_170 = arith.select %parallel_loop3A_167, %parallel_loop3A_157, %parallel_loop3A_169 : vector<16xi1>, vector<16xf32>
          %parallel_loop3A_171 = arith.addf %parallel_loop3A_132, %parallel_loop3A_170 : vector<16xf32>
          %parallel_loop3A_172 = arith.index_cast %parallel_loop3A_130 : i32 to index
          %parallel_loop3A_173 = arith.constant 16 : index
          %parallel_loop3A_174 = tpu.vector_load %arg13[%parallel_loop3A_172, %parallel_loop3A_173] {strides = array<i32>} : memref<32x128xf32, #tpu.memory_space<vmem>>, vector<16xf32>,
          %parallel_loop3A_175 = arith.index_cast %parallel_loop3A_130 : i32 to index
          %parallel_loop3A_176 = arith.constant 16 : index
          %parallel_loop3A_177 = tpu.vector_load %arg15[%parallel_loop3A_175, %parallel_loop3A_176] {strides = array<i32>} : memref<32x128xf32, #tpu.memory_space<vmem>>, vector<16xf32>,
          %parallel_loop3A_178 = arith.mulf %parallel_loop3A_174, %parallel_loop3A_177 : vector<16xf32>
          %parallel_loop3A_179 = arith.index_cast %parallel_loop3A_130 : i32 to index
          %parallel_loop3A_180 = arith.constant 16 : index
          %parallel_loop3A_181 = tpu.vector_load %arg19[%parallel_loop3A_179, %parallel_loop3A_180] {strides = array<i32>} : memref<32x128xf32, #tpu.memory_space<vmem>>, vector<16xf32>,
          %parallel_loop3A_182 = arith.mulf %parallel_loop3A_178, %parallel_loop3A_181 : vector<16xf32>
          %parallel_loop3A_183 = arith.constant true
          %parallel_loop3A_184 = vector.broadcast %parallel_loop3A_183 : i1 to vector<16xi1>
          %parallel_loop3A_185 = tpu.scan <sum>, %parallel_loop3A_182 masked %parallel_loop3A_184 : vector<16xf32>, vector<16xi1> -> vector<16xf32>
          %parallel_loop3A_186 = arith.constant 15 : i32
          %parallel_loop3A_187 = vector.broadcast %parallel_loop3A_186 : i32 to vector<16x1xi32>
          %parallel_loop3A_188 = vector.shape_cast %parallel_loop3A_187 : vector<16x1xi32> to vector<16xi32>
          %parallel_loop3A_189 = tpu.dynamic_gather %parallel_loop3A_185[%parallel_loop3A_188] in [0] : vector<16xf32>, vector<16xi32> -> vector<16xf32>
          %parallel_loop3A_190 = arith.constant -5.000000e+00 : f32
          %parallel_loop3A_191 = vector.broadcast %parallel_loop3A_190 : f32 to vector<16xf32>
          %parallel_loop3A_192 = arith.maximumf %parallel_loop3A_189, %parallel_loop3A_191 : vector<16xf32>
          %parallel_loop3A_193 = arith.constant 5.000000e+00 : f32
          %parallel_loop3A_194 = vector.broadcast %parallel_loop3A_193 : f32 to vector<16xf32>
          %parallel_loop3A_195 = arith.minimumf %parallel_loop3A_192, %parallel_loop3A_194 : vector<16xf32>
          %parallel_loop3A_196 = math.exp %parallel_loop3A_195 : vector<16xf32>
          %parallel_loop3A_197 = arith.index_cast %parallel_loop3A_130 : i32 to index
          %parallel_loop3A_198 = arith.constant 16 : index
          %parallel_loop3A_199 = tpu.vector_load %arg17[%parallel_loop3A_197, %parallel_loop3A_198] {strides = array<i32>} : memref<32x128xf32, #tpu.memory_space<vmem>>, vector<16xf32>,
          %parallel_loop3A_200 = arith.mulf %parallel_loop3A_199, %parallel_loop3A_196 : vector<16xf32>
          %parallel_loop3A_201 = arith.index_cast %parallel_loop3A_130 : i32 to index
          %parallel_loop3A_202 = arith.constant 16 : index
          %parallel_loop3A_203 = tpu.vector_load %arg21[%parallel_loop3A_201, %parallel_loop3A_202] {strides = array<i32>} : memref<32x144xf32, #tpu.memory_space<vmem>>, vector<16xf32>,
          tpu.vector_store %arg21[%parallel_loop3A_201, %parallel_loop3A_202], %parallel_loop3A_200 {strides = array<i32>} : memref<32x144xf32, #tpu.memory_space<vmem>>, vector<16xf32>,
          %parallel_loop3A_204 = arith.constant 1 : i32
          %parallel_loop3A_205 = vector.broadcast %parallel_loop3A_204 : i32 to vector<16xi32>
          %parallel_loop3A_206 = arith.cmpi eq, %iota3A, %parallel_loop3A_205 : vector<16xi32>
          %parallel_loop3A_207 = arith.constant 0.000000e+00 : f32
          %parallel_loop3A_208 = vector.broadcast %parallel_loop3A_207 : f32 to vector<16xf32>
          %parallel_loop3A_209 = arith.select %parallel_loop3A_206, %parallel_loop3A_196, %parallel_loop3A_208 : vector<16xi1>, vector<16xf32>
          %parallel_loop3A_210 = arith.addf %parallel_loop3A_171, %parallel_loop3A_209 : vector<16xf32>
          %parallel_loop3A_211 = arith.index_cast %parallel_loop3A_130 : i32 to index
          %parallel_loop3A_212 = arith.constant 32 : index
          %parallel_loop3A_213 = tpu.vector_load %arg13[%parallel_loop3A_211, %parallel_loop3A_212] {strides = array<i32>} : memref<32x128xf32, #tpu.memory_space<vmem>>, vector<16xf32>,
          %parallel_loop3A_214 = arith.index_cast %parallel_loop3A_130 : i32 to index
          %parallel_loop3A_215 = arith.constant 32 : index
          %parallel_loop3A_216 = tpu.vector_load %arg15[%parallel_loop3A_214, %parallel_loop3A_215] {strides = array<i32>} : memref<32x128xf32, #tpu.memory_space<vmem>>, vector<16xf32>,
          %parallel_loop3A_217 = arith.mulf %parallel_loop3A_213, %parallel_loop3A_216 : vector<16xf32>
          %parallel_loop3A_218 = arith.index_cast %parallel_loop3A_130 : i32 to index
          %parallel_loop3A_219 = arith.constant 32 : index
          %parallel_loop3A_220 = tpu.vector_load %arg19[%parallel_loop3A_218, %parallel_loop3A_219] {strides = array<i32>} : memref<32x128xf32, #tpu.memory_space<vmem>>, vector<16xf32>,
          %parallel_loop3A_221 = arith.mulf %parallel_loop3A_217, %parallel_loop3A_220 : vector<16xf32>
          %parallel_loop3A_222 = arith.constant true
          %parallel_loop3A_223 = vector.broadcast %parallel_loop3A_222 : i1 to vector<16xi1>
          %parallel_loop3A_224 = tpu.scan <sum>, %parallel_loop3A_221 masked %parallel_loop3A_223 : vector<16xf32>, vector<16xi1> -> vector<16xf32>
          %parallel_loop3A_225 = arith.constant 15 : i32
          %parallel_loop3A_226 = vector.broadcast %parallel_loop3A_225 : i32 to vector<16x1xi32>
          %parallel_loop3A_227 = vector.shape_cast %parallel_loop3A_226 : vector<16x1xi32> to vector<16xi32>
          %parallel_loop3A_228 = tpu.dynamic_gather %parallel_loop3A_224[%parallel_loop3A_227] in [0] : vector<16xf32>, vector<16xi32> -> vector<16xf32>
          %parallel_loop3A_229 = arith.constant -5.000000e+00 : f32
          %parallel_loop3A_230 = vector.broadcast %parallel_loop3A_229 : f32 to vector<16xf32>
          %parallel_loop3A_231 = arith.maximumf %parallel_loop3A_228, %parallel_loop3A_230 : vector<16xf32>
          %parallel_loop3A_232 = arith.constant 5.000000e+00 : f32
          %parallel_loop3A_233 = vector.broadcast %parallel_loop3A_232 : f32 to vector<16xf32>
          %parallel_loop3A_234 = arith.minimumf %parallel_loop3A_231, %parallel_loop3A_233 : vector<16xf32>
          %parallel_loop3A_235 = math.exp %parallel_loop3A_234 : vector<16xf32>
          %parallel_loop3A_236 = arith.index_cast %parallel_loop3A_130 : i32 to index
          %parallel_loop3A_237 = arith.constant 32 : index
          %parallel_loop3A_238 = tpu.vector_load %arg17[%parallel_loop3A_236, %parallel_loop3A_237] {strides = array<i32>} : memref<32x128xf32, #tpu.memory_space<vmem>>, vector<16xf32>,
          %parallel_loop3A_239 = arith.mulf %parallel_loop3A_238, %parallel_loop3A_235 : vector<16xf32>
          %parallel_loop3A_240 = arith.index_cast %parallel_loop3A_130 : i32 to index
          %parallel_loop3A_241 = arith.constant 32 : index
          %parallel_loop3A_242 = tpu.vector_load %arg21[%parallel_loop3A_240, %parallel_loop3A_241] {strides = array<i32>} : memref<32x144xf32, #tpu.memory_space<vmem>>, vector<16xf32>,
          tpu.vector_store %arg21[%parallel_loop3A_240, %parallel_loop3A_241], %parallel_loop3A_239 {strides = array<i32>} : memref<32x144xf32, #tpu.memory_space<vmem>>, vector<16xf32>,
          %parallel_loop3A_243 = arith.constant 2 : i32
          %parallel_loop3A_244 = vector.broadcast %parallel_loop3A_243 : i32 to vector<16xi32>
          %parallel_loop3A_245 = arith.cmpi eq, %iota3A, %parallel_loop3A_244 : vector<16xi32>
          %parallel_loop3A_246 = arith.constant 0.000000e+00 : f32
          %parallel_loop3A_247 = vector.broadcast %parallel_loop3A_246 : f32 to vector<16xf32>
          %parallel_loop3A_248 = arith.select %parallel_loop3A_245, %parallel_loop3A_235, %parallel_loop3A_247 : vector<16xi1>, vector<16xf32>
          %parallel_loop3A_249 = arith.addf %parallel_loop3A_210, %parallel_loop3A_248 : vector<16xf32>
          %parallel_loop3A_250 = arith.index_cast %parallel_loop3A_130 : i32 to index
          %parallel_loop3A_251 = arith.constant 48 : index
          %parallel_loop3A_252 = tpu.vector_load %arg13[%parallel_loop3A_250, %parallel_loop3A_251] {strides = array<i32>} : memref<32x128xf32, #tpu.memory_space<vmem>>, vector<16xf32>,
          %parallel_loop3A_253 = arith.index_cast %parallel_loop3A_130 : i32 to index
          %parallel_loop3A_254 = arith.constant 48 : index
          %parallel_loop3A_255 = tpu.vector_load %arg15[%parallel_loop3A_253, %parallel_loop3A_254] {strides = array<i32>} : memref<32x128xf32, #tpu.memory_space<vmem>>, vector<16xf32>,
          %parallel_loop3A_256 = arith.mulf %parallel_loop3A_252, %parallel_loop3A_255 : vector<16xf32>
          %parallel_loop3A_257 = arith.index_cast %parallel_loop3A_130 : i32 to index
          %parallel_loop3A_258 = arith.constant 48 : index
          %parallel_loop3A_259 = tpu.vector_load %arg19[%parallel_loop3A_257, %parallel_loop3A_258] {strides = array<i32>} : memref<32x128xf32, #tpu.memory_space<vmem>>, vector<16xf32>,
          %parallel_loop3A_260 = arith.mulf %parallel_loop3A_256, %parallel_loop3A_259 : vector<16xf32>
          %parallel_loop3A_261 = arith.constant true
          %parallel_loop3A_262 = vector.broadcast %parallel_loop3A_261 : i1 to vector<16xi1>
          %parallel_loop3A_263 = tpu.scan <sum>, %parallel_loop3A_260 masked %parallel_loop3A_262 : vector<16xf32>, vector<16xi1> -> vector<16xf32>
          %parallel_loop3A_264 = arith.constant 15 : i32
          %parallel_loop3A_265 = vector.broadcast %parallel_loop3A_264 : i32 to vector<16x1xi32>
          %parallel_loop3A_266 = vector.shape_cast %parallel_loop3A_265 : vector<16x1xi32> to vector<16xi32>
          %parallel_loop3A_267 = tpu.dynamic_gather %parallel_loop3A_263[%parallel_loop3A_266] in [0] : vector<16xf32>, vector<16xi32> -> vector<16xf32>
          %parallel_loop3A_268 = arith.constant -5.000000e+00 : f32
          %parallel_loop3A_269 = vector.broadcast %parallel_loop3A_268 : f32 to vector<16xf32>
          %parallel_loop3A_270 = arith.maximumf %parallel_loop3A_267, %parallel_loop3A_269 : vector<16xf32>
          %parallel_loop3A_271 = arith.constant 5.000000e+00 : f32
          %parallel_loop3A_272 = vector.broadcast %parallel_loop3A_271 : f32 to vector<16xf32>
          %parallel_loop3A_273 = arith.minimumf %parallel_loop3A_270, %parallel_loop3A_272 : vector<16xf32>
          %parallel_loop3A_274 = math.exp %parallel_loop3A_273 : vector<16xf32>
          %parallel_loop3A_275 = arith.index_cast %parallel_loop3A_130 : i32 to index
          %parallel_loop3A_276 = arith.constant 48 : index
          %parallel_loop3A_277 = tpu.vector_load %arg17[%parallel_loop3A_275, %parallel_loop3A_276] {strides = array<i32>} : memref<32x128xf32, #tpu.memory_space<vmem>>, vector<16xf32>,
          %parallel_loop3A_278 = arith.mulf %parallel_loop3A_277, %parallel_loop3A_274 : vector<16xf32>
          %parallel_loop3A_279 = arith.index_cast %parallel_loop3A_130 : i32 to index
          %parallel_loop3A_280 = arith.constant 48 : index
          %parallel_loop3A_281 = tpu.vector_load %arg21[%parallel_loop3A_279, %parallel_loop3A_280] {strides = array<i32>} : memref<32x144xf32, #tpu.memory_space<vmem>>, vector<16xf32>,
          tpu.vector_store %arg21[%parallel_loop3A_279, %parallel_loop3A_280], %parallel_loop3A_278 {strides = array<i32>} : memref<32x144xf32, #tpu.memory_space<vmem>>, vector<16xf32>,
          %parallel_loop3A_282 = arith.constant 3 : i32
          %parallel_loop3A_283 = vector.broadcast %parallel_loop3A_282 : i32 to vector<16xi32>
          %parallel_loop3A_284 = arith.cmpi eq, %iota3A, %parallel_loop3A_283 : vector<16xi32>
          %parallel_loop3A_285 = arith.constant 0.000000e+00 : f32
          %parallel_loop3A_286 = vector.broadcast %parallel_loop3A_285 : f32 to vector<16xf32>
          %parallel_loop3A_287 = arith.select %parallel_loop3A_284, %parallel_loop3A_274, %parallel_loop3A_286 : vector<16xi1>, vector<16xf32>
          %parallel_loop3A_288 = arith.addf %parallel_loop3A_249, %parallel_loop3A_287 : vector<16xf32>
          %parallel_loop3A_289 = arith.index_cast %parallel_loop3A_130 : i32 to index
          %parallel_loop3A_290 = arith.constant 64 : index
          %parallel_loop3A_291 = tpu.vector_load %arg13[%parallel_loop3A_289, %parallel_loop3A_290] {strides = array<i32>} : memref<32x128xf32, #tpu.memory_space<vmem>>, vector<16xf32>,
          %parallel_loop3A_292 = arith.index_cast %parallel_loop3A_130 : i32 to index
          %parallel_loop3A_293 = arith.constant 64 : index
          %parallel_loop3A_294 = tpu.vector_load %arg15[%parallel_loop3A_292, %parallel_loop3A_293] {strides = array<i32>} : memref<32x128xf32, #tpu.memory_space<vmem>>, vector<16xf32>,
          %parallel_loop3A_295 = arith.mulf %parallel_loop3A_291, %parallel_loop3A_294 : vector<16xf32>
          %parallel_loop3A_296 = arith.index_cast %parallel_loop3A_130 : i32 to index
          %parallel_loop3A_297 = arith.constant 64 : index
          %parallel_loop3A_298 = tpu.vector_load %arg19[%parallel_loop3A_296, %parallel_loop3A_297] {strides = array<i32>} : memref<32x128xf32, #tpu.memory_space<vmem>>, vector<16xf32>,
          %parallel_loop3A_299 = arith.mulf %parallel_loop3A_295, %parallel_loop3A_298 : vector<16xf32>
          %parallel_loop3A_300 = arith.constant true
          %parallel_loop3A_301 = vector.broadcast %parallel_loop3A_300 : i1 to vector<16xi1>
          %parallel_loop3A_302 = tpu.scan <sum>, %parallel_loop3A_299 masked %parallel_loop3A_301 : vector<16xf32>, vector<16xi1> -> vector<16xf32>
          %parallel_loop3A_303 = arith.constant 15 : i32
          %parallel_loop3A_304 = vector.broadcast %parallel_loop3A_303 : i32 to vector<16x1xi32>
          %parallel_loop3A_305 = vector.shape_cast %parallel_loop3A_304 : vector<16x1xi32> to vector<16xi32>
          %parallel_loop3A_306 = tpu.dynamic_gather %parallel_loop3A_302[%parallel_loop3A_305] in [0] : vector<16xf32>, vector<16xi32> -> vector<16xf32>
          %parallel_loop3A_307 = arith.constant -5.000000e+00 : f32
          %parallel_loop3A_308 = vector.broadcast %parallel_loop3A_307 : f32 to vector<16xf32>
          %parallel_loop3A_309 = arith.maximumf %parallel_loop3A_306, %parallel_loop3A_308 : vector<16xf32>
          %parallel_loop3A_310 = arith.constant 5.000000e+00 : f32
          %parallel_loop3A_311 = vector.broadcast %parallel_loop3A_310 : f32 to vector<16xf32>
          %parallel_loop3A_312 = arith.minimumf %parallel_loop3A_309, %parallel_loop3A_311 : vector<16xf32>
          %parallel_loop3A_313 = math.exp %parallel_loop3A_312 : vector<16xf32>
          %parallel_loop3A_314 = arith.index_cast %parallel_loop3A_130 : i32 to index
          %parallel_loop3A_315 = arith.constant 64 : index
          %parallel_loop3A_316 = tpu.vector_load %arg17[%parallel_loop3A_314, %parallel_loop3A_315] {strides = array<i32>} : memref<32x128xf32, #tpu.memory_space<vmem>>, vector<16xf32>,
          %parallel_loop3A_317 = arith.mulf %parallel_loop3A_316, %parallel_loop3A_313 : vector<16xf32>
          %parallel_loop3A_318 = arith.index_cast %parallel_loop3A_130 : i32 to index
          %parallel_loop3A_319 = arith.constant 64 : index
          %parallel_loop3A_320 = tpu.vector_load %arg21[%parallel_loop3A_318, %parallel_loop3A_319] {strides = array<i32>} : memref<32x144xf32, #tpu.memory_space<vmem>>, vector<16xf32>,
          tpu.vector_store %arg21[%parallel_loop3A_318, %parallel_loop3A_319], %parallel_loop3A_317 {strides = array<i32>} : memref<32x144xf32, #tpu.memory_space<vmem>>, vector<16xf32>,
          %parallel_loop3A_321 = arith.constant 4 : i32
          %parallel_loop3A_322 = vector.broadcast %parallel_loop3A_321 : i32 to vector<16xi32>
          %parallel_loop3A_323 = arith.cmpi eq, %iota3A, %parallel_loop3A_322 : vector<16xi32>
          %parallel_loop3A_324 = arith.constant 0.000000e+00 : f32
          %parallel_loop3A_325 = vector.broadcast %parallel_loop3A_324 : f32 to vector<16xf32>
          %parallel_loop3A_326 = arith.select %parallel_loop3A_323, %parallel_loop3A_313, %parallel_loop3A_325 : vector<16xi1>, vector<16xf32>
          %parallel_loop3A_327 = arith.addf %parallel_loop3A_288, %parallel_loop3A_326 : vector<16xf32>
          %parallel_loop3A_328 = arith.index_cast %parallel_loop3A_130 : i32 to index
          %parallel_loop3A_329 = arith.constant 80 : index
          %parallel_loop3A_330 = tpu.vector_load %arg13[%parallel_loop3A_328, %parallel_loop3A_329] {strides = array<i32>} : memref<32x128xf32, #tpu.memory_space<vmem>>, vector<16xf32>,
          %parallel_loop3A_331 = arith.index_cast %parallel_loop3A_130 : i32 to index
          %parallel_loop3A_332 = arith.constant 80 : index
          %parallel_loop3A_333 = tpu.vector_load %arg15[%parallel_loop3A_331, %parallel_loop3A_332] {strides = array<i32>} : memref<32x128xf32, #tpu.memory_space<vmem>>, vector<16xf32>,
          %parallel_loop3A_334 = arith.mulf %parallel_loop3A_330, %parallel_loop3A_333 : vector<16xf32>
          %parallel_loop3A_335 = arith.index_cast %parallel_loop3A_130 : i32 to index
          %parallel_loop3A_336 = arith.constant 80 : index
          %parallel_loop3A_337 = tpu.vector_load %arg19[%parallel_loop3A_335, %parallel_loop3A_336] {strides = array<i32>} : memref<32x128xf32, #tpu.memory_space<vmem>>, vector<16xf32>,
          %parallel_loop3A_338 = arith.mulf %parallel_loop3A_334, %parallel_loop3A_337 : vector<16xf32>
          %parallel_loop3A_339 = arith.constant true
          %parallel_loop3A_340 = vector.broadcast %parallel_loop3A_339 : i1 to vector<16xi1>
          %parallel_loop3A_341 = tpu.scan <sum>, %parallel_loop3A_338 masked %parallel_loop3A_340 : vector<16xf32>, vector<16xi1> -> vector<16xf32>
          %parallel_loop3A_342 = arith.constant 15 : i32
          %parallel_loop3A_343 = vector.broadcast %parallel_loop3A_342 : i32 to vector<16x1xi32>
          %parallel_loop3A_344 = vector.shape_cast %parallel_loop3A_343 : vector<16x1xi32> to vector<16xi32>
          %parallel_loop3A_345 = tpu.dynamic_gather %parallel_loop3A_341[%parallel_loop3A_344] in [0] : vector<16xf32>, vector<16xi32> -> vector<16xf32>
          %parallel_loop3A_346 = arith.constant -5.000000e+00 : f32
          %parallel_loop3A_347 = vector.broadcast %parallel_loop3A_346 : f32 to vector<16xf32>
          %parallel_loop3A_348 = arith.maximumf %parallel_loop3A_345, %parallel_loop3A_347 : vector<16xf32>
          %parallel_loop3A_349 = arith.constant 5.000000e+00 : f32
          %parallel_loop3A_350 = vector.broadcast %parallel_loop3A_349 : f32 to vector<16xf32>
          %parallel_loop3A_351 = arith.minimumf %parallel_loop3A_348, %parallel_loop3A_350 : vector<16xf32>
          %parallel_loop3A_352 = math.exp %parallel_loop3A_351 : vector<16xf32>
          %parallel_loop3A_353 = arith.index_cast %parallel_loop3A_130 : i32 to index
          %parallel_loop3A_354 = arith.constant 80 : index
          %parallel_loop3A_355 = tpu.vector_load %arg17[%parallel_loop3A_353, %parallel_loop3A_354] {strides = array<i32>} : memref<32x128xf32, #tpu.memory_space<vmem>>, vector<16xf32>,
          %parallel_loop3A_356 = arith.mulf %parallel_loop3A_355, %parallel_loop3A_352 : vector<16xf32>
          %parallel_loop3A_357 = arith.index_cast %parallel_loop3A_130 : i32 to index
          %parallel_loop3A_358 = arith.constant 80 : index
          %parallel_loop3A_359 = tpu.vector_load %arg21[%parallel_loop3A_357, %parallel_loop3A_358] {strides = array<i32>} : memref<32x144xf32, #tpu.memory_space<vmem>>, vector<16xf32>,
          tpu.vector_store %arg21[%parallel_loop3A_357, %parallel_loop3A_358], %parallel_loop3A_356 {strides = array<i32>} : memref<32x144xf32, #tpu.memory_space<vmem>>, vector<16xf32>,
          %parallel_loop3A_360 = arith.constant 5 : i32
          %parallel_loop3A_361 = vector.broadcast %parallel_loop3A_360 : i32 to vector<16xi32>
          %parallel_loop3A_362 = arith.cmpi eq, %iota3A, %parallel_loop3A_361 : vector<16xi32>
          %parallel_loop3A_363 = arith.constant 0.000000e+00 : f32
          %parallel_loop3A_364 = vector.broadcast %parallel_loop3A_363 : f32 to vector<16xf32>
          %parallel_loop3A_365 = arith.select %parallel_loop3A_362, %parallel_loop3A_352, %parallel_loop3A_364 : vector<16xi1>, vector<16xf32>
          %parallel_loop3A_366 = arith.addf %parallel_loop3A_327, %parallel_loop3A_365 : vector<16xf32>
          %parallel_loop3A_367 = arith.index_cast %parallel_loop3A_130 : i32 to index
          %parallel_loop3A_368 = arith.constant 96 : index
          %parallel_loop3A_369 = tpu.vector_load %arg13[%parallel_loop3A_367, %parallel_loop3A_368] {strides = array<i32>} : memref<32x128xf32, #tpu.memory_space<vmem>>, vector<16xf32>,
          %parallel_loop3A_370 = arith.index_cast %parallel_loop3A_130 : i32 to index
          %parallel_loop3A_371 = arith.constant 96 : index
          %parallel_loop3A_372 = tpu.vector_load %arg15[%parallel_loop3A_370, %parallel_loop3A_371] {strides = array<i32>} : memref<32x128xf32, #tpu.memory_space<vmem>>, vector<16xf32>,
          %parallel_loop3A_373 = arith.mulf %parallel_loop3A_369, %parallel_loop3A_372 : vector<16xf32>
          %parallel_loop3A_374 = arith.index_cast %parallel_loop3A_130 : i32 to index
          %parallel_loop3A_375 = arith.constant 96 : index
          %parallel_loop3A_376 = tpu.vector_load %arg19[%parallel_loop3A_374, %parallel_loop3A_375] {strides = array<i32>} : memref<32x128xf32, #tpu.memory_space<vmem>>, vector<16xf32>,
          %parallel_loop3A_377 = arith.mulf %parallel_loop3A_373, %parallel_loop3A_376 : vector<16xf32>
          %parallel_loop3A_378 = arith.constant true
          %parallel_loop3A_379 = vector.broadcast %parallel_loop3A_378 : i1 to vector<16xi1>
          %parallel_loop3A_380 = tpu.scan <sum>, %parallel_loop3A_377 masked %parallel_loop3A_379 : vector<16xf32>, vector<16xi1> -> vector<16xf32>
          %parallel_loop3A_381 = arith.constant 15 : i32
          %parallel_loop3A_382 = vector.broadcast %parallel_loop3A_381 : i32 to vector<16x1xi32>
          %parallel_loop3A_383 = vector.shape_cast %parallel_loop3A_382 : vector<16x1xi32> to vector<16xi32>
          %parallel_loop3A_384 = tpu.dynamic_gather %parallel_loop3A_380[%parallel_loop3A_383] in [0] : vector<16xf32>, vector<16xi32> -> vector<16xf32>
          %parallel_loop3A_385 = arith.constant -5.000000e+00 : f32
          %parallel_loop3A_386 = vector.broadcast %parallel_loop3A_385 : f32 to vector<16xf32>
          %parallel_loop3A_387 = arith.maximumf %parallel_loop3A_384, %parallel_loop3A_386 : vector<16xf32>
          %parallel_loop3A_388 = arith.constant 5.000000e+00 : f32
          %parallel_loop3A_389 = vector.broadcast %parallel_loop3A_388 : f32 to vector<16xf32>
          %parallel_loop3A_390 = arith.minimumf %parallel_loop3A_387, %parallel_loop3A_389 : vector<16xf32>
          %parallel_loop3A_391 = math.exp %parallel_loop3A_390 : vector<16xf32>
          %parallel_loop3A_392 = arith.index_cast %parallel_loop3A_130 : i32 to index
          %parallel_loop3A_393 = arith.constant 96 : index
          %parallel_loop3A_394 = tpu.vector_load %arg17[%parallel_loop3A_392, %parallel_loop3A_393] {strides = array<i32>} : memref<32x128xf32, #tpu.memory_space<vmem>>, vector<16xf32>,
          %parallel_loop3A_395 = arith.mulf %parallel_loop3A_394, %parallel_loop3A_391 : vector<16xf32>
          %parallel_loop3A_396 = arith.index_cast %parallel_loop3A_130 : i32 to index
          %parallel_loop3A_397 = arith.constant 96 : index
          %parallel_loop3A_398 = tpu.vector_load %arg21[%parallel_loop3A_396, %parallel_loop3A_397] {strides = array<i32>} : memref<32x144xf32, #tpu.memory_space<vmem>>, vector<16xf32>,
          tpu.vector_store %arg21[%parallel_loop3A_396, %parallel_loop3A_397], %parallel_loop3A_395 {strides = array<i32>} : memref<32x144xf32, #tpu.memory_space<vmem>>, vector<16xf32>,
          %parallel_loop3A_399 = arith.constant 6 : i32
          %parallel_loop3A_400 = vector.broadcast %parallel_loop3A_399 : i32 to vector<16xi32>
          %parallel_loop3A_401 = arith.cmpi eq, %iota3A, %parallel_loop3A_400 : vector<16xi32>
          %parallel_loop3A_402 = arith.constant 0.000000e+00 : f32
          %parallel_loop3A_403 = vector.broadcast %parallel_loop3A_402 : f32 to vector<16xf32>
          %parallel_loop3A_404 = arith.select %parallel_loop3A_401, %parallel_loop3A_391, %parallel_loop3A_403 : vector<16xi1>, vector<16xf32>
          %parallel_loop3A_405 = arith.addf %parallel_loop3A_366, %parallel_loop3A_404 : vector<16xf32>
          %parallel_loop3A_406 = arith.index_cast %parallel_loop3A_130 : i32 to index
          %parallel_loop3A_407 = arith.constant 112 : index
          %parallel_loop3A_408 = tpu.vector_load %arg13[%parallel_loop3A_406, %parallel_loop3A_407] {strides = array<i32>} : memref<32x128xf32, #tpu.memory_space<vmem>>, vector<16xf32>,
          %parallel_loop3A_409 = arith.index_cast %parallel_loop3A_130 : i32 to index
          %parallel_loop3A_410 = arith.constant 112 : index
          %parallel_loop3A_411 = tpu.vector_load %arg15[%parallel_loop3A_409, %parallel_loop3A_410] {strides = array<i32>} : memref<32x128xf32, #tpu.memory_space<vmem>>, vector<16xf32>,
          %parallel_loop3A_412 = arith.mulf %parallel_loop3A_408, %parallel_loop3A_411 : vector<16xf32>
          %parallel_loop3A_413 = arith.index_cast %parallel_loop3A_130 : i32 to index
          %parallel_loop3A_414 = arith.constant 112 : index
          %parallel_loop3A_415 = tpu.vector_load %arg19[%parallel_loop3A_413, %parallel_loop3A_414] {strides = array<i32>} : memref<32x128xf32, #tpu.memory_space<vmem>>, vector<16xf32>,
          %parallel_loop3A_416 = arith.mulf %parallel_loop3A_412, %parallel_loop3A_415 : vector<16xf32>
          %parallel_loop3A_417 = arith.constant true
          %parallel_loop3A_418 = vector.broadcast %parallel_loop3A_417 : i1 to vector<16xi1>
          %parallel_loop3A_419 = tpu.scan <sum>, %parallel_loop3A_416 masked %parallel_loop3A_418 : vector<16xf32>, vector<16xi1> -> vector<16xf32>
          %parallel_loop3A_420 = arith.constant 15 : i32
          %parallel_loop3A_421 = vector.broadcast %parallel_loop3A_420 : i32 to vector<16x1xi32>
          %parallel_loop3A_422 = vector.shape_cast %parallel_loop3A_421 : vector<16x1xi32> to vector<16xi32>
          %parallel_loop3A_423 = tpu.dynamic_gather %parallel_loop3A_419[%parallel_loop3A_422] in [0] : vector<16xf32>, vector<16xi32> -> vector<16xf32>
          %parallel_loop3A_424 = arith.constant -5.000000e+00 : f32
          %parallel_loop3A_425 = vector.broadcast %parallel_loop3A_424 : f32 to vector<16xf32>
          %parallel_loop3A_426 = arith.maximumf %parallel_loop3A_423, %parallel_loop3A_425 : vector<16xf32>
          %parallel_loop3A_427 = arith.constant 5.000000e+00 : f32
          %parallel_loop3A_428 = vector.broadcast %parallel_loop3A_427 : f32 to vector<16xf32>
          %parallel_loop3A_429 = arith.minimumf %parallel_loop3A_426, %parallel_loop3A_428 : vector<16xf32>
          %parallel_loop3A_430 = math.exp %parallel_loop3A_429 : vector<16xf32>
          %parallel_loop3A_431 = arith.index_cast %parallel_loop3A_130 : i32 to index
          %parallel_loop3A_432 = arith.constant 112 : index
          %parallel_loop3A_433 = tpu.vector_load %arg17[%parallel_loop3A_431, %parallel_loop3A_432] {strides = array<i32>} : memref<32x128xf32, #tpu.memory_space<vmem>>, vector<16xf32>,
          %parallel_loop3A_434 = arith.mulf %parallel_loop3A_433, %parallel_loop3A_430 : vector<16xf32>
          %parallel_loop3A_435 = arith.index_cast %parallel_loop3A_130 : i32 to index
          %parallel_loop3A_436 = arith.constant 112 : index
          %parallel_loop3A_437 = tpu.vector_load %arg21[%parallel_loop3A_435, %parallel_loop3A_436] {strides = array<i32>} : memref<32x144xf32, #tpu.memory_space<vmem>>, vector<16xf32>,
          tpu.vector_store %arg21[%parallel_loop3A_435, %parallel_loop3A_436], %parallel_loop3A_434 {strides = array<i32>} : memref<32x144xf32, #tpu.memory_space<vmem>>, vector<16xf32>,
          %parallel_loop3A_438 = arith.constant 7 : i32
          %parallel_loop3A_439 = vector.broadcast %parallel_loop3A_438 : i32 to vector<16xi32>
          %parallel_loop3A_440 = arith.cmpi eq, %iota3A, %parallel_loop3A_439 : vector<16xi32>
          %parallel_loop3A_441 = arith.constant 0.000000e+00 : f32
          %parallel_loop3A_442 = vector.broadcast %parallel_loop3A_441 : f32 to vector<16xf32>
          %parallel_loop3A_443 = arith.select %parallel_loop3A_440, %parallel_loop3A_430, %parallel_loop3A_442 : vector<16xi1>, vector<16xf32>
          %parallel_loop3A_444 = arith.addf %parallel_loop3A_405, %parallel_loop3A_443 : vector<16xf32>
          %parallel_loop3A_445 = arith.index_cast %parallel_loop3A_130 : i32 to index
          %parallel_loop3A_446 = arith.constant 128 : index
          %parallel_loop3A_447 = tpu.vector_load %arg21[%parallel_loop3A_445, %parallel_loop3A_446] {strides = array<i32>} : memref<32x144xf32, #tpu.memory_space<vmem>>, vector<16xf32>,
          tpu.vector_store %arg21[%parallel_loop3A_445, %parallel_loop3A_446], %parallel_loop3A_444 {strides = array<i32>} : memref<32x144xf32, #tpu.memory_space<vmem>>, vector<16xf32>,
        } {sc.loop_unroll_factor = 4 : i64, sc.parallel_access}
        "tpu.region"() ({
          %run_scoped3A = tpu.sem_alloc : memref<!tpu.dma_semaphore, #tpu.memory_space<semaphore_mem>>
          %dma_start3A_130 = arith.constant 0 : i32
          %dma_start3A_131 = arith.constant 0 : i32
          %dma_start3A_132 = tpu.memref_slice %arg22[%dma_start3A_130, %dma_start3A_131] : memref<10000x144xf32, #tpu.memory_space<vmem_shared>> -> memref<10000x144xf32, #tpu.memory_space<vmem_shared>>
          tpu.enqueue_indirect_dma source(%arg21 : memref<32x144xf32, #tpu.memory_space<vmem>>) target(%dma_start3A_132 : memref<10000x144xf32, #tpu.memory_space<vmem_shared>>) offsets(%arg11 : memref<32xi32, #tpu.memory_space<vmem>>) semaphore(%run_scoped3A : memref<!tpu.dma_semaphore, #tpu.memory_space<semaphore_mem>>) {add = true}
          %dma_wait3A_133 = arith.constant 0 : i32
          %dma_wait3A_134 = arith.constant 0 : i32
          %dma_wait3A_135 = tpu.memref_slice %arg22[%dma_wait3A_133, %dma_wait3A_134] : memref<10000x144xf32, #tpu.memory_space<vmem_shared>> -> memref<10000x144xf32, #tpu.memory_space<vmem_shared>>
          tpu.wait_indirect_dma semaphore(%run_scoped3A : memref<!tpu.dma_semaphore, #tpu.memory_space<semaphore_mem>>) src(%arg21 : memref<32x144xf32, #tpu.memory_space<vmem>>) dst(%dma_wait3A_135 : memref<10000x144xf32, #tpu.memory_space<vmem_shared>>)
          tpu.yield
        }) : () -> ()
        %add3A_124 = arith.constant 2 : i32
        %add3A_125 = arith.addi %add3A_83, %add3A_124 : i32
        %lt3A_126 = arith.cmpi slt, %add3A_125, %select_n3A : i32
        %convert_element_type3A_127 = arith.extui %lt3A_126 : i1 to i32
        %cond3A_128 = arith.constant 0 : i32
        %cond3A_129 = arith.cmpi ne, %convert_element_type3A_127, %cond3A_128 : i32
        scf.if %cond3A_129 {
          %add3A_130 = arith.constant 2 : i32
          %add3A_131 = arith.addi %add3A_83, %add3A_130 : i32
          %add3A_132 = arith.addi %select_n3A_28, %add3A_131 : i32
          %mul3A_133 = arith.constant 32 : i32
          %mul3A_134 = arith.muli %add3A_132, %mul3A_133 : i32
          %dma_start3A_135 = tpu.memref_slice %arg6[%mul3A_134] : memref<320000xi32, #tpu.memory_space<hbm>> -> memref<32xi32, #tpu.memory_space<hbm>>
          %dma_start3A_136 = tpu.memref_slice %arg6[%mul3A_134] : memref<320000xi32, #tpu.memory_space<hbm>> -> memref<32xi32, #tpu.memory_space<hbm>>
          tpu.enqueue_dma source(%dma_start3A_136 : memref<32xi32, #tpu.memory_space<hbm>>) target(%arg9 : memref<32xi32, #tpu.memory_space<vmem>>) target_semaphore(%arg23 : memref<!tpu.dma_semaphore, #tpu.memory_space<semaphore_mem>>)
          %dma_start3A_137 = tpu.memref_slice %arg7[%mul3A_134] : memref<320000xi32, #tpu.memory_space<hbm>> -> memref<32xi32, #tpu.memory_space<hbm>>
          %dma_start3A_138 = tpu.memref_slice %arg7[%mul3A_134] : memref<320000xi32, #tpu.memory_space<hbm>> -> memref<32xi32, #tpu.memory_space<hbm>>
          tpu.enqueue_dma source(%dma_start3A_138 : memref<32xi32, #tpu.memory_space<hbm>>) target(%arg11 : memref<32xi32, #tpu.memory_space<vmem>>) target_semaphore(%arg23 : memref<!tpu.dma_semaphore, #tpu.memory_space<semaphore_mem>>)
        } else {
        }
      } else {
      }
      %add3A_86 = arith.constant 1 : i32
      %add3A_87 = arith.addi %add3A_81, %add3A_86 : i32
      %lt3A_88 = arith.cmpi slt, %add3A_87, %select_n3A : i32
      %convert_element_type3A_89 = arith.extui %lt3A_88 : i1 to i32
      %cond3A_90 = arith.constant 0 : i32
      %cond3A_91 = arith.cmpi ne, %convert_element_type3A_89, %cond3A_90 : i32
      scf.if %cond3A_91 {
        %add3A_92 = arith.constant 1 : i32
        %add3A_93 = arith.addi %add3A_87, %add3A_92 : i32
        %lt3A_94 = arith.cmpi slt, %add3A_93, %select_n3A : i32
        %convert_element_type3A_95 = arith.extui %lt3A_94 : i1 to i32
        %cond3A_96 = arith.constant 0 : i32
        %cond3A_97 = arith.cmpi ne, %convert_element_type3A_95, %cond3A_96 : i32
        scf.if %cond3A_97 {
          %dma_wait3A_130 = arith.constant 0 : i32
          %dma_wait3A_131 = tpu.memref_slice %arg6[%dma_wait3A_130] : memref<320000xi32, #tpu.memory_space<hbm>> -> memref<32xi32, #tpu.memory_space<hbm>>
          %dma_wait3A_132 = arith.constant 0 : i32
          %dma_wait3A_133 = tpu.memref_slice %arg6[%dma_wait3A_132] : memref<320000xi32, #tpu.memory_space<hbm>> -> memref<32xi32, #tpu.memory_space<hbm>>
          tpu.wait_dma2 semaphore(%arg23 : memref<!tpu.dma_semaphore, #tpu.memory_space<semaphore_mem>>) src(%dma_wait3A_133 : memref<32xi32, #tpu.memory_space<hbm>>) dst(%arg9 : memref<32xi32, #tpu.memory_space<vmem>>)
          %dma_wait3A_134 = arith.constant 0 : i32
          %dma_wait3A_135 = tpu.memref_slice %arg7[%dma_wait3A_134] : memref<320000xi32, #tpu.memory_space<hbm>> -> memref<32xi32, #tpu.memory_space<hbm>>
          %dma_wait3A_136 = arith.constant 0 : i32
          %dma_wait3A_137 = tpu.memref_slice %arg7[%dma_wait3A_136] : memref<320000xi32, #tpu.memory_space<hbm>> -> memref<32xi32, #tpu.memory_space<hbm>>
          tpu.wait_dma2 semaphore(%arg23 : memref<!tpu.dma_semaphore, #tpu.memory_space<semaphore_mem>>) src(%dma_wait3A_137 : memref<32xi32, #tpu.memory_space<hbm>>) dst(%arg11 : memref<32xi32, #tpu.memory_space<vmem>>)
          %add3A_138 = arith.constant 1 : i32
          %add3A_139 = arith.addi %add3A_87, %add3A_138 : i32
          %add3A_140 = arith.addi %select_n3A_28, %add3A_139 : i32
          %mul3A_141 = arith.constant 32 : i32
          %mul3A_142 = arith.muli %add3A_140, %mul3A_141 : i32
          %dma_start3A_143 = arith.constant 0 : i32
          %dma_start3A_144 = arith.constant 0 : i32
          %dma_start3A_145 = tpu.memref_slice %arg3[%dma_start3A_143, %dma_start3A_144] : memref<10000x128xf32, #tpu.memory_space<hbm>> -> memref<10000x128xf32, #tpu.memory_space<hbm>>
          tpu.enqueue_indirect_dma source(%dma_start3A_145 : memref<10000x128xf32, #tpu.memory_space<hbm>>) target(%arg13 : memref<32x128xf32, #tpu.memory_space<vmem>>) offsets(%arg9 : memref<32xi32, #tpu.memory_space<vmem>>) semaphore(%arg25 : memref<!tpu.dma_semaphore, #tpu.memory_space<semaphore_mem>>)
          %dma_start3A_146 = arith.constant 0 : i32
          %dma_start3A_147 = arith.constant 0 : i32
          %dma_start3A_148 = tpu.memref_slice %arg2[%dma_start3A_146, %dma_start3A_147] : memref<10000x128xf32, #tpu.memory_space<hbm>> -> memref<10000x128xf32, #tpu.memory_space<hbm>>
          tpu.enqueue_indirect_dma source(%dma_start3A_148 : memref<10000x128xf32, #tpu.memory_space<hbm>>) target(%arg15 : memref<32x128xf32, #tpu.memory_space<vmem>>) offsets(%arg11 : memref<32xi32, #tpu.memory_space<vmem>>) semaphore(%arg25 : memref<!tpu.dma_semaphore, #tpu.memory_space<semaphore_mem>>)
          %dma_start3A_149 = arith.constant 0 : i32
          %dma_start3A_150 = arith.constant 0 : i32
          %dma_start3A_151 = tpu.memref_slice %arg4[%dma_start3A_149, %dma_start3A_150] : memref<10000x128xf32, #tpu.memory_space<hbm>> -> memref<10000x128xf32, #tpu.memory_space<hbm>>
          tpu.enqueue_indirect_dma source(%dma_start3A_151 : memref<10000x128xf32, #tpu.memory_space<hbm>>) target(%arg17 : memref<32x128xf32, #tpu.memory_space<vmem>>) offsets(%arg9 : memref<32xi32, #tpu.memory_space<vmem>>) semaphore(%arg25 : memref<!tpu.dma_semaphore, #tpu.memory_space<semaphore_mem>>)
          %dma_start3A_152 = arith.constant 0 : i32
          %dma_start3A_153 = tpu.memref_slice %arg5[%mul3A_142, %dma_start3A_152] : memref<320000x128xf32, #tpu.memory_space<hbm>> -> memref<32x128xf32, #tpu.memory_space<hbm>>
          %dma_start3A_154 = arith.constant 0 : i32
          %dma_start3A_155 = tpu.memref_slice %arg5[%mul3A_142, %dma_start3A_154] : memref<320000x128xf32, #tpu.memory_space<hbm>> -> memref<32x128xf32, #tpu.memory_space<hbm>>
          tpu.enqueue_dma source(%dma_start3A_155 : memref<32x128xf32, #tpu.memory_space<hbm>>) target(%arg19 : memref<32x128xf32, #tpu.memory_space<vmem>>) target_semaphore(%arg25 : memref<!tpu.dma_semaphore, #tpu.memory_space<semaphore_mem>>)
        } else {
        }
        %dma_wait3A_98 = arith.constant 0 : i32
        %dma_wait3A_99 = arith.constant 0 : i32
        %dma_wait3A_100 = tpu.memref_slice %arg5[%dma_wait3A_98, %dma_wait3A_99] : memref<320000x128xf32, #tpu.memory_space<hbm>> -> memref<32x128xf32, #tpu.memory_space<hbm>>
        %dma_wait3A_101 = arith.constant 0 : i32
        %dma_wait3A_102 = arith.constant 0 : i32
        %dma_wait3A_103 = tpu.memref_slice %arg5[%dma_wait3A_101, %dma_wait3A_102] : memref<320000x128xf32, #tpu.memory_space<hbm>> -> memref<32x128xf32, #tpu.memory_space<hbm>>
        tpu.wait_dma2 semaphore(%arg26 : memref<!tpu.dma_semaphore, #tpu.memory_space<semaphore_mem>>) src(%dma_wait3A_103 : memref<32x128xf32, #tpu.memory_space<hbm>>) dst(%arg14 : memref<32x128xf32, #tpu.memory_space<vmem>>)
        %dma_wait3A_104 = arith.constant 0 : i32
        %dma_wait3A_105 = arith.constant 0 : i32
        %dma_wait3A_106 = tpu.memref_slice %arg5[%dma_wait3A_104, %dma_wait3A_105] : memref<320000x128xf32, #tpu.memory_space<hbm>> -> memref<32x128xf32, #tpu.memory_space<hbm>>
        %dma_wait3A_107 = arith.constant 0 : i32
        %dma_wait3A_108 = arith.constant 0 : i32
        %dma_wait3A_109 = tpu.memref_slice %arg5[%dma_wait3A_107, %dma_wait3A_108] : memref<320000x128xf32, #tpu.memory_space<hbm>> -> memref<32x128xf32, #tpu.memory_space<hbm>>
        tpu.wait_dma2 semaphore(%arg26 : memref<!tpu.dma_semaphore, #tpu.memory_space<semaphore_mem>>) src(%dma_wait3A_109 : memref<32x128xf32, #tpu.memory_space<hbm>>) dst(%arg16 : memref<32x128xf32, #tpu.memory_space<vmem>>)
        %dma_wait3A_110 = arith.constant 0 : i32
        %dma_wait3A_111 = arith.constant 0 : i32
        %dma_wait3A_112 = tpu.memref_slice %arg5[%dma_wait3A_110, %dma_wait3A_111] : memref<320000x128xf32, #tpu.memory_space<hbm>> -> memref<32x128xf32, #tpu.memory_space<hbm>>
        %dma_wait3A_113 = arith.constant 0 : i32
        %dma_wait3A_114 = arith.constant 0 : i32
        %dma_wait3A_115 = tpu.memref_slice %arg5[%dma_wait3A_113, %dma_wait3A_114] : memref<320000x128xf32, #tpu.memory_space<hbm>> -> memref<32x128xf32, #tpu.memory_space<hbm>>
        tpu.wait_dma2 semaphore(%arg26 : memref<!tpu.dma_semaphore, #tpu.memory_space<semaphore_mem>>) src(%dma_wait3A_115 : memref<32x128xf32, #tpu.memory_space<hbm>>) dst(%arg18 : memref<32x128xf32, #tpu.memory_space<vmem>>)
        %dma_wait3A_116 = arith.constant 0 : i32
        %dma_wait3A_117 = arith.constant 0 : i32
        %dma_wait3A_118 = tpu.memref_slice %arg5[%dma_wait3A_116, %dma_wait3A_117] : memref<320000x128xf32, #tpu.memory_space<hbm>> -> memref<32x128xf32, #tpu.memory_space<hbm>>
        %dma_wait3A_119 = arith.constant 0 : i32
        %dma_wait3A_120 = arith.constant 0 : i32
        %dma_wait3A_121 = tpu.memref_slice %arg5[%dma_wait3A_119, %dma_wait3A_120] : memref<320000x128xf32, #tpu.memory_space<hbm>> -> memref<32x128xf32, #tpu.memory_space<hbm>>
        tpu.wait_dma2 semaphore(%arg26 : memref<!tpu.dma_semaphore, #tpu.memory_space<semaphore_mem>>) src(%dma_wait3A_121 : memref<32x128xf32, #tpu.memory_space<hbm>>) dst(%arg20 : memref<32x128xf32, #tpu.memory_space<vmem>>)
        %parallel_loop3A = arith.constant 0 : i32
        %parallel_loop3A_122 = arith.constant 32 : i32
        %parallel_loop3A_123 = arith.constant 1 : i32
        scf.for %parallel_loop3A_130 = %parallel_loop3A to %parallel_loop3A_122 step %parallel_loop3A_123  : i32 {
          %parallel_loop3A_131 = arith.constant 0.000000e+00 : f32
          %parallel_loop3A_132 = vector.broadcast %parallel_loop3A_131 : f32 to vector<16xf32>
          %parallel_loop3A_133 = arith.index_cast %parallel_loop3A_130 : i32 to index
          %parallel_loop3A_134 = arith.constant 0 : index
          %parallel_loop3A_135 = tpu.vector_load %arg14[%parallel_loop3A_133, %parallel_loop3A_134] {strides = array<i32>} : memref<32x128xf32, #tpu.memory_space<vmem>>, vector<16xf32>,
          %parallel_loop3A_136 = arith.index_cast %parallel_loop3A_130 : i32 to index
          %parallel_loop3A_137 = arith.constant 0 : index
          %parallel_loop3A_138 = tpu.vector_load %arg16[%parallel_loop3A_136, %parallel_loop3A_137] {strides = array<i32>} : memref<32x128xf32, #tpu.memory_space<vmem>>, vector<16xf32>,
          %parallel_loop3A_139 = arith.mulf %parallel_loop3A_135, %parallel_loop3A_138 : vector<16xf32>
          %parallel_loop3A_140 = arith.index_cast %parallel_loop3A_130 : i32 to index
          %parallel_loop3A_141 = arith.constant 0 : index
          %parallel_loop3A_142 = tpu.vector_load %arg20[%parallel_loop3A_140, %parallel_loop3A_141] {strides = array<i32>} : memref<32x128xf32, #tpu.memory_space<vmem>>, vector<16xf32>,
          %parallel_loop3A_143 = arith.mulf %parallel_loop3A_139, %parallel_loop3A_142 : vector<16xf32>
          %parallel_loop3A_144 = arith.constant true
          %parallel_loop3A_145 = vector.broadcast %parallel_loop3A_144 : i1 to vector<16xi1>
          %parallel_loop3A_146 = tpu.scan <sum>, %parallel_loop3A_143 masked %parallel_loop3A_145 : vector<16xf32>, vector<16xi1> -> vector<16xf32>
          %parallel_loop3A_147 = arith.constant 15 : i32
          %parallel_loop3A_148 = vector.broadcast %parallel_loop3A_147 : i32 to vector<16x1xi32>
          %parallel_loop3A_149 = vector.shape_cast %parallel_loop3A_148 : vector<16x1xi32> to vector<16xi32>
          %parallel_loop3A_150 = tpu.dynamic_gather %parallel_loop3A_146[%parallel_loop3A_149] in [0] : vector<16xf32>, vector<16xi32> -> vector<16xf32>
          %parallel_loop3A_151 = arith.constant -5.000000e+00 : f32
          %parallel_loop3A_152 = vector.broadcast %parallel_loop3A_151 : f32 to vector<16xf32>
          %parallel_loop3A_153 = arith.maximumf %parallel_loop3A_150, %parallel_loop3A_152 : vector<16xf32>
          %parallel_loop3A_154 = arith.constant 5.000000e+00 : f32
          %parallel_loop3A_155 = vector.broadcast %parallel_loop3A_154 : f32 to vector<16xf32>
          %parallel_loop3A_156 = arith.minimumf %parallel_loop3A_153, %parallel_loop3A_155 : vector<16xf32>
          %parallel_loop3A_157 = math.exp %parallel_loop3A_156 : vector<16xf32>
          %parallel_loop3A_158 = arith.index_cast %parallel_loop3A_130 : i32 to index
          %parallel_loop3A_159 = arith.constant 0 : index
          %parallel_loop3A_160 = tpu.vector_load %arg18[%parallel_loop3A_158, %parallel_loop3A_159] {strides = array<i32>} : memref<32x128xf32, #tpu.memory_space<vmem>>, vector<16xf32>,
          %parallel_loop3A_161 = arith.mulf %parallel_loop3A_160, %parallel_loop3A_157 : vector<16xf32>
          %parallel_loop3A_162 = arith.index_cast %parallel_loop3A_130 : i32 to index
          %parallel_loop3A_163 = arith.constant 0 : index
          %parallel_loop3A_164 = tpu.vector_load %arg21[%parallel_loop3A_162, %parallel_loop3A_163] {strides = array<i32>} : memref<32x144xf32, #tpu.memory_space<vmem>>, vector<16xf32>,
          tpu.vector_store %arg21[%parallel_loop3A_162, %parallel_loop3A_163], %parallel_loop3A_161 {strides = array<i32>} : memref<32x144xf32, #tpu.memory_space<vmem>>, vector<16xf32>,
          %parallel_loop3A_165 = arith.constant 0 : i32
          %parallel_loop3A_166 = vector.broadcast %parallel_loop3A_165 : i32 to vector<16xi32>
          %parallel_loop3A_167 = arith.cmpi eq, %iota3A, %parallel_loop3A_166 : vector<16xi32>
          %parallel_loop3A_168 = arith.constant 0.000000e+00 : f32
          %parallel_loop3A_169 = vector.broadcast %parallel_loop3A_168 : f32 to vector<16xf32>
          %parallel_loop3A_170 = arith.select %parallel_loop3A_167, %parallel_loop3A_157, %parallel_loop3A_169 : vector<16xi1>, vector<16xf32>
          %parallel_loop3A_171 = arith.addf %parallel_loop3A_132, %parallel_loop3A_170 : vector<16xf32>
          %parallel_loop3A_172 = arith.index_cast %parallel_loop3A_130 : i32 to index
          %parallel_loop3A_173 = arith.constant 16 : index
          %parallel_loop3A_174 = tpu.vector_load %arg14[%parallel_loop3A_172, %parallel_loop3A_173] {strides = array<i32>} : memref<32x128xf32, #tpu.memory_space<vmem>>, vector<16xf32>,
          %parallel_loop3A_175 = arith.index_cast %parallel_loop3A_130 : i32 to index
          %parallel_loop3A_176 = arith.constant 16 : index
          %parallel_loop3A_177 = tpu.vector_load %arg16[%parallel_loop3A_175, %parallel_loop3A_176] {strides = array<i32>} : memref<32x128xf32, #tpu.memory_space<vmem>>, vector<16xf32>,
          %parallel_loop3A_178 = arith.mulf %parallel_loop3A_174, %parallel_loop3A_177 : vector<16xf32>
          %parallel_loop3A_179 = arith.index_cast %parallel_loop3A_130 : i32 to index
          %parallel_loop3A_180 = arith.constant 16 : index
          %parallel_loop3A_181 = tpu.vector_load %arg20[%parallel_loop3A_179, %parallel_loop3A_180] {strides = array<i32>} : memref<32x128xf32, #tpu.memory_space<vmem>>, vector<16xf32>,
          %parallel_loop3A_182 = arith.mulf %parallel_loop3A_178, %parallel_loop3A_181 : vector<16xf32>
          %parallel_loop3A_183 = arith.constant true
          %parallel_loop3A_184 = vector.broadcast %parallel_loop3A_183 : i1 to vector<16xi1>
          %parallel_loop3A_185 = tpu.scan <sum>, %parallel_loop3A_182 masked %parallel_loop3A_184 : vector<16xf32>, vector<16xi1> -> vector<16xf32>
          %parallel_loop3A_186 = arith.constant 15 : i32
          %parallel_loop3A_187 = vector.broadcast %parallel_loop3A_186 : i32 to vector<16x1xi32>
          %parallel_loop3A_188 = vector.shape_cast %parallel_loop3A_187 : vector<16x1xi32> to vector<16xi32>
          %parallel_loop3A_189 = tpu.dynamic_gather %parallel_loop3A_185[%parallel_loop3A_188] in [0] : vector<16xf32>, vector<16xi32> -> vector<16xf32>
          %parallel_loop3A_190 = arith.constant -5.000000e+00 : f32
          %parallel_loop3A_191 = vector.broadcast %parallel_loop3A_190 : f32 to vector<16xf32>
          %parallel_loop3A_192 = arith.maximumf %parallel_loop3A_189, %parallel_loop3A_191 : vector<16xf32>
          %parallel_loop3A_193 = arith.constant 5.000000e+00 : f32
          %parallel_loop3A_194 = vector.broadcast %parallel_loop3A_193 : f32 to vector<16xf32>
          %parallel_loop3A_195 = arith.minimumf %parallel_loop3A_192, %parallel_loop3A_194 : vector<16xf32>
          %parallel_loop3A_196 = math.exp %parallel_loop3A_195 : vector<16xf32>
          %parallel_loop3A_197 = arith.index_cast %parallel_loop3A_130 : i32 to index
          %parallel_loop3A_198 = arith.constant 16 : index
          %parallel_loop3A_199 = tpu.vector_load %arg18[%parallel_loop3A_197, %parallel_loop3A_198] {strides = array<i32>} : memref<32x128xf32, #tpu.memory_space<vmem>>, vector<16xf32>,
          %parallel_loop3A_200 = arith.mulf %parallel_loop3A_199, %parallel_loop3A_196 : vector<16xf32>
          %parallel_loop3A_201 = arith.index_cast %parallel_loop3A_130 : i32 to index
          %parallel_loop3A_202 = arith.constant 16 : index
          %parallel_loop3A_203 = tpu.vector_load %arg21[%parallel_loop3A_201, %parallel_loop3A_202] {strides = array<i32>} : memref<32x144xf32, #tpu.memory_space<vmem>>, vector<16xf32>,
          tpu.vector_store %arg21[%parallel_loop3A_201, %parallel_loop3A_202], %parallel_loop3A_200 {strides = array<i32>} : memref<32x144xf32, #tpu.memory_space<vmem>>, vector<16xf32>,
          %parallel_loop3A_204 = arith.constant 1 : i32
          %parallel_loop3A_205 = vector.broadcast %parallel_loop3A_204 : i32 to vector<16xi32>
          %parallel_loop3A_206 = arith.cmpi eq, %iota3A, %parallel_loop3A_205 : vector<16xi32>
          %parallel_loop3A_207 = arith.constant 0.000000e+00 : f32
          %parallel_loop3A_208 = vector.broadcast %parallel_loop3A_207 : f32 to vector<16xf32>
          %parallel_loop3A_209 = arith.select %parallel_loop3A_206, %parallel_loop3A_196, %parallel_loop3A_208 : vector<16xi1>, vector<16xf32>
          %parallel_loop3A_210 = arith.addf %parallel_loop3A_171, %parallel_loop3A_209 : vector<16xf32>
          %parallel_loop3A_211 = arith.index_cast %parallel_loop3A_130 : i32 to index
          %parallel_loop3A_212 = arith.constant 32 : index
          %parallel_loop3A_213 = tpu.vector_load %arg14[%parallel_loop3A_211, %parallel_loop3A_212] {strides = array<i32>} : memref<32x128xf32, #tpu.memory_space<vmem>>, vector<16xf32>,
          %parallel_loop3A_214 = arith.index_cast %parallel_loop3A_130 : i32 to index
          %parallel_loop3A_215 = arith.constant 32 : index
          %parallel_loop3A_216 = tpu.vector_load %arg16[%parallel_loop3A_214, %parallel_loop3A_215] {strides = array<i32>} : memref<32x128xf32, #tpu.memory_space<vmem>>, vector<16xf32>,
          %parallel_loop3A_217 = arith.mulf %parallel_loop3A_213, %parallel_loop3A_216 : vector<16xf32>
          %parallel_loop3A_218 = arith.index_cast %parallel_loop3A_130 : i32 to index
          %parallel_loop3A_219 = arith.constant 32 : index
          %parallel_loop3A_220 = tpu.vector_load %arg20[%parallel_loop3A_218, %parallel_loop3A_219] {strides = array<i32>} : memref<32x128xf32, #tpu.memory_space<vmem>>, vector<16xf32>,
          %parallel_loop3A_221 = arith.mulf %parallel_loop3A_217, %parallel_loop3A_220 : vector<16xf32>
          %parallel_loop3A_222 = arith.constant true
          %parallel_loop3A_223 = vector.broadcast %parallel_loop3A_222 : i1 to vector<16xi1>
          %parallel_loop3A_224 = tpu.scan <sum>, %parallel_loop3A_221 masked %parallel_loop3A_223 : vector<16xf32>, vector<16xi1> -> vector<16xf32>
          %parallel_loop3A_225 = arith.constant 15 : i32
          %parallel_loop3A_226 = vector.broadcast %parallel_loop3A_225 : i32 to vector<16x1xi32>
          %parallel_loop3A_227 = vector.shape_cast %parallel_loop3A_226 : vector<16x1xi32> to vector<16xi32>
          %parallel_loop3A_228 = tpu.dynamic_gather %parallel_loop3A_224[%parallel_loop3A_227] in [0] : vector<16xf32>, vector<16xi32> -> vector<16xf32>
          %parallel_loop3A_229 = arith.constant -5.000000e+00 : f32
          %parallel_loop3A_230 = vector.broadcast %parallel_loop3A_229 : f32 to vector<16xf32>
          %parallel_loop3A_231 = arith.maximumf %parallel_loop3A_228, %parallel_loop3A_230 : vector<16xf32>
          %parallel_loop3A_232 = arith.constant 5.000000e+00 : f32
          %parallel_loop3A_233 = vector.broadcast %parallel_loop3A_232 : f32 to vector<16xf32>
          %parallel_loop3A_234 = arith.minimumf %parallel_loop3A_231, %parallel_loop3A_233 : vector<16xf32>
          %parallel_loop3A_235 = math.exp %parallel_loop3A_234 : vector<16xf32>
          %parallel_loop3A_236 = arith.index_cast %parallel_loop3A_130 : i32 to index
          %parallel_loop3A_237 = arith.constant 32 : index
          %parallel_loop3A_238 = tpu.vector_load %arg18[%parallel_loop3A_236, %parallel_loop3A_237] {strides = array<i32>} : memref<32x128xf32, #tpu.memory_space<vmem>>, vector<16xf32>,
          %parallel_loop3A_239 = arith.mulf %parallel_loop3A_238, %parallel_loop3A_235 : vector<16xf32>
          %parallel_loop3A_240 = arith.index_cast %parallel_loop3A_130 : i32 to index
          %parallel_loop3A_241 = arith.constant 32 : index
          %parallel_loop3A_242 = tpu.vector_load %arg21[%parallel_loop3A_240, %parallel_loop3A_241] {strides = array<i32>} : memref<32x144xf32, #tpu.memory_space<vmem>>, vector<16xf32>,
          tpu.vector_store %arg21[%parallel_loop3A_240, %parallel_loop3A_241], %parallel_loop3A_239 {strides = array<i32>} : memref<32x144xf32, #tpu.memory_space<vmem>>, vector<16xf32>,
          %parallel_loop3A_243 = arith.constant 2 : i32
          %parallel_loop3A_244 = vector.broadcast %parallel_loop3A_243 : i32 to vector<16xi32>
          %parallel_loop3A_245 = arith.cmpi eq, %iota3A, %parallel_loop3A_244 : vector<16xi32>
          %parallel_loop3A_246 = arith.constant 0.000000e+00 : f32
          %parallel_loop3A_247 = vector.broadcast %parallel_loop3A_246 : f32 to vector<16xf32>
          %parallel_loop3A_248 = arith.select %parallel_loop3A_245, %parallel_loop3A_235, %parallel_loop3A_247 : vector<16xi1>, vector<16xf32>
          %parallel_loop3A_249 = arith.addf %parallel_loop3A_210, %parallel_loop3A_248 : vector<16xf32>
          %parallel_loop3A_250 = arith.index_cast %parallel_loop3A_130 : i32 to index
          %parallel_loop3A_251 = arith.constant 48 : index
          %parallel_loop3A_252 = tpu.vector_load %arg14[%parallel_loop3A_250, %parallel_loop3A_251] {strides = array<i32>} : memref<32x128xf32, #tpu.memory_space<vmem>>, vector<16xf32>,
          %parallel_loop3A_253 = arith.index_cast %parallel_loop3A_130 : i32 to index
          %parallel_loop3A_254 = arith.constant 48 : index
          %parallel_loop3A_255 = tpu.vector_load %arg16[%parallel_loop3A_253, %parallel_loop3A_254] {strides = array<i32>} : memref<32x128xf32, #tpu.memory_space<vmem>>, vector<16xf32>,
          %parallel_loop3A_256 = arith.mulf %parallel_loop3A_252, %parallel_loop3A_255 : vector<16xf32>
          %parallel_loop3A_257 = arith.index_cast %parallel_loop3A_130 : i32 to index
          %parallel_loop3A_258 = arith.constant 48 : index
          %parallel_loop3A_259 = tpu.vector_load %arg20[%parallel_loop3A_257, %parallel_loop3A_258] {strides = array<i32>} : memref<32x128xf32, #tpu.memory_space<vmem>>, vector<16xf32>,
          %parallel_loop3A_260 = arith.mulf %parallel_loop3A_256, %parallel_loop3A_259 : vector<16xf32>
          %parallel_loop3A_261 = arith.constant true
          %parallel_loop3A_262 = vector.broadcast %parallel_loop3A_261 : i1 to vector<16xi1>
          %parallel_loop3A_263 = tpu.scan <sum>, %parallel_loop3A_260 masked %parallel_loop3A_262 : vector<16xf32>, vector<16xi1> -> vector<16xf32>
          %parallel_loop3A_264 = arith.constant 15 : i32
          %parallel_loop3A_265 = vector.broadcast %parallel_loop3A_264 : i32 to vector<16x1xi32>
          %parallel_loop3A_266 = vector.shape_cast %parallel_loop3A_265 : vector<16x1xi32> to vector<16xi32>
          %parallel_loop3A_267 = tpu.dynamic_gather %parallel_loop3A_263[%parallel_loop3A_266] in [0] : vector<16xf32>, vector<16xi32> -> vector<16xf32>
          %parallel_loop3A_268 = arith.constant -5.000000e+00 : f32
          %parallel_loop3A_269 = vector.broadcast %parallel_loop3A_268 : f32 to vector<16xf32>
          %parallel_loop3A_270 = arith.maximumf %parallel_loop3A_267, %parallel_loop3A_269 : vector<16xf32>
          %parallel_loop3A_271 = arith.constant 5.000000e+00 : f32
          %parallel_loop3A_272 = vector.broadcast %parallel_loop3A_271 : f32 to vector<16xf32>
          %parallel_loop3A_273 = arith.minimumf %parallel_loop3A_270, %parallel_loop3A_272 : vector<16xf32>
          %parallel_loop3A_274 = math.exp %parallel_loop3A_273 : vector<16xf32>
          %parallel_loop3A_275 = arith.index_cast %parallel_loop3A_130 : i32 to index
          %parallel_loop3A_276 = arith.constant 48 : index
          %parallel_loop3A_277 = tpu.vector_load %arg18[%parallel_loop3A_275, %parallel_loop3A_276] {strides = array<i32>} : memref<32x128xf32, #tpu.memory_space<vmem>>, vector<16xf32>,
          %parallel_loop3A_278 = arith.mulf %parallel_loop3A_277, %parallel_loop3A_274 : vector<16xf32>
          %parallel_loop3A_279 = arith.index_cast %parallel_loop3A_130 : i32 to index
          %parallel_loop3A_280 = arith.constant 48 : index
          %parallel_loop3A_281 = tpu.vector_load %arg21[%parallel_loop3A_279, %parallel_loop3A_280] {strides = array<i32>} : memref<32x144xf32, #tpu.memory_space<vmem>>, vector<16xf32>,
          tpu.vector_store %arg21[%parallel_loop3A_279, %parallel_loop3A_280], %parallel_loop3A_278 {strides = array<i32>} : memref<32x144xf32, #tpu.memory_space<vmem>>, vector<16xf32>,
          %parallel_loop3A_282 = arith.constant 3 : i32
          %parallel_loop3A_283 = vector.broadcast %parallel_loop3A_282 : i32 to vector<16xi32>
          %parallel_loop3A_284 = arith.cmpi eq, %iota3A, %parallel_loop3A_283 : vector<16xi32>
          %parallel_loop3A_285 = arith.constant 0.000000e+00 : f32
          %parallel_loop3A_286 = vector.broadcast %parallel_loop3A_285 : f32 to vector<16xf32>
          %parallel_loop3A_287 = arith.select %parallel_loop3A_284, %parallel_loop3A_274, %parallel_loop3A_286 : vector<16xi1>, vector<16xf32>
          %parallel_loop3A_288 = arith.addf %parallel_loop3A_249, %parallel_loop3A_287 : vector<16xf32>
          %parallel_loop3A_289 = arith.index_cast %parallel_loop3A_130 : i32 to index
          %parallel_loop3A_290 = arith.constant 64 : index
          %parallel_loop3A_291 = tpu.vector_load %arg14[%parallel_loop3A_289, %parallel_loop3A_290] {strides = array<i32>} : memref<32x128xf32, #tpu.memory_space<vmem>>, vector<16xf32>,
          %parallel_loop3A_292 = arith.index_cast %parallel_loop3A_130 : i32 to index
          %parallel_loop3A_293 = arith.constant 64 : index
          %parallel_loop3A_294 = tpu.vector_load %arg16[%parallel_loop3A_292, %parallel_loop3A_293] {strides = array<i32>} : memref<32x128xf32, #tpu.memory_space<vmem>>, vector<16xf32>,
          %parallel_loop3A_295 = arith.mulf %parallel_loop3A_291, %parallel_loop3A_294 : vector<16xf32>
          %parallel_loop3A_296 = arith.index_cast %parallel_loop3A_130 : i32 to index
          %parallel_loop3A_297 = arith.constant 64 : index
          %parallel_loop3A_298 = tpu.vector_load %arg20[%parallel_loop3A_296, %parallel_loop3A_297] {strides = array<i32>} : memref<32x128xf32, #tpu.memory_space<vmem>>, vector<16xf32>,
          %parallel_loop3A_299 = arith.mulf %parallel_loop3A_295, %parallel_loop3A_298 : vector<16xf32>
          %parallel_loop3A_300 = arith.constant true
          %parallel_loop3A_301 = vector.broadcast %parallel_loop3A_300 : i1 to vector<16xi1>
          %parallel_loop3A_302 = tpu.scan <sum>, %parallel_loop3A_299 masked %parallel_loop3A_301 : vector<16xf32>, vector<16xi1> -> vector<16xf32>
          %parallel_loop3A_303 = arith.constant 15 : i32
          %parallel_loop3A_304 = vector.broadcast %parallel_loop3A_303 : i32 to vector<16x1xi32>
          %parallel_loop3A_305 = vector.shape_cast %parallel_loop3A_304 : vector<16x1xi32> to vector<16xi32>
          %parallel_loop3A_306 = tpu.dynamic_gather %parallel_loop3A_302[%parallel_loop3A_305] in [0] : vector<16xf32>, vector<16xi32> -> vector<16xf32>
          %parallel_loop3A_307 = arith.constant -5.000000e+00 : f32
          %parallel_loop3A_308 = vector.broadcast %parallel_loop3A_307 : f32 to vector<16xf32>
          %parallel_loop3A_309 = arith.maximumf %parallel_loop3A_306, %parallel_loop3A_308 : vector<16xf32>
          %parallel_loop3A_310 = arith.constant 5.000000e+00 : f32
          %parallel_loop3A_311 = vector.broadcast %parallel_loop3A_310 : f32 to vector<16xf32>
          %parallel_loop3A_312 = arith.minimumf %parallel_loop3A_309, %parallel_loop3A_311 : vector<16xf32>
          %parallel_loop3A_313 = math.exp %parallel_loop3A_312 : vector<16xf32>
          %parallel_loop3A_314 = arith.index_cast %parallel_loop3A_130 : i32 to index
          %parallel_loop3A_315 = arith.constant 64 : index
          %parallel_loop3A_316 = tpu.vector_load %arg18[%parallel_loop3A_314, %parallel_loop3A_315] {strides = array<i32>} : memref<32x128xf32, #tpu.memory_space<vmem>>, vector<16xf32>,
          %parallel_loop3A_317 = arith.mulf %parallel_loop3A_316, %parallel_loop3A_313 : vector<16xf32>
          %parallel_loop3A_318 = arith.index_cast %parallel_loop3A_130 : i32 to index
          %parallel_loop3A_319 = arith.constant 64 : index
          %parallel_loop3A_320 = tpu.vector_load %arg21[%parallel_loop3A_318, %parallel_loop3A_319] {strides = array<i32>} : memref<32x144xf32, #tpu.memory_space<vmem>>, vector<16xf32>,
          tpu.vector_store %arg21[%parallel_loop3A_318, %parallel_loop3A_319], %parallel_loop3A_317 {strides = array<i32>} : memref<32x144xf32, #tpu.memory_space<vmem>>, vector<16xf32>,
          %parallel_loop3A_321 = arith.constant 4 : i32
          %parallel_loop3A_322 = vector.broadcast %parallel_loop3A_321 : i32 to vector<16xi32>
          %parallel_loop3A_323 = arith.cmpi eq, %iota3A, %parallel_loop3A_322 : vector<16xi32>
          %parallel_loop3A_324 = arith.constant 0.000000e+00 : f32
          %parallel_loop3A_325 = vector.broadcast %parallel_loop3A_324 : f32 to vector<16xf32>
          %parallel_loop3A_326 = arith.select %parallel_loop3A_323, %parallel_loop3A_313, %parallel_loop3A_325 : vector<16xi1>, vector<16xf32>
          %parallel_loop3A_327 = arith.addf %parallel_loop3A_288, %parallel_loop3A_326 : vector<16xf32>
          %parallel_loop3A_328 = arith.index_cast %parallel_loop3A_130 : i32 to index
          %parallel_loop3A_329 = arith.constant 80 : index
          %parallel_loop3A_330 = tpu.vector_load %arg14[%parallel_loop3A_328, %parallel_loop3A_329] {strides = array<i32>} : memref<32x128xf32, #tpu.memory_space<vmem>>, vector<16xf32>,
          %parallel_loop3A_331 = arith.index_cast %parallel_loop3A_130 : i32 to index
          %parallel_loop3A_332 = arith.constant 80 : index
          %parallel_loop3A_333 = tpu.vector_load %arg16[%parallel_loop3A_331, %parallel_loop3A_332] {strides = array<i32>} : memref<32x128xf32, #tpu.memory_space<vmem>>, vector<16xf32>,
          %parallel_loop3A_334 = arith.mulf %parallel_loop3A_330, %parallel_loop3A_333 : vector<16xf32>
          %parallel_loop3A_335 = arith.index_cast %parallel_loop3A_130 : i32 to index
          %parallel_loop3A_336 = arith.constant 80 : index
          %parallel_loop3A_337 = tpu.vector_load %arg20[%parallel_loop3A_335, %parallel_loop3A_336] {strides = array<i32>} : memref<32x128xf32, #tpu.memory_space<vmem>>, vector<16xf32>,
          %parallel_loop3A_338 = arith.mulf %parallel_loop3A_334, %parallel_loop3A_337 : vector<16xf32>
          %parallel_loop3A_339 = arith.constant true
          %parallel_loop3A_340 = vector.broadcast %parallel_loop3A_339 : i1 to vector<16xi1>
          %parallel_loop3A_341 = tpu.scan <sum>, %parallel_loop3A_338 masked %parallel_loop3A_340 : vector<16xf32>, vector<16xi1> -> vector<16xf32>
          %parallel_loop3A_342 = arith.constant 15 : i32
          %parallel_loop3A_343 = vector.broadcast %parallel_loop3A_342 : i32 to vector<16x1xi32>
          %parallel_loop3A_344 = vector.shape_cast %parallel_loop3A_343 : vector<16x1xi32> to vector<16xi32>
          %parallel_loop3A_345 = tpu.dynamic_gather %parallel_loop3A_341[%parallel_loop3A_344] in [0] : vector<16xf32>, vector<16xi32> -> vector<16xf32>
          %parallel_loop3A_346 = arith.constant -5.000000e+00 : f32
          %parallel_loop3A_347 = vector.broadcast %parallel_loop3A_346 : f32 to vector<16xf32>
          %parallel_loop3A_348 = arith.maximumf %parallel_loop3A_345, %parallel_loop3A_347 : vector<16xf32>
          %parallel_loop3A_349 = arith.constant 5.000000e+00 : f32
          %parallel_loop3A_350 = vector.broadcast %parallel_loop3A_349 : f32 to vector<16xf32>
          %parallel_loop3A_351 = arith.minimumf %parallel_loop3A_348, %parallel_loop3A_350 : vector<16xf32>
          %parallel_loop3A_352 = math.exp %parallel_loop3A_351 : vector<16xf32>
          %parallel_loop3A_353 = arith.index_cast %parallel_loop3A_130 : i32 to index
          %parallel_loop3A_354 = arith.constant 80 : index
          %parallel_loop3A_355 = tpu.vector_load %arg18[%parallel_loop3A_353, %parallel_loop3A_354] {strides = array<i32>} : memref<32x128xf32, #tpu.memory_space<vmem>>, vector<16xf32>,
          %parallel_loop3A_356 = arith.mulf %parallel_loop3A_355, %parallel_loop3A_352 : vector<16xf32>
          %parallel_loop3A_357 = arith.index_cast %parallel_loop3A_130 : i32 to index
          %parallel_loop3A_358 = arith.constant 80 : index
          %parallel_loop3A_359 = tpu.vector_load %arg21[%parallel_loop3A_357, %parallel_loop3A_358] {strides = array<i32>} : memref<32x144xf32, #tpu.memory_space<vmem>>, vector<16xf32>,
          tpu.vector_store %arg21[%parallel_loop3A_357, %parallel_loop3A_358], %parallel_loop3A_356 {strides = array<i32>} : memref<32x144xf32, #tpu.memory_space<vmem>>, vector<16xf32>,
          %parallel_loop3A_360 = arith.constant 5 : i32
          %parallel_loop3A_361 = vector.broadcast %parallel_loop3A_360 : i32 to vector<16xi32>
          %parallel_loop3A_362 = arith.cmpi eq, %iota3A, %parallel_loop3A_361 : vector<16xi32>
          %parallel_loop3A_363 = arith.constant 0.000000e+00 : f32
          %parallel_loop3A_364 = vector.broadcast %parallel_loop3A_363 : f32 to vector<16xf32>
          %parallel_loop3A_365 = arith.select %parallel_loop3A_362, %parallel_loop3A_352, %parallel_loop3A_364 : vector<16xi1>, vector<16xf32>
          %parallel_loop3A_366 = arith.addf %parallel_loop3A_327, %parallel_loop3A_365 : vector<16xf32>
          %parallel_loop3A_367 = arith.index_cast %parallel_loop3A_130 : i32 to index
          %parallel_loop3A_368 = arith.constant 96 : index
          %parallel_loop3A_369 = tpu.vector_load %arg14[%parallel_loop3A_367, %parallel_loop3A_368] {strides = array<i32>} : memref<32x128xf32, #tpu.memory_space<vmem>>, vector<16xf32>,
          %parallel_loop3A_370 = arith.index_cast %parallel_loop3A_130 : i32 to index
          %parallel_loop3A_371 = arith.constant 96 : index
          %parallel_loop3A_372 = tpu.vector_load %arg16[%parallel_loop3A_370, %parallel_loop3A_371] {strides = array<i32>} : memref<32x128xf32, #tpu.memory_space<vmem>>, vector<16xf32>,
          %parallel_loop3A_373 = arith.mulf %parallel_loop3A_369, %parallel_loop3A_372 : vector<16xf32>
          %parallel_loop3A_374 = arith.index_cast %parallel_loop3A_130 : i32 to index
          %parallel_loop3A_375 = arith.constant 96 : index
          %parallel_loop3A_376 = tpu.vector_load %arg20[%parallel_loop3A_374, %parallel_loop3A_375] {strides = array<i32>} : memref<32x128xf32, #tpu.memory_space<vmem>>, vector<16xf32>,
          %parallel_loop3A_377 = arith.mulf %parallel_loop3A_373, %parallel_loop3A_376 : vector<16xf32>
          %parallel_loop3A_378 = arith.constant true
          %parallel_loop3A_379 = vector.broadcast %parallel_loop3A_378 : i1 to vector<16xi1>
          %parallel_loop3A_380 = tpu.scan <sum>, %parallel_loop3A_377 masked %parallel_loop3A_379 : vector<16xf32>, vector<16xi1> -> vector<16xf32>
          %parallel_loop3A_381 = arith.constant 15 : i32
          %parallel_loop3A_382 = vector.broadcast %parallel_loop3A_381 : i32 to vector<16x1xi32>
          %parallel_loop3A_383 = vector.shape_cast %parallel_loop3A_382 : vector<16x1xi32> to vector<16xi32>
          %parallel_loop3A_384 = tpu.dynamic_gather %parallel_loop3A_380[%parallel_loop3A_383] in [0] : vector<16xf32>, vector<16xi32> -> vector<16xf32>
          %parallel_loop3A_385 = arith.constant -5.000000e+00 : f32
          %parallel_loop3A_386 = vector.broadcast %parallel_loop3A_385 : f32 to vector<16xf32>
          %parallel_loop3A_387 = arith.maximumf %parallel_loop3A_384, %parallel_loop3A_386 : vector<16xf32>
          %parallel_loop3A_388 = arith.constant 5.000000e+00 : f32
          %parallel_loop3A_389 = vector.broadcast %parallel_loop3A_388 : f32 to vector<16xf32>
          %parallel_loop3A_390 = arith.minimumf %parallel_loop3A_387, %parallel_loop3A_389 : vector<16xf32>
          %parallel_loop3A_391 = math.exp %parallel_loop3A_390 : vector<16xf32>
          %parallel_loop3A_392 = arith.index_cast %parallel_loop3A_130 : i32 to index
          %parallel_loop3A_393 = arith.constant 96 : index
          %parallel_loop3A_394 = tpu.vector_load %arg18[%parallel_loop3A_392, %parallel_loop3A_393] {strides = array<i32>} : memref<32x128xf32, #tpu.memory_space<vmem>>, vector<16xf32>,
          %parallel_loop3A_395 = arith.mulf %parallel_loop3A_394, %parallel_loop3A_391 : vector<16xf32>
          %parallel_loop3A_396 = arith.index_cast %parallel_loop3A_130 : i32 to index
          %parallel_loop3A_397 = arith.constant 96 : index
          %parallel_loop3A_398 = tpu.vector_load %arg21[%parallel_loop3A_396, %parallel_loop3A_397] {strides = array<i32>} : memref<32x144xf32, #tpu.memory_space<vmem>>, vector<16xf32>,
          tpu.vector_store %arg21[%parallel_loop3A_396, %parallel_loop3A_397], %parallel_loop3A_395 {strides = array<i32>} : memref<32x144xf32, #tpu.memory_space<vmem>>, vector<16xf32>,
          %parallel_loop3A_399 = arith.constant 6 : i32
          %parallel_loop3A_400 = vector.broadcast %parallel_loop3A_399 : i32 to vector<16xi32>
          %parallel_loop3A_401 = arith.cmpi eq, %iota3A, %parallel_loop3A_400 : vector<16xi32>
          %parallel_loop3A_402 = arith.constant 0.000000e+00 : f32
          %parallel_loop3A_403 = vector.broadcast %parallel_loop3A_402 : f32 to vector<16xf32>
          %parallel_loop3A_404 = arith.select %parallel_loop3A_401, %parallel_loop3A_391, %parallel_loop3A_403 : vector<16xi1>, vector<16xf32>
          %parallel_loop3A_405 = arith.addf %parallel_loop3A_366, %parallel_loop3A_404 : vector<16xf32>
          %parallel_loop3A_406 = arith.index_cast %parallel_loop3A_130 : i32 to index
          %parallel_loop3A_407 = arith.constant 112 : index
          %parallel_loop3A_408 = tpu.vector_load %arg14[%parallel_loop3A_406, %parallel_loop3A_407] {strides = array<i32>} : memref<32x128xf32, #tpu.memory_space<vmem>>, vector<16xf32>,
          %parallel_loop3A_409 = arith.index_cast %parallel_loop3A_130 : i32 to index
          %parallel_loop3A_410 = arith.constant 112 : index
          %parallel_loop3A_411 = tpu.vector_load %arg16[%parallel_loop3A_409, %parallel_loop3A_410] {strides = array<i32>} : memref<32x128xf32, #tpu.memory_space<vmem>>, vector<16xf32>,
          %parallel_loop3A_412 = arith.mulf %parallel_loop3A_408, %parallel_loop3A_411 : vector<16xf32>
          %parallel_loop3A_413 = arith.index_cast %parallel_loop3A_130 : i32 to index
          %parallel_loop3A_414 = arith.constant 112 : index
          %parallel_loop3A_415 = tpu.vector_load %arg20[%parallel_loop3A_413, %parallel_loop3A_414] {strides = array<i32>} : memref<32x128xf32, #tpu.memory_space<vmem>>, vector<16xf32>,
          %parallel_loop3A_416 = arith.mulf %parallel_loop3A_412, %parallel_loop3A_415 : vector<16xf32>
          %parallel_loop3A_417 = arith.constant true
          %parallel_loop3A_418 = vector.broadcast %parallel_loop3A_417 : i1 to vector<16xi1>
          %parallel_loop3A_419 = tpu.scan <sum>, %parallel_loop3A_416 masked %parallel_loop3A_418 : vector<16xf32>, vector<16xi1> -> vector<16xf32>
          %parallel_loop3A_420 = arith.constant 15 : i32
          %parallel_loop3A_421 = vector.broadcast %parallel_loop3A_420 : i32 to vector<16x1xi32>
          %parallel_loop3A_422 = vector.shape_cast %parallel_loop3A_421 : vector<16x1xi32> to vector<16xi32>
          %parallel_loop3A_423 = tpu.dynamic_gather %parallel_loop3A_419[%parallel_loop3A_422] in [0] : vector<16xf32>, vector<16xi32> -> vector<16xf32>
          %parallel_loop3A_424 = arith.constant -5.000000e+00 : f32
          %parallel_loop3A_425 = vector.broadcast %parallel_loop3A_424 : f32 to vector<16xf32>
          %parallel_loop3A_426 = arith.maximumf %parallel_loop3A_423, %parallel_loop3A_425 : vector<16xf32>
          %parallel_loop3A_427 = arith.constant 5.000000e+00 : f32
          %parallel_loop3A_428 = vector.broadcast %parallel_loop3A_427 : f32 to vector<16xf32>
          %parallel_loop3A_429 = arith.minimumf %parallel_loop3A_426, %parallel_loop3A_428 : vector<16xf32>
          %parallel_loop3A_430 = math.exp %parallel_loop3A_429 : vector<16xf32>
          %parallel_loop3A_431 = arith.index_cast %parallel_loop3A_130 : i32 to index
          %parallel_loop3A_432 = arith.constant 112 : index
          %parallel_loop3A_433 = tpu.vector_load %arg18[%parallel_loop3A_431, %parallel_loop3A_432] {strides = array<i32>} : memref<32x128xf32, #tpu.memory_space<vmem>>, vector<16xf32>,
          %parallel_loop3A_434 = arith.mulf %parallel_loop3A_433, %parallel_loop3A_430 : vector<16xf32>
          %parallel_loop3A_435 = arith.index_cast %parallel_loop3A_130 : i32 to index
          %parallel_loop3A_436 = arith.constant 112 : index
          %parallel_loop3A_437 = tpu.vector_load %arg21[%parallel_loop3A_435, %parallel_loop3A_436] {strides = array<i32>} : memref<32x144xf32, #tpu.memory_space<vmem>>, vector<16xf32>,
          tpu.vector_store %arg21[%parallel_loop3A_435, %parallel_loop3A_436], %parallel_loop3A_434 {strides = array<i32>} : memref<32x144xf32, #tpu.memory_space<vmem>>, vector<16xf32>,
          %parallel_loop3A_438 = arith.constant 7 : i32
          %parallel_loop3A_439 = vector.broadcast %parallel_loop3A_438 : i32 to vector<16xi32>
          %parallel_loop3A_440 = arith.cmpi eq, %iota3A, %parallel_loop3A_439 : vector<16xi32>
          %parallel_loop3A_441 = arith.constant 0.000000e+00 : f32
          %parallel_loop3A_442 = vector.broadcast %parallel_loop3A_441 : f32 to vector<16xf32>
          %parallel_loop3A_443 = arith.select %parallel_loop3A_440, %parallel_loop3A_430, %parallel_loop3A_442 : vector<16xi1>, vector<16xf32>
          %parallel_loop3A_444 = arith.addf %parallel_loop3A_405, %parallel_loop3A_443 : vector<16xf32>
          %parallel_loop3A_445 = arith.index_cast %parallel_loop3A_130 : i32 to index
          %parallel_loop3A_446 = arith.constant 128 : index
          %parallel_loop3A_447 = tpu.vector_load %arg21[%parallel_loop3A_445, %parallel_loop3A_446] {strides = array<i32>} : memref<32x144xf32, #tpu.memory_space<vmem>>, vector<16xf32>,
          tpu.vector_store %arg21[%parallel_loop3A_445, %parallel_loop3A_446], %parallel_loop3A_444 {strides = array<i32>} : memref<32x144xf32, #tpu.memory_space<vmem>>, vector<16xf32>,
        } {sc.loop_unroll_factor = 4 : i64, sc.parallel_access}
        "tpu.region"() ({
          %run_scoped3A = tpu.sem_alloc : memref<!tpu.dma_semaphore, #tpu.memory_space<semaphore_mem>>
          %dma_start3A_130 = arith.constant 0 : i32
          %dma_start3A_131 = arith.constant 0 : i32
          %dma_start3A_132 = tpu.memref_slice %arg22[%dma_start3A_130, %dma_start3A_131] : memref<10000x144xf32, #tpu.memory_space<vmem_shared>> -> memref<10000x144xf32, #tpu.memory_space<vmem_shared>>
          tpu.enqueue_indirect_dma source(%arg21 : memref<32x144xf32, #tpu.memory_space<vmem>>) target(%dma_start3A_132 : memref<10000x144xf32, #tpu.memory_space<vmem_shared>>) offsets(%arg12 : memref<32xi32, #tpu.memory_space<vmem>>) semaphore(%run_scoped3A : memref<!tpu.dma_semaphore, #tpu.memory_space<semaphore_mem>>) {add = true}
          %dma_wait3A_133 = arith.constant 0 : i32
          %dma_wait3A_134 = arith.constant 0 : i32
          %dma_wait3A_135 = tpu.memref_slice %arg22[%dma_wait3A_133, %dma_wait3A_134] : memref<10000x144xf32, #tpu.memory_space<vmem_shared>> -> memref<10000x144xf32, #tpu.memory_space<vmem_shared>>
          tpu.wait_indirect_dma semaphore(%run_scoped3A : memref<!tpu.dma_semaphore, #tpu.memory_space<semaphore_mem>>) src(%arg21 : memref<32x144xf32, #tpu.memory_space<vmem>>) dst(%dma_wait3A_135 : memref<10000x144xf32, #tpu.memory_space<vmem_shared>>)
          tpu.yield
        }) : () -> ()
        %add3A_124 = arith.constant 2 : i32
        %add3A_125 = arith.addi %add3A_87, %add3A_124 : i32
        %lt3A_126 = arith.cmpi slt, %add3A_125, %select_n3A : i32
        %convert_element_type3A_127 = arith.extui %lt3A_126 : i1 to i32
        %cond3A_128 = arith.constant 0 : i32
        %cond3A_129 = arith.cmpi ne, %convert_element_type3A_127, %cond3A_128 : i32
        scf.if %cond3A_129 {
          %add3A_130 = arith.constant 2 : i32
          %add3A_131 = arith.addi %add3A_87, %add3A_130 : i32
          %add3A_132 = arith.addi %select_n3A_28, %add3A_131 : i32
          %mul3A_133 = arith.constant 32 : i32
          %mul3A_134 = arith.muli %add3A_132, %mul3A_133 : i32
          %dma_start3A_135 = tpu.memref_slice %arg6[%mul3A_134] : memref<320000xi32, #tpu.memory_space<hbm>> -> memref<32xi32, #tpu.memory_space<hbm>>
          %dma_start3A_136 = tpu.memref_slice %arg6[%mul3A_134] : memref<320000xi32, #tpu.memory_space<hbm>> -> memref<32xi32, #tpu.memory_space<hbm>>
          tpu.enqueue_dma source(%dma_start3A_136 : memref<32xi32, #tpu.memory_space<hbm>>) target(%arg10 : memref<32xi32, #tpu.memory_space<vmem>>) target_semaphore(%arg24 : memref<!tpu.dma_semaphore, #tpu.memory_space<semaphore_mem>>)
          %dma_start3A_137 = tpu.memref_slice %arg7[%mul3A_134] : memref<320000xi32, #tpu.memory_space<hbm>> -> memref<32xi32, #tpu.memory_space<hbm>>
          %dma_start3A_138 = tpu.memref_slice %arg7[%mul3A_134] : memref<320000xi32, #tpu.memory_space<hbm>> -> memref<32xi32, #tpu.memory_space<hbm>>
          tpu.enqueue_dma source(%dma_start3A_138 : memref<32xi32, #tpu.memory_space<hbm>>) target(%arg12 : memref<32xi32, #tpu.memory_space<vmem>>) target_semaphore(%arg24 : memref<!tpu.dma_semaphore, #tpu.memory_space<semaphore_mem>>)
        } else {
        }
      } else {
      }
    }
    %scan3A_68 = arith.constant 157 : i32
    %barrier3A_69 = arith.constant 0 : index
    tpu.barrier barrier_id(%barrier3A_69)
    %mul3A_70 = arith.constant 625 : i32
    %mul3A_71 = arith.muli %arg1, %mul3A_70 : i32
    %mul3A_72 = arith.constant 10000 : i32
    %mul3A_73 = arith.muli %arg0, %mul3A_72 : i32
    %mul3A_74 = arith.constant 625 : i32
    %mul3A_75 = arith.muli %arg1, %mul3A_74 : i32
    %add3A_76 = arith.addi %mul3A_73, %mul3A_75 : i32
    "tpu.region"() ({
      %run_scoped3A = tpu.sem_alloc : memref<!tpu.dma_semaphore, #tpu.memory_space<semaphore_mem>>
      %dma_start3A_77 = arith.constant 0 : i32
      %dma_start3A_78 = tpu.memref_slice %arg8[%add3A_76, %dma_start3A_77] : memref<20000x144xf32, #tpu.memory_space<hbm>> -> memref<625x144xf32, #tpu.memory_space<hbm>>
      %dma_start3A_79 = arith.constant 0 : i32
      %dma_start3A_80 = tpu.memref_slice %arg22[%mul3A_71, %dma_start3A_79] : memref<10000x144xf32, #tpu.memory_space<vmem_shared>> -> memref<625x144xf32, #tpu.memory_space<vmem_shared>>
      tpu.enqueue_dma source(%dma_start3A_80 : memref<625x144xf32, #tpu.memory_space<vmem_shared>>) target(%dma_start3A_78 : memref<625x144xf32, #tpu.memory_space<hbm>>) target_semaphore(%run_scoped3A : memref<!tpu.dma_semaphore, #tpu.memory_space<semaphore_mem>>)
      %dma_wait3A_81 = arith.constant 0 : i32
      %dma_wait3A_82 = tpu.memref_slice %arg8[%add3A_76, %dma_wait3A_81] : memref<20000x144xf32, #tpu.memory_space<hbm>> -> memref<625x144xf32, #tpu.memory_space<hbm>>
      %dma_wait3A_83 = arith.constant 0 : i32
      %dma_wait3A_84 = tpu.memref_slice %arg22[%mul3A_71, %dma_wait3A_83] : memref<10000x144xf32, #tpu.memory_space<vmem_shared>> -> memref<625x144xf32, #tpu.memory_space<vmem_shared>>
      tpu.wait_dma2 semaphore(%run_scoped3A : memref<!tpu.dma_semaphore, #tpu.memory_space<semaphore_mem>>) src(%dma_wait3A_84 : memref<625x144xf32, #tpu.memory_space<vmem_shared>>) dst(%dma_wait3A_82 : memref<625x144xf32, #tpu.memory_space<hbm>>)
      tpu.yield
    }) : () -> ()
    return
  }
}

module attributes {stable_mosaic.version = 14 : i64} {
  func.func @_pre_body(%arg0: i32, %arg1: memref<400x128xf32, #tpu.memory_space<vmem>>, %arg2: memref<128x128xf32, #tpu.memory_space<vmem>>, %arg3: memref<128x128xf32, #tpu.memory_space<vmem>>, %arg4: memref<128x128xf32, #tpu.memory_space<vmem>>, %arg5: memref<12800x16xf32, #tpu.memory_space<vmem>>, %arg6: memref<16x128xf32, #tpu.memory_space<vmem>>, %arg7: memref<400x128xf32, #tpu.memory_space<vmem>>, %arg8: memref<400x128xf32, #tpu.memory_space<vmem>>, %arg9: memref<400x128xf32, #tpu.memory_space<vmem>>, %arg10: memref<12800x128xf32, #tpu.memory_space<vmem>>) attributes {dimension_semantics = [#tpu.dimension_semantics<arbitrary>], iteration_bounds = array<i64: 25>, scalar_prefetch = 0 : i64, scratch_operands = 0 : i64, tpu.core_type = #tpu.core_type<tc>, window_params = [{transform_indices = @transform_0, window_bounds = array<i64: 400, 128>}, {pipeline_mode = #tpu.pipeline_mode<synchronous>, transform_indices = @transform_1, window_bounds = array<i64: 128, 128>}, {pipeline_mode = #tpu.pipeline_mode<synchronous>, transform_indices = @transform_2, window_bounds = array<i64: 128, 128>}, {pipeline_mode = #tpu.pipeline_mode<synchronous>, transform_indices = @transform_3, window_bounds = array<i64: 128, 128>}, {transform_indices = @transform_4, window_bounds = array<i64: 12800, 16>}, {pipeline_mode = #tpu.pipeline_mode<synchronous>, transform_indices = @transform_5, window_bounds = array<i64: 16, 128>}, {transform_indices = @transform_6, window_bounds = array<i64: 400, 128>}, {transform_indices = @transform_7, window_bounds = array<i64: 400, 128>}, {transform_indices = @transform_8, window_bounds = array<i64: 400, 128>}, {transform_indices = @transform_9, window_bounds = array<i64: 12800, 128>}]} {
    %get3A = arith.constant 0 : index
    %get3A_0 = arith.constant 0 : index
    %get3A_1 = vector.load %arg1[%get3A, %get3A_0] : memref<400x128xf32, #tpu.memory_space<vmem>>, vector<400x128xf32>
    %get3A_2 = arith.constant 0 : index
    %get3A_3 = arith.constant 0 : index
    %get3A_4 = vector.load %arg2[%get3A_2, %get3A_3] : memref<128x128xf32, #tpu.memory_space<vmem>>, vector<128x128xf32>
    %dot_general3A = arith.constant dense<0.000000e+00> : vector<400x128xf32>
    %dot_general3A_5 = tpu.matmul %get3A_1, %get3A_4, %dot_general3A {dimension_numbers = #tpu.dot_dimension_numbers<[1], [0], [0], [1], [0, 0, 1, 1], [], []>, transpose_lhs_hint = false} : vector<400x128xf32>, vector<128x128xf32>, vector<400x128xf32> -> vector<400x128xf32>
    %swap3A = arith.constant 0 : index
    %swap3A_6 = arith.constant 0 : index
    %swap3A_7 = vector.load %arg7[%swap3A, %swap3A_6] : memref<400x128xf32, #tpu.memory_space<vmem>>, vector<400x128xf32>
    tpu.vector_store %arg7[%swap3A, %swap3A_6], %dot_general3A_5 {strides = array<i32>} : memref<400x128xf32, #tpu.memory_space<vmem>>, vector<400x128xf32>,
    %get3A_8 = arith.constant 0 : index
    %get3A_9 = arith.constant 0 : index
    %get3A_10 = vector.load %arg3[%get3A_8, %get3A_9] : memref<128x128xf32, #tpu.memory_space<vmem>>, vector<128x128xf32>
    %dot_general3A_11 = arith.constant dense<0.000000e+00> : vector<400x128xf32>
    %dot_general3A_12 = tpu.matmul %get3A_1, %get3A_10, %dot_general3A_11 {dimension_numbers = #tpu.dot_dimension_numbers<[1], [0], [0], [1], [0, 0, 1, 1], [], []>, transpose_lhs_hint = false} : vector<400x128xf32>, vector<128x128xf32>, vector<400x128xf32> -> vector<400x128xf32>
    %swap3A_13 = arith.constant 0 : index
    %swap3A_14 = arith.constant 0 : index
    %swap3A_15 = vector.load %arg8[%swap3A_13, %swap3A_14] : memref<400x128xf32, #tpu.memory_space<vmem>>, vector<400x128xf32>
    tpu.vector_store %arg8[%swap3A_13, %swap3A_14], %dot_general3A_12 {strides = array<i32>} : memref<400x128xf32, #tpu.memory_space<vmem>>, vector<400x128xf32>,
    %get3A_16 = arith.constant 0 : index
    %get3A_17 = arith.constant 0 : index
    %get3A_18 = vector.load %arg4[%get3A_16, %get3A_17] : memref<128x128xf32, #tpu.memory_space<vmem>>, vector<128x128xf32>
    %dot_general3A_19 = arith.constant dense<0.000000e+00> : vector<400x128xf32>
    %dot_general3A_20 = tpu.matmul %get3A_1, %get3A_18, %dot_general3A_19 {dimension_numbers = #tpu.dot_dimension_numbers<[1], [0], [0], [1], [0, 0, 1, 1], [], []>, transpose_lhs_hint = false} : vector<400x128xf32>, vector<128x128xf32>, vector<400x128xf32> -> vector<400x128xf32>
    %swap3A_21 = arith.constant 0 : index
    %swap3A_22 = arith.constant 0 : index
    %swap3A_23 = vector.load %arg9[%swap3A_21, %swap3A_22] : memref<400x128xf32, #tpu.memory_space<vmem>>, vector<400x128xf32>
    tpu.vector_store %arg9[%swap3A_21, %swap3A_22], %dot_general3A_20 {strides = array<i32>} : memref<400x128xf32, #tpu.memory_space<vmem>>, vector<400x128xf32>,
    %get3A_24 = arith.constant 0 : index
    %get3A_25 = arith.constant 0 : index
    %get3A_26 = vector.load %arg5[%get3A_24, %get3A_25] : memref<12800x16xf32, #tpu.memory_space<vmem>>, vector<12800x16xf32>
    %get3A_27 = arith.constant 0 : index
    %get3A_28 = arith.constant 0 : index
    %get3A_29 = vector.load %arg6[%get3A_27, %get3A_28] : memref<16x128xf32, #tpu.memory_space<vmem>>, vector<16x128xf32>
    %dot_general3A_30 = arith.constant dense<0.000000e+00> : vector<12800x128xf32>
    %dot_general3A_31 = tpu.matmul %get3A_26, %get3A_29, %dot_general3A_30 {dimension_numbers = #tpu.dot_dimension_numbers<[1], [0], [0], [1], [0, 0, 1, 1], [], []>, transpose_lhs_hint = false} : vector<12800x16xf32>, vector<16x128xf32>, vector<12800x128xf32> -> vector<12800x128xf32>
    %mul3A = arith.constant 2.500000e-01 : f32
    %mul3A_32 = vector.broadcast %mul3A : f32 to vector<12800x128xf32>
    %mul3A_33 = arith.mulf %dot_general3A_31, %mul3A_32 : vector<12800x128xf32>
    %swap3A_34 = arith.constant 0 : index
    %swap3A_35 = arith.constant 0 : index
    %swap3A_36 = vector.load %arg10[%swap3A_34, %swap3A_35] : memref<12800x128xf32, #tpu.memory_space<vmem>>, vector<12800x128xf32>
    tpu.vector_store %arg10[%swap3A_34, %swap3A_35], %mul3A_33 {strides = array<i32>} : memref<12800x128xf32, #tpu.memory_space<vmem>>, vector<12800x128xf32>,
    return
  }
  func.func @transform_0(%arg0: i32) -> (i32, i32) {
    %c0_i32 = arith.constant 0 : i32
    %c0_i32_0 = arith.constant 0 : i32
    return %arg0, %c0_i32 : i32, i32
  }
  func.func @transform_1(%arg0: i32) -> (i32, i32) {
    %c0_i32 = arith.constant 0 : i32
    %c0_i32_0 = arith.constant 0 : i32
    %c0_i32_1 = arith.constant 0 : i32
    return %c0_i32, %c0_i32_0 : i32, i32
  }
  func.func @transform_2(%arg0: i32) -> (i32, i32) {
    %c0_i32 = arith.constant 0 : i32
    %c0_i32_0 = arith.constant 0 : i32
    %c0_i32_1 = arith.constant 0 : i32
    return %c0_i32, %c0_i32_0 : i32, i32
  }
  func.func @transform_3(%arg0: i32) -> (i32, i32) {
    %c0_i32 = arith.constant 0 : i32
    %c0_i32_0 = arith.constant 0 : i32
    %c0_i32_1 = arith.constant 0 : i32
    return %c0_i32, %c0_i32_0 : i32, i32
  }
  func.func @transform_4(%arg0: i32) -> (i32, i32) {
    %c0_i32 = arith.constant 0 : i32
    %c0_i32_0 = arith.constant 0 : i32
    return %arg0, %c0_i32 : i32, i32
  }
  func.func @transform_5(%arg0: i32) -> (i32, i32) {
    %c0_i32 = arith.constant 0 : i32
    %c0_i32_0 = arith.constant 0 : i32
    %c0_i32_1 = arith.constant 0 : i32
    return %c0_i32, %c0_i32_0 : i32, i32
  }
  func.func @transform_6(%arg0: i32) -> (i32, i32) {
    %c0_i32 = arith.constant 0 : i32
    %c0_i32_0 = arith.constant 0 : i32
    return %arg0, %c0_i32 : i32, i32
  }
  func.func @transform_7(%arg0: i32) -> (i32, i32) {
    %c0_i32 = arith.constant 0 : i32
    %c0_i32_0 = arith.constant 0 : i32
    return %arg0, %c0_i32 : i32, i32
  }
  func.func @transform_8(%arg0: i32) -> (i32, i32) {
    %c0_i32 = arith.constant 0 : i32
    %c0_i32_0 = arith.constant 0 : i32
    return %arg0, %c0_i32 : i32, i32
  }
  func.func @transform_9(%arg0: i32) -> (i32, i32) {
    %c0_i32 = arith.constant 0 : i32
    %c0_i32_0 = arith.constant 0 : i32
    return %arg0, %c0_i32 : i32, i32
  }
}

module attributes {stable_mosaic.version = 14 : i64} {
  func.func @_post_body(%arg0: i32, %arg1: memref<2000x144xf32, #tpu.memory_space<vmem>>, %arg2: memref<2000x144xf32, #tpu.memory_space<vmem>>, %arg3: memref<2000x128xf32, #tpu.memory_space<vmem>>, %arg4: memref<16x128xf32, #tpu.memory_space<vmem>>, %arg5: memref<128x128xf32, #tpu.memory_space<vmem>>, %arg6: memref<1x128xf32, #tpu.memory_space<vmem>>, %arg7: memref<1x128xf32, #tpu.memory_space<vmem>>, %arg8: memref<1x128xf32, #tpu.memory_space<vmem>>, %arg9: memref<128x256xf32, #tpu.memory_space<vmem>>, %arg10: memref<1x256xf32, #tpu.memory_space<vmem>>, %arg11: memref<256x128xf32, #tpu.memory_space<vmem>>, %arg12: memref<1x128xf32, #tpu.memory_space<vmem>>, %arg13: memref<1x128xf32, #tpu.memory_space<vmem>>, %arg14: memref<1x128xf32, #tpu.memory_space<vmem>>, %arg15: memref<2000x128xf32, #tpu.memory_space<vmem>>) attributes {dimension_semantics = [#tpu.dimension_semantics<arbitrary>], iteration_bounds = array<i64: 5>, scalar_prefetch = 0 : i64, scratch_operands = 0 : i64, tpu.core_type = #tpu.core_type<tc>, window_params = [{transform_indices = @transform_0, window_bounds = array<i64: 2000, 144>}, {transform_indices = @transform_1, window_bounds = array<i64: 2000, 144>}, {transform_indices = @transform_2, window_bounds = array<i64: 2000, 128>}, {pipeline_mode = #tpu.pipeline_mode<synchronous>, transform_indices = @transform_3, window_bounds = array<i64: 16, 128>}, {pipeline_mode = #tpu.pipeline_mode<synchronous>, transform_indices = @transform_4, window_bounds = array<i64: 128, 128>}, {pipeline_mode = #tpu.pipeline_mode<synchronous>, transform_indices = @transform_5, window_bounds = array<i64: 1, 128>}, {pipeline_mode = #tpu.pipeline_mode<synchronous>, transform_indices = @transform_6, window_bounds = array<i64: 1, 128>}, {pipeline_mode = #tpu.pipeline_mode<synchronous>, transform_indices = @transform_7, window_bounds = array<i64: 1, 128>}, {pipeline_mode = #tpu.pipeline_mode<synchronous>, transform_indices = @transform_8, window_bounds = array<i64: 128, 256>}, {pipeline_mode = #tpu.pipeline_mode<synchronous>, transform_indices = @transform_9, window_bounds = array<i64: 1, 256>}, {pipeline_mode = #tpu.pipeline_mode<synchronous>, transform_indices = @transform_10, window_bounds = array<i64: 256, 128>}, {pipeline_mode = #tpu.pipeline_mode<synchronous>, transform_indices = @transform_11, window_bounds = array<i64: 1, 128>}, {pipeline_mode = #tpu.pipeline_mode<synchronous>, transform_indices = @transform_12, window_bounds = array<i64: 1, 128>}, {pipeline_mode = #tpu.pipeline_mode<synchronous>, transform_indices = @transform_13, window_bounds = array<i64: 1, 128>}, {transform_indices = @transform_14, window_bounds = array<i64: 2000, 128>}]} {
    %get3A = arith.constant 0 : index
    %get3A_0 = arith.constant 0 : index
    %get3A_1 = vector.load %arg1[%get3A, %get3A_0] : memref<2000x144xf32, #tpu.memory_space<vmem>>, vector<2000x128xf32>
    %get3A_2 = arith.constant 0 : index
    %get3A_3 = arith.constant 0 : index
    %get3A_4 = vector.load %arg2[%get3A_2, %get3A_3] : memref<2000x144xf32, #tpu.memory_space<vmem>>, vector<2000x128xf32>
    %add3A = arith.addf %get3A_1, %get3A_4 : vector<2000x128xf32>
    %get3A_5 = arith.constant 0 : index
    %get3A_6 = arith.constant 128 : index
    %get3A_7 = vector.load %arg1[%get3A_5, %get3A_6] : memref<2000x144xf32, #tpu.memory_space<vmem>>, vector<2000x16xf32>
    %get3A_8 = arith.constant 0 : index
    %get3A_9 = arith.constant 128 : index
    %get3A_10 = vector.load %arg2[%get3A_8, %get3A_9] : memref<2000x144xf32, #tpu.memory_space<vmem>>, vector<2000x16xf32>
    %add3A_11 = arith.addf %get3A_7, %get3A_10 : vector<2000x16xf32>
    %get3A_12 = arith.constant 0 : index
    %get3A_13 = arith.constant 0 : index
    %get3A_14 = vector.load %arg4[%get3A_12, %get3A_13] : memref<16x128xf32, #tpu.memory_space<vmem>>, vector<16x128xf32>
    %dot_general3A = arith.constant dense<0.000000e+00> : vector<2000x128xf32>
    %dot_general3A_15 = tpu.matmul %add3A_11, %get3A_14, %dot_general3A {dimension_numbers = #tpu.dot_dimension_numbers<[1], [0], [0], [1], [0, 0, 1, 1], [], []>, transpose_lhs_hint = false} : vector<2000x16xf32>, vector<16x128xf32>, vector<2000x128xf32> -> vector<2000x128xf32>
    %add3A_16 = arith.constant 9.99999997E-7 : f32
    %add3A_17 = vector.broadcast %add3A_16 : f32 to vector<2000x128xf32>
    %add3A_18 = arith.addf %dot_general3A_15, %add3A_17 : vector<2000x128xf32>
    %div3A = arith.divf %add3A, %add3A_18 : vector<2000x128xf32>
    %get3A_19 = arith.constant 0 : index
    %get3A_20 = arith.constant 0 : index
    %get3A_21 = vector.load %arg5[%get3A_19, %get3A_20] : memref<128x128xf32, #tpu.memory_space<vmem>>, vector<128x128xf32>
    %dot_general3A_22 = arith.constant dense<0.000000e+00> : vector<2000x128xf32>
    %dot_general3A_23 = tpu.matmul %div3A, %get3A_21, %dot_general3A_22 {dimension_numbers = #tpu.dot_dimension_numbers<[1], [0], [0], [1], [0, 0, 1, 1], [], []>, transpose_lhs_hint = false} : vector<2000x128xf32>, vector<128x128xf32>, vector<2000x128xf32> -> vector<2000x128xf32>
    %get3A_24 = arith.constant 0 : index
    %get3A_25 = arith.constant 0 : index
    %get3A_26 = vector.load %arg3[%get3A_24, %get3A_25] : memref<2000x128xf32, #tpu.memory_space<vmem>>, vector<2000x128xf32>
    %add3A_27 = arith.addf %get3A_26, %dot_general3A_23 : vector<2000x128xf32>
    %get3A_28 = arith.constant 0 : index
    %get3A_29 = arith.constant 0 : index
    %get3A_30 = vector.load %arg6[%get3A_28, %get3A_29] : memref<1x128xf32, #tpu.memory_space<vmem>>, vector<1x128xf32>
    %add3A_31 = vector.broadcast %get3A_30 : vector<1x128xf32> to vector<2000x128xf32>
    %add3A_32 = arith.addf %add3A_27, %add3A_31 : vector<2000x128xf32>
    %get3A_33 = arith.constant 0 : index
    %get3A_34 = arith.constant 0 : index
    %get3A_35 = vector.load %arg7[%get3A_33, %get3A_34] : memref<1x128xf32, #tpu.memory_space<vmem>>, vector<1x128xf32>
    %get3A_36 = arith.constant 0 : index
    %get3A_37 = arith.constant 0 : index
    %get3A_38 = vector.load %arg8[%get3A_36, %get3A_37] : memref<1x128xf32, #tpu.memory_space<vmem>>, vector<1x128xf32>
    %reduce_sum3A = arith.constant dense<0.000000e+00> : vector<2000xf32>
    %reduce_sum3A_39 = vector.multi_reduction <add>, %add3A_32, %reduce_sum3A [1] : vector<2000x128xf32> to vector<2000xf32>
    %broadcast_in_dim3A = vector.shape_cast %reduce_sum3A_39 : vector<2000xf32> to vector<2000x1xf32>
    %div3A_40 = arith.constant 1.280000e+02 : f32
    %div3A_41 = vector.broadcast %div3A_40 : f32 to vector<2000x1xf32>
    %div3A_42 = arith.divf %broadcast_in_dim3A, %div3A_41 : vector<2000x1xf32>
    %sub3A = vector.broadcast %div3A_42 : vector<2000x1xf32> to vector<2000x128xf32>
    %sub3A_43 = arith.subf %add3A_32, %sub3A : vector<2000x128xf32>
    %integer_pow3A = arith.mulf %sub3A_43, %sub3A_43 : vector<2000x128xf32>
    %reduce_sum3A_44 = arith.constant dense<0.000000e+00> : vector<2000xf32>
    %reduce_sum3A_45 = vector.multi_reduction <add>, %integer_pow3A, %reduce_sum3A_44 [1] : vector<2000x128xf32> to vector<2000xf32>
    %broadcast_in_dim3A_46 = vector.shape_cast %reduce_sum3A_45 : vector<2000xf32> to vector<2000x1xf32>
    %div3A_47 = arith.constant 1.280000e+02 : f32
    %div3A_48 = vector.broadcast %div3A_47 : f32 to vector<2000x1xf32>
    %div3A_49 = arith.divf %broadcast_in_dim3A_46, %div3A_48 : vector<2000x1xf32>
    %sub3A_50 = vector.broadcast %div3A_42 : vector<2000x1xf32> to vector<2000x128xf32>
    %sub3A_51 = arith.subf %add3A_32, %sub3A_50 : vector<2000x128xf32>
    %add3A_52 = arith.constant 9.99999974E-6 : f32
    %add3A_53 = vector.broadcast %add3A_52 : f32 to vector<2000x1xf32>
    %add3A_54 = arith.addf %div3A_49, %add3A_53 : vector<2000x1xf32>
    %sqrt3A = math.sqrt %add3A_54 : vector<2000x1xf32>
    %div3A_55 = vector.broadcast %sqrt3A : vector<2000x1xf32> to vector<2000x128xf32>
    %div3A_56 = arith.divf %sub3A_51, %div3A_55 : vector<2000x128xf32>
    %mul3A = vector.broadcast %get3A_35 : vector<1x128xf32> to vector<2000x128xf32>
    %mul3A_57 = arith.mulf %div3A_56, %mul3A : vector<2000x128xf32>
    %add3A_58 = vector.broadcast %get3A_38 : vector<1x128xf32> to vector<2000x128xf32>
    %add3A_59 = arith.addf %mul3A_57, %add3A_58 : vector<2000x128xf32>
    %get3A_60 = arith.constant 0 : index
    %get3A_61 = arith.constant 0 : index
    %get3A_62 = vector.load %arg9[%get3A_60, %get3A_61] : memref<128x256xf32, #tpu.memory_space<vmem>>, vector<128x256xf32>
    %dot_general3A_63 = arith.constant dense<0.000000e+00> : vector<2000x256xf32>
    %dot_general3A_64 = tpu.matmul %add3A_59, %get3A_62, %dot_general3A_63 {dimension_numbers = #tpu.dot_dimension_numbers<[1], [0], [0], [1], [0, 0, 1, 1], [], []>, transpose_lhs_hint = false} : vector<2000x128xf32>, vector<128x256xf32>, vector<2000x256xf32> -> vector<2000x256xf32>
    %get3A_65 = arith.constant 0 : index
    %get3A_66 = arith.constant 0 : index
    %get3A_67 = vector.load %arg10[%get3A_65, %get3A_66] : memref<1x256xf32, #tpu.memory_space<vmem>>, vector<1x256xf32>
    %add3A_68 = vector.broadcast %get3A_67 : vector<1x256xf32> to vector<2000x256xf32>
    %add3A_69 = arith.addf %dot_general3A_64, %add3A_68 : vector<2000x256xf32>
    %max3A = arith.constant 0.000000e+00 : f32
    %max3A_70 = vector.broadcast %max3A : f32 to vector<2000x256xf32>
    %max3A_71 = arith.maximumf %add3A_69, %max3A_70 : vector<2000x256xf32>
    %get3A_72 = arith.constant 0 : index
    %get3A_73 = arith.constant 0 : index
    %get3A_74 = vector.load %arg11[%get3A_72, %get3A_73] : memref<256x128xf32, #tpu.memory_space<vmem>>, vector<256x128xf32>
    %dot_general3A_75 = arith.constant dense<0.000000e+00> : vector<2000x128xf32>
    %dot_general3A_76 = tpu.matmul %max3A_71, %get3A_74, %dot_general3A_75 {dimension_numbers = #tpu.dot_dimension_numbers<[1], [0], [0], [1], [0, 0, 1, 1], [], []>, transpose_lhs_hint = false} : vector<2000x256xf32>, vector<256x128xf32>, vector<2000x128xf32> -> vector<2000x128xf32>
    %get3A_77 = arith.constant 0 : index
    %get3A_78 = arith.constant 0 : index
    %get3A_79 = vector.load %arg12[%get3A_77, %get3A_78] : memref<1x128xf32, #tpu.memory_space<vmem>>, vector<1x128xf32>
    %add3A_80 = vector.broadcast %get3A_79 : vector<1x128xf32> to vector<2000x128xf32>
    %add3A_81 = arith.addf %dot_general3A_76, %add3A_80 : vector<2000x128xf32>
    %add3A_82 = arith.addf %add3A_59, %add3A_81 : vector<2000x128xf32>
    %get3A_83 = arith.constant 0 : index
    %get3A_84 = arith.constant 0 : index
    %get3A_85 = vector.load %arg13[%get3A_83, %get3A_84] : memref<1x128xf32, #tpu.memory_space<vmem>>, vector<1x128xf32>
    %get3A_86 = arith.constant 0 : index
    %get3A_87 = arith.constant 0 : index
    %get3A_88 = vector.load %arg14[%get3A_86, %get3A_87] : memref<1x128xf32, #tpu.memory_space<vmem>>, vector<1x128xf32>
    %reduce_sum3A_89 = arith.constant dense<0.000000e+00> : vector<2000xf32>
    %reduce_sum3A_90 = vector.multi_reduction <add>, %add3A_82, %reduce_sum3A_89 [1] : vector<2000x128xf32> to vector<2000xf32>
    %broadcast_in_dim3A_91 = vector.shape_cast %reduce_sum3A_90 : vector<2000xf32> to vector<2000x1xf32>
    %div3A_92 = arith.constant 1.280000e+02 : f32
    %div3A_93 = vector.broadcast %div3A_92 : f32 to vector<2000x1xf32>
    %div3A_94 = arith.divf %broadcast_in_dim3A_91, %div3A_93 : vector<2000x1xf32>
    %sub3A_95 = vector.broadcast %div3A_94 : vector<2000x1xf32> to vector<2000x128xf32>
    %sub3A_96 = arith.subf %add3A_82, %sub3A_95 : vector<2000x128xf32>
    %integer_pow3A_97 = arith.mulf %sub3A_96, %sub3A_96 : vector<2000x128xf32>
    %reduce_sum3A_98 = arith.constant dense<0.000000e+00> : vector<2000xf32>
    %reduce_sum3A_99 = vector.multi_reduction <add>, %integer_pow3A_97, %reduce_sum3A_98 [1] : vector<2000x128xf32> to vector<2000xf32>
    %broadcast_in_dim3A_100 = vector.shape_cast %reduce_sum3A_99 : vector<2000xf32> to vector<2000x1xf32>
    %div3A_101 = arith.constant 1.280000e+02 : f32
    %div3A_102 = vector.broadcast %div3A_101 : f32 to vector<2000x1xf32>
    %div3A_103 = arith.divf %broadcast_in_dim3A_100, %div3A_102 : vector<2000x1xf32>
    %sub3A_104 = vector.broadcast %div3A_94 : vector<2000x1xf32> to vector<2000x128xf32>
    %sub3A_105 = arith.subf %add3A_82, %sub3A_104 : vector<2000x128xf32>
    %add3A_106 = arith.constant 9.99999974E-6 : f32
    %add3A_107 = vector.broadcast %add3A_106 : f32 to vector<2000x1xf32>
    %add3A_108 = arith.addf %div3A_103, %add3A_107 : vector<2000x1xf32>
    %sqrt3A_109 = math.sqrt %add3A_108 : vector<2000x1xf32>
    %div3A_110 = vector.broadcast %sqrt3A_109 : vector<2000x1xf32> to vector<2000x128xf32>
    %div3A_111 = arith.divf %sub3A_105, %div3A_110 : vector<2000x128xf32>
    %mul3A_112 = vector.broadcast %get3A_85 : vector<1x128xf32> to vector<2000x128xf32>
    %mul3A_113 = arith.mulf %div3A_111, %mul3A_112 : vector<2000x128xf32>
    %add3A_114 = vector.broadcast %get3A_88 : vector<1x128xf32> to vector<2000x128xf32>
    %add3A_115 = arith.addf %mul3A_113, %add3A_114 : vector<2000x128xf32>
    %swap3A = arith.constant 0 : index
    %swap3A_116 = arith.constant 0 : index
    %swap3A_117 = vector.load %arg15[%swap3A, %swap3A_116] : memref<2000x128xf32, #tpu.memory_space<vmem>>, vector<2000x128xf32>
    tpu.vector_store %arg15[%swap3A, %swap3A_116], %add3A_115 {strides = array<i32>} : memref<2000x128xf32, #tpu.memory_space<vmem>>, vector<2000x128xf32>,
    return
  }
  func.func @transform_0(%arg0: i32) -> (i32, i32) {
    %c0_i32 = arith.constant 0 : i32
    %c0_i32_0 = arith.constant 0 : i32
    return %arg0, %c0_i32 : i32, i32
  }
  func.func @transform_1(%arg0: i32) -> (i32, i32) {
    %add3A = arith.constant 5 : i32
    %add3A_0 = arith.addi %arg0, %add3A : i32
    %c0_i32 = arith.constant 0 : i32
    %c0_i32_1 = arith.constant 0 : i32
    return %add3A_0, %c0_i32 : i32, i32
  }
  func.func @transform_2(%arg0: i32) -> (i32, i32) {
    %c0_i32 = arith.constant 0 : i32
    %c0_i32_0 = arith.constant 0 : i32
    return %arg0, %c0_i32 : i32, i32
  }
  func.func @transform_3(%arg0: i32) -> (i32, i32) {
    %c0_i32 = arith.constant 0 : i32
    %c0_i32_0 = arith.constant 0 : i32
    %c0_i32_1 = arith.constant 0 : i32
    return %c0_i32, %c0_i32_0 : i32, i32
  }
  func.func @transform_4(%arg0: i32) -> (i32, i32) {
    %c0_i32 = arith.constant 0 : i32
    %c0_i32_0 = arith.constant 0 : i32
    %c0_i32_1 = arith.constant 0 : i32
    return %c0_i32, %c0_i32_0 : i32, i32
  }
  func.func @transform_5(%arg0: i32) -> (i32, i32) {
    %c0_i32 = arith.constant 0 : i32
    %c0_i32_0 = arith.constant 0 : i32
    %c0_i32_1 = arith.constant 0 : i32
    return %c0_i32, %c0_i32_0 : i32, i32
  }
  func.func @transform_6(%arg0: i32) -> (i32, i32) {
    %c0_i32 = arith.constant 0 : i32
    %c0_i32_0 = arith.constant 0 : i32
    %c0_i32_1 = arith.constant 0 : i32
    return %c0_i32, %c0_i32_0 : i32, i32
  }
  func.func @transform_7(%arg0: i32) -> (i32, i32) {
    %c0_i32 = arith.constant 0 : i32
    %c0_i32_0 = arith.constant 0 : i32
    %c0_i32_1 = arith.constant 0 : i32
    return %c0_i32, %c0_i32_0 : i32, i32
  }
  func.func @transform_8(%arg0: i32) -> (i32, i32) {
    %c0_i32 = arith.constant 0 : i32
    %c0_i32_0 = arith.constant 0 : i32
    %c0_i32_1 = arith.constant 0 : i32
    return %c0_i32, %c0_i32_0 : i32, i32
  }
  func.func @transform_9(%arg0: i32) -> (i32, i32) {
    %c0_i32 = arith.constant 0 : i32
    %c0_i32_0 = arith.constant 0 : i32
    %c0_i32_1 = arith.constant 0 : i32
    return %c0_i32, %c0_i32_0 : i32, i32
  }
  func.func @transform_10(%arg0: i32) -> (i32, i32) {
    %c0_i32 = arith.constant 0 : i32
    %c0_i32_0 = arith.constant 0 : i32
    %c0_i32_1 = arith.constant 0 : i32
    return %c0_i32, %c0_i32_0 : i32, i32
  }
  func.func @transform_11(%arg0: i32) -> (i32, i32) {
    %c0_i32 = arith.constant 0 : i32
    %c0_i32_0 = arith.constant 0 : i32
    %c0_i32_1 = arith.constant 0 : i32
    return %c0_i32, %c0_i32_0 : i32, i32
  }
  func.func @transform_12(%arg0: i32) -> (i32, i32) {
    %c0_i32 = arith.constant 0 : i32
    %c0_i32_0 = arith.constant 0 : i32
    %c0_i32_1 = arith.constant 0 : i32
    return %c0_i32, %c0_i32_0 : i32, i32
  }
  func.func @transform_13(%arg0: i32) -> (i32, i32) {
    %c0_i32 = arith.constant 0 : i32
    %c0_i32_0 = arith.constant 0 : i32
    %c0_i32_1 = arith.constant 0 : i32
    return %c0_i32, %c0_i32_0 : i32, i32
  }
  func.func @transform_14(%arg0: i32) -> (i32, i32) {
    %c0_i32 = arith.constant 0 : i32
    %c0_i32_0 = arith.constant 0 : i32
    return %arg0, %c0_i32 : i32, i32
  }
}

</mosaic_0001>

<sc_bundles>
// kernel: kernel.5.cloned.1.call-start
scs
__scs_entry_jumppad:
0x0: {  	(pc) =	sbr.rel $0x88, $3  }
0x1: {  	(tag) =	ssettag $0x0;
	lr =	simm.s32 $0x1  }
0x2: {  	[smem:$0x3F90] =	sst lr;
	_ =	strace $0xD0000000  }
0x3: {  	_ = 	snop  }
0x4: {  	_ = 	snop  }
0x5: {  	_ = 	snop  }
0x6: {  	_ = 	snop  }
0x7: {  	_ = 	snop  }
__scs_overlays_trampoline_lowered:
0x8: {  	[smem:$0x3F9F] =	sst s0  }
0x9: {  	[smem:$0x3FA0] =	sst s1  }
0xa: {  	[smem:$0x3FA1] =	sst s2  }
0xb: {  	[smem:$0x3FA2] =	sst s3  }
0xc: {  	[smem:$0x3FA3] =	sst s4  }
0xd: {  	[smem:$0x3FA4] =	sst s5  }
0xe: {  	[smem:$0x3FA5] =	sst s6  }
0xf: {  	[smem:$0x3FA6] =	sst s7  }
0x10: {  	[smem:$0x3FA7] =	sst s8  }
0x11: {  	[smem:$0x3FA8] =	sst s9;
	s0 =	simm.s32 @!p0 $0x0  }
0x12: {  	s1 =	sld [smem:$0x3F8E];
	s0 =	simm.s32 @p0 $0x1  }
0x13: {  	[smem:$0x3FA9] =	sst s0;
	s0 =	simm.s32 @!p1 $0x0  }
0x14: {  	s2 =	sld [smem:$0x3F8D];
	s0 =	simm.s32 @p1 $0x1  }
0x15: {  	[smem:$0x3FAA] =	sst s0;
	s0 =	simm.s32 @!p2 $0x0  }
0x16: {  	s3 =	sld [smem:$0x3FDB];
	s0 =	simm.s32 @p2 $0x1  }
0x17: {  	s4 =	simm.s32 $0x1BF5;
	[smem:$0x3FAC] =	sst s0  }
0x18: {  	s0 =	sld [smem:$0x3F8F];
	_ =	swait.ge [sflag:s4], $0x0  }
0x19: {  	s7 =	sld [smem:$0x3F90]  }
0x1a: {  	s8 =	sadd.s32 $0xFFFFE003, lr  }
0x1b: {  	s9 =	sadd.s32 $0xFFFFFEF7, lr;
	s5 =	simm.s32 $0xFFFFFFFF;
	p2 =	slt.u32 s8, $0xFFFFF086  }
0x1c: {  	p1 =	slt.u32 s9, $0xF7A;
	s5 =	simm.s32 @!p2 $0x0  }
0x1d: {  	s5 =	simm.s32 @p1 $0x1;
	p0 =	seq.s32 s7, s2  }
0x1e: {  	s7 =	smul.u32 @!p0 $0xF7A, s2;
	p2 =	seq.s32 @!p0 s5, $0x0  }
0x1f: {  	s9 =	smul.u32 $0xF7A, s1;
	s8 =	simm.s32 @!p0 $0x1BF5;
	p2 =	por !p2, p0  }
0x20: {  	[sflag:s8] =	ssyncset.s32 @!p0 $0xFFFFF086;
	s6 =	sadd.s32 @!p0 s3, s7;
	s7 =	simm.s32 @!p0 $0x108  }
0x21: {  	s3 =	sadd.s32 s3, s9;
	s6 =	sadd.s32 @!p0 $0x88, s6;
	s7 =	simm.s32 @p2 $0x1082  }
0x22: {  	[simem:s7], [sflag:s8] =	dma.local @!p0 [hbm:s6], $0xF7A  }
0x23: {  	s9 =	sor.u32 $0xD0000000, s2;
	s6 =	simm.s32 $0x108;
	_ =	swait.ge @!p0 [sflag:s8], $0x0  }
0x24: {  	s3 =	sadd.s32 $0x88, s3;
	s6 =	simm.s32 @!p1 $0x1082;
	[sflag:s4] =	ssyncset.s32 $0xFFFFF086  }
0x25: {  	[simem:s6], [sflag:s4] =	dma.local [hbm:s3], $0xF7A  }
0x26: {  	[smem:$0x3F90] =	sst s1;
	(tag) =	ssettag s2;
	_ =	strace s9  }
0x27: {  	s1 =	sld [smem:$0x3FA0]  }
0x28: {  	s2 =	sld [smem:$0x3FA1]  }
0x29: {  	s4 =	sld [smem:$0x3FA3]  }
0x2a: {  	p0 =	seq.s32 s5, $0x0;
	s5 =	sld [smem:$0x3FA4]  }
0x2b: {  	s6 =	sld [smem:$0x3FA5]  }
0x2c: {  	s7 =	sld [smem:$0x3FA6]  }
0x2d: {  	s3 =	simm.s32 $0x108;
	s8 =	sld [smem:$0x3FA7]  }
0x2e: {  	s3 =	simm.s32 @!p0 $0x1082;
	s9 =	sld [smem:$0x3FA8]  }
0x2f: {  	lr =	sadd.s32 s0, s3;
	s0 =	sld [smem:$0x3F9F]  }
0x30: {  	s3 =	sld [smem:$0x3FA2]  }
0x31: {  	[smem:$0x3FAB] =	sst s10  }
0x32: {  	s10 =	sld [smem:$0x3FA9];
	_ =	sdelay $0x3  }
0x33: {  	p0 =	seq.s32 s10, $0x1;
	s10 =	sld [smem:$0x3FAB];
	_ =	sdelay $0x3  }
0x34: {  	[smem:$0x3FAB] =	sst s10  }
0x35: {  	s10 =	sld [smem:$0x3FAA];
	_ =	sdelay $0x3  }
0x36: {  	p1 =	seq.s32 s10, $0x1;
	s10 =	sld [smem:$0x3FAB];
	_ =	sdelay $0x3  }
0x37: {  	[smem:$0x3FAB] =	sst s10  }
0x38: {  	s10 =	sld [smem:$0x3FAC]  }
0x39: {  	_ = 	snop;
	(pc) =	sbr.ind lr, $3  }
0x3a: {  	_ = 	snop  }
0x3b: {  	_ = 	snop  }
0x3c: {  	p2 =	seq.s32 s10, $0x1;
	s10 =	sld [smem:$0x3FAB]  }
0x3d: {  	_ =	shalt  }
0x3e: {  	_ =	shalt  }
0x3f: {  	_ =	shalt  }
0x40: {  	_ =	shalt  }
0x41: {  	_ =	shalt  }
0x42: {  	_ =	shalt  }
0x43: {  	_ =	shalt  }
0x44: {  	_ =	shalt  }
0x45: {  	_ =	shalt  }
0x46: {  	_ =	shalt  }
0x47: {  	_ =	shalt  }
0x48: {  	_ =	shalt  }
0x49: {  	_ =	shalt  }
0x4a: {  	_ =	shalt  }
0x4b: {  	_ =	shalt  }
0x4c: {  	_ =	shalt  }
0x4d: {  	_ =	shalt  }
0x4e: {  	_ =	shalt  }
0x4f: {  	_ =	shalt  }
0x50: {  	_ =	shalt  }
0x51: {  	_ =	shalt  }
0x52: {  	_ =	shalt  }
0x53: {  	_ =	shalt  }
0x54: {  	_ =	shalt  }
0x55: {  	_ =	shalt  }
0x56: {  	_ =	shalt  }
0x57: {  	_ =	shalt  }
0x58: {  	_ =	shalt  }
0x59: {  	_ =	shalt  }
0x5a: {  	_ =	shalt  }
0x5b: {  	_ =	shalt  }
0x5c: {  	_ =	shalt  }
0x5d: {  	_ =	shalt  }
0x5e: {  	_ =	shalt  }
0x5f: {  	_ =	shalt  }
0x60: {  	_ =	shalt  }
0x61: {  	_ =	shalt  }
0x62: {  	_ =	shalt  }
0x63: {  	_ =	shalt  }
0x64: {  	_ =	shalt  }
0x65: {  	_ =	shalt  }
0x66: {  	_ =	shalt  }
0x67: {  	_ =	shalt  }
0x68: {  	_ =	shalt  }
0x69: {  	_ =	shalt  }
0x6a: {  	_ =	shalt  }
0x6b: {  	_ =	shalt  }
0x6c: {  	_ =	shalt  }
0x6d: {  	_ =	shalt  }
0x6e: {  	_ =	shalt  }
0x6f: {  	_ =	shalt  }
0x70: {  	_ =	shalt  }
0x71: {  	_ =	shalt  }
0x72: {  	_ =	shalt  }
0x73: {  	_ =	shalt  }
0x74: {  	_ =	shalt  }
0x75: {  	_ =	shalt  }
0x76: {  	_ =	shalt  }
0x77: {  	_ =	shalt  }
0x78: {  	_ =	shalt  }
0x79: {  	_ =	shalt  }
0x7a: {  	_ =	shalt  }
0x7b: {  	_ =	shalt  }
0x7c: {  	_ =	shalt  }
0x7d: {  	_ =	shalt  }
0x7e: {  	_ =	shalt  }
0x7f: {  	_ =	shalt  }
0x80: {  	_ =	shalt  }
0x81: {  	_ =	shalt  }
0x82: {  	_ =	shalt  }
0x83: {  	_ =	shalt  }
0x84: {  	_ =	shalt  }
0x85: {  	_ =	shalt  }
0x86: {  	_ =	shalt  }
0x87: {  	_ =	shalt  }
.Lfunc_end0:
.L_simem_size_0:
called_computation_lowered:
.L_overlay_start_0:
0x88: {  	s2 =	sld [smem:$0x3FD9]  }
0x89: {  	s3 =	sld [smem:$0x3FFE];
	_ =	sdelay $0x1  }
0x8a: {  	s1 =	srdreg.scid  }
0x8b: {  	s0 =	sand.u32 $0x1, s1  }
0x8c: {  	s17 =	sshll.u32 s0, $0xA;
	s2 =	sadd.s32 s3, s2  }
0x8d: {  	s2 =	sadd.s32 s2, s17  }
0x8e: {  	[smem:$0x3FB7] =	sst s2  }
0x8f: {  	_ = 	snop  }
0x90: {  	s2 =	sld [smem:$0x3FD0];
	(tm) =	ssettm $0x1  }
0x91: {  	s18 =	sld [smem:$0x3FFB];
	_ =	sdelay $0x3  }
0x92: {  	_ =	strace s18  }
0x93: {  	s3 =	sld [smem:$0x3FFC];
	_ =	sdelay $0x3  }
0x94: {  	_ =	strace s3  }
0x95: {  	s3 =	sld [smem:$0x3FFD];
	_ =	sdelay $0x3  }
0x96: {  	_ =	strace s3  }
0x97: {  	_ =	strace $0x8FFFFFFF  }
0x98: {  	s19 =	sld [smem:$0x3FDB];
	_ =	sdelay $0x1  }
0x99: {  	s4 =	simm.s32 $_scs_section_size  }
0x9a: {  	s5 =	simm.s32 $_size__tile_overlayer_lowered;
	s6 =	simm.s32 $_tile_overlayer_lowered  }
0x9b: {  	s22 =	simm.s32 $0x1BFF;
	s21 =	sshll.u32 s6, $0x1;
	s3 =	sadd.s32 s4, s19  }
0x9c: {  	s7 =	simm.s32 $0x0;
	s20 =	sshll.u32 s5, $0x1;
	s5 =	sadd.s32 s21, s3  }
0x9d: {  	[timem:s7], [sflag:s22] =	dma.local [hbm:s5], s20  }
0x9e: {  	_ =	swait.ge [sflag:s22], s20  }
0x9f: {  	s4 =	ssub.s32 $0x0, s20;
	[sflag:s22] =	ssyncset.done $0x0  }
0xa0: {  	[sflag:s22] =	ssyncadd.s32 s4;
	_ =	sdelay $0x1  }
0xa1: {  	s23 =	simm.s32 $0x1B8B  }
0xa2: {  	_ =	swait.ge [sflag:s23], $0x1  }
0xa3: {  	[sflag:s23] =	ssyncset.done $0x0  }
0xa4: {  	s25 =	simm.s32 $0x1B8E;
	s24 =	sld [smem:$0x3FFE];
	[sflag:s23] =	ssyncadd.s32 $0xFFFFFFFF  }
0xa5: {  	s26 =	simm.s32 $execute0_lowered;
	[smem:$0x3FD2] =	sst s25  }
0xa6: {  	s5 =	sshll.u32 s26, $0x1;
	_ =	strace $0x80000046;
	[dreg:$0x1] =	wrdreg $0xFFFFFFFF  }
0xa7: {  	s28 =	simm.s32 $_size_execute0_lowered;
	s3 =	sadd.s32 s3, s5;
	[dreg:$0x0] =	wrdreg $0x0  }
0xa8: {  	s5 =	sshll.u32 s28, $0x1;
	[dreg:$0x2] =	wrdreg s3  }
0xa9: {  	[dreg:$0x3] =	wrdreg s5  }
0xaa: {  	[dreg:$0x4] =	wrdreg $0xC0  }
0xab: {  	_ =	task [dreg:s7], $0x5FFFF  }
0xac: {  	[dreg:$0x1] =	wrdreg $0xFFFFFFFF  }
0xad: {  	[dreg:$0x0] =	wrdreg $0x60  }
0xae: {  	[dreg:$0x2] =	wrdreg s2  }
0xaf: {  	[dreg:$0x3] =	wrdreg s24  }
0xb0: {  	[dreg:$0x4] =	wrdreg $0x92800  }
0xb1: {  	[dreg:$0x5] =	wrdreg $0x9  }
0xb2: {  	_ =	task.clear_ibuf [dreg:s7], $0x6FFFF;
	_ =	strace $0x90000046  }
0xb3: {  	s29 =	simm.s32 $0x9;
	_ =	strace $0x80000048  }
0xb4: {  	_ =	swait.ge [sflag:s29], $0x1  }
0xb5: {  	[sflag:s29] =	ssyncadd.s32 $0xFFFFFFFF  }
0xb6: {  	_ =	strace $0x90000048  }
0xb7: {  	_ =	sfence  }
0xb8: {  	s30 =	sld [smem:$0x0];
	_ =	sdelay $0x2  }
0xb9: {  	s31 =	sshll.u32 s1, $0xD;
	s1 =	sshrl.u32 s1, $0x2  }
0xba: {  	s3 =	sand.u32 $0x4000, s31;
	s1 =	sadd.s32 s1, s30  }
0xbb: {  	s0 =	sor.u32 s3, s0;
	s1 =	sshll.u32 s1, $0x11  }
0xbc: {  	s0 =	sor.u32 s1, s0  }
0xbd: {  	s0 =	sadd.s32 $0x8F2B, s0  }
0xbe: {  	[sflag:s0] =	ssyncadd.remote.s32 $0x1  }
0xbf: {  	_ =	sfence.sel $0xFFFF  }
0xc0: {  	[dreg:$0x0] =	wrdreg $0xFFFFFFFF;
	(pc) =	sbr.abs _section_cstart, $3  }
0xc1: {  	[dreg:$0x1] =	wrdreg $0xFFFFFFFF  }
0xc2: {  	_ =	task.clear_ibuf [dreg:s7], $0x2FFFF;
	_ =	strace $0x9FFFFFFF  }
0xc3: {  	(tm) =	ssettm $0x7FFFFFFF  }
tec
execute0_lowered:
.L_overlay_start_1:
0x0: {  	(tag) =	ssettag $0x1  }
0x1: {  	s0 =	rddreg [dreg:$0x1];
	s1 =	srdreg.scid  }
0x2: {  	s8 =	stileid.u32;
	s9 =	rddreg [dreg:$0x2]  }
0x3: {  	s12 =	simm.s32 $0x0;
	s13 =	simm.s32 $0x13A;
	s28 =	simm.s32 $0x3  }
0x4: {  	s1 =	sand.u32 $0x1, s1;
	s2 =	smul.u32 $0x271, s8;
	[smem:$0x7FF] =	sst s12  }
0x5: {  	s5 =	sadd.s32 $0x2600, s0;
	s20 =	sshll.u32 s8, $0x1;
	s14 =	sadd.s32 $0x4F8200, s0  }
0x6: {  	s4 =	smul.u32 $0x57E40, s8;
	s7 =	sadd.s32 $0x29800, s0;
	s15 =	sadd.s32 $0x4EE400, s0  }
0x7: {  	s16 =	sadd.s32 $0x4E4600, s0;
	p0 =	slt.u32 s8, $0x4;
	s3 =	smul.u32 $0x2710, s1  }
0x8: {  	_ =	strace $0x80000047;
	s13 =	simm.s32 @!p0 $0x138;
	[dreg:$0x5] =	wrdreg s14  }
0x9: {  	[dreg:$0x6] =	wrdreg s15;
	s4 =	sshrl.u32 s4, $0x2;
	s2 =	sadd.s32 s2, s3  }
0xa: {  	s30 =	sadd.s32 $0xFFFFFFFF, s13;
	s3 =	sor.u32 s1, s20;
	s2 =	smul.u32 $0x12, s2  }
0xb: {  	s1 =	ssub.s32 $0x2, s1;
	s11 =	sadd.s32 s4, s9;
	s6 =	smul.u32 $0x138, s3  }
0xc: {  	[dreg:$0xd] =	wrdreg s30;
	s0 =	sadd.s32 s2, s0;
	s2 =	smul.u32 $0x13A, s3  }
0xd: {  	s21 =	sshrl.u32 s1, $0x1;
	s22 =	sadd.s32 $0x15600, s11;
	s10 =	sadd.s32 $0x10, s6  }
0xe: {  	s1 =	ssub.s32 s1, s21;
	[dreg:$0x7] =	wrdreg s22;
	s10 =	smov.u32 @p0 s2  }
0xf: {  	s31 =	smax.u32 s1, $0x1;
	s0 =	sadd.s32 $0x50A00, s0;
	s2 =	sshll.u32 s10, $0x2  }
0x10: {  	[dreg:$0xf] =	wrdreg s31;
	s24 =	sshll.u32 s10, $0x9;
	s2 =	sand.u32 $0x1FFFFFF8, s2  }
0x11: {  	[dreg:$0xe] =	wrdreg s0;
	s3 =	sand.u32 $0x1FFFFC00, s24;
	s23 =	sadd.s32 s15, s2  }
.Ltmp0:
0x12: {  	s25 =	sadd.s32 s16, s2;
	[dreg:$0x8] =	wrdreg s23;
	(pc) =	sbr.rel .LBB2_1-.Ltmp0, $4  }
0x13: {  	v0 =	vimm.f32 $0.0e+00;
	s2 =	sor.u32 $0x4, s2;
	s3 =	sadd.s32 s14, s3;
	[dreg:$0x9] =	wrdreg s25  }
0x14: {  	v1 =	vimm.s32 $0xF;
	vm0 =	vmmov $0x1;
	vm1 =	vcmask $0x308;
	s29 =	simm.s32 $0x4;
	[dreg:$0xa] =	wrdreg s3;
	s26 =	sadd.s32 s15, s2  }
0x15: {  	vm2 =	vcmask $0x70C;
	vm3 =	vcmask $0xB10;
	vm4 =	vcmask $0xF14;
	s19 =	smov.u32 s16;
	s2 =	sadd.s32 s16, s2;
	[dreg:$0xb] =	wrdreg s26  }
0x16: {  	vm5 =	vcmask $0x1318;
	vm6 =	vcmask $0x171C;
	vm7 =	vcmask $0x1B20;
	s22 =	simm.s32 $0x8080;
	s23 =	simm.s32 $0x5;
	[dreg:$0xc] =	wrdreg s2  }
.LBB2_15:
0x17: {  	s0 =	stileid.u32  }
0x18: {  	[bflag:$0x0] =	sbarrier.arrive $0xFFFF;
	s0 =	sshll.u32 s0, $0x6  }
0x19: {  	s1 =	sshrl.u32 s11, $0x3;
	s2 =	rddreg [dreg:$0xe];
	s0 =	sor.u32 $0x1C05, s0  }
0x1a: {  	[hbm:s2], [sflag:s0] =	dma.local [spmem:s1], $0x2BF2  }
0x1b: {  	_ =	swait.ge [sflag:s23], $0x2BF2  }
0x1c: {  	s12 =	rddreg [dreg:$0x4]  }
0x1d: {  	s31 =	rddreg [dreg:$0xf];
	s12 =	sadd.s32 $0x1, s12  }
0x1e: {  	p0 =	sne.s32 s12, s31  }
.Ltmp1:
0x1f: {  	_ = 	snop;
	(pc) =	sbr.rel @!p0 .LBB2_16-.Ltmp1, $3  }
0x20: {  	_ =	sdelay $0x1  }
0x21: {  	[sflag:s23] =	ssyncset.done $0x0  }
0x22: {  	[sflag:s23] =	ssyncadd.s32 $0xFFFFD40E  }
.LBB2_1:
0x23: {  	s0 =	simm.s32 $0x0;
	s1 =	simm.s32 $0x240  }
.LBB2_2:
0x24: {  	p0 =	sne.s32 s1, $0x45C0;
	[tilespmem:s0+$0x8100] =	vst v0  }
0x25: {  	[tilespmem:s0+$0x8080] =	vst v0  }
0x26: {  	[tilespmem:s0+$0x8090] =	vst v0  }
0x27: {  	[tilespmem:s0+$0x80A0] =	vst v0  }
.Ltmp2:
0x28: {  	[tilespmem:s0+$0x80B0] =	vst v0;
	(pc) =	sbr.rel @p0 .LBB2_2-.Ltmp2, $4  }
0x29: {  	[tilespmem:s0+$0x80C0] =	vst v0  }
0x2a: {  	[tilespmem:s0+$0x80D0] =	vst v0  }
0x2b: {  	[tilespmem:s0+$0x80E0] =	vst v0  }
0x2c: {  	[tilespmem:s0+$0x80F0] =	vst v0;
	s0 =	sshra.s32 s1, $0x2;
	s1 =	sadd.s32 $0x240, s1  }
0x2d: {  	[tilespmem:s0+$0x8100] =	vst v0  }
0x2e: {  	[tilespmem:s0+$0x8080] =	vst v0  }
0x2f: {  	[tilespmem:s0+$0x8090] =	vst v0  }
0x30: {  	[tilespmem:s0+$0x80A0] =	vst v0  }
0x31: {  	[tilespmem:s0+$0x80B0] =	vst v0  }
0x32: {  	[tilespmem:s0+$0x80C0] =	vst v0  }
0x33: {  	[tilespmem:s0+$0x80D0] =	vst v0  }
0x34: {  	[tilespmem:s0+$0x80E0] =	vst v0  }
0x35: {  	[dreg:$0x4] =	wrdreg s12;
	[tilespmem:s0+$0x80F0] =	vst v0;
	s31 =	sadd.s32 $0x0, s11  }
0x36: {  	[spmem:s31] =	stream.linear.scatter [tilespmem:s22], [sflag:$0x5], $0x1200, $0x38;
	[tilespmem:$0x1F210] =	vst v63  }
0x37: {  	s0 =	simm.s32 $0x4800;
	_ =	swait.ge [sflag:s23], $0x1200  }
.LBB2_4:
0x38: {  	s1 =	sshra.s32 s0, $0x2;
	[sflag:s23] =	ssyncset.done $0x0;
	p0 =	sne.s32 s0, $0x51000  }
.Ltmp3:
0x39: {  	s1 =	sadd.s32 s1, s11;
	[sflag:s23] =	ssyncadd.s32 $0xFFFFEE00;
	(pc) =	sbr.rel @p0 .LBB2_4-.Ltmp3, $3  }
0x3a: {  	[spmem:s1] =	stream.linear.scatter [tilespmem:s22], [sflag:$0x5], $0x1200, $0x38;
	[tilespmem:$0x1F210] =	vst v63  }
0x3b: {  	s0 =	sadd.s32 $0x4800, s0;
	_ =	sdelay $0x1  }
0x3c: {  	_ =	swait.ge [sflag:s23], $0x1200  }
0x3d: {  	[sflag:s23] =	ssyncset.done $0x0  }
0x3e: {  	s0 =	rddreg [dreg:$0x7];
	[sflag:s23] =	ssyncadd.s32 $0xFFFFEE00  }
0x3f: {  	[spmem:s0] =	stream.linear.scatter [tilespmem:s22], [sflag:$0x5], $0x990, $0x38;
	[tilespmem:$0x1F210] =	vst v63  }
0x40: {  	_ =	swait.ge [sflag:s23], $0x990  }
0x41: {  	[sflag:s23] =	ssyncset.done $0x0  }
0x42: {  	[sflag:s23] =	ssyncadd.s32 $0xFFFFF670  }
0x43: {  	[bflag:$0x0] =	sbarrier.arrive $0xFFFF  }
0x44: {  	s30 =	simm.s32 $0x0;
	s14 =	rddreg [dreg:$0x8]  }
0x45: {  	[tilespmem:s30], [sflag:$0x1] =	stream.linear.gather [hbm4b:s14+s30], $0x20, $0x38;
	[tilespmem:$0x1F210] =	vst v63  }
0x46: {  	s1 =	simm.s32 $0x40;
	s16 =	simm.s32 $0x1;
	s15 =	rddreg [dreg:$0x9]  }
0x47: {  	[tilespmem:s1], [sflag:$0x1] =	stream.linear.gather [hbm4b:s15+s30], $0x20, $0x38;
	[tilespmem:$0x1F210] =	vst v63  }
0x48: {  	_ =	swait.ge [sflag:s16], $0x20  }
0x49: {  	[sflag:s16] =	ssyncset.done $0x0  }
0x4a: {  	[sflag:s16] =	ssyncadd.s32 $0xFFFFFFE0  }
0x4b: {  	_ =	swait.ge [sflag:s16], $0x20  }
0x4c: {  	[sflag:s16] =	ssyncset.done $0x0  }
0x4d: {  	s2 =	simm.s32 $0x20;
	s17 =	simm.s32 $0x80;
	[sflag:s16] =	ssyncadd.s32 $0xFFFFFFE0  }
0x4e: {  	[tilespmem:s17], [sflag:$0x3] =	stream.indirect.gather [hbm4b:s5+s2], $0x80, s30, s2, $0xb8;
	[tilespmem:$0x1F210] =	vst v63  }
0x4f: {  	s3 =	simm.s32 $0x2080;
	s18 =	rddreg [dreg:$0x0]  }
0x50: {  	[tilespmem:s3], [sflag:$0x3] =	stream.indirect.gather [hbm4b:s18+s2], $0x80, s1, s2, $0xb8;
	[tilespmem:$0x1F210] =	vst v63  }
0x51: {  	s20 =	simm.s32 $0x4080  }
0x52: {  	[tilespmem:s20], [sflag:$0x3] =	stream.indirect.gather [hbm4b:s7+s2], $0x80, s30, s2, $0xb8;
	[tilespmem:$0x1F210] =	vst v63  }
0x53: {  	s24 =	simm.s32 $0x6080;
	s21 =	rddreg [dreg:$0xa]  }
0x54: {  	[tilespmem:s24], [sflag:$0x3] =	stream.linear.gather [hbm4b:s21+s30], $0x1000, $0x38;
	[tilespmem:$0x1F210] =	vst v63  }
.Ltmp4:
0x55: {  	_ = 	snop;
	(pc) =	sbr.rel .LBB2_6-.Ltmp4, $4  }
0x56: {  	s25 =	rddreg [dreg:$0xb]  }
0x57: {  	[tilespmem:s2], [sflag:$0x2] =	stream.linear.gather [hbm4b:s25+s30], $0x20, $0x38;
	[tilespmem:$0x1F210] =	vst v63  }
0x58: {  	s31 =	simm.s32 $0x60;
	s26 =	rddreg [dreg:$0xc]  }
0x59: {  	[tilespmem:s31], [sflag:$0x2] =	stream.linear.gather [hbm4b:s26+s30], $0x20, $0x38;
	[tilespmem:$0x1F210] =	vst v63  }
.LBB2_14:
0x5a: {  	s30 =	sadd.s32 $0x1, s30  }
0x5b: {  	p0 =	sne.s32 s30, $0x9D  }
.Ltmp5:
0x5c: {  	_ = 	snop;
	(pc) =	sbr.rel @!p0 .LBB2_15-.Ltmp5, $1  }
0x5d: {  	_ =	sdelay $0x3  }
.LBB2_6:
0x5e: {  	s31 =	sshll.u32 s30, $0x1  }
0x5f: {  	p0 =	sge.u32 s31, s13  }
.Ltmp6:
0x60: {  	_ = 	snop;
	(pc) =	sbr.rel @p0 .LBB2_10-.Ltmp6, $1  }
0x61: {  	_ =	sdelay $0x3  }
0x62: {  	s0 =	sor.u32 $0x1, s31  }
0x63: {  	p0 =	sge.u32 s0, s13  }
0x64: {  	s1 =	simm.s32 @!p0 $0x2  }
0x65: {  	_ =	swait.ge @!p0 [sflag:s1], $0x20  }
0x66: {  	[sflag:s1] =	ssyncset.done @!p0 $0x0  }
0x67: {  	[sflag:s1] =	ssyncadd.s32 @!p0 $0xFFFFFFE0  }
0x68: {  	_ =	swait.ge @!p0 [sflag:s1], $0x20  }
0x69: {  	[sflag:s1] =	ssyncset.done @!p0 $0x0  }
0x6a: {  	s2 =	simm.s32 @!p0 $0x1080;
	[sflag:s1] =	ssyncadd.s32 @!p0 $0xFFFFFFE0;
	s1 =	simm.s32 @!p0 $0x20  }
0x6b: {  	[tilespmem:s2], [sflag:$0x4] =	stream.indirect.gather @!p0 [hbm4b:s5+s1], $0x80, s1, s1, $0xb8;
	[tilespmem:$0x1F210] =	vst v63  }
0x6c: {  	s3 =	simm.s32 @!p0 $0x3080;
	s2 =	simm.s32 @!p0 $0x60;
	s4 =	rddreg [dreg:$0x0]  }
0x6d: {  	[tilespmem:s3], [sflag:$0x4] =	stream.indirect.gather @!p0 [hbm4b:s4+s1], $0x80, s2, s1, $0xb8;
	[tilespmem:$0x1F210] =	vst v63  }
0x6e: {  	s0 =	sadd.s32 @!p0 s10, s0;
	s2 =	simm.s32 @!p0 $0x5080  }
0x6f: {  	[tilespmem:s2], [sflag:$0x4] =	stream.indirect.gather @!p0 [hbm4b:s7+s1], $0x80, s1, s1, $0xb8;
	[tilespmem:$0x1F210] =	vst v63  }
0x70: {  	s0 =	sshll.u32 @!p0 s0, $0x9;
	s1 =	rddreg [dreg:$0x5]  }
0x71: {  	s2 =	simm.s32 @!p0 $0x7080;
	s0 =	sadd.s32 @!p0 s1, s0;
	s1 =	simm.s32 @!p0 $0x0  }
0x72: {  	[tilespmem:s2], [sflag:$0x4] =	stream.linear.gather @!p0 [hbm4b:s0+s1], $0x1000, $0x38;
	[tilespmem:$0x1F210] =	vst v63  }
0x73: {  	_ =	swait.ge [sflag:s28], $0x1000  }
0x74: {  	[sflag:s28] =	ssyncset.done $0x0  }
0x75: {  	[sflag:s28] =	ssyncadd.s32 $0xFFFFF000  }
0x76: {  	_ =	swait.ge [sflag:s28], $0x1000  }
0x77: {  	[sflag:s28] =	ssyncset.done $0x0  }
0x78: {  	[sflag:s28] =	ssyncadd.s32 $0xFFFFF000  }
0x79: {  	_ =	swait.ge [sflag:s28], $0x1000  }
0x7a: {  	[sflag:s28] =	ssyncset.done $0x0  }
0x7b: {  	[sflag:s28] =	ssyncadd.s32 $0xFFFFF000  }
0x7c: {  	_ =	swait.ge [sflag:s28], $0x1000  }
0x7d: {  	[sflag:s28] =	ssyncset.done $0x0  }
0x7e: {  	s9 =	simm.s32 $0x180;
	[sflag:s28] =	ssyncadd.s32 $0xFFFFF000  }
0x7f: {  	s26 =	simm.s32 $0x2180;
	v2 =	vld [tilespmem:s9+$0x80]  }
0x80: {  	v3 =	vld [tilespmem:s26+$0x80]  }
0x81: {  	s20 =	simm.s32 $0x6180  }
0x82: {  	v4 =	vld [tilespmem:s20+$0x80];
	_ =	sdelay $0x1  }
0x83: {  	v5 =	vld [tilespmem:s26+$0xFFFFFF00]  }
0x84: {  	v6 =	vld [tilespmem:s9+$0xFFFFFF80];
	v2 =	vmul.f32 v3, v2  }
0x85: {  	v3 =	vld [tilespmem:s9+$0xFFFFFF00]  }
0x86: {  	v7 =	vld [tilespmem:s26+$0xFFFFFF80];
	v2 =	vmul.f32 v4, v2  }
0x87: {  	v4 =	vld [tilespmem:s20+$0xFFFFFF00]  }
0x88: {  	(xrf2) =	vadd.scan.msk.f32 $0xffff, v2  }
0x89: {  	v8 =	vld [tilespmem:s20+$0xFFFFFF80]  }
0x8a: {  	v2 =	vld [tilespmem:s9+$0x0];
	v3 =	vmul.f32 v5, v3  }
0x8b: {  	v5 =	vld [tilespmem:s26+$0x0]  }
0x8c: {  	v3 =	vmul.f32 v4, v3;
	v4 =	vmul.f32 v7, v6  }
0x8d: {  	v6 =	vld [tilespmem:s20+$0x0]  }
0x8e: {  	(xrf2) =	vadd.scan.msk.f32 $0xffff, v3;
	v3 =	vmul.f32 v8, v4;
	_ =	sdelay $0x1  }
0x8f: {  	v2 =	vmul.f32 v5, v2  }
0x90: {  	(xrf2) =	vadd.scan.msk.f32 $0xffff, v3  }
0x91: {  	v2 =	vmul.f32 v6, v2;
	v3, _, _ =	vpop (xrf2)  }
0x92: {  	v3 =	vperm.xlane v3, v1  }
0x93: {  	(xrf2) =	vadd.scan.msk.f32 $0xffff, v2  }
0x94: {  	v2 =	vmax.f32 v3, $-5.000000000e+00  }
0x95: {  	v2 =	vmin.f32 v2, $5.000000000e+00  }
0x96: {  	v2 =	vmul.f32 $1.442695020e+00, v2  }
0x97: {  	v3, _, _ =	vpop (xrf2)  }
0x98: {  	(erf) = vpow2.f32 v2;
	v2 =	vperm.xlane v3, v1;
	_ =	sdelay $0x1  }
0x99: {  	v3, _, _ =	vpop (xrf2);
	v2 =	vmax.f32 v2, $-5.000000000e+00  }
0x9a: {  	v3 =	vperm.xlane v3, v1;
	v2 =	vmin.f32 v2, $5.000000000e+00  }
0x9b: {  	s12 =	simm.s32 $0x4180;
	v2 =	vmul.f32 $1.442695020e+00, v2  }
0x9c: {  	v4 =	vld [tilespmem:s12+$0x80];
	v3 =	vmax.f32 v3, $-5.000000000e+00;
	v5, _, _ =	vpop (xrf2)  }
0x9d: {  	v3 =	vmin.f32 v3, $5.000000000e+00;
	v5 =	vperm.xlane v5, v1;
	(erf) = vpow2.f32 v2  }
0x9e: {  	v2 =	vmul.f32 $1.442695020e+00, v3  }
0x9f: {  	v3 =	vmax.f32 v5, $-5.000000000e+00  }
0xa0: {  	v3 =	vmin.f32 v3, $5.000000000e+00;
	(erf) = vpow2.f32 v2;
	v8 =	vpop (erf)  }
0xa1: {  	v3 =	vmul.f32 $1.442695020e+00, v3;
	v2 =	vmul.f32 v8, v4  }
0xa2: {  	s0 =	simm.s32 $0x81A0;
	v4 =	vld [tilespmem:s12+$0xFFFFFF00]  }
0xa3: {  	v7 =	vld [tilespmem:s12+$0xFFFFFF80];
	(erf) = vpow2.f32 v3;
	[tilespmem:s0+$0x90] =	vst v2  }
0xa4: {  	v2 =	vld [tilespmem:s9+$0x90]  }
0xa5: {  	v3 =	vld [tilespmem:s26+$0x90]  }
0xa6: {  	v6 =	vpop (erf)  }
0xa7: {  	v9 =	vld [tilespmem:s20+$0x90];
	v4 =	vmul.f32 v6, v4  }
0xa8: {  	v10 =	vld [tilespmem:s12+$0x0]  }
0xa9: {  	v5 =	vpop (erf);
	[tilespmem:s0+$0xFFFFFEE0] =	vst v4  }
0xaa: {  	v2 =	vmul.f32 v3, v2;
	v4 =	vmul.f32 v5, v7;
	v3 =	vld [tilespmem:s9+$0xFFFFFF10]  }
0xab: {  	v11 =	vld [tilespmem:s26+$0xFFFFFF10]  }
0xac: {  	v7 =	vpop (erf);
	v2 =	vmul.f32 v9, v2;
	v9 =	vld [tilespmem:s20+$0xFFFFFF10];
	[tilespmem:s0+$0xFFFFFF70] =	vst v4  }
0xad: {  	v10 =	vmul.f32 v7, v10;
	v4 =	vld [tilespmem:s9+$0xFFFFFF90]  }
0xae: {  	(xrf2) =	vadd.scan.msk.f32 $0xffff, v2;
	v2 =	vld [tilespmem:s26+$0xFFFFFF90]  }
0xaf: {  	v12 =	vld [tilespmem:s20+$0xFFFFFF90];
	[tilespmem:s0+$0x0] =	vst v10  }
0xb0: {  	v10 =	vld [tilespmem:s9+$0x10]  }
0xb1: {  	v3 =	vmul.f32 v11, v3;
	v11 =	vld [tilespmem:s26+$0x10];
	_ =	sdelay $0x1  }
0xb2: {  	v3 =	vmul.f32 v9, v3;
	v9 =	vld [tilespmem:s20+$0x10];
	v2 =	vmul.f32 v2, v4;
	_ =	sdelay $0x1  }
0xb3: {  	(xrf2) =	vadd.scan.msk.f32 $0xffff, v3;
	v2 =	vmul.f32 v12, v2  }
0xb4: {  	v3 =	vmul.f32 v11, v10  }
0xb5: {  	(xrf2) =	vadd.scan.msk.f32 $0xffff, v2  }
0xb6: {  	v3 =	vmul.f32 v9, v3  }
0xb7: {  	v2, _, _ =	vpop (xrf2)  }
0xb8: {  	(xrf2) =	vadd.scan.msk.f32 $0xffff, v3;
	v2 =	vperm.xlane v2, v1;
	_ =	sdelay $0x1  }
0xb9: {  	v2 =	vmax.f32 v2, $-5.000000000e+00  }
0xba: {  	v2 =	vmin.f32 v2, $5.000000000e+00  }
0xbb: {  	v2 =	vmul.f32 $1.442695020e+00, v2  }
0xbc: {  	v3, _, _ =	vpop (xrf2)  }
0xbd: {  	(erf) = vpow2.f32 v2;
	v2 =	vperm.xlane v3, v1  }
0xbe: {  	v3, _, _ =	vpop (xrf2)  }
0xbf: {  	v2 =	vmax.f32 v2, $-5.000000000e+00;
	v3 =	vperm.xlane v3, v1  }
0xc0: {  	v2 =	vmin.f32 v2, $5.000000000e+00  }
0xc1: {  	v9, _, _ =	vpop (xrf2);
	v2 =	vmul.f32 $1.442695020e+00, v2;
	v3 =	vmax.f32 v3, $-5.000000000e+00  }
0xc2: {  	v4 =	vld [tilespmem:s12+$0x90];
	v9 =	vperm.xlane v9, v1;
	v3 =	vmin.f32 v3, $5.000000000e+00  }
0xc3: {  	(erf) = vpow2.f32 v2;
	v2 =	vmul.f32 $1.442695020e+00, v3;
	_ =	sdelay $0x1  }
0xc4: {  	v3 =	vmax.f32 v9, $-5.000000000e+00;
	(erf) = vpow2.f32 v2  }
0xc5: {  	v2 =	vmin.f32 v3, $5.000000000e+00;
	v9 =	vpop (erf)  }
0xc6: {  	v2 =	vmul.f32 $1.442695020e+00, v2;
	v3 =	vmul.f32 v9, v4  }
0xc7: {  	v4 =	vld [tilespmem:s12+$0xFFFFFF10]  }
0xc8: {  	v10 =	vld [tilespmem:s12+$0xFFFFFF90];
	(erf) = vpow2.f32 v2;
	[tilespmem:s0+$0xA0] =	vst v3  }
0xc9: {  	v2 =	vld [tilespmem:s9+$0xA0]  }
0xca: {  	v3 =	vld [tilespmem:s26+$0xA0]  }
0xcb: {  	v15 =	vpop (erf)  }
0xcc: {  	v11 =	vld [tilespmem:s20+$0xA0];
	v4 =	vmul.f32 v15, v4  }
0xcd: {  	v14 =	vld [tilespmem:s12+$0x10];
	v13 =	vpop (erf)  }
0xce: {  	[tilespmem:s0+$0xFFFFFEF0] =	vst v4;
	v4 =	vmul.f32 v13, v10  }
0xcf: {  	v2 =	vmul.f32 v3, v2;
	v3 =	vld [tilespmem:s9+$0xFFFFFF20]  }
0xd0: {  	v10 =	vld [tilespmem:s26+$0xFFFFFF20];
	[tilespmem:s0+$0xFFFFFF80] =	vst v4  }
0xd1: {  	v2 =	vmul.f32 v11, v2;
	v12 =	vpop (erf);
	v4 =	vld [tilespmem:s9+$0xFFFFFFA0]  }
0xd2: {  	v11 =	vmul.f32 v12, v14;
	v14 =	vld [tilespmem:s26+$0xFFFFFFA0]  }
0xd3: {  	v16 =	vld [tilespmem:s20+$0xFFFFFFA0];
	(xrf2) =	vadd.scan.msk.f32 $0xffff, v2  }
0xd4: {  	v2 =	vld [tilespmem:s20+$0xFFFFFF20];
	_ =	sdelay $0x1  }
0xd5: {  	[tilespmem:s0+$0x10] =	vst v11  }
0xd6: {  	v11 =	vld [tilespmem:s9+$0x20];
	v3 =	vmul.f32 v10, v3;
	v4 =	vmul.f32 v14, v4  }
0xd7: {  	v17 =	vld [tilespmem:s26+$0x20]  }
0xd8: {  	v18 =	vld [tilespmem:s20+$0x20];
	v2 =	vmul.f32 v2, v3;
	v4 =	vmul.f32 v16, v4  }
0xd9: {  	v14 =	vld [tilespmem:s12+$0xFFFFFFA0]  }
0xda: {  	v3 =	vld [tilespmem:s12+$0xFFFFFF20];
	(xrf2) =	vadd.scan.msk.f32 $0xffff, v2  }
0xdb: {  	v2 =	vld [tilespmem:s12+$0x20];
	(xrf2) =	vadd.scan.msk.f32 $0xffff, v4  }
0xdc: {  	v4, _, _ =	vpop (xrf2)  }
0xdd: {  	v4 =	vperm.xlane v4, v1;
	_ =	sdelay $0x1  }
0xde: {  	v4 =	vmax.f32 v4, $-5.000000000e+00  }
0xdf: {  	v4 =	vmin.f32 v4, $5.000000000e+00  }
0xe0: {  	v4 =	vmul.f32 $1.442695020e+00, v4;
	_ =	sdelay $0x1  }
0xe1: {  	(erf) = vpow2.f32 v4;
	_ =	sdelay $0x4  }
0xe2: {  	v4 =	vld [tilespmem:s12+$0xA0];
	_ =	sdelay $0x3  }
0xe3: {  	v10 =	vpop (erf)  }
0xe4: {  	v4 =	vmul.f32 v10, v4;
	_ =	sdelay $0x1  }
0xe5: {  	[tilespmem:s0+$0xB0] =	vst v4  }
0xe6: {  	v4 =	vmul.f32 v17, v11;
	v11 =	vld [tilespmem:s9+$0xB0]  }
0xe7: {  	v16 =	vld [tilespmem:s26+$0xB0]  }
0xe8: {  	v4 =	vmul.f32 v18, v4  }
0xe9: {  	v17 =	vld [tilespmem:s20+$0xB0]  }
0xea: {  	(xrf2) =	vadd.scan.msk.f32 $0xffff, v4;
	_ =	sdelay $0x1  }
0xeb: {  	v4 =	vmul.f32 v16, v11  }
0xec: {  	v11, _, _ =	vpop (xrf2)  }
0xed: {  	s18 =	simm.s32 $0x380;
	v11 =	vperm.xlane v11, v1;
	v4 =	vmul.f32 v17, v4  }
0xee: {  	s17 =	simm.s32 $0x2380;
	v16 =	vld [tilespmem:s18+$0x80]  }
0xef: {  	v17 =	vld [tilespmem:s17+$0x80];
	(xrf2) =	vadd.scan.msk.f32 $0xffff, v4  }
0xf0: {  	s16 =	simm.s32 $0x6380  }
0xf1: {  	v18 =	vld [tilespmem:s16+$0x80];
	v4 =	vmax.f32 v11, $-5.000000000e+00;
	v11, _, _ =	vpop (xrf2)  }
0xf2: {  	v4 =	vmin.f32 v4, $5.000000000e+00;
	v11 =	vperm.xlane v11, v1  }
0xf3: {  	v4 =	vmul.f32 $1.442695020e+00, v4;
	v19, _, _ =	vpop (xrf2)  }
0xf4: {  	v16 =	vmul.f32 v17, v16;
	v11 =	vmax.f32 v11, $-5.000000000e+00;
	v17 =	vperm.xlane v19, v1  }
0xf5: {  	(erf) = vpow2.f32 v4;
	v11 =	vmin.f32 v11, $5.000000000e+00  }
0xf6: {  	v4 =	vmul.f32 $1.442695020e+00, v11;
	v11 =	vmul.f32 v18, v16;
	v16 =	vmax.f32 v17, $-5.000000000e+00  }
0xf7: {  	v17 =	vld [tilespmem:s18+$0xFFFFFF00]  }
0xf8: {  	(erf) = vpow2.f32 v4;
	v4 =	vld [tilespmem:s17+$0xFFFFFF00]  }
0xf9: {  	(xrf2) =	vadd.scan.msk.f32 $0xffff, v11;
	v11 =	vmin.f32 v16, $5.000000000e+00;
	v16, _, _ =	vpop (xrf2)  }
0xfa: {  	v18 =	vld [tilespmem:s16+$0xFFFFFF00];
	v16 =	vperm.xlane v16, v1  }
0xfb: {  	v11 =	vmul.f32 $1.442695020e+00, v11  }
0xfc: {  	v20 =	vld [tilespmem:s17+$0xFFFFFF80];
	v19 =	vmax.f32 v16, $-5.000000000e+00  }
0xfd: {  	(erf) = vpow2.f32 v11;
	v11 =	vld [tilespmem:s18+$0xFFFFFF80];
	v4 =	vmul.f32 v4, v17;
	v17 =	vmin.f32 v19, $5.000000000e+00  }
0xfe: {  	v16 =	vpop (erf);
	v21 =	vmul.f32 $1.442695020e+00, v17  }
0xff: {  	v22 =	vld [tilespmem:s16+$0xFFFFFF80];
	v4 =	vmul.f32 v18, v4;
	v3 =	vmul.f32 v16, v3  }
0x100: {  	v19 =	vld [tilespmem:s18+$0x0]  }
0x101: {  	v17 =	vpop (erf);
	(erf) = vpow2.f32 v21;
	[tilespmem:s0+$0xFFFFFF00] =	vst v3;
	v3 =	vld [tilespmem:s17+$0x0]  }
0x102: {  	v11 =	vmul.f32 v20, v11  }
0x103: {  	v20 =	vld [tilespmem:s16+$0x0];
	(xrf2) =	vadd.scan.msk.f32 $0xffff, v4;
	v14 =	vmul.f32 v17, v14;
	v4, _, _ =	vpop (xrf2)  }
0x104: {  	v11 =	vmul.f32 v22, v11;
	v21 =	vld [tilespmem:s9+$0xFFFFFF30];
	v4 =	vperm.xlane v4, v1  }
0x105: {  	[tilespmem:s0+$0xFFFFFF90] =	vst v14;
	v14 =	vld [tilespmem:s26+$0xFFFFFF30]  }
0x106: {  	v18 =	vpop (erf);
	(xrf2) =	vadd.scan.msk.f32 $0xffff, v11;
	v4 =	vmax.f32 v4, $-5.000000000e+00;
	v3 =	vmul.f32 v3, v19;
	v19 =	vld [tilespmem:s12+$0xB0]  }
0x107: {  	v22 =	vld [tilespmem:s20+$0xFFFFFF30];
	v2 =	vmul.f32 v18, v2;
	v4 =	vmin.f32 v4, $5.000000000e+00  }
0x108: {  	v23 =	vld [tilespmem:s9+$0xFFFFFFB0];
	v4 =	vmul.f32 $1.442695020e+00, v4;
	v3 =	vmul.f32 v20, v3  }
0x109: {  	[tilespmem:s0+$0x20] =	vst v2;
	v2 =	vld [tilespmem:s26+$0xFFFFFFB0]  }
0x10a: {  	v20 =	vld [tilespmem:s9+$0x30];
	(erf) = vpow2.f32 v4;
	v4 =	vmul.f32 v14, v21;
	v11 =	vpop (erf);
	(xrf2) =	vadd.scan.msk.f32 $0xffff, v3  }
0x10b: {  	v3 =	vld [tilespmem:s26+$0x30];
	v19 =	vmul.f32 v11, v19  }
0x10c: {  	v14 =	vld [tilespmem:s20+$0xFFFFFFB0];
	v4 =	vmul.f32 v22, v4  }
0x10d: {  	v21 =	vld [tilespmem:s20+$0x30];
	[tilespmem:s0+$0xC0] =	vst v19  }
0x10e: {  	v22, _, _ =	vpop (xrf2);
	(xrf2) =	vadd.scan.msk.f32 $0xffff, v4;
	v4 =	vld [tilespmem:s9+$0xC0]  }
0x10f: {  	v2 =	vmul.f32 v2, v23;
	v19 =	vld [tilespmem:s26+$0xC0]  }
0x110: {  	s15 =	simm.s32 $0x4380;
	v22 =	vperm.xlane v22, v1;
	v3 =	vmul.f32 v3, v20;
	v20, _, _ =	vpop (xrf2)  }
0x111: {  	v23 =	vld [tilespmem:s15+$0x80];
	v2 =	vmul.f32 v14, v2;
	v20 =	vperm.xlane v20, v1  }
0x112: {  	v14 =	vmax.f32 v22, $-5.000000000e+00;
	v22 =	vld [tilespmem:s20+$0xC0]  }
0x113: {  	v14 =	vmin.f32 v14, $5.000000000e+00;
	(xrf2) =	vadd.scan.msk.f32 $0xffff, v2;
	v3 =	vmul.f32 v21, v3;
	v20 =	vmax.f32 v20, $-5.000000000e+00  }
0x114: {  	v14 =	vmul.f32 $1.442695020e+00, v14;
	v4 =	vmul.f32 v19, v4;
	v19 =	vmin.f32 v20, $5.000000000e+00;
	v21, _, _ =	vpop (xrf2)  }
0x115: {  	v2 =	vpop (erf);
	(xrf2) =	vadd.scan.msk.f32 $0xffff, v3;
	v3 =	vmul.f32 $1.442695020e+00, v19;
	v20 =	vperm.xlane v21, v1  }
0x116: {  	(erf) = vpow2.f32 v14;
	v14 =	vmul.f32 v2, v23  }
0x117: {  	s14 =	simm.s32 $0x83E0;
	v4 =	vmul.f32 v22, v4;
	v19 =	vmax.f32 v20, $-5.000000000e+00  }
0x118: {  	[tilespmem:s14+$0x90] =	vst v14;
	v19 =	vmin.f32 v19, $5.000000000e+00  }
0x119: {  	v14 =	vld [tilespmem:s18+$0x90];
	(erf) = vpow2.f32 v3;
	v3, _, _ =	vpop (xrf2);
	(xrf2) =	vadd.scan.msk.f32 $0xffff, v4;
	v4 =	vmul.f32 $1.442695020e+00, v19  }
0x11a: {  	v20 =	vld [tilespmem:s17+$0x90]  }
0x11b: {  	v21 =	vld [tilespmem:s15+$0xFFFFFF00];
	v3 =	vperm.xlane v3, v1  }
0x11c: {  	v19 =	vld [tilespmem:s16+$0x90]  }
0x11d: {  	(erf) = vpow2.f32 v4;
	v3 =	vmax.f32 v3, $-5.000000000e+00;
	v4, _, _ =	vpop (xrf2)  }
0x11e: {  	v3 =	vmin.f32 v3, $5.000000000e+00;
	v4 =	vperm.xlane v4, v1  }
0x11f: {  	v14 =	vmul.f32 v20, v14;
	v3 =	vmul.f32 $1.442695020e+00, v3  }
0x120: {  	v22 =	vpop (erf);
	v4 =	vmax.f32 v4, $-5.000000000e+00  }
0x121: {  	v20 =	vmul.f32 v22, v21;
	v14 =	vmul.f32 v19, v14;
	v4 =	vmin.f32 v4, $5.000000000e+00  }
0x122: {  	v4 =	vmul.f32 $1.442695020e+00, v4  }
0x123: {  	v23 =	vld [tilespmem:s15+$0xFFFFFF80];
	[tilespmem:s14+$0xFFFFFEE0] =	vst v20;
	(erf) = vpow2.f32 v3;
	(xrf2) =	vadd.scan.msk.f32 $0xffff, v14;
	v3, _, _ =	vpop (xrf2)  }
0x124: {  	v24 =	vld [tilespmem:s18+$0xFFFFFF10];
	v3 =	vperm.xlane v3, v1  }
0x125: {  	v14 =	vld [tilespmem:s17+$0xFFFFFF10]  }
0x126: {  	v19 =	vld [tilespmem:s15+$0x0];
	(erf) = vpow2.f32 v4;
	v3 =	vmax.f32 v3, $-5.000000000e+00;
	v4, _, _ =	vpop (xrf2)  }
0x127: {  	v21 =	vpop (erf);
	v26 =	vld [tilespmem:s16+$0xFFFFFF10];
	v3 =	vmin.f32 v3, $5.000000000e+00;
	v4 =	vperm.xlane v4, v1  }
0x128: {  	v25 =	vld [tilespmem:s12+$0xFFFFFF30];
	v23 =	vmul.f32 v21, v23;
	v3 =	vmul.f32 $1.442695020e+00, v3  }
0x129: {  	v27 =	vld [tilespmem:s12+$0xFFFFFFB0];
	v4 =	vmax.f32 v4, $-5.000000000e+00  }
0x12a: {  	v28 =	vld [tilespmem:s12+$0x30];
	v20 =	vpop (erf);
	v14 =	vmul.f32 v14, v24;
	(erf) = vpow2.f32 v3;
	v3 =	vmin.f32 v4, $5.000000000e+00  }
0x12b: {  	v32 =	vld [tilespmem:s12+$0xC0];
	v3 =	vmul.f32 $1.442695020e+00, v3  }
0x12c: {  	v35 =	vld [tilespmem:s15+$0x90];
	[tilespmem:s14+$0xFFFFFF70] =	vst v23;
	v19 =	vmul.f32 v20, v19;
	v14 =	vmul.f32 v26, v14;
	v23 =	vpop (erf)  }
0x12d: {  	v29 =	vld [tilespmem:s18+$0xFFFFFF90];
	v26, _, _ =	vpop (xrf2);
	(erf) = vpow2.f32 v3  }
0x12e: {  	v30 =	vld [tilespmem:s16+$0xFFFFFF90];
	[tilespmem:s14+$0x0] =	vst v19;
	v25 =	vmul.f32 v23, v25;
	(xrf2) =	vadd.scan.msk.f32 $0xffff, v14;
	v14 =	vperm.xlane v26, v1  }
0x12f: {  	v19 =	vld [tilespmem:s18+$0x10];
	v24 =	vpop (erf)  }
0x130: {  	v4 =	vld [tilespmem:s17+$0xFFFFFF90];
	[tilespmem:s0+$0xFFFFFF10] =	vst v25;
	v14 =	vmax.f32 v14, $-5.000000000e+00;
	v25 =	vmul.f32 v24, v27  }
0x131: {  	v31 =	vld [tilespmem:s16+$0x10];
	v14 =	vmin.f32 v14, $5.000000000e+00  }
0x132: {  	v26 =	vld [tilespmem:s9+$0xFFFFFF40];
	v14 =	vmul.f32 $1.442695020e+00, v14  }
0x133: {  	v3 =	vld [tilespmem:s17+$0x10]  }
0x134: {  	v27 =	vld [tilespmem:s26+$0xFFFFFF40];
	[tilespmem:s0+$0xFFFFFFA0] =	vst v25;
	v25 =	vpop (erf)  }
0x135: {  	v4 =	vmul.f32 v4, v29;
	v29 =	vld [tilespmem:s9+$0xFFFFFFC0];
	v28 =	vmul.f32 v25, v28  }
0x136: {  	v33 =	vld [tilespmem:s26+$0xFFFFFFC0];
	(erf) = vpow2.f32 v14;
	v14 =	vpop (erf)  }
0x137: {  	v4 =	vmul.f32 v30, v4;
	v30 =	vld [tilespmem:s20+$0xFFFFFF40];
	[tilespmem:s0+$0x30] =	vst v28;
	v28 =	vmul.f32 v14, v32  }
0x138: {  	v34 =	vld [tilespmem:s20+$0xFFFFFFC0];
	v3 =	vmul.f32 v3, v19  }
0x139: {  	(xrf2) =	vadd.scan.msk.f32 $0xffff, v4;
	v52, _, _ =	vpop (xrf2);
	v4 =	vld [tilespmem:s9+$0x40];
	[tilespmem:s0+$0xD0] =	vst v28  }
0x13a: {  	v3 =	vmul.f32 v31, v3;
	v28 =	vperm.xlane v52, v1;
	v31 =	vld [tilespmem:s9+$0xD0]  }
0x13b: {  	v26 =	vmul.f32 v27, v26;
	v27 =	vld [tilespmem:s26+$0xD0]  }
0x13c: {  	v19 =	vld [tilespmem:s26+$0x40];
	(xrf2) =	vadd.scan.msk.f32 $0xffff, v3;
	v3 =	vmax.f32 v28, $-5.000000000e+00  }
0x13d: {  	v26 =	vmul.f32 v30, v26;
	v29 =	vmul.f32 v33, v29;
	v30 =	vld [tilespmem:s20+$0xD0];
	v3 =	vmin.f32 v3, $5.000000000e+00  }
0x13e: {  	v28 =	vld [tilespmem:s20+$0x40]  }
0x13f: {  	(xrf2) =	vadd.scan.msk.f32 $0xffff, v26;
	v26 =	vmul.f32 v34, v29  }
0x140: {  	v53 =	vmul.f32 $1.442695020e+00, v3;
	v3 =	vpop (erf);
	v27 =	vmul.f32 v27, v31  }
0x141: {  	v4 =	vmul.f32 v19, v4;
	v19 =	vmul.f32 v3, v35  }
0x142: {  	(erf) = vpow2.f32 v53;
	v27 =	vmul.f32 v30, v27  }
0x143: {  	v4 =	vmul.f32 v28, v4;
	[tilespmem:s14+$0xA0] =	vst v19  }
0x144: {  	(xrf2) =	vadd.scan.msk.f32 $0xffff, v26;
	v29, _, _ =	vpop (xrf2);
	v26 =	vld [tilespmem:s18+$0xA0]  }
0x145: {  	v19 =	vperm.xlane v29, v1;
	(xrf2) =	vadd.scan.msk.f32 $0xffff, v4;
	v4 =	vld [tilespmem:s17+$0xA0]  }
0x146: {  	v29 =	vld [tilespmem:s15+$0xFFFFFF10];
	(xrf2) =	vadd.scan.msk.f32 $0xffff, v27;
	v27, _, _ =	vpop (xrf2)  }
0x147: {  	v28 =	vld [tilespmem:s16+$0xA0];
	v19 =	vmax.f32 v19, $-5.000000000e+00;
	v27 =	vperm.xlane v27, v1  }
0x148: {  	v19 =	vmin.f32 v19, $5.000000000e+00  }
0x149: {  	v19 =	vmul.f32 $1.442695020e+00, v19  }
0x14a: {  	v4 =	vmul.f32 v4, v26  }
0x14b: {  	(erf) = vpow2.f32 v19;
	v19 =	vmax.f32 v27, $-5.000000000e+00;
	v27 =	vpop (erf)  }
0x14c: {  	v4 =	vmul.f32 v28, v4;
	v28 =	vmul.f32 v27, v29  }
0x14d: {  	v26, _, _ =	vpop (xrf2);
	v19 =	vmin.f32 v19, $5.000000000e+00  }
0x14e: {  	v26 =	vperm.xlane v26, v1;
	v19 =	vmul.f32 $1.442695020e+00, v19  }
0x14f: {  	v29, _, _ =	vpop (xrf2)  }
0x150: {  	v26 =	vmax.f32 v26, $-5.000000000e+00;
	(xrf2) =	vadd.scan.msk.f32 $0xffff, v4;
	v4 =	vld [tilespmem:s15+$0xFFFFFF90];
	(erf) = vpow2.f32 v19;
	[tilespmem:s14+$0xFFFFFEF0] =	vst v28;
	v28, _, _ =	vpop (xrf2)  }
0x151: {  	v19 =	vmin.f32 v26, $5.000000000e+00;
	v26 =	vperm.xlane v29, v1;
	v29 =	vld [tilespmem:s18+$0xFFFFFF20];
	v28 =	vperm.xlane v28, v1  }
0x152: {  	v31 =	vld [tilespmem:s17+$0xFFFFFF20]  }
0x153: {  	v19 =	vmul.f32 $1.442695020e+00, v19;
	v26 =	vmax.f32 v26, $-5.000000000e+00  }
0x154: {  	v54 =	vld [tilespmem:s16+$0xFFFFFF20];
	v26 =	vmin.f32 v26, $5.000000000e+00;
	v30, _, _ =	vpop (xrf2)  }
0x155: {  	(erf) = vpow2.f32 v19;
	v30 =	vperm.xlane v30, v1;
	v19 =	vmax.f32 v28, $-5.000000000e+00;
	v28 =	vpop (erf)  }
0x156: {  	v26 =	vmul.f32 $1.442695020e+00, v26;
	v19 =	vmin.f32 v19, $5.000000000e+00;
	v4 =	vmul.f32 v28, v4  }
0x157: {  	v30 =	vmax.f32 v30, $-5.000000000e+00;
	v29 =	vmul.f32 v31, v29;
	v19 =	vmul.f32 $1.442695020e+00, v19  }
0x158: {  	v55 =	vld [tilespmem:s15+$0x10];
	(erf) = vpow2.f32 v26;
	v30 =	vmin.f32 v30, $5.000000000e+00;
	[tilespmem:s14+$0xFFFFFF80] =	vst v4  }
0x159: {  	v26 =	vmul.f32 $1.442695020e+00, v30;
	v4 =	vmul.f32 v54, v29;
	v57 =	vld [tilespmem:s18+$0xFFFFFFA0]  }
0x15a: {  	(erf) = vpow2.f32 v19;
	v58 =	vld [tilespmem:s17+$0xFFFFFFA0]  }
0x15b: {  	(erf) = vpow2.f32 v26;
	v19, _, _ =	vpop (xrf2);
	(xrf2) =	vadd.scan.msk.f32 $0xffff, v4  }
0x15c: {  	v29 =	vpop (erf);
	v19 =	vperm.xlane v19, v1;
	v4 =	vld [tilespmem:s16+$0xFFFFFFA0]  }
0x15d: {  	v30 =	vld [tilespmem:s12+$0xFFFFFF40];
	v31 =	vmul.f32 v29, v55  }
0x15e: {  	v19 =	vmax.f32 v19, $-5.000000000e+00  }
0x15f: {  	v56 =	vld [tilespmem:s12+$0xFFFFFFC0];
	v19 =	vmin.f32 v19, $5.000000000e+00;
	v33 =	vmul.f32 v58, v57  }
0x160: {  	v36 =	vld [tilespmem:s12+$0xD0];
	v19 =	vmul.f32 $1.442695020e+00, v19  }
0x161: {  	v41 =	vld [tilespmem:s15+$0xA0];
	[tilespmem:s14+$0x10] =	vst v31;
	v31 =	vpop (erf);
	v4 =	vmul.f32 v4, v33  }
0x162: {  	v37 =	vld [tilespmem:s18+$0x20];
	v59 =	vmul.f32 v31, v30;
	v30 =	vpop (erf);
	(erf) = vpow2.f32 v19  }
0x163: {  	v38 =	vld [tilespmem:s17+$0x20];
	v32 =	vpop (erf)  }
0x164: {  	v39 =	vld [tilespmem:s16+$0x20];
	[tilespmem:s0+$0xFFFFFF20] =	vst v59;
	v19 =	vpop (erf)  }
0x165: {  	v60 =	vld [tilespmem:s9+$0xFFFFFF50];
	(xrf2) =	vadd.scan.msk.f32 $0xffff, v4;
	v36 =	vmul.f32 v19, v36;
	v4, _, _ =	vpop (xrf2)  }
0x166: {  	v40 =	vld [tilespmem:s26+$0xFFFFFF50];
	v4 =	vperm.xlane v4, v1  }
0x167: {  	v61 =	vld [tilespmem:s20+$0xFFFFFF50];
	[tilespmem:s0+$0xE0] =	vst v36  }
0x168: {  	v36 =	vld [tilespmem:s9+$0xE0];
	v4 =	vmax.f32 v4, $-5.000000000e+00  }
0x169: {  	v34 =	vmul.f32 v30, v56;
	v37 =	vmul.f32 v38, v37;
	v62 =	vld [tilespmem:s26+$0xE0]  }
0x16a: {  	v26 =	vld [tilespmem:s12+$0x40]  }
0x16b: {  	[tilespmem:s0+$0xFFFFFFB0] =	vst v34;
	v37 =	vmul.f32 v39, v37;
	v63 =	vld [tilespmem:s20+$0xE0];
	v35 =	vmul.f32 v40, v60;
	v44 =	vmin.f32 v4, $5.000000000e+00;
	v4 =	vpop (erf)  }
0x16c: {  	v48 =	vld [tilespmem:s9+$0xFFFFFFD0];
	v47 =	vmul.f32 v4, v41  }
0x16d: {  	v50 =	vld [tilespmem:s26+$0xFFFFFFD0];
	(xrf2) =	vadd.scan.msk.f32 $0xffff, v37;
	v33 =	vmul.f32 v61, v35  }
0x16e: {  	v55 =	vld [tilespmem:s20+$0xFFFFFFD0];
	v49 =	vmul.f32 v62, v36;
	[tilespmem:s14+$0xB0] =	vst v47  }
0x16f: {  	(xrf2) =	vadd.scan.msk.f32 $0xffff, v33;
	v51 =	vld [tilespmem:s18+$0xB0]  }
0x170: {  	v52 =	vmul.f32 v63, v49;
	v53 =	vld [tilespmem:s17+$0xB0]  }
0x171: {  	v26 =	vmul.f32 v32, v26  }
0x172: {  	s25 =	simm.s32 $0x2580;
	v54, _, _ =	vpop (xrf2);
	v56 =	vld [tilespmem:s16+$0xB0];
	(xrf2) =	vadd.scan.msk.f32 $0xffff, v52  }
0x173: {  	v45 =	vld [tilespmem:s25+$0x80];
	[tilespmem:s0+$0x40] =	vst v26;
	v36 =	vmul.f32 v50, v48;
	v26 =	vperm.xlane v54, v1  }
0x174: {  	v57 =	vld [tilespmem:s9+$0x50];
	v46 =	vmul.f32 $1.442695020e+00, v44  }
0x175: {  	s21 =	simm.s32 $0x580;
	v58 =	vld [tilespmem:s26+$0x50];
	v36 =	vmul.f32 v55, v36;
	v26 =	vmax.f32 v26, $-5.000000000e+00;
	v33 =	vmul.f32 v53, v51  }
0x176: {  	v61 =	vld [tilespmem:s21+$0x80];
	(erf) = vpow2.f32 v46;
	v26 =	vmin.f32 v26, $5.000000000e+00  }
0x177: {  	s4 =	simm.s32 $0x6580;
	v59 =	vld [tilespmem:s20+$0x50];
	v60, _, _ =	vpop (xrf2);
	(xrf2) =	vadd.scan.msk.f32 $0xffff, v36;
	v26 =	vmul.f32 $1.442695020e+00, v26;
	v34 =	vmul.f32 v56, v33  }
0x178: {  	v48 =	vld [tilespmem:s4+$0x80];
	v35 =	vperm.xlane v60, v1  }
0x179: {  	(erf) = vpow2.f32 v26;
	v47, _, _ =	vpop (xrf2);
	(xrf2) =	vadd.scan.msk.f32 $0xffff, v34  }
0x17a: {  	v42 =	vld [tilespmem:s15+$0xFFFFFF20];
	v62 =	vmul.f32 v58, v57;
	v26 =	vmax.f32 v35, $-5.000000000e+00;
	v49 =	vperm.xlane v47, v1  }
0x17b: {  	v43 =	vld [tilespmem:s15+$0xFFFFFFA0];
	v51 =	vmul.f32 v45, v61;
	v26 =	vmin.f32 v26, $5.000000000e+00  }
0x17c: {  	v40 =	vld [tilespmem:s15+$0x20];
	v35 =	vmul.f32 v59, v62;
	v26 =	vmul.f32 $1.442695020e+00, v26;
	v34 =	vmax.f32 v49, $-5.000000000e+00;
	v50, _, _ =	vpop (xrf2)  }
0x17d: {  	v52 =	vld [tilespmem:s21+$0xFFFFFF00];
	v41 =	vmul.f32 v48, v51;
	v34 =	vmin.f32 v34, $5.000000000e+00;
	v36 =	vperm.xlane v50, v1  }
0x17e: {  	(erf) = vpow2.f32 v26;
	v26 =	vld [tilespmem:s25+$0xFFFFFF00];
	v34 =	vmul.f32 $1.442695020e+00, v34  }
0x17f: {  	v54 =	vld [tilespmem:s4+$0xFFFFFF00];
	(xrf2) =	vadd.scan.msk.f32 $0xffff, v35;
	v36 =	vmax.f32 v36, $-5.000000000e+00  }
0x180: {  	v55 =	vld [tilespmem:s25+$0xFFFFFF80];
	v33 =	vpop (erf);
	(xrf2) =	vadd.scan.msk.f32 $0xffff, v41;
	v36 =	vmin.f32 v36, $5.000000000e+00  }
0x181: {  	v53 =	vld [tilespmem:s21+$0xFFFFFF80];
	v47, _, _ =	vpop (xrf2);
	v36 =	vmul.f32 $1.442695020e+00, v36  }
0x182: {  	v56 =	vld [tilespmem:s21+$0x0];
	(erf) = vpow2.f32 v34;
	v57 =	vperm.xlane v47, v1;
	v34 =	vpop (erf)  }
0x183: {  	v48 =	vld [tilespmem:s25+$0x0];
	v26 =	vmul.f32 v26, v52;
	(erf) = vpow2.f32 v36;
	v59, _, _ =	vpop (xrf2)  }
0x184: {  	v58 =	vld [tilespmem:s4+$0xFFFFFF80];
	v63 =	vmul.f32 v33, v42;
	v49 =	vperm.xlane v59, v1  }
0x185: {  	v26 =	vmul.f32 v54, v26;
	v36 =	vmax.f32 v57, $-5.000000000e+00  }
0x186: {  	v41 =	vmul.f32 v55, v53;
	[tilespmem:s14+$0xFFFFFF00] =	vst v63;
	v50 =	vld [tilespmem:s4+$0x0];
	v36 =	vmin.f32 v36, $5.000000000e+00;
	v61 =	vmax.f32 v49, $-5.000000000e+00  }
0x187: {  	v62 =	vld [tilespmem:s12+$0xE0];
	v43 =	vmul.f32 v34, v43;
	(xrf2) =	vadd.scan.msk.f32 $0xffff, v26;
	v36 =	vmul.f32 $1.442695020e+00, v36;
	v26 =	vmin.f32 v61, $5.000000000e+00  }
0x188: {  	v55 =	vmul.f32 v48, v56;
	v37 =	vld [tilespmem:s18+$0xFFFFFF30];
	v35 =	vpop (erf);
	v26 =	vmul.f32 $1.442695020e+00, v26  }
0x189: {  	v60 =	vld [tilespmem:s17+$0xFFFFFF30];
	v41 =	vmul.f32 v58, v41;
	[tilespmem:s14+$0xFFFFFF90] =	vst v43;
	v40 =	vmul.f32 v35, v40;
	v54, _, _ =	vpop (xrf2)  }
0x18a: {  	v63 =	vld [tilespmem:s18+$0xFFFFFFB0];
	v57, _, _ =	vpop (xrf2)  }
0x18b: {  	v56 =	vld [tilespmem:s17+$0xFFFFFFB0];
	(xrf2) =	vadd.scan.msk.f32 $0xffff, v41;
	[tilespmem:s14+$0x20] =	vst v40;
	v40 =	vmul.f32 v50, v55;
	(erf) = vpow2.f32 v36;
	v36 =	vpop (erf)  }
0x18c: {  	v58 =	vld [tilespmem:s16+$0xFFFFFF30];
	v47 =	vperm.xlane v54, v1;
	(erf) = vpow2.f32 v26;
	v26 =	vpop (erf)  }
0x18d: {  	v51 =	vld [tilespmem:s16+$0xFFFFFFB0];
	v41 =	vperm.xlane v57, v1;
	(xrf2) =	vadd.scan.msk.f32 $0xffff, v40;
	v43 =	vmul.f32 v26, v62  }
0x18e: {  	v6 =	vnsel vm0, $0x0, v6;
	v5 =	vnsel vm0, $0x0, v5;
	v46 =	vld [tilespmem:s12+$0xFFFFFF50];
	v47 =	vmax.f32 v47, $-5.000000000e+00  }
0x18f: {  	v37 =	vmul.f32 v60, v37;
	v48 =	vld [tilespmem:s18+$0x30];
	v47 =	vmin.f32 v47, $5.000000000e+00;
	v41 =	vmax.f32 v41, $-5.000000000e+00;
	[tilespmem:s0+$0xF0] =	vst v43  }
0x190: {  	v59 =	vmul.f32 $1.442695020e+00, v47;
	v41 =	vmin.f32 v41, $5.000000000e+00;
	v62 =	vmul.f32 v56, v63;
	v43 =	vld [tilespmem:s9+$0xF0]  }
0x191: {  	v7 =	vnsel vm0, $0x0, v7;
	v42 =	vmul.f32 v58, v37;
	v41 =	vmul.f32 $1.442695020e+00, v41;
	v61 =	vld [tilespmem:s26+$0xF0]  }
0x192: {  	v54 =	vadd.f32 $0.0e+00, v5;
	v50 =	vld [tilespmem:s17+$0x30];
	(erf) = vpow2.f32 v59;
	v5 =	vmul.f32 v51, v62  }
0x193: {  	v15 =	vsel vm1, $0x0, v15;
	v13 =	vsel vm1, $0x0, v13;
	(xrf2) =	vadd.scan.msk.f32 $0xffff, v42;
	(erf) = vpow2.f32 v41;
	v63, _, _ =	vpop (xrf2);
	v53 =	vld [tilespmem:s20+$0xF0]  }
0x194: {  	v16 =	vsel vm2, $0x0, v16;
	v17 =	vsel vm2, $0x0, v17;
	v60 =	vld [tilespmem:s15+$0xB0];
	v45 =	vperm.xlane v63, v1;
	(xrf2) =	vadd.scan.msk.f32 $0xffff, v5  }
0x195: {  	v38 =	vld [tilespmem:s12+$0xFFFFFFD0];
	v52 =	vadd.f32 $0.0e+00, v6;
	v13 =	vadd.f32 v13, v54;
	v46 =	vmul.f32 v36, v46;
	v55, _, _ =	vpop (xrf2)  }
0x196: {  	v44 =	vld [tilespmem:s16+$0x30];
	v37 =	vpop (erf);
	v57 =	vperm.xlane v55, v1;
	v45 =	vmax.f32 v45, $-5.000000000e+00;
	v5 =	vmul.f32 v61, v43  }
0x197: {  	s24 =	simm.s32 $0x4580;
	v13 =	vadd.f32 v17, v13;
	v48 =	vmul.f32 v50, v48;
	v56 =	vmin.f32 v45, $5.000000000e+00;
	v59, _, _ =	vpop (xrf2)  }
0x198: {  	v58 =	vld [tilespmem:s24+$0x80];
	v45 =	vmax.f32 v57, $-5.000000000e+00;
	v6 =	vpop (erf);
	v43 =	vmul.f32 $1.442695020e+00, v56;
	v5 =	vmul.f32 v53, v5  }
0x199: {  	v45 =	vmin.f32 v45, $5.000000000e+00;
	v47 =	vmul.f32 v6, v60;
	v60 =	vperm.xlane v59, v1  }
0x19a: {  	v62 =	vadd.f32 v15, v52;
	v45 =	vmul.f32 $1.442695020e+00, v45;
	(erf) = vpow2.f32 v43  }
0x19b: {  	v39 =	vld [tilespmem:s12+$0x50];
	[tilespmem:s0+$0xFFFFFF30] =	vst v46;
	v48 =	vmul.f32 v44, v48;
	v63 =	vmul.f32 v37, v38;
	v38 =	vpop (erf);
	v46 =	vmax.f32 v60, $-5.000000000e+00  }
0x19c: {  	v17 =	vld [tilespmem:s24+$0xFFFFFF80];
	[tilespmem:s14+$0xC0] =	vst v47;
	v56 =	vmin.f32 v46, $5.000000000e+00;
	(erf) = vpow2.f32 v45;
	(xrf2) =	vadd.scan.msk.f32 $0xffff, v5;
	v5 =	vpop (erf)  }
0x19d: {  	v40 =	vadd.f32 $0.0e+00, v7;
	v50 =	vld [tilespmem:s18+$0xC0];
	v45 =	vmul.f32 $1.442695020e+00, v56;
	v57 =	vmul.f32 v5, v58;
	v58, _, _ =	vpop (xrf2)  }
0x19e: {  	v12 =	vsel vm1, $0x0, v12;
	v16 =	vadd.f32 v16, v62;
	v61 =	vld [tilespmem:s17+$0xC0];
	(xrf2) =	vadd.scan.msk.f32 $0xffff, v48;
	v62, _, _ =	vpop (xrf2)  }
0x19f: {  	s1 =	simm.s32 $0x8620;
	v12 =	vadd.f32 v12, v40;
	v59 =	vld [tilespmem:s24+$0xFFFFFF00];
	(erf) = vpow2.f32 v45;
	v45 =	vperm.xlane v62, v1  }
0x1a0: {  	v18 =	vsel vm2, $0x0, v18;
	v52 =	vld [tilespmem:s16+$0xC0];
	[tilespmem:s1+$0x90] =	vst v57  }
0x1a1: {  	v18 =	vadd.f32 v18, v12;
	v49 =	vld [tilespmem:s21+$0x90];
	v12 =	vmax.f32 v45, $-5.000000000e+00  }
0x1a2: {  	v22 =	vnsel vm0, $0x0, v22;
	[tilespmem:s0+$0xFFFFFFC0] =	vst v63;
	v63 =	vld [tilespmem:s25+$0x90];
	v12 =	vmin.f32 v12, $5.000000000e+00  }
0x1a3: {  	v21 =	vnsel vm0, $0x0, v21;
	v55 =	vmul.f32 v38, v39;
	v60 =	vmul.f32 v61, v50;
	v39 =	vpop (erf)  }
0x1a4: {  	v23 =	vsel vm3, $0x0, v23;
	v47 =	vperm.xlane v58, v1;
	v56 =	vld [tilespmem:s4+$0x90];
	v57 =	vmul.f32 v39, v59  }
0x1a5: {  	v24 =	vsel vm3, $0x0, v24;
	v7 =	vld [tilespmem:s15+$0x30];
	v48 =	vmul.f32 v52, v60;
	v60 =	vmul.f32 $1.442695020e+00, v12;
	v12 =	vpop (erf)  }
0x1a6: {  	v25 =	vsel vm3, $0x0, v25;
	v58 =	vld [tilespmem:s24+$0x0];
	v61 =	vmax.f32 v47, $-5.000000000e+00;
	[tilespmem:s1+$0xFFFFFEE0] =	vst v57;
	v17 =	vmul.f32 v12, v17  }
0x1a7: {  	v24 =	vadd.f32 v24, v13;
	v40 =	vmin.f32 v61, $5.000000000e+00;
	(xrf2) =	vadd.scan.msk.f32 $0xffff, v48;
	v59, _, _ =	vpop (xrf2);
	v61 =	vmul.f32 v63, v49;
	v63 =	vld [tilespmem:s21+$0xFFFFFF10]  }
0x1a8: {  	v23 =	vadd.f32 v23, v16;
	v40 =	vmul.f32 $1.442695020e+00, v40;
	v62 =	vperm.xlane v59, v1;
	v16 =	vld [tilespmem:s25+$0xFFFFFF10];
	v54, _, _ =	vpop (xrf2);
	[tilespmem:s1+$0xFFFFFF70] =	vst v17  }
0x1a9: {  	v25 =	vadd.f32 v25, v18;
	v45 =	vmul.f32 v56, v61;
	v17 =	vperm.xlane v54, v1;
	v56 =	vld [tilespmem:s21+$0xFFFFFF90]  }
0x1aa: {  	v18 =	vadd.f32 $0.0e+00, v22;
	(erf) = vpow2.f32 v40;
	v47 =	vmax.f32 v62, $-5.000000000e+00;
	v57 =	vld [tilespmem:s25+$0xFFFFFF90]  }
0x1ab: {  	[tilespmem:s0+$0x50] =	vst v55;
	(erf) = vpow2.f32 v60;
	v55 =	vld [tilespmem:s4+$0xFFFFFF10];
	v13 =	vpop (erf);
	v47 =	vmin.f32 v47, $5.000000000e+00;
	v17 =	vmax.f32 v17, $-5.000000000e+00  }
0x1ac: {  	v46 =	vmul.f32 v13, v58;
	(xrf2) =	vadd.scan.msk.f32 $0xffff, v45;
	v22 =	vmul.f32 $1.442695020e+00, v47;
	v58 =	vld [tilespmem:s4+$0xFFFFFF90];
	v17 =	vmin.f32 v17, $5.000000000e+00  }
0x1ad: {  	v21 =	vadd.f32 $0.0e+00, v21;
	v42 =	vld [tilespmem:s15+$0xFFFFFF30];
	v17 =	vmul.f32 $1.442695020e+00, v17  }
0x1ae: {  	v27 =	vsel vm1, $0x0, v27;
	v41 =	vld [tilespmem:s15+$0xFFFFFFB0];
	[tilespmem:s1+$0x0] =	vst v46;
	v16 =	vmul.f32 v16, v63;
	(erf) = vpow2.f32 v22  }
0x1af: {  	v27 =	vadd.f32 v27, v18;
	v18 =	vld [tilespmem:s25+$0x10];
	(erf) = vpow2.f32 v17;
	v17 =	vmul.f32 v57, v56  }
0x1b0: {  	v28 =	vsel vm1, $0x0, v28;
	v22 =	vld [tilespmem:s21+$0x10];
	v48 =	vmul.f32 v55, v16  }
0x1b1: {  	v21 =	vadd.f32 v28, v21;
	v28 =	vld [tilespmem:s20+$0xFFFFFF60];
	v59, _, _ =	vpop (xrf2);
	v17 =	vmul.f32 v58, v17  }
0x1b2: {  	v20 =	vnsel vm0, $0x0, v20;
	v44 =	vld [tilespmem:s26+$0xFFFFFF60];
	v60 =	vperm.xlane v59, v1;
	(xrf2) =	vadd.scan.msk.f32 $0xffff, v48  }
0x1b3: {  	v20 =	vadd.f32 $0.0e+00, v20;
	v61 =	vld [tilespmem:s4+$0x10];
	(xrf2) =	vadd.scan.msk.f32 $0xffff, v17;
	v17 =	vsel vm4, $0x0, v31  }
0x1b4: {  	v29 =	vsel vm1, $0x0, v29;
	v15 =	vld [tilespmem:s9+$0xFFFFFF60];
	v16 =	vpop (erf);
	v49 =	vmax.f32 v60, $-5.000000000e+00  }
0x1b5: {  	v20 =	vadd.f32 v29, v20;
	v43 =	vld [tilespmem:s9+$0xFFFFFFE0];
	v62 =	vmin.f32 v49, $5.000000000e+00;
	v22 =	vmul.f32 v18, v22;
	v18 =	vpop (erf)  }
0x1b6: {  	v50 =	vld [tilespmem:s26+$0xFFFFFFE0];
	v42 =	vmul.f32 v16, v42;
	v48 =	vmul.f32 $1.442695020e+00, v62;
	v29 =	vadd.f32 v17, v23;
	v17, _, _ =	vpop (xrf2)  }
0x1b7: {  	v40 =	vld [tilespmem:s9+$0x60];
	v41 =	vmul.f32 v18, v41;
	v52 =	vperm.xlane v17, v1;
	v17 =	vsel vm2, $0x0, v33  }
0x1b8: {  	v63 =	vld [tilespmem:s20+$0xFFFFFFE0];
	[tilespmem:s14+$0xFFFFFF10] =	vst v42;
	(erf) = vpow2.f32 v48;
	v22 =	vmul.f32 v61, v22  }
0x1b9: {  	v15 =	vmul.f32 v44, v15;
	v42 =	vld [tilespmem:s18+$0xFFFFFF40];
	v23 =	vsel vm4, $0x0, v30;
	v30 =	vsel vm4, $0x0, v32;
	[tilespmem:s14+$0xFFFFFFA0] =	vst v41  }
0x1ba: {  	v30 =	vadd.f32 v30, v25;
	v54 =	vld [tilespmem:s18+$0xFFFFFFC0];
	(xrf2) =	vadd.scan.msk.f32 $0xffff, v22;
	v25 =	vadd.f32 v17, v27;
	v17 =	vpop (erf)  }
0x1bb: {  	v53 =	vadd.f32 v23, v24;
	v55 =	vld [tilespmem:s17+$0xFFFFFFC0];
	v22 =	vsel vm2, $0x0, v34;
	v23 =	vmax.f32 v52, $-5.000000000e+00;
	v24 =	vpop (erf)  }
0x1bc: {  	v51 =	vld [tilespmem:s17+$0xFFFFFF40];
	v27 =	vadd.f32 v22, v21;
	v22 =	vmin.f32 v23, $5.000000000e+00;
	v7 =	vmul.f32 v24, v7  }
0x1bd: {  	v28 =	vmul.f32 v28, v15;
	v21 =	vld [tilespmem:s15+$0xC0];
	v15, _, _ =	vpop (xrf2);
	v22 =	vmul.f32 $1.442695020e+00, v22  }
0x1be: {  	v56 =	vld [tilespmem:s16+$0xFFFFFF40];
	v23 =	vsel vm2, $0x0, v35;
	v57 =	vperm.xlane v15, v1;
	[tilespmem:s14+$0x30] =	vst v7;
	v7 =	vsel vm5, $0x0, v36  }
0x1bf: {  	(xrf2) =	vadd.scan.msk.f32 $0xffff, v28;
	v23 =	vadd.f32 v23, v20;
	v20 =	vmul.f32 v50, v43;
	(erf) = vpow2.f32 v22;
	v22 =	vld [tilespmem:s16+$0xFFFFFFC0]  }
0x1c0: {  	v45 =	vld [tilespmem:s26+$0x60];
	v58 =	vmul.f32 v55, v54;
	v60 =	vmax.f32 v57, $-5.000000000e+00;
	v61, _, _ =	vpop (xrf2)  }
0x1c1: {  	v20 =	vmul.f32 v63, v20;
	v63 =	vld [tilespmem:s24+$0x90];
	v36 =	vperm.xlane v61, v1;
	v15 =	vadd.f32 v7, v29;
	v7 =	vpop (erf)  }
0x1c2: {  	v34 =	vmin.f32 v60, $5.000000000e+00;
	v29 =	vmul.f32 v51, v42;
	v28 =	vld [tilespmem:s18+$0x40];
	v62 =	vmul.f32 v7, v21  }
0x1c3: {  	v8 =	vnsel vm0, $0x0, v8;
	v34 =	vmul.f32 $1.442695020e+00, v34;
	v59 =	vld [tilespmem:s17+$0x40];
	(xrf2) =	vadd.scan.msk.f32 $0xffff, v20  }
0x1c4: {  	v20 =	vld [tilespmem:s16+$0x40];
	v46, _, _ =	vpop (xrf2);
	v29 =	vmul.f32 v56, v29;
	v32 =	vmul.f32 v22, v58;
	v22 =	vmax.f32 v36, $-5.000000000e+00;
	[tilespmem:s14+$0xD0] =	vst v62  }
0x1c5: {  	v9 =	vsel vm1, $0x0, v9;
	v36 =	vperm.xlane v46, v1;
	v22 =	vmin.f32 v22, $5.000000000e+00;
	v47 =	vld [tilespmem:s18+$0xD0]  }
0x1c6: {  	v38 =	vsel vm5, $0x0, v38;
	(erf) = vpow2.f32 v34;
	(xrf2) =	vadd.scan.msk.f32 $0xffff, v29;
	v50 =	vmul.f32 $1.442695020e+00, v22;
	v48 =	vld [tilespmem:s17+$0xD0]  }
0x1c7: {  	v49 =	vld [tilespmem:s20+$0x60];
	v22 =	vadd.f32 v38, v30;
	v30 =	vadd.f32 $0.0e+00, v8;
	v8 =	vmax.f32 v36, $-5.000000000e+00  }
0x1c8: {  	v10 =	vsel vm2, $0x0, v10;
	v28 =	vmul.f32 v59, v28;
	v51 =	vld [tilespmem:s16+$0xD0];
	(erf) = vpow2.f32 v50  }
0x1c9: {  	v11 =	vsel vm3, $0x0, v11;
	v31 =	vld [tilespmem:s24+$0xFFFFFF10];
	v21 =	vsel vm5, $0x0, v37;
	v54, _, _ =	vpop (xrf2);
	v9 =	vadd.f32 v9, v30  }
0x1ca: {  	v41 =	vld [tilespmem:s15+$0xFFFFFFC0];
	(xrf2) =	vadd.scan.msk.f32 $0xffff, v32;
	v38 =	vperm.xlane v54, v1;
	v52 =	vmin.f32 v8, $5.000000000e+00;
	v20 =	vmul.f32 v20, v28;
	v8 =	vpop (erf)  }
0x1cb: {  	v35 =	vld [tilespmem:s24+$0xFFFFFF90];
	v37 =	vmul.f32 v8, v63;
	v9 =	vadd.f32 v10, v9;
	v34 =	vmul.f32 v48, v47  }
0x1cc: {  	v60 =	vld [tilespmem:s12+$0xFFFFFFE0];
	v21 =	vadd.f32 v21, v53;
	v53 =	vmul.f32 $1.442695020e+00, v52;
	v56 =	vmax.f32 v38, $-5.000000000e+00;
	(xrf2) =	vadd.scan.msk.f32 $0xffff, v20  }
0x1cd: {  	v29 =	vld [tilespmem:s24+$0x10];
	v10, _, _ =	vpop (xrf2);
	[tilespmem:s1+$0xA0] =	vst v37;
	v11 =	vadd.f32 v11, v9;
	v9 =	vmin.f32 v56, $5.000000000e+00;
	v33 =	vmul.f32 v51, v34  }
0x1ce: {  	(erf) = vpow2.f32 v53;
	v10 =	vperm.xlane v10, v1;
	v55 =	vld [tilespmem:s21+$0xA0]  }
0x1cf: {  	v14 =	vsel vm4, $0x0, v14;
	v37 =	vld [tilespmem:s25+$0xA0];
	v34 =	vpop (erf)  }
0x1d0: {  	v36 =	vld [tilespmem:s12+$0xFFFFFF60];
	v58 =	vmul.f32 $1.442695020e+00, v9;
	v10 =	vmax.f32 v10, $-5.000000000e+00;
	v9, _, _ =	vpop (xrf2);
	(xrf2) =	vadd.scan.msk.f32 $0xffff, v33;
	v31 =	vmul.f32 v34, v31  }
0x1d1: {  	v57 =	vmul.f32 v45, v40;
	v59 =	vld [tilespmem:s4+$0xA0];
	v10 =	vmin.f32 v10, $5.000000000e+00;
	v61 =	vperm.xlane v9, v1;
	v33 =	vpop (erf)  }
0x1d2: {  	v19 =	vsel vm5, $0x0, v19;
	v28 =	vld [tilespmem:s12+$0xF0];
	v10 =	vmul.f32 $1.442695020e+00, v10;
	[tilespmem:s1+$0xFFFFFEF0] =	vst v31;
	v35 =	vmul.f32 v33, v35  }
0x1d3: {  	v26 =	vsel vm6, $0x0, v26;
	v38 =	vmul.f32 v49, v57;
	(erf) = vpow2.f32 v58;
	v31 =	vld [tilespmem:s21+$0xFFFFFF20]  }
0x1d4: {  	v63, _, _ =	vpop (xrf2);
	v32 =	vmul.f32 v37, v55;
	v62 =	vmax.f32 v61, $-5.000000000e+00;
	(erf) = vpow2.f32 v10;
	v10 =	vld [tilespmem:s25+$0xFFFFFF20];
	[tilespmem:s1+$0xFFFFFF80] =	vst v35  }
0x1d5: {  	v11 =	vadd.f32 v14, v11;
	v43 =	vperm.xlane v63, v1;
	(xrf2) =	vadd.scan.msk.f32 $0xffff, v38;
	v37 =	vmin.f32 v62, $5.000000000e+00;
	v14 =	vld [tilespmem:s21+$0xFFFFFFA0]  }
0x1d6: {  	v20 =	vnsel vm0, $0x0, v39;
	v32 =	vmul.f32 v59, v32;
	v37 =	vmul.f32 $1.442695020e+00, v37;
	v47, _, _ =	vpop (xrf2);
	v48 =	vld [tilespmem:s25+$0xFFFFFFA0]  }
0x1d7: {  	v11 =	vadd.f32 v19, v11;
	v46 =	vmax.f32 v43, $-5.000000000e+00;
	v45 =	vld [tilespmem:s4+$0xFFFFFF20];
	v43 =	vperm.xlane v47, v1;
	v35 =	vpop (erf)  }
0x1d8: {  	v49 =	vadd.f32 $0.0e+00, v20;
	(xrf2) =	vadd.scan.msk.f32 $0xffff, v32;
	(erf) = vpow2.f32 v37;
	v20 =	vld [tilespmem:s4+$0xFFFFFFA0];
	v29 =	vmul.f32 v35, v29  }
0x1d9: {  	v30 =	vld [tilespmem:s15+$0xFFFFFF40];
	v11 =	vadd.f32 v26, v11;
	v40 =	vmin.f32 v46, $5.000000000e+00  }
0x1da: {  	v39 =	vld [tilespmem:s15+$0x40];
	v10 =	vmul.f32 v10, v31;
	v31 =	vmax.f32 v43, $-5.000000000e+00;
	[tilespmem:s1+$0x10] =	vst v29;
	v29 =	vmul.f32 $1.442695020e+00, v40;
	v50, _, _ =	vpop (xrf2)  }
0x1db: {  	v9 =	vld [tilespmem:s12+$0x60];
	v31 =	vmin.f32 v31, $5.000000000e+00;
	v40 =	vperm.xlane v50, v1;
	v14 =	vmul.f32 v48, v14  }
0x1dc: {  	v12 =	vnsel vm0, $0x0, v12;
	v19 =	vld [tilespmem:s21+$0x20];
	v10 =	vmul.f32 v45, v10;
	v53 =	vmul.f32 $1.442695020e+00, v31  }
0x1dd: {  	v16 =	vsel vm3, $0x0, v16;
	v51 =	vld [tilespmem:s25+$0x20];
	(erf) = vpow2.f32 v29;
	v14 =	vmul.f32 v20, v14  }
0x1de: {  	v18 =	vsel vm3, $0x0, v18;
	v55 =	vsel vm7, $0x0, v17;
	v26 =	vld [tilespmem:s24+$0xFFFFFFA0];
	(xrf2) =	vadd.scan.msk.f32 $0xffff, v10;
	v29 =	vpop (erf);
	(erf) = vpow2.f32 v53  }
0x1df: {  	v32 =	vadd.f32 v55, v11;
	v52 =	vld [tilespmem:s4+$0x20];
	v11, _, _ =	vpop (xrf2);
	v54 =	vmax.f32 v40, $-5.000000000e+00;
	v36 =	vmul.f32 v29, v36  }
0x1e0: {  	v16 =	vadd.f32 v16, v25;
	v31 =	vld [tilespmem:s24+$0xFFFFFF20];
	v11 =	vperm.xlane v11, v1;
	v10 =	vmin.f32 v54, $5.000000000e+00;
	v56 =	vpop (erf)  }
0x1e1: {  	v20 =	vld [tilespmem:s24+$0x20];
	v10 =	vmul.f32 $1.442695020e+00, v10;
	(xrf2) =	vadd.scan.msk.f32 $0xffff, v14;
	v42 =	vmul.f32 v56, v60;
	[tilespmem:s0+$0xFFFFFF40] =	vst v36;
	v14 =	vpop (erf)  }
0x1e2: {  	v11 =	vmax.f32 v11, $-5.000000000e+00;
	v19 =	vmul.f32 v51, v19;
	v57, _, _ =	vpop (xrf2);
	v36 =	vld [tilespmem:s9+$0xFFFFFF70];
	v30 =	vmul.f32 v14, v30  }
0x1e3: {  	v11 =	vmin.f32 v11, $5.000000000e+00;
	(erf) = vpow2.f32 v10;
	v25 =	vperm.xlane v57, v1;
	v10 =	vld [tilespmem:s26+$0xFFFFFF70]  }
0x1e4: {  	v27 =	vadd.f32 v18, v27;
	v11 =	vmul.f32 $1.442695020e+00, v11;
	v58 =	vld [tilespmem:s20+$0xFFFFFF70];
	v18 =	vmul.f32 v52, v19  }
0x1e5: {  	v13 =	vnsel vm0, $0x0, v13;
	v12 =	vadd.f32 $0.0e+00, v12;
	[tilespmem:s0+$0xFFFFFFD0] =	vst v42;
	v52 =	vld [tilespmem:s24+$0xA0];
	v19 =	vmax.f32 v25, $-5.000000000e+00  }
0x1e6: {  	v13 =	vadd.f32 $0.0e+00, v13;
	v59 =	vld [tilespmem:s9+$0xFFFFFFF0];
	[tilespmem:s14+$0xFFFFFF20] =	vst v30;
	(xrf2) =	vadd.scan.msk.f32 $0xffff, v18;
	v18 =	vmin.f32 v19, $5.000000000e+00;
	v30 =	vpop (erf)  }
0x1e7: {  	v24 =	vsel vm3, $0x0, v24;
	v48 =	vmul.f32 v17, v28;
	v19 =	vld [tilespmem:s15+$0xD0];
	v18 =	vmul.f32 $1.442695020e+00, v18;
	v62 =	vpop (erf)  }
0x1e8: {  	v17 =	vsel vm1, $0x0, v34;
	v25 =	vld [tilespmem:s18+$0xFFFFFF50];
	v10 =	vmul.f32 v10, v36;
	(erf) = vpow2.f32 v11;
	v11, _, _ =	vpop (xrf2)  }
0x1e9: {  	v23 =	vadd.f32 v24, v23;
	v61 =	vld [tilespmem:s17+$0xFFFFFF50];
	v41 =	vmul.f32 v30, v41;
	v11 =	vperm.xlane v11, v1  }
0x1ea: {  	v33 =	vsel vm1, $0x0, v33;
	v60 =	vld [tilespmem:s26+$0xFFFFFFF0];
	(erf) = vpow2.f32 v18;
	v18 =	vmul.f32 v58, v10  }
0x1eb: {  	v34 =	vadd.f32 v17, v49;
	v28 =	vld [tilespmem:s16+$0xFFFFFF50];
	v39 =	vmul.f32 v62, v39;
	[tilespmem:s14+$0xFFFFFFB0] =	vst v41;
	v17, _, _ =	vpop (xrf2);
	v11 =	vmax.f32 v11, $-5.000000000e+00  }
0x1ec: {  	v24 =	vld [tilespmem:s18+$0xFFFFFFD0];
	v50 =	vperm.xlane v17, v1;
	v10 =	vpop (erf);
	(xrf2) =	vadd.scan.msk.f32 $0xffff, v18;
	v11 =	vmin.f32 v11, $5.000000000e+00;
	v18 =	vadd.f32 v33, v12  }
0x1ed: {  	v63 =	vld [tilespmem:s17+$0xFFFFFFD0];
	v12 =	vsel vm1, $0x0, v35;
	v19 =	vmul.f32 v10, v19;
	v11 =	vmul.f32 $1.442695020e+00, v11  }
0x1ee: {  	[tilespmem:s14+$0x40] =	vst v39;
	v54 =	vld [tilespmem:s16+$0xFFFFFFD0];
	v17 =	vadd.f32 v12, v13;
	v12 =	vmul.f32 v61, v25;
	v13 =	vmax.f32 v50, $-5.000000000e+00  }
0x1ef: {  	v49 =	vld [tilespmem:s18+$0x50];
	v13 =	vmin.f32 v13, $5.000000000e+00;
	[tilespmem:s14+$0xE0] =	vst v19;
	v19 =	vsel vm6, $0x0, v29;
	(erf) = vpow2.f32 v11  }
0x1f0: {  	v11 =	vsel vm4, $0x0, v14;
	v14, _, _ =	vpop (xrf2);
	v13 =	vmul.f32 $1.442695020e+00, v13;
	v12 =	vmul.f32 v28, v12;
	v25 =	vld [tilespmem:s18+$0xE0]  }
0x1f1: {  	v28 =	vsel vm6, $0x0, v56;
	v53 =	vld [tilespmem:s17+$0xE0];
	v19 =	vadd.f32 v19, v15;
	v14 =	vperm.xlane v14, v1  }
0x1f2: {  	v51 =	vld [tilespmem:s17+$0x50];
	v16 =	vadd.f32 v11, v16;
	v15 =	vsel vm4, $0x0, v30;
	v30 =	vmul.f32 v60, v59  }
0x1f3: {  	v56 =	vld [tilespmem:s16+$0xE0];
	v55 =	vpop (erf);
	(erf) = vpow2.f32 v13;
	(xrf2) =	vadd.scan.msk.f32 $0xffff, v12;
	v12 =	vadd.f32 v28, v21;
	v14 =	vmax.f32 v14, $-5.000000000e+00  }
0x1f4: {  	v29 =	vld [tilespmem:s15+$0xFFFFFF50];
	v15 =	vadd.f32 v15, v27;
	v27 =	vsel vm4, $0x0, v62;
	v11 =	vpop (erf);
	v57 =	vmin.f32 v14, $5.000000000e+00  }
0x1f5: {  	v13 =	vld [tilespmem:s16+$0x50];
	v21 =	vmul.f32 v11, v52;
	v14 =	vadd.f32 v27, v23;
	v27 =	vmul.f32 $1.442695020e+00, v57  }
0x1f6: {  	v28 =	vld [tilespmem:s15+$0xFFFFFFD0];
	v9 =	vmul.f32 v55, v9;
	v25 =	vmul.f32 v53, v25;
	v58, _, _ =	vpop (xrf2)  }
0x1f7: {  	[tilespmem:s1+$0xB0] =	vst v21;
	v21 =	vld [tilespmem:s15+$0x50];
	(erf) = vpow2.f32 v27;
	v33 =	vperm.xlane v58, v1  }
0x1f8: {  	v23 =	vmul.f32 v51, v49;
	v59 =	vld [tilespmem:s21+$0xB0];
	v25 =	vmul.f32 v56, v25  }
0x1f9: {  	v24 =	vmul.f32 v63, v24;
	v60 =	vsel vm6, $0x0, v55;
	[tilespmem:s0+$0x60] =	vst v9;
	v61 =	vld [tilespmem:s25+$0xB0];
	v27 =	vpop (erf);
	v62 =	vmax.f32 v33, $-5.000000000e+00  }
0x1fa: {  	v35 =	vld [tilespmem:s9+$0x70];
	v63 =	vmul.f32 v27, v31;
	v31 =	vmul.f32 v13, v23;
	(xrf2) =	vadd.scan.msk.f32 $0xffff, v25;
	v23 =	vmin.f32 v62, $5.000000000e+00  }
0x1fb: {  	v9 =	vadd.f32 v60, v22;
	v22 =	vmul.f32 v54, v24;
	v24 =	vld [tilespmem:s4+$0xB0]  }
0x1fc: {  	[tilespmem:s0+$0x110] =	vst v32;
	v36 =	vld [tilespmem:s26+$0x70];
	v13 =	vsel vm2, $0x0, v27  }
0x1fd: {  	s8 =	simm.s32 $0x8;
	s6 =	simm.s32 $0x2580;
	s3 =	simm.s32 $0x4580;
	v33 =	vld [tilespmem:s20+$0xFFFFFFF0];
	v13 =	vadd.f32 v13, v34;
	(xrf2) =	vadd.scan.msk.f32 $0xffff, v22;
	v25 =	vmul.f32 $1.442695020e+00, v23;
	[tilespmem:s1+$0xFFFFFF00] =	vst v63;
	v23 =	vpop (erf)  }
0x1fe: {  	s2 =	simm.s32 $0x8620;
	[tilespmem:s0+$0x100] =	vst v48;
	s9 =	simm.s32 $0x780;
	s26 =	simm.s32 $0x6580;
	v27 =	vmul.f32 v61, v59;
	v34, _, _ =	vpop (xrf2);
	v32 =	vld [tilespmem:s21+$0xFFFFFF30];
	v26 =	vmul.f32 v23, v26;
	v23 =	vsel vm2, $0x0, v23  }
.LBB2_8:
0x1ff: {  	v37 =	vld [tilespmem:s9+$0x80];
	v22 =	vadd.f32 v23, v18;
	s25 =	sadd.s32 $0x200, s25;
	v18 =	vperm.xlane v34, v1;
	(erf) = vpow2.f32 v25  }
0x200: {  	v25 =	vld [tilespmem:s25+$0x80];
	[tilespmem:s1+$0xFFFFFF90] =	vst v26;
	v23 =	vmul.f32 v24, v27;
	v24 =	vpop (erf)  }
0x201: {  	s4 =	sadd.s32 $0x200, s4;
	v26 =	vld [tilespmem:s25+$0xFFFFFF00];
	v38 =	vmul.f32 v24, v20;
	v27 =	vmax.f32 v18, $-5.000000000e+00;
	v18 =	vmul.f32 v36, v35  }
0x202: {  	v24 =	vsel vm2, $0x0, v24;
	v34 =	vld [tilespmem:s4+$0x80];
	(xrf2) =	vadd.scan.msk.f32 $0xffff, v23;
	v27 =	vmin.f32 v27, $5.000000000e+00;
	v30 =	vmul.f32 v33, v30  }
0x203: {  	v23 =	vadd.f32 v24, v17;
	v33 =	vld [tilespmem:s9+$0xFFFFFF80];
	[tilespmem:s1+$0x20] =	vst v38;
	v17 =	vmul.f32 $1.442695020e+00, v27  }
0x204: {  	v24 =	vld [tilespmem:s25+$0xFFFFFF80];
	v20, _, _ =	vpop (xrf2)  }
0x205: {  	v27 =	vld [tilespmem:s9+$0x0];
	v25 =	vmul.f32 v25, v37;
	v38 =	vperm.xlane v20, v1;
	(xrf2) =	vadd.scan.msk.f32 $0xffff, v31  }
0x206: {  	v31 =	vld [tilespmem:s25+$0x0]  }
0x207: {  	v35 =	vld [tilespmem:s9+$0xFFFFFF00];
	v25 =	vmul.f32 v34, v25;
	v37 =	vmax.f32 v38, $-5.000000000e+00;
	(erf) = vpow2.f32 v17;
	v17, _, _ =	vpop (xrf2)  }
0x208: {  	s8 =	sadd.s32 $0x4, s8;
	v34 =	vld [tilespmem:s4+$0xFFFFFF00];
	v17 =	vperm.xlane v17, v1;
	v36 =	vmin.f32 v37, $5.000000000e+00;
	v20 =	vpop (erf)  }
0x209: {  	p0 =	slt.u32 s8, $0x1C;
	v24 =	vmul.f32 v24, v33;
	v33 =	vld [tilespmem:s4+$0xFFFFFF80];
	(xrf2) =	vadd.scan.msk.f32 $0xffff, v25;
	v25 =	vmul.f32 $1.442695020e+00, v36;
	v36 =	vsel vm7, $0x0, v20  }
0x20a: {  	v37 =	vld [tilespmem:s4+$0x0];
	v38 =	vmax.f32 v17, $-5.000000000e+00;
	v17 =	vadd.f32 v36, v19  }
0x20b: {  	v19 =	vmul.f32 v31, v27;
	v27 =	vld [tilespmem:s6+$0xFFFFFF30];
	v31 =	vmin.f32 v38, $5.000000000e+00;
	(erf) = vpow2.f32 v25  }
0x20c: {  	v25 =	vmul.f32 v26, v35;
	v26 =	vld [tilespmem:s21+$0xFFFFFFB0];
	v35, _, _ =	vpop (xrf2);
	v36 =	vmul.f32 $1.442695020e+00, v31;
	(xrf2) =	vadd.scan.msk.f32 $0xffff, v30  }
0x20d: {  	v30 =	vld [tilespmem:s6+$0xFFFFFFB0];
	v38 =	vperm.xlane v35, v1  }
0x20e: {  	v25 =	vmul.f32 v34, v25;
	v24 =	vmul.f32 v33, v24;
	v33 =	vld [tilespmem:s21+$0x30]  }
0x20f: {  	v19 =	vmul.f32 v37, v19;
	v34 =	vld [tilespmem:s6+$0x30];
	v37 =	vmax.f32 v38, $-5.000000000e+00;
	(erf) = vpow2.f32 v36;
	v31, _, _ =	vpop (xrf2)  }
0x210: {  	(xrf2) =	vadd.scan.msk.f32 $0xffff, v25;
	v32 =	vmul.f32 v27, v32;
	v25 =	vmin.f32 v37, $5.000000000e+00;
	v27 =	vperm.xlane v31, v1;
	v31 =	vld [tilespmem:s15+$0xE0];
	v35 =	vpop (erf)  }
0x211: {  	v36 =	vld [tilespmem:s26+$0xFFFFFF30];
	v38 =	vmul.f32 $1.442695020e+00, v25;
	v29 =	vmul.f32 v35, v29;
	v35 =	vsel vm5, $0x0, v35  }
0x212: {  	v30 =	vmul.f32 v30, v26;
	v37 =	vld [tilespmem:s26+$0xFFFFFFB0];
	v16 =	vadd.f32 v35, v16;
	v26 =	vmax.f32 v27, $-5.000000000e+00  }
0x213: {  	(xrf2) =	vadd.scan.msk.f32 $0xffff, v24;
	v24, _, _ =	vpop (xrf2);
	v35 =	vld [tilespmem:s26+$0x30];
	(erf) = vpow2.f32 v38;
	[tilespmem:s14+$0xFFFFFF30] =	vst v29;
	v29 =	vmin.f32 v26, $5.000000000e+00  }
0x214: {  	v24 =	vperm.xlane v24, v1;
	v27 =	vld [tilespmem:s24+$0xFFFFFF30];
	v33 =	vmul.f32 v34, v33;
	v25 =	vpop (erf)  }
0x215: {  	v29 =	vmul.f32 $1.442695020e+00, v29;
	v26 =	vld [tilespmem:s24+$0xFFFFFFB0];
	v31 =	vmul.f32 v25, v31  }
0x216: {  	v34 =	vmax.f32 v24, $-5.000000000e+00;
	(xrf2) =	vadd.scan.msk.f32 $0xffff, v19;
	v19 =	vmul.f32 v36, v32;
	v24 =	vld [tilespmem:s24+$0x30];
	v32, _, _ =	vpop (xrf2)  }
0x217: {  	v34 =	vmin.f32 v34, $5.000000000e+00;
	v30 =	vmul.f32 v37, v30;
	v36 =	vld [tilespmem:s24+$0xB0];
	[tilespmem:s14+$0xF0] =	vst v31;
	v38 =	vperm.xlane v32, v1  }
0x218: {  	v32 =	vmul.f32 $1.442695020e+00, v34;
	v33 =	vmul.f32 v35, v33;
	v34 =	vld [tilespmem:s18+$0xF0];
	v35 =	vpop (erf)  }
0x219: {  	v39 =	vmul.f32 v35, v28;
	v37 =	vld [tilespmem:s17+$0xF0];
	(erf) = vpow2.f32 v29;
	v29 =	vmax.f32 v38, $-5.000000000e+00  }
0x21a: {  	v31, _, _ =	vpop (xrf2);
	(erf) = vpow2.f32 v32;
	(xrf2) =	vadd.scan.msk.f32 $0xffff, v19;
	v19 =	vld [tilespmem:s18+$0xFFFFFF60];
	v32 =	vsel vm5, $0x0, v35;
	v29 =	vmin.f32 v29, $5.000000000e+00  }
0x21b: {  	v31 =	vperm.xlane v31, v1;
	[tilespmem:s14+$0xFFFFFFC0] =	vst v39;
	v15 =	vadd.f32 v32, v15;
	v32 =	vld [tilespmem:s16+$0xF0];
	v29 =	vmul.f32 $1.442695020e+00, v29  }
0x21c: {  	v28 =	vpop (erf);
	v35 =	vld [tilespmem:s17+$0xFFFFFF60]  }
0x21d: {  	v31 =	vmax.f32 v31, $-5.000000000e+00;
	v38, _, _ =	vpop (xrf2);
	v39 =	vmul.f32 v28, v36;
	(xrf2) =	vadd.scan.msk.f32 $0xffff, v30;
	v30 =	vld [tilespmem:s18+$0xFFFFFFE0];
	(erf) = vpow2.f32 v29  }
0x21e: {  	s24 =	sadd.s32 $0x200, s24;
	v29 =	vmin.f32 v31, $5.000000000e+00;
	v31 =	vperm.xlane v38, v1;
	v38 =	vld [tilespmem:s17+$0xFFFFFFE0];
	v34 =	vmul.f32 v37, v34  }
0x21f: {  	v29 =	vmul.f32 $1.442695020e+00, v29;
	v37 =	vld [tilespmem:s24+$0x80];
	[tilespmem:s1+$0xC0] =	vst v39  }
0x220: {  	v31 =	vmax.f32 v31, $-5.000000000e+00;
	v36, _, _ =	vpop (xrf2);
	v39 =	vld [tilespmem:s21+$0xC0];
	v32 =	vmul.f32 v32, v34  }
0x221: {  	v31 =	vmin.f32 v31, $5.000000000e+00;
	v41 =	vperm.xlane v36, v1;
	(erf) = vpow2.f32 v29;
	v36 =	vld [tilespmem:s6+$0xC0]  }
0x222: {  	v35 =	vmul.f32 v35, v19;
	v40 =	vld [tilespmem:s24+$0xFFFFFF00];
	v42 =	vmul.f32 $1.442695020e+00, v31;
	v19 =	vpop (erf);
	(xrf2) =	vadd.scan.msk.f32 $0xffff, v32  }
0x223: {  	v32 =	vmax.f32 v41, $-5.000000000e+00;
	v34 =	vpop (erf);
	v41 =	vld [tilespmem:s26+$0xC0];
	v29 =	vmul.f32 v38, v30;
	v21 =	vmul.f32 v19, v21  }
0x224: {  	v30 =	vld [tilespmem:s24+$0xFFFFFF80];
	v32 =	vmin.f32 v32, $5.000000000e+00;
	v37 =	vmul.f32 v34, v37;
	(erf) = vpow2.f32 v42;
	v31, _, _ =	vpop (xrf2)  }
0x225: {  	s1 =	sadd.s32 $0x240, s1;
	v42 =	vmul.f32 $1.442695020e+00, v32;
	v38 =	vld [tilespmem:s24+$0x0];
	v31 =	vperm.xlane v31, v1;
	(xrf2) =	vadd.scan.msk.f32 $0xffff, v33;
	[tilespmem:s14+$0x50] =	vst v21  }
0x226: {  	v21 =	vsel vm5, $0x0, v19;
	[tilespmem:s1+$0x90] =	vst v37;
	v33 =	vmul.f32 v36, v39;
	v36 =	vld [tilespmem:s18+$0x60];
	v19 =	vpop (erf)  }
0x227: {  	v21 =	vadd.f32 v21, v14;
	v37 =	vld [tilespmem:s9+$0x90];
	(erf) = vpow2.f32 v42;
	v31 =	vmax.f32 v31, $-5.000000000e+00;
	v32, _, _ =	vpop (xrf2)  }
0x228: {  	v39 =	vld [tilespmem:s25+$0x90];
	v14 =	vmin.f32 v31, $5.000000000e+00;
	v31 =	vperm.xlane v32, v1;
	v32 =	vmul.f32 v41, v33  }
0x229: {  	v33 =	vmul.f32 $1.442695020e+00, v14;
	v41 =	vld [tilespmem:s17+$0x60];
	v14 =	vsel vm7, $0x0, v19  }
0x22a: {  	v42 =	vld [tilespmem:s4+$0x90];
	v43 =	vpop (erf);
	v31 =	vmax.f32 v31, $-5.000000000e+00;
	(xrf2) =	vadd.scan.msk.f32 $0xffff, v32;
	v12 =	vadd.f32 v14, v12  }
0x22b: {  	v32 =	vmul.f32 v43, v40;
	v14 =	vnsel vm0, $0x0, v43;
	v31 =	vmin.f32 v31, $5.000000000e+00;
	v40 =	vld [tilespmem:s16+$0xFFFFFF60]  }
0x22c: {  	v14 =	vadd.f32 $0.0e+00, v14;
	v31 =	vmul.f32 $1.442695020e+00, v31;
	(erf) = vpow2.f32 v33;
	v33 =	vld [tilespmem:s16+$0xFFFFFFE0];
	v43, _, _ =	vpop (xrf2)  }
0x22d: {  	[tilespmem:s1+$0xFFFFFEE0] =	vst v32;
	v32 =	vmul.f32 v39, v37;
	v37 =	vpop (erf);
	v39 =	vld [tilespmem:s16+$0x60];
	v43 =	vperm.xlane v43, v1  }
0x22e: {  	v44 =	vld [tilespmem:s9+$0xFFFFFF10];
	v30 =	vmul.f32 v37, v30;
	v37 =	vnsel vm0, $0x0, v37;
	(erf) = vpow2.f32 v31  }
0x22f: {  	v50 =	vnsel vm0, $0x0, v2;
	v31 =	vld [tilespmem:s25+$0xFFFFFF10];
	v32 =	vmul.f32 v42, v32;
	v42, _, _ =	vpop (xrf2);
	v43 =	vmax.f32 v43, $-5.000000000e+00  }
0x230: {  	v45 =	vld [tilespmem:s4+$0xFFFFFF10];
	[tilespmem:s1+$0xFFFFFF70] =	vst v30;
	v46 =	vpop (erf);
	v30 =	vperm.xlane v42, v1;
	v42 =	vadd.f32 $0.0e+00, v50;
	v47 =	vmin.f32 v43, $5.000000000e+00  }
0x231: {  	v48 =	vsel vm1, $0x0, v3;
	v2 =	vmovc v5;
	v43 =	vld [tilespmem:s9+$0xFFFFFF90];
	v38 =	vmul.f32 v46, v38;
	(xrf2) =	vadd.scan.msk.f32 $0xffff, v32;
	v49 =	vmul.f32 $1.442695020e+00, v47  }
0x232: {  	v3 =	vmovc v8;
	v5 =	vmovc v34;
	v36 =	vmul.f32 v41, v36;
	v47 =	vld [tilespmem:s25+$0xFFFFFF90];
	v30 =	vmax.f32 v30, $-5.000000000e+00;
	v41 =	vadd.f32 v48, v42  }
0x233: {  	v34 =	vsel vm2, $0x0, v4;
	v4 =	vmovc v11;
	v8 =	vld [tilespmem:s4+$0xFFFFFF90];
	[tilespmem:s1+$0x0] =	vst v38;
	v30 =	vmin.f32 v30, $5.000000000e+00;
	(erf) = vpow2.f32 v49  }
0x234: {  	v11 =	vmul.f32 v31, v44;
	v31 =	vld [tilespmem:s9+$0x10];
	v30 =	vmul.f32 $1.442695020e+00, v30;
	v32, _, _ =	vpop (xrf2);
	v34 =	vadd.f32 v34, v41  }
0x235: {  	v35 =	vmul.f32 v40, v35;
	v38 =	vld [tilespmem:s25+$0x10];
	v41 =	vperm.xlane v32, v1;
	v42 =	vpop (erf);
	v32 =	vsel vm3, $0x0, v6  }
0x236: {  	v6 =	vmovc v28;
	v11 =	vmul.f32 v45, v11;
	v40 =	vld [tilespmem:s4+$0x10];
	(erf) = vpow2.f32 v30;
	v34 =	vadd.f32 v32, v34  }
0x237: {  	v7 =	vsel vm4, $0x0, v7;
	v32 =	vld [tilespmem:s24+$0xFFFFFF10];
	v28 =	vmul.f32 v47, v43;
	v41 =	vmax.f32 v41, $-5.000000000e+00;
	v43 =	vpop (erf)  }
0x238: {  	v30 =	vld [tilespmem:s24+$0xFFFFFF90];
	(xrf2) =	vadd.scan.msk.f32 $0xffff, v11;
	v11 =	vmul.f32 v42, v27;
	v41 =	vmin.f32 v41, $5.000000000e+00;
	v7 =	vadd.f32 v7, v34  }
0x239: {  	v10 =	vsel vm5, $0x0, v10;
	v34 =	vmul.f32 v8, v28;
	v27 =	vld [tilespmem:s24+$0x10];
	v28 =	vmul.f32 $1.442695020e+00, v41  }
0x23a: {  	v31 =	vmul.f32 v38, v31;
	[tilespmem:s2+$0xFFFFFF10] =	vst v11;
	v11 =	vmul.f32 v43, v26;
	v26 =	vld [tilespmem:s15+$0xFFFFFF60];
	v7 =	vadd.f32 v10, v7  }
0x23b: {  	(xrf2) =	vadd.scan.msk.f32 $0xffff, v34;
	v8, _, _ =	vpop (xrf2);
	v10 =	vld [tilespmem:s21+$0xFFFFFF40];
	(erf) = vpow2.f32 v28;
	v28 =	vmul.f32 v33, v29;
	v33 =	vsel vm6, $0x0, v25  }
0x23c: {  	v34 =	vmul.f32 v39, v36;
	v29 =	vmul.f32 v40, v31;
	v38 =	vld [tilespmem:s6+$0xFFFFFF40];
	[tilespmem:s2+$0xFFFFFFA0] =	vst v11;
	v7 =	vadd.f32 v33, v7;
	v25 =	vpop (erf)  }
0x23d: {  	v11 =	vnsel vm0, $0x0, v46;
	v8 =	vperm.xlane v8, v1;
	v36 =	vld [tilespmem:s21+$0xFFFFFFC0];
	v31 =	vsel vm7, $0x0, v25  }
0x23e: {  	v33 =	vadd.f32 $0.0e+00, v37;
	(xrf2) =	vadd.scan.msk.f32 $0xffff, v29;
	v29 =	vsel vm3, $0x0, v42;
	v37 =	vld [tilespmem:s6+$0xFFFFFFC0];
	v7 =	vadd.f32 v31, v7  }
0x23f: {  	v31 =	vadd.f32 $0.0e+00, v11;
	v8 =	vmax.f32 v8, $-5.000000000e+00;
	v11 =	vsel vm3, $0x0, v43;
	v39 =	vld [tilespmem:s3+$0xC0];
	v40 =	vpop (erf)  }
0x240: {  	v8 =	vmin.f32 v8, $5.000000000e+00;
	v41 =	vmul.f32 v40, v24;
	v40 =	vsel vm3, $0x0, v40;
	v42 =	vld [tilespmem:s15+$0xF0];
	[tilespmem:s14+$0x110] =	vst v7  }
0x241: {  	v43 =	vmul.f32 $1.442695020e+00, v8;
	v24 =	vadd.f32 v29, v13;
	v8 =	vmul.f32 v38, v10;
	v13 =	vld [tilespmem:s26+$0xFFFFFF40];
	(xrf2) =	vadd.scan.msk.f32 $0xffff, v35  }
0x242: {  	v10 =	vadd.f32 v11, v22;
	v11 =	vadd.f32 v40, v23;
	v29, _, _ =	vpop (xrf2);
	v22 =	vld [tilespmem:s26+$0xFFFFFFC0];
	[tilespmem:s2+$0x30] =	vst v41  }
0x243: {  	v23 =	vperm.xlane v29, v1;
	(erf) = vpow2.f32 v43;
	v35 =	vld [tilespmem:s21+$0x40]  }
0x244: {  	v29 =	vmul.f32 v37, v36;
	v36 =	vld [tilespmem:s6+$0x40];
	v7 =	vpop (erf);
	(xrf2) =	vadd.scan.msk.f32 $0xffff, v28  }
0x245: {  	v23 =	vmax.f32 v23, $-5.000000000e+00;
	v28, _, _ =	vpop (xrf2);
	v37 =	vld [tilespmem:s26+$0x40];
	v40 =	vmul.f32 v7, v39;
	v25 =	vmul.f32 v25, v42  }
0x246: {  	v23 =	vmin.f32 v23, $5.000000000e+00;
	v39 =	vperm.xlane v28, v1;
	v8 =	vmul.f32 v13, v8;
	v28 =	vld [tilespmem:s3+$0xFFFFFF40]  }
0x247: {  	v13 =	vmul.f32 $1.442695020e+00, v23;
	v23 =	vld [tilespmem:s24+$0x90];
	v22 =	vmul.f32 v22, v29;
	[tilespmem:s2+$0xD0] =	vst v40  }
0x248: {  	v29 =	vmax.f32 v39, $-5.000000000e+00;
	v38, _, _ =	vpop (xrf2);
	v39 =	vld [tilespmem:s21+$0xD0];
	[tilespmem:s14+$0x100] =	vst v25  }
0x249: {  	v25 =	vmin.f32 v29, $5.000000000e+00;
	v40 =	vperm.xlane v38, v1;
	(erf) = vpow2.f32 v13;
	v13 =	vld [tilespmem:s6+$0xD0];
	(xrf2) =	vadd.scan.msk.f32 $0xffff, v8  }
0x24a: {  	v41 =	vmul.f32 $1.442695020e+00, v25;
	v29 =	vld [tilespmem:s3+$0xFFFFFFC0];
	v25 =	vmul.f32 v36, v35  }
0x24b: {  	v35 =	vmax.f32 v40, $-5.000000000e+00;
	v36 =	vld [tilespmem:s26+$0xD0];
	v38, _, _ =	vpop (xrf2)  }
0x24c: {  	v35 =	vmin.f32 v35, $5.000000000e+00;
	(erf) = vpow2.f32 v41;
	v8 =	vpop (erf);
	v37 =	vmul.f32 v37, v25;
	v25 =	vld [tilespmem:s3+$0x40];
	(xrf2) =	vadd.scan.msk.f32 $0xffff, v22  }
0x24d: {  	v40 =	vmul.f32 $1.442695020e+00, v35;
	v23 =	vmul.f32 v8, v23;
	v35 =	vld [tilespmem:s15+$0xFFFFFFE0]  }
0x24e: {  	v38 =	vperm.xlane v38, v1;
	v13 =	vmul.f32 v13, v39;
	v22 =	vld [tilespmem:s15+$0x60];
	v39, _, _ =	vpop (xrf2)  }
0x24f: {  	[tilespmem:s1+$0xA0] =	vst v23;
	(erf) = vpow2.f32 v40;
	(xrf2) =	vadd.scan.msk.f32 $0xffff, v37;
	v23 =	vperm.xlane v39, v1;
	v37 =	vld [tilespmem:s20+$0x70];
	s20 =	smov.u32 s16;
	s16 =	smov.u32 s26;
	s26 =	smov.u32 s4  }
0x250: {  	v39 =	vld [tilespmem:s9+$0xA0];
	v13 =	vmul.f32 v36, v13;
	v36 =	vmax.f32 v38, $-5.000000000e+00  }
0x251: {  	v38 =	vld [tilespmem:s25+$0xA0];
	v36 =	vmin.f32 v36, $5.000000000e+00;
	v23 =	vmax.f32 v23, $-5.000000000e+00  }
0x252: {  	v40 =	vpop (erf);
	(xrf2) =	vadd.scan.msk.f32 $0xffff, v13;
	v36 =	vmul.f32 $1.442695020e+00, v36;
	v13 =	vmin.f32 v23, $5.000000000e+00;
	v41 =	vld [tilespmem:s12+$0xFFFFFF70];
	[tilespmem:s0+$0xFFFFFF60] =	vst v17  }
0x253: {  	v17 =	vmul.f32 v40, v32;
	v23 =	vsel vm1, $0x0, v40;
	v32 =	vld [tilespmem:s4+$0xA0];
	v40, _, _ =	vpop (xrf2);
	v42 =	vmul.f32 $1.442695020e+00, v13  }
0x254: {  	v13 =	vadd.f32 v23, v14;
	v14 =	vperm.xlane v40, v1;
	(erf) = vpow2.f32 v36;
	v36 =	vld [tilespmem:s12+$0xFFFFFFF0];
	[tilespmem:s0+$0xFFFFFFF0] =	vst v12  }
0x255: {  	[tilespmem:s1+$0xFFFFFEF0] =	vst v17;
	v12 =	vpop (erf);
	(erf) = vpow2.f32 v42;
	(xrf2) =	vadd.scan.msk.f32 $0xffff, v34;
	v34 =	vmul.f32 v37, v18;
	v23 =	vld [tilespmem:s12+$0x70];
	s12 =	smov.u32 s15;
	s15 =	smov.u32 s3;
	s3 =	smov.u32 s24  }
0x256: {  	v37 =	vld [tilespmem:s9+$0xFFFFFF20];
	v42 =	vmul.f32 v12, v30;
	v30 =	vmul.f32 v38, v39;
	v14 =	vmax.f32 v14, $-5.000000000e+00;
	v18, _, _ =	vpop (xrf2)  }
0x257: {  	v12 =	vsel vm1, $0x0, v12;
	v38 =	vld [tilespmem:s25+$0xFFFFFF20];
	v14 =	vmin.f32 v14, $5.000000000e+00;
	v39 =	vperm.xlane v18, v1  }
0x258: {  	v18 =	vadd.f32 v12, v33;
	v40 =	vld [tilespmem:s4+$0xFFFFFF20];
	[tilespmem:s1+$0xFFFFFF80] =	vst v42;
	v12 =	vmul.f32 v32, v30;
	v17 =	vpop (erf);
	v14 =	vmul.f32 $1.442695020e+00, v14  }
0x259: {  	v30 =	vld [tilespmem:s9+$0xFFFFFFA0];
	v27 =	vmul.f32 v17, v27;
	v17 =	vsel vm1, $0x0, v17;
	v32 =	vmax.f32 v39, $-5.000000000e+00;
	v33, _, _ =	vpop (xrf2)  }
0x25a: {  	v39 =	vld [tilespmem:s25+$0xFFFFFFA0];
	(xrf2) =	vadd.scan.msk.f32 $0xffff, v12;
	v12 =	vmin.f32 v32, $5.000000000e+00;
	v32 =	vperm.xlane v33, v1;
	(erf) = vpow2.f32 v14  }
0x25b: {  	v20 =	vmul.f32 v20, v41;
	v17 =	vadd.f32 v17, v31;
	v14 =	vld [tilespmem:s4+$0xFFFFFFA0];
	[tilespmem:s1+$0x10] =	vst v27;
	v42 =	vmul.f32 $1.442695020e+00, v12  }
0x25c: {  	v19 =	vmul.f32 v19, v36;
	v27 =	vmul.f32 v38, v37;
	v31 =	vld [tilespmem:s9+$0x20];
	v32 =	vmax.f32 v32, $-5.000000000e+00;
	v33, _, _ =	vpop (xrf2)  }
0x25d: {  	v36 =	vld [tilespmem:s25+$0x20];
	v32 =	vmin.f32 v32, $5.000000000e+00;
	v41 =	vperm.xlane v33, v1;
	(erf) = vpow2.f32 v42;
	v12 =	vpop (erf);
	(xrf2) =	vadd.scan.msk.f32 $0xffff, v34  }
0x25e: {  	v34 =	vmul.f32 v40, v27;
	v37 =	vld [tilespmem:s4+$0x20];
	v32 =	vmul.f32 $1.442695020e+00, v32;
	v38 =	vsel vm6, $0x0, v12;
	v40 =	vpop (erf);
	[tilespmem:s0+$0xFFFFFF50] =	vst v20  }
0x25f: {  	v12 =	vmul.f32 v12, v26;
	v27 =	vld [tilespmem:s24+$0xFFFFFF20];
	v20 =	vmul.f32 v39, v30;
	v30 =	vmax.f32 v41, $-5.000000000e+00;
	v33, _, _ =	vpop (xrf2);
	[tilespmem:s0+$0xFFFFFFE0] =	vst v19  }
0x260: {  	v26 =	vld [tilespmem:s24+$0xFFFFFFA0];
	(xrf2) =	vadd.scan.msk.f32 $0xffff, v34;
	v19 =	vmin.f32 v30, $5.000000000e+00;
	(erf) = vpow2.f32 v32;
	v30 =	vperm.xlane v33, v1  }
0x261: {  	v34 =	vmul.f32 v14, v20;
	v20 =	vld [tilespmem:s24+$0x20];
	v19 =	vmul.f32 $1.442695020e+00, v19;
	[tilespmem:s14+$0xFFFFFF40] =	vst v12;
	v12 =	vsel vm6, $0x0, v40  }
0x262: {  	v33 =	vmul.f32 v40, v35;
	v31 =	vmul.f32 v36, v31;
	v32 =	vld [tilespmem:s18+$0xFFFFFF70];
	v30 =	vmax.f32 v30, $-5.000000000e+00  }
0x263: {  	(xrf2) =	vadd.scan.msk.f32 $0xffff, v34;
	v14 =	vpop (erf);
	(erf) = vpow2.f32 v19;
	v19 =	vadd.f32 v38, v16;
	v34 =	vld [tilespmem:s17+$0xFFFFFF70];
	v30 =	vmin.f32 v30, $5.000000000e+00  }
0x264: {  	v31 =	vmul.f32 v37, v31;
	v16, _, _ =	vpop (xrf2);
	v36 =	vmul.f32 v14, v28;
	v14 =	vsel vm4, $0x0, v14;
	v35 =	vld [tilespmem:s20+$0xFFFFFF70];
	[tilespmem:s14+$0xFFFFFFD0] =	vst v33  }
0x265: {  	v37 =	vperm.xlane v16, v1;
	v16 =	vadd.f32 v14, v24;
	v14 =	vld [tilespmem:s18+$0xFFFFFFF0];
	v24 =	vmul.f32 $1.442695020e+00, v30  }
0x266: {  	v12 =	vadd.f32 v12, v15;
	(xrf2) =	vadd.scan.msk.f32 $0xffff, v31;
	[tilespmem:s2+$0xFFFFFF20] =	vst v36;
	v28 =	vpop (erf);
	v30 =	vld [tilespmem:s17+$0xFFFFFFF0]  }
0x267: {  	v15 =	vmax.f32 v37, $-5.000000000e+00;
	v31 =	vld [tilespmem:s21+$0xFFFFFF50];
	v37 =	vmul.f32 v28, v29;
	v28 =	vsel vm4, $0x0, v28;
	v33, _, _ =	vpop (xrf2)  }
0x268: {  	v15 =	vmin.f32 v15, $5.000000000e+00;
	v36 =	vld [tilespmem:s15+$0xD0];
	v32 =	vmul.f32 v34, v32;
	(erf) = vpow2.f32 v24  }
0x269: {  	v24 =	vmul.f32 $1.442695020e+00, v15;
	v34 =	vld [tilespmem:s6+$0xFFFFFF50];
	[tilespmem:s2+$0xFFFFFFB0] =	vst v37;
	v15 =	vadd.f32 v28, v10;
	v10 =	vpop (erf);
	v28 =	vperm.xlane v33, v1  }
0x26a: {  	v29, _, _ =	vpop (xrf2);
	v33 =	vld [tilespmem:s21+$0xFFFFFFD0];
	v25 =	vmul.f32 v10, v25;
	v37 =	vsel vm4, $0x0, v10;
	v32 =	vmul.f32 v35, v32  }
0x26b: {  	v29 =	vperm.xlane v29, v1;
	(erf) = vpow2.f32 v24;
	v24 =	vld [tilespmem:s6+$0xFFFFFFD0];
	v38 =	vmax.f32 v28, $-5.000000000e+00  }
0x26c: {  	v30 =	vmul.f32 v30, v14;
	v35 =	vld [tilespmem:s16+$0xFFFFFF50];
	[tilespmem:s2+$0x40] =	vst v25;
	v10 =	vpop (erf);
	(xrf2) =	vadd.scan.msk.f32 $0xffff, v32;
	v14 =	vmin.f32 v38, $5.000000000e+00  }
0x26d: {  	v25 =	vmax.f32 v29, $-5.000000000e+00;
	v28, _, _ =	vpop (xrf2);
	v29 =	vld [tilespmem:s21+$0x50];
	v32 =	vmul.f32 v10, v36;
	v36 =	vmul.f32 $1.442695020e+00, v14  }
0x26e: {  	v14 =	vmin.f32 v25, $5.000000000e+00;
	v39 =	vperm.xlane v28, v1;
	v28 =	vmul.f32 v34, v31;
	v31 =	vld [tilespmem:s6+$0x50]  }
0x26f: {  	v40 =	vmul.f32 $1.442695020e+00, v14;
	v38 =	vld [tilespmem:s24+$0xA0];
	v14 =	vadd.f32 v37, v11;
	[tilespmem:s2+$0xE0] =	vst v32;
	(erf) = vpow2.f32 v36  }
0x270: {  	v11 =	vmax.f32 v39, $-5.000000000e+00;
	v25, _, _ =	vpop (xrf2);
	v24 =	vmul.f32 v24, v33;
	v32 =	vld [tilespmem:s21+$0xE0]  }
0x271: {  	v11 =	vmin.f32 v11, $5.000000000e+00;
	v25 =	vperm.xlane v25, v1;
	(erf) = vpow2.f32 v40;
	v33 =	vld [tilespmem:s6+$0xE0];
	v34 =	vpop (erf)  }
0x272: {  	v28 =	vmul.f32 v35, v28;
	v39 =	vmul.f32 $1.442695020e+00, v11;
	v35 =	vld [tilespmem:s16+$0xFFFFFFD0];
	v36 =	vsel vm6, $0x0, v34  }
0x273: {  	v22 =	vmul.f32 v34, v22;
	v25 =	vmax.f32 v25, $-5.000000000e+00;
	v31 =	vmul.f32 v31, v29;
	v37 =	vld [tilespmem:s16+$0xE0]  }
0x274: {  	v36 =	vadd.f32 v36, v21;
	v25 =	vmin.f32 v25, $5.000000000e+00;
	(erf) = vpow2.f32 v39;
	v11 =	vpop (erf);
	v34 =	vld [tilespmem:s16+$0x50];
	(xrf2) =	vadd.scan.msk.f32 $0xffff, v28  }
0x275: {  	v21 =	vmul.f32 $1.442695020e+00, v25;
	v39 =	vmul.f32 v11, v38;
	v29 =	vld [tilespmem:s15+$0xFFFFFF50];
	[tilespmem:s14+$0x60] =	vst v22  }
0x276: {  	v28 =	vld [tilespmem:s15+$0xFFFFFFD0];
	v22 =	vmul.f32 v33, v32;
	v32, _, _ =	vpop (xrf2)  }
0x277: {  	[tilespmem:s1+$0xB0] =	vst v39;
	(erf) = vpow2.f32 v21;
	v33 =	vmul.f32 v35, v24;
	v21 =	vld [tilespmem:s15+$0x50]  }
0x278: {  	v24 =	vperm.xlane v32, v1;
	v38 =	vld [tilespmem:s9+$0xB0];
	v22 =	vmul.f32 v37, v22;
	v25 =	vpop (erf)  }
0x279: {  	v37 =	vld [tilespmem:s25+$0xB0];
	v31 =	vmul.f32 v34, v31;
	v23 =	vmul.f32 v25, v23;
	v25 =	vsel vm7, $0x0, v25  }
.Ltmp7:
0x27a: {  	v32 =	vpop (erf);
	(xrf2) =	vadd.scan.msk.f32 $0xffff, v22;
	v22 =	vmax.f32 v24, $-5.000000000e+00;
	v35 =	vld [tilespmem:s18+$0x70];
	v34 =	vadd.f32 v25, v9;
	v9 =	vmov v36;
	s18 =	smov.u32 s21;
	s21 =	smov.u32 s9;
	(pc) =	sbr.rel @p0 .LBB2_8-.Ltmp7, $4  }
0x27b: {  	v27 =	vmul.f32 v32, v27;
	v25 =	vsel vm2, $0x0, v32;
	v24 =	vld [tilespmem:s4+$0xB0];
	v32 =	vmin.f32 v22, $5.000000000e+00;
	[tilespmem:s0+$0x70] =	vst v23  }
0x27c: {  	v13 =	vadd.f32 v25, v13;
	v25 =	vmul.f32 $1.442695020e+00, v32;
	v36 =	vld [tilespmem:s17+$0x70];
	[tilespmem:s0+$0x80] =	vst v34;
	s17 =	smov.u32 s6;
	s6 =	smov.u32 s25;
	s0 =	smov.u32 s14  }
0x27d: {  	s14 =	smov.u32 s2;
	s2 =	smov.u32 s1;
	[tilespmem:s1+$0xFFFFFF00] =	vst v27;
	v22 =	vpop (erf);
	(xrf2) =	vadd.scan.msk.f32 $0xffff, v33;
	v33 =	vld [tilespmem:s20+$0xFFFFFFF0]  }
0x27e: {  	s9 =	sadd.s32 $0x200, s9;
	v32 =	vld [tilespmem:s21+$0xFFFFFF30];
	v26 =	vmul.f32 v22, v26;
	v23 =	vsel vm2, $0x0, v22;
	v27 =	vmul.f32 v37, v38;
	v34, _, _ =	vpop (xrf2)  }
0x27f: {  	_ = 	snop  }
0x280: {  	v22 =	vmul.f32 v24, v27;
	_ =	sdelay $0x1  }
0x281: {  	(xrf2) =	vadd.scan.msk.f32 $0xffff, v22;
	_ =	sdelay $0x6  }
0x282: {  	v42 =	vperm.xlane v34, v1;
	v43, _, _ =	vpop (xrf2)  }
0x283: {  	v24 =	vperm.xlane v43, v1  }
0x284: {  	v22 =	vmax.f32 v42, $-5.000000000e+00;
	v44, _, _ =	vpop (xrf2)  }
0x285: {  	v22 =	vmin.f32 v22, $5.000000000e+00;
	v24 =	vmax.f32 v24, $-5.000000000e+00;
	v27 =	vperm.xlane v44, v1;
	v45, _, _ =	vpop (xrf2)  }
0x286: {  	v22 =	vmul.f32 $1.442695020e+00, v22;
	v24 =	vmin.f32 v24, $5.000000000e+00;
	v34 =	vperm.xlane v45, v1  }
0x287: {  	(erf) = vpow2.f32 v25;
	v24 =	vmul.f32 $1.442695020e+00, v24;
	v46 =	vmax.f32 v27, $-5.000000000e+00  }
0x288: {  	(erf) = vpow2.f32 v22;
	v47 =	vmin.f32 v46, $5.000000000e+00;
	v48 =	vmax.f32 v34, $-5.000000000e+00  }
0x289: {  	(erf) = vpow2.f32 v24;
	v22 =	vmul.f32 $1.442695020e+00, v47;
	v49 =	vmin.f32 v48, $5.000000000e+00  }
0x28a: {  	v24 =	vmul.f32 $1.442695020e+00, v49  }
0x28b: {  	(erf) = vpow2.f32 v22  }
0x28c: {  	v50 =	vld [tilespmem:s6+$0xFFFFFF30];
	(erf) = vpow2.f32 v24  }
0x28d: {  	v51 =	vld [tilespmem:s15+$0xE0]  }
0x28e: {  	v40 =	vld [tilespmem:s24+$0xB0];
	[tilespmem:s1+$0xFFFFFF90] =	vst v26;
	v26 =	vpop (erf)  }
0x28f: {  	v20 =	vmul.f32 v26, v20;
	v37 =	vld [tilespmem:s21+$0xFFFFFFB0]  }
0x290: {  	v38 =	vld [tilespmem:s6+$0xFFFFFFB0];
	v22 =	vpop (erf)  }
0x291: {  	v42 =	vld [tilespmem:s26+$0xFFFFFF30];
	[tilespmem:s1+$0x20] =	vst v20;
	v25 =	vpop (erf)  }
0x292: {  	v39 =	vld [tilespmem:s21+$0x30];
	v24 =	vpop (erf)  }
0x293: {  	v41 =	vld [tilespmem:s6+$0x30];
	v52 =	vmul.f32 v24, v51  }
0x294: {  	v43 =	vld [tilespmem:s26+$0xFFFFFFB0];
	v27 =	vpop (erf)  }
0x295: {  	v44 =	vld [tilespmem:s26+$0x30];
	[tilespmem:s14+$0xF0] =	vst v52;
	v20 =	vpop (erf)  }
0x296: {  	v32 =	vmul.f32 v50, v32;
	v53 =	vld [tilespmem:s18+$0xF0];
	v40 =	vmul.f32 v20, v40  }
0x297: {  	v30 =	vmul.f32 v33, v30;
	v55 =	vld [tilespmem:s17+$0xF0]  }
0x298: {  	(xrf2) =	vadd.scan.msk.f32 $0xffff, v31;
	v56 =	vmul.f32 v42, v32;
	v57 =	vld [tilespmem:s16+$0xF0];
	[tilespmem:s1+$0xC0] =	vst v40  }
0x299: {  	v54 =	vmul.f32 v38, v37;
	(xrf2) =	vadd.scan.msk.f32 $0xffff, v30;
	v59 =	vld [tilespmem:s21+$0xC0]  }
0x29a: {  	(xrf2) =	vadd.scan.msk.f32 $0xffff, v56;
	v60 =	vld [tilespmem:s6+$0xC0]  }
0x29b: {  	v58 =	vmul.f32 v43, v54  }
0x29c: {  	v61 =	vmul.f32 v55, v53;
	v62 =	vld [tilespmem:s26+$0xC0]  }
0x29d: {  	v63 =	vmul.f32 v41, v39;
	(xrf2) =	vadd.scan.msk.f32 $0xffff, v58  }
0x29e: {  	v30 =	vmul.f32 v57, v61  }
0x29f: {  	v38 =	vmul.f32 v44, v63;
	v31 =	vmul.f32 v60, v59  }
0x2a0: {  	(xrf2) =	vadd.scan.msk.f32 $0xffff, v30  }
0x2a1: {  	(xrf2) =	vadd.scan.msk.f32 $0xffff, v38;
	v39 =	vmul.f32 v62, v31  }
0x2a2: {  	v40, _, _ =	vpop (xrf2)  }
0x2a3: {  	v41, _, _ =	vpop (xrf2);
	v31 =	vperm.xlane v40, v1;
	(xrf2) =	vadd.scan.msk.f32 $0xffff, v39  }
0x2a4: {  	v42 =	vperm.xlane v41, v1;
	v43, _, _ =	vpop (xrf2)  }
0x2a5: {  	v32 =	vperm.xlane v43, v1;
	v31 =	vmax.f32 v31, $-5.000000000e+00  }
0x2a6: {  	v30 =	vmax.f32 v42, $-5.000000000e+00;
	v31 =	vmin.f32 v31, $5.000000000e+00  }
0x2a7: {  	v44, _, _ =	vpop (xrf2);
	v30 =	vmin.f32 v30, $5.000000000e+00;
	v32 =	vmax.f32 v32, $-5.000000000e+00;
	v31 =	vmul.f32 $1.442695020e+00, v31  }
0x2a8: {  	v33 =	vperm.xlane v44, v1;
	v30 =	vmul.f32 $1.442695020e+00, v30;
	v32 =	vmin.f32 v32, $5.000000000e+00  }
0x2a9: {  	v45 =	vmul.f32 $1.442695020e+00, v32;
	(erf) = vpow2.f32 v31  }
0x2aa: {  	v48, _, _ =	vpop (xrf2);
	(erf) = vpow2.f32 v30  }
0x2ab: {  	v33 =	vmax.f32 v33, $-5.000000000e+00;
	v49 =	vperm.xlane v48, v1;
	v50, _, _ =	vpop (xrf2);
	(erf) = vpow2.f32 v45  }
0x2ac: {  	v29 =	vmul.f32 v25, v29;
	v46 =	vmin.f32 v33, $5.000000000e+00;
	v32 =	vperm.xlane v50, v1  }
0x2ad: {  	v28 =	vmul.f32 v27, v28;
	v47 =	vmul.f32 $1.442695020e+00, v46;
	v51 =	vmax.f32 v49, $-5.000000000e+00;
	v52, _, _ =	vpop (xrf2)  }
0x2ae: {  	v30 =	vmin.f32 v51, $5.000000000e+00;
	v32 =	vmax.f32 v32, $-5.000000000e+00;
	v31 =	vperm.xlane v52, v1  }
0x2af: {  	v54 =	vld [tilespmem:s24+$0xFFFFFFB0];
	[tilespmem:s14+$0xFFFFFF30] =	vst v29;
	(erf) = vpow2.f32 v47;
	v30 =	vmul.f32 $1.442695020e+00, v30;
	v32 =	vmin.f32 v32, $5.000000000e+00  }
0x2b0: {  	v58 =	vld [tilespmem:s17+$0xFFFFFF60];
	v32 =	vmul.f32 $1.442695020e+00, v32;
	v31 =	vmax.f32 v31, $-5.000000000e+00  }
0x2b1: {  	[tilespmem:s14+$0xFFFFFFC0] =	vst v28;
	v53 =	vld [tilespmem:s24+$0xFFFFFF30];
	(erf) = vpow2.f32 v30;
	v56 =	vmin.f32 v31, $5.000000000e+00  }
0x2b2: {  	v63 =	vld [tilespmem:s16+$0xFFFFFFE0];
	v33 =	vpop (erf);
	(erf) = vpow2.f32 v32;
	v31 =	vmul.f32 $1.442695020e+00, v56  }
0x2b3: {  	v55 =	vld [tilespmem:s24+$0x30];
	v29 =	vpop (erf)  }
0x2b4: {  	v57 =	vld [tilespmem:s18+$0xFFFFFF60];
	v30 =	vpop (erf);
	(erf) = vpow2.f32 v31  }
0x2b5: {  	v59 =	vld [tilespmem:s18+$0xFFFFFFE0]  }
0x2b6: {  	v60 =	vld [tilespmem:s17+$0xFFFFFFE0];
	v61 =	vmul.f32 v30, v53  }
0x2b7: {  	v62 =	vld [tilespmem:s16+$0xFFFFFF60]  }
0x2b8: {  	v45 =	vld [tilespmem:s3+$0xC0];
	[tilespmem:s2+$0xFFFFFF10] =	vst v61;
	v31 =	vpop (erf)  }
0x2b9: {  	v53 =	vld [tilespmem:s21+$0xFFFFFF40];
	v52 =	vmul.f32 v31, v54  }
0x2ba: {  	v46 =	vld [tilespmem:s6+$0xFFFFFF40];
	v32 =	vpop (erf)  }
0x2bb: {  	v49 =	vld [tilespmem:s26+$0xFFFFFF40];
	[tilespmem:s2+$0xFFFFFFA0] =	vst v52;
	v34 =	vpop (erf)  }
0x2bc: {  	v47 =	vld [tilespmem:s21+$0xFFFFFFC0];
	v38 =	vmul.f32 v34, v55  }
0x2bd: {  	v48 =	vld [tilespmem:s6+$0xFFFFFFC0];
	v28 =	vpop (erf)  }
0x2be: {  	v50 =	vld [tilespmem:s26+$0xFFFFFFC0];
	[tilespmem:s2+$0x30] =	vst v38;
	v54 =	vmul.f32 v28, v45  }
0x2bf: {  	v39 =	vmul.f32 v58, v57;
	v55 =	vld [tilespmem:s21+$0x40]  }
0x2c0: {  	v41 =	vmul.f32 v60, v59;
	v56 =	vld [tilespmem:s6+$0x40];
	[tilespmem:s2+$0xD0] =	vst v54  }
0x2c1: {  	v57 =	vmul.f32 v62, v39;
	v58 =	vld [tilespmem:s21+$0xD0]  }
0x2c2: {  	v41 =	vmul.f32 v63, v41;
	v59 =	vld [tilespmem:s6+$0xD0]  }
0x2c3: {  	(xrf2) =	vadd.scan.msk.f32 $0xffff, v57;
	v60 =	vld [tilespmem:s26+$0x40]  }
0x2c4: {  	(xrf2) =	vadd.scan.msk.f32 $0xffff, v41;
	v37 =	vmul.f32 v46, v53;
	v61 =	vld [tilespmem:s26+$0xD0]  }
0x2c5: {  	v62 =	vmul.f32 v48, v47  }
0x2c6: {  	v37 =	vmul.f32 v49, v37;
	v40 =	vmul.f32 v56, v55  }
0x2c7: {  	v63 =	vmul.f32 v50, v62;
	v39 =	vmul.f32 v59, v58  }
0x2c8: {  	(xrf2) =	vadd.scan.msk.f32 $0xffff, v37;
	v40 =	vmul.f32 v60, v40  }
0x2c9: {  	(xrf2) =	vadd.scan.msk.f32 $0xffff, v63;
	v43 =	vmul.f32 v61, v39  }
0x2ca: {  	(xrf2) =	vadd.scan.msk.f32 $0xffff, v40  }
0x2cb: {  	(xrf2) =	vadd.scan.msk.f32 $0xffff, v43;
	_ =	sdelay $0x1  }
0x2cc: {  	v44, _, _ =	vpop (xrf2)  }
0x2cd: {  	v45, _, _ =	vpop (xrf2);
	v37 =	vperm.xlane v44, v1  }
0x2ce: {  	v38 =	vperm.xlane v45, v1  }
0x2cf: {  	v37 =	vmax.f32 v37, $-5.000000000e+00  }
0x2d0: {  	v38 =	vmax.f32 v38, $-5.000000000e+00;
	v37 =	vmin.f32 v37, $5.000000000e+00  }
0x2d1: {  	v21 =	vmul.f32 v33, v21;
	v38 =	vmin.f32 v38, $5.000000000e+00;
	v37 =	vmul.f32 $1.442695020e+00, v37;
	v46, _, _ =	vpop (xrf2)  }
0x2d2: {  	v38 =	vmul.f32 $1.442695020e+00, v38;
	v39 =	vperm.xlane v46, v1;
	v47, _, _ =	vpop (xrf2)  }
0x2d3: {  	(erf) = vpow2.f32 v37;
	v48 =	vperm.xlane v47, v1;
	v49, _, _ =	vpop (xrf2)  }
0x2d4: {  	(erf) = vpow2.f32 v38;
	v50 =	vmax.f32 v39, $-5.000000000e+00;
	v51 =	vperm.xlane v49, v1;
	v52, _, _ =	vpop (xrf2)  }
0x2d5: {  	v38 =	vmin.f32 v50, $5.000000000e+00;
	v37 =	vmax.f32 v48, $-5.000000000e+00;
	v40 =	vperm.xlane v52, v1  }
0x2d6: {  	v38 =	vmul.f32 $1.442695020e+00, v38;
	v37 =	vmin.f32 v37, $5.000000000e+00;
	v39 =	vmax.f32 v51, $-5.000000000e+00  }
0x2d7: {  	v37 =	vmul.f32 $1.442695020e+00, v37;
	v39 =	vmin.f32 v39, $5.000000000e+00;
	v40 =	vmax.f32 v40, $-5.000000000e+00  }
0x2d8: {  	(erf) = vpow2.f32 v38;
	v53 =	vmul.f32 $1.442695020e+00, v39;
	v54 =	vmin.f32 v40, $5.000000000e+00  }
0x2d9: {  	(erf) = vpow2.f32 v37;
	v55 =	vmul.f32 $1.442695020e+00, v54  }
0x2da: {  	[tilespmem:s14+$0x50] =	vst v21;
	v56 =	vld [tilespmem:s15+$0xFFFFFF60];
	(erf) = vpow2.f32 v53  }
0x2db: {  	v42 =	vld [tilespmem:s18+$0x60];
	(erf) = vpow2.f32 v55  }
0x2dc: {  	v57 =	vld [tilespmem:s17+$0x60]  }
0x2dd: {  	v62 =	vld [tilespmem:s20+$0x70]  }
0x2de: {  	v59 =	vld [tilespmem:s3+$0xFFFFFF40];
	v39 =	vpop (erf)  }
0x2df: {  	v60 =	vld [tilespmem:s3+$0xFFFFFFC0];
	v38 =	vmul.f32 v39, v56  }
0x2e0: {  	v61 =	vld [tilespmem:s3+$0xD0];
	v37 =	vpop (erf)  }
0x2e1: {  	v58 =	vld [tilespmem:s16+$0x60];
	v41 =	vpop (erf)  }
0x2e2: {  	v47 =	vld [tilespmem:s3+$0x40];
	[tilespmem:s14+$0xFFFFFF40] =	vst v38;
	v40 =	vpop (erf)  }
0x2e3: {  	v56 =	vmul.f32 v41, v59;
	v63 =	vld [tilespmem:s18+$0xFFFFFF70];
	v38 =	vpop (erf)  }
0x2e4: {  	v51 =	vld [tilespmem:s17+$0xFFFFFF70];
	v21 =	vpop (erf)  }
0x2e5: {  	v52 =	vld [tilespmem:s16+$0xFFFFFF70];
	[tilespmem:s2+$0xFFFFFF20] =	vst v56;
	v46 =	vmul.f32 v21, v61  }
0x2e6: {  	v42 =	vmul.f32 v57, v42;
	v57 =	vld [tilespmem:s21+$0xFFFFFF50]  }
0x2e7: {  	v50 =	vld [tilespmem:s6+$0xFFFFFF50];
	[tilespmem:s2+$0xE0] =	vst v46  }
0x2e8: {  	v42 =	vmul.f32 v58, v42;
	v58 =	vld [tilespmem:s21+$0xE0]  }
0x2e9: {  	v46 =	vld [tilespmem:s6+$0xE0]  }
0x2ea: {  	v59 =	vmul.f32 v40, v60;
	v60 =	vld [tilespmem:s26+$0xFFFFFF50]  }
0x2eb: {  	v35 =	vmul.f32 v36, v35;
	v61 =	vld [tilespmem:s26+$0xE0]  }
0x2ec: {  	(xrf2) =	vadd.scan.msk.f32 $0xffff, v42;
	v49 =	vmul.f32 v51, v63  }
0x2ed: {  	v35 =	vmul.f32 v62, v35;
	[tilespmem:s2+$0xFFFFFFB0] =	vst v59;
	v43 =	vmul.f32 v50, v57  }
0x2ee: {  	v42 =	vld [tilespmem:s21+$0xFFFFFFD0];
	v62 =	vmul.f32 v52, v49;
	v44 =	vmul.f32 v46, v58  }
0x2ef: {  	(xrf2) =	vadd.scan.msk.f32 $0xffff, v35;
	v63 =	vld [tilespmem:s6+$0xFFFFFFD0];
	v51 =	vmul.f32 v38, v47;
	v43 =	vmul.f32 v60, v43  }
0x2f0: {  	(xrf2) =	vadd.scan.msk.f32 $0xffff, v62;
	v36 =	vmul.f32 v61, v44  }
0x2f1: {  	v52 =	vld [tilespmem:s26+$0xFFFFFFD0];
	[tilespmem:s2+$0x40] =	vst v51;
	(xrf2) =	vadd.scan.msk.f32 $0xffff, v43  }
0x2f2: {  	v35 =	vld [tilespmem:s21+$0x50];
	(xrf2) =	vadd.scan.msk.f32 $0xffff, v36  }
0x2f3: {  	v53 =	vld [tilespmem:s6+$0x50]  }
0x2f4: {  	v42 =	vmul.f32 v63, v42  }
0x2f5: {  	v55 =	vld [tilespmem:s26+$0x50]  }
0x2f6: {  	v54, _, _ =	vpop (xrf2);
	v42 =	vmul.f32 v52, v42  }
0x2f7: {  	v43 =	vperm.xlane v54, v1  }
0x2f8: {  	v35 =	vmul.f32 v53, v35;
	(xrf2) =	vadd.scan.msk.f32 $0xffff, v42  }
0x2f9: {  	v43 =	vmax.f32 v43, $-5.000000000e+00;
	v58, _, _ =	vpop (xrf2)  }
0x2fa: {  	v56 =	vmin.f32 v43, $5.000000000e+00;
	v35 =	vmul.f32 v55, v35;
	v59, _, _ =	vpop (xrf2)  }
0x2fb: {  	v57 =	vmul.f32 $1.442695020e+00, v56;
	v60, _, _ =	vpop (xrf2);
	v42 =	vperm.xlane v58, v1  }
0x2fc: {  	v43 =	vperm.xlane v59, v1;
	v63, _, _ =	vpop (xrf2);
	(xrf2) =	vadd.scan.msk.f32 $0xffff, v35  }
0x2fd: {  	(erf) = vpow2.f32 v57;
	v62 =	vperm.xlane v60, v1;
	v61 =	vmax.f32 v42, $-5.000000000e+00  }
0x2fe: {  	v47 =	vmax.f32 v43, $-5.000000000e+00;
	v46 =	vmin.f32 v61, $5.000000000e+00;
	v48 =	vperm.xlane v63, v1  }
0x2ff: {  	v36 =	vmin.f32 v47, $5.000000000e+00;
	v42 =	vmax.f32 v62, $-5.000000000e+00;
	v35 =	vmul.f32 $1.442695020e+00, v46  }
0x300: {  	v36 =	vmul.f32 $1.442695020e+00, v36;
	v42 =	vmin.f32 v42, $5.000000000e+00;
	v43 =	vmax.f32 v48, $-5.000000000e+00  }
0x301: {  	v49 =	vmul.f32 $1.442695020e+00, v42;
	(erf) = vpow2.f32 v35;
	v50 =	vmin.f32 v43, $5.000000000e+00  }
0x302: {  	v51, _, _ =	vpop (xrf2);
	(erf) = vpow2.f32 v36;
	v42 =	vmul.f32 $1.442695020e+00, v50  }
0x303: {  	v52 =	vperm.xlane v51, v1;
	(erf) = vpow2.f32 v49  }
0x304: {  	(erf) = vpow2.f32 v42  }
0x305: {  	v35 =	vmax.f32 v52, $-5.000000000e+00  }
0x306: {  	v35 =	vmin.f32 v35, $5.000000000e+00;
	v54, _, _ =	vpop (xrf2)  }
0x307: {  	v53 =	vld [tilespmem:s15+$0xFFFFFFE0];
	v35 =	vmul.f32 $1.442695020e+00, v35;
	v42 =	vperm.xlane v54, v1;
	_ =	sdelay $0x1  }
0x308: {  	v55 =	vld [tilespmem:s3+$0xE0];
	v43 =	vpop (erf);
	(erf) = vpow2.f32 v35;
	v42 =	vmax.f32 v42, $-5.000000000e+00  }
0x309: {  	v56 =	vld [tilespmem:s3+$0xFFFFFF50];
	v45 =	vpop (erf)  }
0x30a: {  	v35 =	vpop (erf);
	v57 =	vmin.f32 v42, $5.000000000e+00  }
0x30b: {  	v36 =	vmul.f32 v37, v53;
	v58 =	vmul.f32 $1.442695020e+00, v57;
	v42 =	vpop (erf)  }
0x30c: {  	v59 =	vld [tilespmem:s3+$0xFFFFFFD0];
	v46 =	vpop (erf)  }
0x30d: {  	v60 =	vld [tilespmem:s3+$0x50];
	[tilespmem:s14+$0xFFFFFFD0] =	vst v36;
	(erf) = vpow2.f32 v58;
	v44 =	vmul.f32 v46, v55  }
0x30e: {  	v47 =	vld [tilespmem:s18+$0xFFFFFFF0];
	v36 =	vmul.f32 v42, v56  }
0x30f: {  	v49 =	vld [tilespmem:s17+$0xFFFFFFF0]  }
0x310: {  	v51 =	vld [tilespmem:s16+$0xFFFFFFF0];
	[tilespmem:s2+$0xFFFFFF30] =	vst v36  }
0x311: {  	[tilespmem:s2+$0xF0] =	vst v44;
	v63 =	vld [tilespmem:s21+$0xFFFFFF60];
	v44 =	vpop (erf)  }
0x312: {  	v55 =	vld [tilespmem:s6+$0xFFFFFF60];
	v62 =	vmul.f32 v44, v59  }
0x313: {  	v61 =	vld [tilespmem:s21+$0xF0]  }
0x314: {  	v53 =	vld [tilespmem:s6+$0xF0];
	[tilespmem:s2+$0xFFFFFFC0] =	vst v62  }
0x315: {  	v56 =	vld [tilespmem:s21+$0xFFFFFFE0]  }
0x316: {  	v57 =	vld [tilespmem:s6+$0xFFFFFFE0];
	v36 =	vpop (erf)  }
0x317: {  	v54 =	vld [tilespmem:s26+$0xF0];
	v48 =	vmul.f32 v36, v60  }
0x318: {  	v47 =	vmul.f32 v49, v47;
	v58 =	vld [tilespmem:s26+$0xFFFFFF60]  }
0x319: {  	v60 =	vld [tilespmem:s26+$0xFFFFFFE0];
	[tilespmem:s2+$0x50] =	vst v48  }
0x31a: {  	v47 =	vmul.f32 v51, v47;
	v52 =	vmul.f32 v53, v61;
	v62 =	vld [tilespmem:s21+$0x60]  }
0x31b: {  	v61 =	vmul.f32 v55, v63;
	v56 =	vmul.f32 v57, v56;
	v57 =	vld [tilespmem:s6+$0x60]  }
0x31c: {  	(xrf2) =	vadd.scan.msk.f32 $0xffff, v47;
	v63 =	vmul.f32 v54, v52  }
0x31d: {  	v58 =	vmul.f32 v58, v61;
	v59 =	vld [tilespmem:s26+$0x60]  }
0x31e: {  	(xrf2) =	vadd.scan.msk.f32 $0xffff, v63  }
0x31f: {  	(xrf2) =	vadd.scan.msk.f32 $0xffff, v58;
	v49 =	vmul.f32 v60, v56  }
0x320: {  	v60 =	vmul.f32 v57, v62  }
0x321: {  	(xrf2) =	vadd.scan.msk.f32 $0xffff, v49  }
0x322: {  	v47 =	vmul.f32 v59, v60;
	_ =	sdelay $0x1  }
0x323: {  	(xrf2) =	vadd.scan.msk.f32 $0xffff, v47;
	_ =	sdelay $0x1  }
0x324: {  	v61, _, _ =	vpop (xrf2)  }
0x325: {  	v47 =	vperm.xlane v61, v1  }
0x326: {  	v62, _, _ =	vpop (xrf2)  }
0x327: {  	v48 =	vperm.xlane v62, v1;
	v63, _, _ =	vpop (xrf2);
	v47 =	vmax.f32 v47, $-5.000000000e+00  }
0x328: {  	v49 =	vperm.xlane v63, v1;
	v47 =	vmin.f32 v47, $5.000000000e+00  }
0x329: {  	v48 =	vmax.f32 v48, $-5.000000000e+00;
	v47 =	vmul.f32 $1.442695020e+00, v47;
	v52, _, _ =	vpop (xrf2)  }
0x32a: {  	v48 =	vmin.f32 v48, $5.000000000e+00;
	v49 =	vmax.f32 v49, $-5.000000000e+00;
	v50 =	vperm.xlane v52, v1  }
0x32b: {  	v48 =	vmul.f32 $1.442695020e+00, v48;
	v49 =	vmin.f32 v49, $5.000000000e+00  }
0x32c: {  	(erf) = vpow2.f32 v47;
	v53 =	vmul.f32 $1.442695020e+00, v49;
	v50 =	vmax.f32 v50, $-5.000000000e+00;
	v56, _, _ =	vpop (xrf2)  }
0x32d: {  	(erf) = vpow2.f32 v48;
	v54 =	vmin.f32 v50, $5.000000000e+00;
	v57 =	vperm.xlane v56, v1  }
0x32e: {  	(erf) = vpow2.f32 v53;
	v55 =	vmul.f32 $1.442695020e+00, v54  }
0x32f: {  	v47 =	vmax.f32 v57, $-5.000000000e+00  }
0x330: {  	v58 =	vld [tilespmem:s15+$0x60];
	(erf) = vpow2.f32 v55;
	v47 =	vmin.f32 v47, $5.000000000e+00  }
0x331: {  	v47 =	vmul.f32 $1.442695020e+00, v47;
	_ =	sdelay $0x1  }
0x332: {  	v59 =	vld [tilespmem:s3+$0xFFFFFF60]  }
0x333: {  	v2 =	vnsel vm0, $0x0, v2;
	(erf) = vpow2.f32 v47  }
0x334: {  	v2 =	vadd.f32 $0.0e+00, v2;
	v62 =	vmul.f32 v43, v58;
	v63 =	vld [tilespmem:s3+$0xFFFFFFE0];
	v47 =	vpop (erf)  }
0x335: {  	v3 =	vsel vm1, $0x0, v3;
	v49 =	vpop (erf)  }
0x336: {  	v2 =	vadd.f32 v3, v2;
	[tilespmem:s14+$0x60] =	vst v62;
	v62 =	vld [tilespmem:s3+$0x60];
	v48 =	vpop (erf)  }
0x337: {  	v4 =	vsel vm2, $0x0, v4;
	v60 =	vld [tilespmem:s18+$0x70];
	v50 =	vmul.f32 v48, v59  }
0x338: {  	v2 =	vadd.f32 v4, v2;
	v61 =	vld [tilespmem:s17+$0x70];
	v3 =	vpop (erf)  }
0x339: {  	v56 =	vld [tilespmem:s16+$0x70];
	v63 =	vmul.f32 v3, v63;
	[tilespmem:s2+$0xFFFFFF40] =	vst v50  }
0x33a: {  	v4 =	vld [tilespmem:s21+$0xFFFFFF70]  }
0x33b: {  	v6 =	vsel vm3, $0x0, v6;
	v51 =	vsel vm2, $0x0, v26;
	v26 =	vld [tilespmem:s6+$0xFFFFFF70];
	[tilespmem:s2+$0xFFFFFFD0] =	vst v63  }
0x33c: {  	v18 =	vadd.f32 v23, v18;
	v5 =	vnsel vm0, $0x0, v5;
	v6 =	vadd.f32 v6, v2;
	v23 =	vld [tilespmem:s21+$0xFFFFFFF0];
	v2 =	vpop (erf)  }
0x33d: {  	v5 =	vadd.f32 $0.0e+00, v5;
	v58 =	vld [tilespmem:s6+$0xFFFFFFF0];
	v55 =	vmul.f32 v2, v62  }
0x33e: {  	v8 =	vsel vm1, $0x0, v8;
	v59 =	vld [tilespmem:s26+$0xFFFFFF70]  }
0x33f: {  	v7 =	vsel vm4, $0x0, v7;
	v5 =	vadd.f32 v8, v5;
	v60 =	vmul.f32 v61, v60;
	v61 =	vld [tilespmem:s26+$0xFFFFFFF0];
	[tilespmem:s2+$0x60] =	vst v55  }
0x340: {  	v10 =	vsel vm5, $0x0, v10;
	v11 =	vsel vm2, $0x0, v11;
	v6 =	vadd.f32 v7, v6;
	v62 =	vld [tilespmem:s21+$0x70]  }
0x341: {  	v5 =	vadd.f32 v11, v5;
	v63 =	vmul.f32 v56, v60;
	v4 =	vmul.f32 v26, v4;
	v50 =	vld [tilespmem:s6+$0x70]  }
0x342: {  	v6 =	vadd.f32 v10, v6;
	v25 =	vsel vm5, $0x0, v25;
	v23 =	vmul.f32 v58, v23  }
0x343: {  	v16 =	vadd.f32 v25, v16;
	v24 =	vsel vm6, $0x0, v24;
	(xrf2) =	vadd.scan.msk.f32 $0xffff, v63;
	v56 =	vld [tilespmem:s26+$0x70];
	v4 =	vmul.f32 v59, v4  }
0x344: {  	v6 =	vadd.f32 v24, v6;
	v27 =	vsel vm5, $0x0, v27;
	v23 =	vmul.f32 v61, v23  }
0x345: {  	v15 =	vadd.f32 v27, v15;
	v17 =	vadd.f32 v51, v17;
	v51 =	vsel vm4, $0x0, v41;
	(xrf2) =	vadd.scan.msk.f32 $0xffff, v4  }
0x346: {  	v27 =	vld [tilespmem:s3+$0xF0];
	v44 =	vsel vm5, $0x0, v44;
	v54 =	vsel vm5, $0x0, v33;
	v60 =	vmul.f32 v50, v62;
	(xrf2) =	vadd.scan.msk.f32 $0xffff, v23  }
0x347: {  	v52 =	vld [tilespmem:s15+$0xF0];
	v53 =	vsel vm4, $0x0, v40;
	v14 =	vadd.f32 v54, v14;
	v57 =	vsel vm7, $0x0, v22  }
0x348: {  	v19 =	vadd.f32 v57, v19;
	v57 =	vsel vm7, $0x0, v29;
	v55 =	vld [tilespmem:s12+$0xFFFFFF70];
	v4 =	vmul.f32 v56, v60  }
0x349: {  	v10 =	vadd.f32 v57, v12;
	v41 =	vsel vm7, $0x0, v47;
	v58 =	vsel vm7, $0x0, v32  }
0x34a: {  	v3 =	vsel vm6, $0x0, v3;
	v59 =	vld [tilespmem:s12+$0xFFFFFFF0];
	v6 =	vadd.f32 v58, v6;
	v58 =	vsel vm3, $0x0, v20;
	(xrf2) =	vadd.scan.msk.f32 $0xffff, v4  }
0x34b: {  	v61 =	vsel vm3, $0x0, v30;
	v30 =	vsel vm3, $0x0, v34;
	v5 =	vadd.f32 v58, v5  }
0x34c: {  	v12 =	vadd.f32 v61, v13;
	v17 =	vadd.f32 v30, v17;
	[tilespmem:s14+$0x110] =	vst v6;
	v6 =	vmul.f32 v49, v27  }
0x34d: {  	v62 =	vsel vm3, $0x0, v31;
	v31 =	vmul.f32 v32, v52;
	v32 =	vmul.f32 v22, v55;
	v55, _, _ =	vpop (xrf2)  }
0x34e: {  	v50 =	vsel vm6, $0x0, v39;
	v52 =	vsel vm6, $0x0, v37;
	v57 =	vperm.xlane v55, v1  }
0x34f: {  	v39 =	vsel vm7, $0x0, v35;
	v63 =	vadd.f32 v62, v18;
	v33 =	vmul.f32 v29, v59;
	v59, _, _ =	vpop (xrf2)  }
0x350: {  	v54 =	vadd.f32 v52, v15;
	v11 =	vmax.f32 v57, $-5.000000000e+00;
	v60 =	vperm.xlane v59, v1;
	v61, _, _ =	vpop (xrf2)  }
0x351: {  	v56 =	vsel vm4, $0x0, v38;
	v11 =	vmin.f32 v11, $5.000000000e+00;
	v20 =	vperm.xlane v61, v1  }
0x352: {  	v15 =	vadd.f32 v56, v17;
	v11 =	vmul.f32 $1.442695020e+00, v11;
	v17 =	vmax.f32 v60, $-5.000000000e+00  }
0x353: {  	v16 =	vadd.f32 v50, v16;
	v17 =	vmin.f32 v17, $5.000000000e+00;
	v20 =	vmax.f32 v20, $-5.000000000e+00  }
0x354: {  	[tilespmem:s0+$0xFFFFFF60] =	vst v19;
	(erf) = vpow2.f32 v11;
	v24 =	vmul.f32 $1.442695020e+00, v17;
	v25 =	vmin.f32 v20, $5.000000000e+00;
	v26, _, _ =	vpop (xrf2)  }
0x355: {  	[tilespmem:s0+$0xFFFFFFF0] =	vst v10;
	v34 =	vld [tilespmem:s12+$0x70];
	v62 =	vsel vm4, $0x0, v28;
	v17 =	vmul.f32 $1.442695020e+00, v25;
	v18 =	vperm.xlane v26, v1  }
0x356: {  	v28 =	vsel vm7, $0x0, v45;
	[tilespmem:s2+$0x100] =	vst v6;
	v5 =	vadd.f32 v62, v5;
	(erf) = vpow2.f32 v24  }
0x357: {  	[tilespmem:s0+$0xFFFFFF50] =	vst v32;
	v9 =	vadd.f32 v28, v9;
	v32 =	vld [tilespmem:s15+$0xFFFFFF70];
	(erf) = vpow2.f32 v17;
	v30 =	vmax.f32 v18, $-5.000000000e+00  }
0x358: {  	[tilespmem:s14+$0x100] =	vst v31;
	v13 =	vadd.f32 v53, v63;
	v63 =	vsel vm5, $0x0, v21;
	v7 =	vmin.f32 v30, $5.000000000e+00  }
0x359: {  	v37 =	vld [tilespmem:s15+$0xFFFFFFF0];
	v8 =	vadd.f32 v41, v54;
	v5 =	vadd.f32 v63, v5;
	[tilespmem:s0+$0xFFFFFFE0] =	vst v33;
	v7 =	vmul.f32 $1.442695020e+00, v7  }
0x35a: {  	v40 =	vld [tilespmem:s15+$0x70];
	v12 =	vadd.f32 v51, v12;
	v29 =	vsel vm6, $0x0, v46;
	v4 =	vmul.f32 v45, v34;
	[tilespmem:s0+$0x80] =	vst v9  }
0x35b: {  	v9 =	vadd.f32 v39, v16;
	[tilespmem:s14+$0xFFFFFFF0] =	vst v8;
	v5 =	vadd.f32 v29, v5;
	(erf) = vpow2.f32 v7  }
0x35c: {  	v31 =	vsel vm7, $0x0, v49;
	v49 =	vld [tilespmem:s3+$0xFFFFFF70];
	v33 =	vsel vm6, $0x0, v43;
	[tilespmem:s0+$0x70] =	vst v4;
	v46 =	vmul.f32 v35, v32  }
0x35d: {  	v43 =	vsel vm5, $0x0, v42;
	v38 =	vadd.f32 v33, v14;
	[tilespmem:s14+$0xFFFFFF60] =	vst v9;
	v34 =	vadd.f32 v31, v5  }
0x35e: {  	v45 =	vadd.f32 v44, v13;
	v5 =	vmul.f32 v47, v37;
	v47 =	vsel vm6, $0x0, v48;
	[tilespmem:s14+$0xFFFFFF50] =	vst v46;
	v48 =	vpop (erf)  }
0x35f: {  	v53 =	vld [tilespmem:s3+$0xFFFFFFF0];
	v4 =	vadd.f32 v43, v12;
	[tilespmem:s2+$0x110] =	vst v34;
	v50 =	vmul.f32 v48, v40;
	v51 =	vsel vm7, $0x0, v48;
	v52 =	vpop (erf)  }
0x360: {  	v58 =	vsel vm5, $0x0, v36;
	v57 =	vld [tilespmem:s3+$0x70];
	v3 =	vadd.f32 v3, v45;
	[tilespmem:s14+$0xFFFFFFE0] =	vst v5;
	v54 =	vadd.f32 v51, v38;
	v56 =	vpop (erf)  }
0x361: {  	v4 =	vadd.f32 v47, v4;
	[tilespmem:s14+$0x70] =	vst v50;
	v61 =	vmul.f32 v52, v49;
	v59 =	vsel vm7, $0x0, v56  }
0x362: {  	v60 =	vadd.f32 v58, v15;
	[tilespmem:s14+$0x80] =	vst v54;
	v55 =	vsel vm7, $0x0, v52;
	v3 =	vadd.f32 v59, v3  }
0x363: {  	v2 =	vsel vm6, $0x0, v2;
	v4 =	vadd.f32 v55, v4;
	[tilespmem:s2+$0xFFFFFF50] =	vst v61  }
0x364: {  	v2 =	vadd.f32 v2, v60;
	[tilespmem:s2+$0xFFFFFFF0] =	vst v3;
	v3 =	vmul.f32 v56, v53;
	v62 =	vpop (erf)  }
0x365: {  	[tilespmem:s2+$0xFFFFFF60] =	vst v4;
	v63 =	vmul.f32 v62, v57;
	v5 =	vsel vm7, $0x0, v62  }
0x366: {  	[tilespmem:s2+$0xFFFFFFE0] =	vst v3;
	v2 =	vadd.f32 v5, v2  }
0x367: {  	s25 =	simm.s32 $0x40;
	s0 =	sadd.s32 $0x2, s31;
	[tilespmem:s2+$0x70] =	vst v63  }
0x368: {  	s24 =	rddreg [dreg:$0x2];
	s26 =	simm.s32 $0x20;
	p0 =	sge.u32 s0, s13;
	[tilespmem:s2+$0x80] =	vst v2  }
0x369: {  	[spmem:s24] =	stream.indirect.scatter.add.f32 [tilespmem:s22], [sflag:$0x5], $0x90, s25, s26, $0xb8;
	[tilespmem:$0x1F210] =	vst v63  }
0x36a: {  	s0 =	sadd.s32 @!p0 s10, s0;
	_ =	swait.ge [sflag:s23], $0x1200  }
0x36b: {  	s0 =	sshll.u32 @!p0 s0, $0x2;
	[sflag:s23] =	ssyncset.done $0x0;
	s1 =	rddreg [dreg:$0x6]  }
0x36c: {  	s2 =	simm.s32 @!p0 $0x0;
	[sflag:s23] =	ssyncadd.s32 $0xFFFFEE00;
	s1 =	sadd.s32 @!p0 s1, s0  }
0x36d: {  	[tilespmem:s2], [sflag:$0x1] =	stream.linear.gather @!p0 [hbm4b:s1+s2], $0x20, $0x38;
	[tilespmem:$0x1F210] =	vst v63  }
0x36e: {  	s0 =	sadd.s32 @!p0 s19, s0;
	s1 =	simm.s32 @!p0 $0x40  }
0x36f: {  	[tilespmem:s1], [sflag:$0x1] =	stream.linear.gather @!p0 [hbm4b:s0+s2], $0x20, $0x38;
	[tilespmem:$0x1F210] =	vst v63  }
.LBB2_10:
0x370: {  	s0 =	rddreg [dreg:$0xd]  }
0x371: {  	p0 =	sge.u32 s31, s0  }
.Ltmp8:
0x372: {  	_ = 	snop;
	(pc) =	sbr.rel @p0 .LBB2_14-.Ltmp8, $1  }
0x373: {  	_ =	sdelay $0x3  }
0x374: {  	s0 =	sadd.s32 $0x2, s31  }
0x375: {  	p0 =	sge.u32 s0, s13  }
0x376: {  	s1 =	simm.s32 @!p0 $0x1  }
0x377: {  	_ =	swait.ge @!p0 [sflag:s1], $0x20  }
0x378: {  	[sflag:s1] =	ssyncset.done @!p0 $0x0  }
0x379: {  	[sflag:s1] =	ssyncadd.s32 @!p0 $0xFFFFFFE0  }
0x37a: {  	_ =	swait.ge @!p0 [sflag:s1], $0x20  }
0x37b: {  	s2 =	simm.s32 @!p0 $0x0;
	[sflag:s1] =	ssyncset.done @!p0 $0x0  }
0x37c: {  	s3 =	simm.s32 @!p0 $0x80;
	[sflag:s1] =	ssyncadd.s32 @!p0 $0xFFFFFFE0;
	s1 =	simm.s32 @!p0 $0x20  }
0x37d: {  	[tilespmem:s3], [sflag:$0x3] =	stream.indirect.gather @!p0 [hbm4b:s5+s1], $0x80, s2, s1, $0xb8;
	[tilespmem:$0x1F210] =	vst v63  }
0x37e: {  	s4 =	simm.s32 @!p0 $0x2080;
	s3 =	simm.s32 @!p0 $0x40;
	s6 =	rddreg [dreg:$0x0]  }
0x37f: {  	[tilespmem:s4], [sflag:$0x3] =	stream.indirect.gather @!p0 [hbm4b:s6+s1], $0x80, s3, s1, $0xb8;
	[tilespmem:$0x1F210] =	vst v63  }
0x380: {  	s0 =	sadd.s32 @!p0 s10, s0;
	s3 =	simm.s32 @!p0 $0x4080  }
0x381: {  	[tilespmem:s3], [sflag:$0x3] =	stream.indirect.gather @!p0 [hbm4b:s7+s1], $0x80, s2, s1, $0xb8;
	[tilespmem:$0x1F210] =	vst v63  }
0x382: {  	s0 =	sshll.u32 @!p0 s0, $0x9;
	s1 =	rddreg [dreg:$0x5]  }
0x383: {  	s0 =	sadd.s32 @!p0 s1, s0;
	s1 =	simm.s32 @!p0 $0x6080  }
0x384: {  	[tilespmem:s1], [sflag:$0x3] =	stream.linear.gather @!p0 [hbm4b:s0+s2], $0x1000, $0x38;
	[tilespmem:$0x1F210] =	vst v63  }
0x385: {  	_ =	swait.ge [sflag:s29], $0x1000  }
0x386: {  	[sflag:s29] =	ssyncset.done $0x0  }
0x387: {  	[sflag:s29] =	ssyncadd.s32 $0xFFFFF000  }
0x388: {  	_ =	swait.ge [sflag:s29], $0x1000  }
0x389: {  	[sflag:s29] =	ssyncset.done $0x0  }
0x38a: {  	[sflag:s29] =	ssyncadd.s32 $0xFFFFF000  }
0x38b: {  	_ =	swait.ge [sflag:s29], $0x1000  }
0x38c: {  	[sflag:s29] =	ssyncset.done $0x0  }
0x38d: {  	[sflag:s29] =	ssyncadd.s32 $0xFFFFF000  }
0x38e: {  	_ =	swait.ge [sflag:s29], $0x1000  }
0x38f: {  	[sflag:s29] =	ssyncset.done $0x0  }
0x390: {  	s9 =	simm.s32 $0x1180;
	[sflag:s29] =	ssyncadd.s32 $0xFFFFF000  }
0x391: {  	s26 =	simm.s32 $0x3180;
	v2 =	vld [tilespmem:s9+$0x80]  }
0x392: {  	v3 =	vld [tilespmem:s26+$0x80]  }
0x393: {  	s20 =	simm.s32 $0x7180  }
0x394: {  	v4 =	vld [tilespmem:s20+$0x80];
	_ =	sdelay $0x1  }
0x395: {  	v5 =	vld [tilespmem:s26+$0xFFFFFF00]  }
0x396: {  	v6 =	vld [tilespmem:s9+$0xFFFFFF80];
	v2 =	vmul.f32 v3, v2  }
0x397: {  	v3 =	vld [tilespmem:s9+$0xFFFFFF00]  }
0x398: {  	v7 =	vld [tilespmem:s26+$0xFFFFFF80];
	v2 =	vmul.f32 v4, v2  }
0x399: {  	v4 =	vld [tilespmem:s20+$0xFFFFFF00]  }
0x39a: {  	(xrf2) =	vadd.scan.msk.f32 $0xffff, v2  }
0x39b: {  	v8 =	vld [tilespmem:s20+$0xFFFFFF80]  }
0x39c: {  	v2 =	vld [tilespmem:s9+$0x0];
	v3 =	vmul.f32 v5, v3  }
0x39d: {  	v5 =	vld [tilespmem:s26+$0x0]  }
0x39e: {  	v3 =	vmul.f32 v4, v3;
	v4 =	vmul.f32 v7, v6  }
0x39f: {  	v6 =	vld [tilespmem:s20+$0x0]  }
0x3a0: {  	(xrf2) =	vadd.scan.msk.f32 $0xffff, v3;
	v3 =	vmul.f32 v8, v4;
	_ =	sdelay $0x1  }
0x3a1: {  	v2 =	vmul.f32 v5, v2  }
0x3a2: {  	(xrf2) =	vadd.scan.msk.f32 $0xffff, v3  }
0x3a3: {  	v2 =	vmul.f32 v6, v2;
	v3, _, _ =	vpop (xrf2)  }
0x3a4: {  	v3 =	vperm.xlane v3, v1  }
0x3a5: {  	(xrf2) =	vadd.scan.msk.f32 $0xffff, v2  }
0x3a6: {  	v2 =	vmax.f32 v3, $-5.000000000e+00  }
0x3a7: {  	v2 =	vmin.f32 v2, $5.000000000e+00  }
0x3a8: {  	v2 =	vmul.f32 $1.442695020e+00, v2  }
0x3a9: {  	v3, _, _ =	vpop (xrf2)  }
0x3aa: {  	(erf) = vpow2.f32 v2;
	v2 =	vperm.xlane v3, v1;
	_ =	sdelay $0x1  }
0x3ab: {  	v3, _, _ =	vpop (xrf2);
	v2 =	vmax.f32 v2, $-5.000000000e+00  }
0x3ac: {  	v3 =	vperm.xlane v3, v1;
	v2 =	vmin.f32 v2, $5.000000000e+00  }
0x3ad: {  	s12 =	simm.s32 $0x5180;
	v2 =	vmul.f32 $1.442695020e+00, v2  }
0x3ae: {  	v4 =	vld [tilespmem:s12+$0x80];
	v3 =	vmax.f32 v3, $-5.000000000e+00;
	v5, _, _ =	vpop (xrf2)  }
0x3af: {  	v3 =	vmin.f32 v3, $5.000000000e+00;
	v5 =	vperm.xlane v5, v1;
	(erf) = vpow2.f32 v2  }
0x3b0: {  	v2 =	vmul.f32 $1.442695020e+00, v3  }
0x3b1: {  	v3 =	vmax.f32 v5, $-5.000000000e+00  }
0x3b2: {  	v3 =	vmin.f32 v3, $5.000000000e+00;
	(erf) = vpow2.f32 v2;
	v8 =	vpop (erf)  }
0x3b3: {  	v3 =	vmul.f32 $1.442695020e+00, v3;
	v2 =	vmul.f32 v8, v4  }
0x3b4: {  	s0 =	simm.s32 $0x81A0;
	v4 =	vld [tilespmem:s12+$0xFFFFFF00]  }
0x3b5: {  	v7 =	vld [tilespmem:s12+$0xFFFFFF80];
	(erf) = vpow2.f32 v3;
	[tilespmem:s0+$0x90] =	vst v2  }
0x3b6: {  	v2 =	vld [tilespmem:s9+$0x90]  }
0x3b7: {  	v3 =	vld [tilespmem:s26+$0x90]  }
0x3b8: {  	v6 =	vpop (erf)  }
0x3b9: {  	v9 =	vld [tilespmem:s20+$0x90];
	v4 =	vmul.f32 v6, v4  }
0x3ba: {  	v10 =	vld [tilespmem:s12+$0x0]  }
0x3bb: {  	v5 =	vpop (erf);
	[tilespmem:s0+$0xFFFFFEE0] =	vst v4  }
0x3bc: {  	v2 =	vmul.f32 v3, v2;
	v4 =	vmul.f32 v5, v7;
	v3 =	vld [tilespmem:s9+$0xFFFFFF10]  }
0x3bd: {  	v11 =	vld [tilespmem:s26+$0xFFFFFF10]  }
0x3be: {  	v7 =	vpop (erf);
	v2 =	vmul.f32 v9, v2;
	v9 =	vld [tilespmem:s20+$0xFFFFFF10];
	[tilespmem:s0+$0xFFFFFF70] =	vst v4  }
0x3bf: {  	v10 =	vmul.f32 v7, v10;
	v4 =	vld [tilespmem:s9+$0xFFFFFF90]  }
0x3c0: {  	(xrf2) =	vadd.scan.msk.f32 $0xffff, v2;
	v2 =	vld [tilespmem:s26+$0xFFFFFF90]  }
0x3c1: {  	v12 =	vld [tilespmem:s20+$0xFFFFFF90];
	[tilespmem:s0+$0x0] =	vst v10  }
0x3c2: {  	v10 =	vld [tilespmem:s9+$0x10]  }
0x3c3: {  	v3 =	vmul.f32 v11, v3;
	v11 =	vld [tilespmem:s26+$0x10];
	_ =	sdelay $0x1  }
0x3c4: {  	v3 =	vmul.f32 v9, v3;
	v9 =	vld [tilespmem:s20+$0x10];
	v2 =	vmul.f32 v2, v4;
	_ =	sdelay $0x1  }
0x3c5: {  	(xrf2) =	vadd.scan.msk.f32 $0xffff, v3;
	v2 =	vmul.f32 v12, v2  }
0x3c6: {  	v3 =	vmul.f32 v11, v10  }
0x3c7: {  	(xrf2) =	vadd.scan.msk.f32 $0xffff, v2  }
0x3c8: {  	v3 =	vmul.f32 v9, v3  }
0x3c9: {  	v2, _, _ =	vpop (xrf2)  }
0x3ca: {  	(xrf2) =	vadd.scan.msk.f32 $0xffff, v3;
	v2 =	vperm.xlane v2, v1;
	_ =	sdelay $0x1  }
0x3cb: {  	v2 =	vmax.f32 v2, $-5.000000000e+00  }
0x3cc: {  	v2 =	vmin.f32 v2, $5.000000000e+00  }
0x3cd: {  	v2 =	vmul.f32 $1.442695020e+00, v2  }
0x3ce: {  	v3, _, _ =	vpop (xrf2)  }
0x3cf: {  	(erf) = vpow2.f32 v2;
	v2 =	vperm.xlane v3, v1  }
0x3d0: {  	v3, _, _ =	vpop (xrf2)  }
0x3d1: {  	v2 =	vmax.f32 v2, $-5.000000000e+00;
	v3 =	vperm.xlane v3, v1  }
0x3d2: {  	v2 =	vmin.f32 v2, $5.000000000e+00  }
0x3d3: {  	v9, _, _ =	vpop (xrf2);
	v2 =	vmul.f32 $1.442695020e+00, v2;
	v3 =	vmax.f32 v3, $-5.000000000e+00  }
0x3d4: {  	v4 =	vld [tilespmem:s12+$0x90];
	v9 =	vperm.xlane v9, v1;
	v3 =	vmin.f32 v3, $5.000000000e+00  }
0x3d5: {  	(erf) = vpow2.f32 v2;
	v2 =	vmul.f32 $1.442695020e+00, v3;
	_ =	sdelay $0x1  }
0x3d6: {  	v3 =	vmax.f32 v9, $-5.000000000e+00;
	(erf) = vpow2.f32 v2  }
0x3d7: {  	v2 =	vmin.f32 v3, $5.000000000e+00;
	v9 =	vpop (erf)  }
0x3d8: {  	v2 =	vmul.f32 $1.442695020e+00, v2;
	v3 =	vmul.f32 v9, v4  }
0x3d9: {  	v4 =	vld [tilespmem:s12+$0xFFFFFF10]  }
0x3da: {  	v10 =	vld [tilespmem:s12+$0xFFFFFF90];
	(erf) = vpow2.f32 v2;
	[tilespmem:s0+$0xA0] =	vst v3  }
0x3db: {  	v2 =	vld [tilespmem:s9+$0xA0]  }
0x3dc: {  	v3 =	vld [tilespmem:s26+$0xA0]  }
0x3dd: {  	v15 =	vpop (erf)  }
0x3de: {  	v11 =	vld [tilespmem:s20+$0xA0];
	v4 =	vmul.f32 v15, v4  }
0x3df: {  	v14 =	vld [tilespmem:s12+$0x10];
	v13 =	vpop (erf)  }
0x3e0: {  	[tilespmem:s0+$0xFFFFFEF0] =	vst v4;
	v4 =	vmul.f32 v13, v10  }
0x3e1: {  	v2 =	vmul.f32 v3, v2;
	v3 =	vld [tilespmem:s9+$0xFFFFFF20]  }
0x3e2: {  	v10 =	vld [tilespmem:s26+$0xFFFFFF20];
	[tilespmem:s0+$0xFFFFFF80] =	vst v4  }
0x3e3: {  	v2 =	vmul.f32 v11, v2;
	v12 =	vpop (erf);
	v4 =	vld [tilespmem:s9+$0xFFFFFFA0]  }
0x3e4: {  	v11 =	vmul.f32 v12, v14;
	v14 =	vld [tilespmem:s26+$0xFFFFFFA0]  }
0x3e5: {  	v16 =	vld [tilespmem:s20+$0xFFFFFFA0];
	(xrf2) =	vadd.scan.msk.f32 $0xffff, v2  }
0x3e6: {  	v2 =	vld [tilespmem:s20+$0xFFFFFF20];
	_ =	sdelay $0x1  }
0x3e7: {  	[tilespmem:s0+$0x10] =	vst v11  }
0x3e8: {  	v11 =	vld [tilespmem:s9+$0x20];
	v3 =	vmul.f32 v10, v3;
	v4 =	vmul.f32 v14, v4  }
0x3e9: {  	v17 =	vld [tilespmem:s26+$0x20]  }
0x3ea: {  	v18 =	vld [tilespmem:s20+$0x20];
	v2 =	vmul.f32 v2, v3;
	v4 =	vmul.f32 v16, v4  }
0x3eb: {  	v14 =	vld [tilespmem:s12+$0xFFFFFFA0]  }
0x3ec: {  	v3 =	vld [tilespmem:s12+$0xFFFFFF20];
	(xrf2) =	vadd.scan.msk.f32 $0xffff, v2  }
0x3ed: {  	v2 =	vld [tilespmem:s12+$0x20];
	(xrf2) =	vadd.scan.msk.f32 $0xffff, v4  }
0x3ee: {  	v4, _, _ =	vpop (xrf2)  }
0x3ef: {  	v4 =	vperm.xlane v4, v1;
	_ =	sdelay $0x1  }
0x3f0: {  	v4 =	vmax.f32 v4, $-5.000000000e+00  }
0x3f1: {  	v4 =	vmin.f32 v4, $5.000000000e+00  }
0x3f2: {  	v4 =	vmul.f32 $1.442695020e+00, v4;
	_ =	sdelay $0x1  }
0x3f3: {  	(erf) = vpow2.f32 v4;
	_ =	sdelay $0x4  }
0x3f4: {  	v4 =	vld [tilespmem:s12+$0xA0];
	_ =	sdelay $0x3  }
0x3f5: {  	v10 =	vpop (erf)  }
0x3f6: {  	v4 =	vmul.f32 v10, v4;
	_ =	sdelay $0x1  }
0x3f7: {  	[tilespmem:s0+$0xB0] =	vst v4  }
0x3f8: {  	v4 =	vmul.f32 v17, v11;
	v11 =	vld [tilespmem:s9+$0xB0]  }
0x3f9: {  	v16 =	vld [tilespmem:s26+$0xB0]  }
0x3fa: {  	v4 =	vmul.f32 v18, v4  }
0x3fb: {  	v17 =	vld [tilespmem:s20+$0xB0]  }
0x3fc: {  	(xrf2) =	vadd.scan.msk.f32 $0xffff, v4;
	_ =	sdelay $0x1  }
0x3fd: {  	v4 =	vmul.f32 v16, v11  }
0x3fe: {  	v11, _, _ =	vpop (xrf2)  }
0x3ff: {  	s18 =	simm.s32 $0x1380;
	v11 =	vperm.xlane v11, v1;
	v4 =	vmul.f32 v17, v4  }
0x400: {  	s17 =	simm.s32 $0x3380;
	v16 =	vld [tilespmem:s18+$0x80]  }
0x401: {  	v17 =	vld [tilespmem:s17+$0x80];
	(xrf2) =	vadd.scan.msk.f32 $0xffff, v4  }
0x402: {  	s16 =	simm.s32 $0x7380  }
0x403: {  	v18 =	vld [tilespmem:s16+$0x80];
	v4 =	vmax.f32 v11, $-5.000000000e+00;
	v11, _, _ =	vpop (xrf2)  }
0x404: {  	v4 =	vmin.f32 v4, $5.000000000e+00;
	v11 =	vperm.xlane v11, v1  }
0x405: {  	v4 =	vmul.f32 $1.442695020e+00, v4;
	v19, _, _ =	vpop (xrf2)  }
0x406: {  	v16 =	vmul.f32 v17, v16;
	v11 =	vmax.f32 v11, $-5.000000000e+00;
	v17 =	vperm.xlane v19, v1  }
0x407: {  	(erf) = vpow2.f32 v4;
	v11 =	vmin.f32 v11, $5.000000000e+00  }
0x408: {  	v4 =	vmul.f32 $1.442695020e+00, v11;
	v11 =	vmul.f32 v18, v16;
	v16 =	vmax.f32 v17, $-5.000000000e+00  }
0x409: {  	v17 =	vld [tilespmem:s18+$0xFFFFFF00]  }
0x40a: {  	(erf) = vpow2.f32 v4;
	v4 =	vld [tilespmem:s17+$0xFFFFFF00]  }
0x40b: {  	(xrf2) =	vadd.scan.msk.f32 $0xffff, v11;
	v11 =	vmin.f32 v16, $5.000000000e+00;
	v16, _, _ =	vpop (xrf2)  }
0x40c: {  	v18 =	vld [tilespmem:s16+$0xFFFFFF00];
	v16 =	vperm.xlane v16, v1  }
0x40d: {  	v11 =	vmul.f32 $1.442695020e+00, v11  }
0x40e: {  	v20 =	vld [tilespmem:s17+$0xFFFFFF80];
	v19 =	vmax.f32 v16, $-5.000000000e+00  }
0x40f: {  	(erf) = vpow2.f32 v11;
	v11 =	vld [tilespmem:s18+$0xFFFFFF80];
	v4 =	vmul.f32 v4, v17;
	v17 =	vmin.f32 v19, $5.000000000e+00  }
0x410: {  	v16 =	vpop (erf);
	v21 =	vmul.f32 $1.442695020e+00, v17  }
0x411: {  	v22 =	vld [tilespmem:s16+$0xFFFFFF80];
	v4 =	vmul.f32 v18, v4;
	v3 =	vmul.f32 v16, v3  }
0x412: {  	v19 =	vld [tilespmem:s18+$0x0]  }
0x413: {  	v17 =	vpop (erf);
	(erf) = vpow2.f32 v21;
	[tilespmem:s0+$0xFFFFFF00] =	vst v3;
	v3 =	vld [tilespmem:s17+$0x0]  }
0x414: {  	v11 =	vmul.f32 v20, v11  }
0x415: {  	v20 =	vld [tilespmem:s16+$0x0];
	(xrf2) =	vadd.scan.msk.f32 $0xffff, v4;
	v14 =	vmul.f32 v17, v14;
	v4, _, _ =	vpop (xrf2)  }
0x416: {  	v11 =	vmul.f32 v22, v11;
	v21 =	vld [tilespmem:s9+$0xFFFFFF30];
	v4 =	vperm.xlane v4, v1  }
0x417: {  	[tilespmem:s0+$0xFFFFFF90] =	vst v14;
	v14 =	vld [tilespmem:s26+$0xFFFFFF30]  }
0x418: {  	v18 =	vpop (erf);
	(xrf2) =	vadd.scan.msk.f32 $0xffff, v11;
	v4 =	vmax.f32 v4, $-5.000000000e+00;
	v3 =	vmul.f32 v3, v19;
	v19 =	vld [tilespmem:s12+$0xB0]  }
0x419: {  	v22 =	vld [tilespmem:s20+$0xFFFFFF30];
	v2 =	vmul.f32 v18, v2;
	v4 =	vmin.f32 v4, $5.000000000e+00  }
0x41a: {  	v23 =	vld [tilespmem:s9+$0xFFFFFFB0];
	v4 =	vmul.f32 $1.442695020e+00, v4;
	v3 =	vmul.f32 v20, v3  }
0x41b: {  	[tilespmem:s0+$0x20] =	vst v2;
	v2 =	vld [tilespmem:s26+$0xFFFFFFB0]  }
0x41c: {  	v20 =	vld [tilespmem:s9+$0x30];
	(erf) = vpow2.f32 v4;
	v4 =	vmul.f32 v14, v21;
	v11 =	vpop (erf);
	(xrf2) =	vadd.scan.msk.f32 $0xffff, v3  }
0x41d: {  	v3 =	vld [tilespmem:s26+$0x30];
	v19 =	vmul.f32 v11, v19  }
0x41e: {  	v14 =	vld [tilespmem:s20+$0xFFFFFFB0];
	v4 =	vmul.f32 v22, v4  }
0x41f: {  	v21 =	vld [tilespmem:s20+$0x30];
	[tilespmem:s0+$0xC0] =	vst v19  }
0x420: {  	v22, _, _ =	vpop (xrf2);
	(xrf2) =	vadd.scan.msk.f32 $0xffff, v4;
	v4 =	vld [tilespmem:s9+$0xC0]  }
0x421: {  	v2 =	vmul.f32 v2, v23;
	v19 =	vld [tilespmem:s26+$0xC0]  }
0x422: {  	s15 =	simm.s32 $0x5380;
	v22 =	vperm.xlane v22, v1;
	v3 =	vmul.f32 v3, v20;
	v20, _, _ =	vpop (xrf2)  }
0x423: {  	v23 =	vld [tilespmem:s15+$0x80];
	v2 =	vmul.f32 v14, v2;
	v20 =	vperm.xlane v20, v1  }
0x424: {  	v14 =	vmax.f32 v22, $-5.000000000e+00;
	v22 =	vld [tilespmem:s20+$0xC0]  }
0x425: {  	v14 =	vmin.f32 v14, $5.000000000e+00;
	(xrf2) =	vadd.scan.msk.f32 $0xffff, v2;
	v3 =	vmul.f32 v21, v3;
	v20 =	vmax.f32 v20, $-5.000000000e+00  }
0x426: {  	v14 =	vmul.f32 $1.442695020e+00, v14;
	v4 =	vmul.f32 v19, v4;
	v19 =	vmin.f32 v20, $5.000000000e+00;
	v21, _, _ =	vpop (xrf2)  }
0x427: {  	v2 =	vpop (erf);
	(xrf2) =	vadd.scan.msk.f32 $0xffff, v3;
	v3 =	vmul.f32 $1.442695020e+00, v19;
	v20 =	vperm.xlane v21, v1  }
0x428: {  	(erf) = vpow2.f32 v14;
	v14 =	vmul.f32 v2, v23  }
0x429: {  	s14 =	simm.s32 $0x83E0;
	v4 =	vmul.f32 v22, v4;
	v19 =	vmax.f32 v20, $-5.000000000e+00  }
0x42a: {  	[tilespmem:s14+$0x90] =	vst v14;
	v19 =	vmin.f32 v19, $5.000000000e+00  }
0x42b: {  	v14 =	vld [tilespmem:s18+$0x90];
	(erf) = vpow2.f32 v3;
	v3, _, _ =	vpop (xrf2);
	(xrf2) =	vadd.scan.msk.f32 $0xffff, v4;
	v4 =	vmul.f32 $1.442695020e+00, v19  }
0x42c: {  	v20 =	vld [tilespmem:s17+$0x90]  }
0x42d: {  	v21 =	vld [tilespmem:s15+$0xFFFFFF00];
	v3 =	vperm.xlane v3, v1  }
0x42e: {  	v19 =	vld [tilespmem:s16+$0x90]  }
0x42f: {  	(erf) = vpow2.f32 v4;
	v3 =	vmax.f32 v3, $-5.000000000e+00;
	v4, _, _ =	vpop (xrf2)  }
0x430: {  	v3 =	vmin.f32 v3, $5.000000000e+00;
	v4 =	vperm.xlane v4, v1  }
0x431: {  	v14 =	vmul.f32 v20, v14;
	v3 =	vmul.f32 $1.442695020e+00, v3  }
0x432: {  	v22 =	vpop (erf);
	v4 =	vmax.f32 v4, $-5.000000000e+00  }
0x433: {  	v20 =	vmul.f32 v22, v21;
	v14 =	vmul.f32 v19, v14;
	v4 =	vmin.f32 v4, $5.000000000e+00  }
0x434: {  	v4 =	vmul.f32 $1.442695020e+00, v4  }
0x435: {  	v23 =	vld [tilespmem:s15+$0xFFFFFF80];
	[tilespmem:s14+$0xFFFFFEE0] =	vst v20;
	(erf) = vpow2.f32 v3;
	(xrf2) =	vadd.scan.msk.f32 $0xffff, v14;
	v3, _, _ =	vpop (xrf2)  }
0x436: {  	v24 =	vld [tilespmem:s18+$0xFFFFFF10];
	v3 =	vperm.xlane v3, v1  }
0x437: {  	v14 =	vld [tilespmem:s17+$0xFFFFFF10]  }
0x438: {  	v19 =	vld [tilespmem:s15+$0x0];
	(erf) = vpow2.f32 v4;
	v3 =	vmax.f32 v3, $-5.000000000e+00;
	v4, _, _ =	vpop (xrf2)  }
0x439: {  	v21 =	vpop (erf);
	v26 =	vld [tilespmem:s16+$0xFFFFFF10];
	v3 =	vmin.f32 v3, $5.000000000e+00;
	v4 =	vperm.xlane v4, v1  }
0x43a: {  	v25 =	vld [tilespmem:s12+$0xFFFFFF30];
	v23 =	vmul.f32 v21, v23;
	v3 =	vmul.f32 $1.442695020e+00, v3  }
0x43b: {  	v27 =	vld [tilespmem:s12+$0xFFFFFFB0];
	v4 =	vmax.f32 v4, $-5.000000000e+00  }
0x43c: {  	v28 =	vld [tilespmem:s12+$0x30];
	v20 =	vpop (erf);
	v14 =	vmul.f32 v14, v24;
	(erf) = vpow2.f32 v3;
	v3 =	vmin.f32 v4, $5.000000000e+00  }
0x43d: {  	v32 =	vld [tilespmem:s12+$0xC0];
	v3 =	vmul.f32 $1.442695020e+00, v3  }
0x43e: {  	v35 =	vld [tilespmem:s15+$0x90];
	[tilespmem:s14+$0xFFFFFF70] =	vst v23;
	v19 =	vmul.f32 v20, v19;
	v14 =	vmul.f32 v26, v14;
	v23 =	vpop (erf)  }
0x43f: {  	v29 =	vld [tilespmem:s18+$0xFFFFFF90];
	v26, _, _ =	vpop (xrf2);
	(erf) = vpow2.f32 v3  }
0x440: {  	v30 =	vld [tilespmem:s16+$0xFFFFFF90];
	[tilespmem:s14+$0x0] =	vst v19;
	v25 =	vmul.f32 v23, v25;
	(xrf2) =	vadd.scan.msk.f32 $0xffff, v14;
	v14 =	vperm.xlane v26, v1  }
0x441: {  	v19 =	vld [tilespmem:s18+$0x10];
	v24 =	vpop (erf)  }
0x442: {  	v4 =	vld [tilespmem:s17+$0xFFFFFF90];
	[tilespmem:s0+$0xFFFFFF10] =	vst v25;
	v14 =	vmax.f32 v14, $-5.000000000e+00;
	v25 =	vmul.f32 v24, v27  }
0x443: {  	v31 =	vld [tilespmem:s16+$0x10];
	v14 =	vmin.f32 v14, $5.000000000e+00  }
0x444: {  	v26 =	vld [tilespmem:s9+$0xFFFFFF40];
	v14 =	vmul.f32 $1.442695020e+00, v14  }
0x445: {  	v3 =	vld [tilespmem:s17+$0x10]  }
0x446: {  	v27 =	vld [tilespmem:s26+$0xFFFFFF40];
	[tilespmem:s0+$0xFFFFFFA0] =	vst v25;
	v25 =	vpop (erf)  }
0x447: {  	v4 =	vmul.f32 v4, v29;
	v29 =	vld [tilespmem:s9+$0xFFFFFFC0];
	v28 =	vmul.f32 v25, v28  }
0x448: {  	v33 =	vld [tilespmem:s26+$0xFFFFFFC0];
	(erf) = vpow2.f32 v14;
	v14 =	vpop (erf)  }
0x449: {  	v4 =	vmul.f32 v30, v4;
	v30 =	vld [tilespmem:s20+$0xFFFFFF40];
	[tilespmem:s0+$0x30] =	vst v28;
	v28 =	vmul.f32 v14, v32  }
0x44a: {  	v34 =	vld [tilespmem:s20+$0xFFFFFFC0];
	v3 =	vmul.f32 v3, v19  }
0x44b: {  	(xrf2) =	vadd.scan.msk.f32 $0xffff, v4;
	v52, _, _ =	vpop (xrf2);
	v4 =	vld [tilespmem:s9+$0x40];
	[tilespmem:s0+$0xD0] =	vst v28  }
0x44c: {  	v3 =	vmul.f32 v31, v3;
	v28 =	vperm.xlane v52, v1;
	v31 =	vld [tilespmem:s9+$0xD0]  }
0x44d: {  	v26 =	vmul.f32 v27, v26;
	v27 =	vld [tilespmem:s26+$0xD0]  }
0x44e: {  	v19 =	vld [tilespmem:s26+$0x40];
	(xrf2) =	vadd.scan.msk.f32 $0xffff, v3;
	v3 =	vmax.f32 v28, $-5.000000000e+00  }
0x44f: {  	v26 =	vmul.f32 v30, v26;
	v29 =	vmul.f32 v33, v29;
	v30 =	vld [tilespmem:s20+$0xD0];
	v3 =	vmin.f32 v3, $5.000000000e+00  }
0x450: {  	v28 =	vld [tilespmem:s20+$0x40]  }
0x451: {  	(xrf2) =	vadd.scan.msk.f32 $0xffff, v26;
	v26 =	vmul.f32 v34, v29  }
0x452: {  	v53 =	vmul.f32 $1.442695020e+00, v3;
	v3 =	vpop (erf);
	v27 =	vmul.f32 v27, v31  }
0x453: {  	v4 =	vmul.f32 v19, v4;
	v19 =	vmul.f32 v3, v35  }
0x454: {  	(erf) = vpow2.f32 v53;
	v27 =	vmul.f32 v30, v27  }
0x455: {  	v4 =	vmul.f32 v28, v4;
	[tilespmem:s14+$0xA0] =	vst v19  }
0x456: {  	(xrf2) =	vadd.scan.msk.f32 $0xffff, v26;
	v29, _, _ =	vpop (xrf2);
	v26 =	vld [tilespmem:s18+$0xA0]  }
0x457: {  	v19 =	vperm.xlane v29, v1;
	(xrf2) =	vadd.scan.msk.f32 $0xffff, v4;
	v4 =	vld [tilespmem:s17+$0xA0]  }
0x458: {  	v29 =	vld [tilespmem:s15+$0xFFFFFF10];
	(xrf2) =	vadd.scan.msk.f32 $0xffff, v27;
	v27, _, _ =	vpop (xrf2)  }
0x459: {  	v28 =	vld [tilespmem:s16+$0xA0];
	v19 =	vmax.f32 v19, $-5.000000000e+00;
	v27 =	vperm.xlane v27, v1  }
0x45a: {  	v19 =	vmin.f32 v19, $5.000000000e+00  }
0x45b: {  	v19 =	vmul.f32 $1.442695020e+00, v19  }
0x45c: {  	v4 =	vmul.f32 v4, v26  }
0x45d: {  	(erf) = vpow2.f32 v19;
	v19 =	vmax.f32 v27, $-5.000000000e+00;
	v27 =	vpop (erf)  }
0x45e: {  	v4 =	vmul.f32 v28, v4;
	v28 =	vmul.f32 v27, v29  }
0x45f: {  	v26, _, _ =	vpop (xrf2);
	v19 =	vmin.f32 v19, $5.000000000e+00  }
0x460: {  	v26 =	vperm.xlane v26, v1;
	v19 =	vmul.f32 $1.442695020e+00, v19  }
0x461: {  	v29, _, _ =	vpop (xrf2)  }
0x462: {  	v26 =	vmax.f32 v26, $-5.000000000e+00;
	(xrf2) =	vadd.scan.msk.f32 $0xffff, v4;
	v4 =	vld [tilespmem:s15+$0xFFFFFF90];
	(erf) = vpow2.f32 v19;
	[tilespmem:s14+$0xFFFFFEF0] =	vst v28;
	v28, _, _ =	vpop (xrf2)  }
0x463: {  	v19 =	vmin.f32 v26, $5.000000000e+00;
	v26 =	vperm.xlane v29, v1;
	v29 =	vld [tilespmem:s18+$0xFFFFFF20];
	v28 =	vperm.xlane v28, v1  }
0x464: {  	v31 =	vld [tilespmem:s17+$0xFFFFFF20]  }
0x465: {  	v19 =	vmul.f32 $1.442695020e+00, v19;
	v26 =	vmax.f32 v26, $-5.000000000e+00  }
0x466: {  	v54 =	vld [tilespmem:s16+$0xFFFFFF20];
	v26 =	vmin.f32 v26, $5.000000000e+00;
	v30, _, _ =	vpop (xrf2)  }
0x467: {  	(erf) = vpow2.f32 v19;
	v30 =	vperm.xlane v30, v1;
	v19 =	vmax.f32 v28, $-5.000000000e+00;
	v28 =	vpop (erf)  }
0x468: {  	v26 =	vmul.f32 $1.442695020e+00, v26;
	v19 =	vmin.f32 v19, $5.000000000e+00;
	v4 =	vmul.f32 v28, v4  }
0x469: {  	v30 =	vmax.f32 v30, $-5.000000000e+00;
	v29 =	vmul.f32 v31, v29;
	v19 =	vmul.f32 $1.442695020e+00, v19  }
0x46a: {  	v55 =	vld [tilespmem:s15+$0x10];
	(erf) = vpow2.f32 v26;
	v30 =	vmin.f32 v30, $5.000000000e+00;
	[tilespmem:s14+$0xFFFFFF80] =	vst v4  }
0x46b: {  	v26 =	vmul.f32 $1.442695020e+00, v30;
	v4 =	vmul.f32 v54, v29;
	v57 =	vld [tilespmem:s18+$0xFFFFFFA0]  }
0x46c: {  	(erf) = vpow2.f32 v19;
	v58 =	vld [tilespmem:s17+$0xFFFFFFA0]  }
0x46d: {  	(erf) = vpow2.f32 v26;
	v19, _, _ =	vpop (xrf2);
	(xrf2) =	vadd.scan.msk.f32 $0xffff, v4  }
0x46e: {  	v29 =	vpop (erf);
	v19 =	vperm.xlane v19, v1;
	v4 =	vld [tilespmem:s16+$0xFFFFFFA0]  }
0x46f: {  	v30 =	vld [tilespmem:s12+$0xFFFFFF40];
	v31 =	vmul.f32 v29, v55  }
0x470: {  	v19 =	vmax.f32 v19, $-5.000000000e+00  }
0x471: {  	v56 =	vld [tilespmem:s12+$0xFFFFFFC0];
	v19 =	vmin.f32 v19, $5.000000000e+00;
	v33 =	vmul.f32 v58, v57  }
0x472: {  	v36 =	vld [tilespmem:s12+$0xD0];
	v19 =	vmul.f32 $1.442695020e+00, v19  }
0x473: {  	v41 =	vld [tilespmem:s15+$0xA0];
	[tilespmem:s14+$0x10] =	vst v31;
	v31 =	vpop (erf);
	v4 =	vmul.f32 v4, v33  }
0x474: {  	v37 =	vld [tilespmem:s18+$0x20];
	v59 =	vmul.f32 v31, v30;
	v30 =	vpop (erf);
	(erf) = vpow2.f32 v19  }
0x475: {  	v38 =	vld [tilespmem:s17+$0x20];
	v32 =	vpop (erf)  }
0x476: {  	v39 =	vld [tilespmem:s16+$0x20];
	[tilespmem:s0+$0xFFFFFF20] =	vst v59;
	v19 =	vpop (erf)  }
0x477: {  	v60 =	vld [tilespmem:s9+$0xFFFFFF50];
	(xrf2) =	vadd.scan.msk.f32 $0xffff, v4;
	v36 =	vmul.f32 v19, v36;
	v4, _, _ =	vpop (xrf2)  }
0x478: {  	v40 =	vld [tilespmem:s26+$0xFFFFFF50];
	v4 =	vperm.xlane v4, v1  }
0x479: {  	v61 =	vld [tilespmem:s20+$0xFFFFFF50];
	[tilespmem:s0+$0xE0] =	vst v36  }
0x47a: {  	v36 =	vld [tilespmem:s9+$0xE0];
	v4 =	vmax.f32 v4, $-5.000000000e+00  }
0x47b: {  	v34 =	vmul.f32 v30, v56;
	v37 =	vmul.f32 v38, v37;
	v62 =	vld [tilespmem:s26+$0xE0]  }
0x47c: {  	v26 =	vld [tilespmem:s12+$0x40]  }
0x47d: {  	[tilespmem:s0+$0xFFFFFFB0] =	vst v34;
	v37 =	vmul.f32 v39, v37;
	v63 =	vld [tilespmem:s20+$0xE0];
	v35 =	vmul.f32 v40, v60;
	v44 =	vmin.f32 v4, $5.000000000e+00;
	v4 =	vpop (erf)  }
0x47e: {  	v48 =	vld [tilespmem:s9+$0xFFFFFFD0];
	v47 =	vmul.f32 v4, v41  }
0x47f: {  	v50 =	vld [tilespmem:s26+$0xFFFFFFD0];
	(xrf2) =	vadd.scan.msk.f32 $0xffff, v37;
	v33 =	vmul.f32 v61, v35  }
0x480: {  	v55 =	vld [tilespmem:s20+$0xFFFFFFD0];
	v49 =	vmul.f32 v62, v36;
	[tilespmem:s14+$0xB0] =	vst v47  }
0x481: {  	(xrf2) =	vadd.scan.msk.f32 $0xffff, v33;
	v51 =	vld [tilespmem:s18+$0xB0]  }
0x482: {  	v52 =	vmul.f32 v63, v49;
	v53 =	vld [tilespmem:s17+$0xB0]  }
0x483: {  	v26 =	vmul.f32 v32, v26  }
0x484: {  	s25 =	simm.s32 $0x3580;
	v54, _, _ =	vpop (xrf2);
	v56 =	vld [tilespmem:s16+$0xB0];
	(xrf2) =	vadd.scan.msk.f32 $0xffff, v52  }
0x485: {  	v45 =	vld [tilespmem:s25+$0x80];
	[tilespmem:s0+$0x40] =	vst v26;
	v36 =	vmul.f32 v50, v48;
	v26 =	vperm.xlane v54, v1  }
0x486: {  	v57 =	vld [tilespmem:s9+$0x50];
	v46 =	vmul.f32 $1.442695020e+00, v44  }
0x487: {  	s21 =	simm.s32 $0x1580;
	v58 =	vld [tilespmem:s26+$0x50];
	v36 =	vmul.f32 v55, v36;
	v26 =	vmax.f32 v26, $-5.000000000e+00;
	v33 =	vmul.f32 v53, v51  }
0x488: {  	v61 =	vld [tilespmem:s21+$0x80];
	(erf) = vpow2.f32 v46;
	v26 =	vmin.f32 v26, $5.000000000e+00  }
0x489: {  	s4 =	simm.s32 $0x7580;
	v59 =	vld [tilespmem:s20+$0x50];
	v60, _, _ =	vpop (xrf2);
	(xrf2) =	vadd.scan.msk.f32 $0xffff, v36;
	v26 =	vmul.f32 $1.442695020e+00, v26;
	v34 =	vmul.f32 v56, v33  }
0x48a: {  	v48 =	vld [tilespmem:s4+$0x80];
	v35 =	vperm.xlane v60, v1  }
0x48b: {  	(erf) = vpow2.f32 v26;
	v47, _, _ =	vpop (xrf2);
	(xrf2) =	vadd.scan.msk.f32 $0xffff, v34  }
0x48c: {  	v42 =	vld [tilespmem:s15+$0xFFFFFF20];
	v62 =	vmul.f32 v58, v57;
	v26 =	vmax.f32 v35, $-5.000000000e+00;
	v49 =	vperm.xlane v47, v1  }
0x48d: {  	v43 =	vld [tilespmem:s15+$0xFFFFFFA0];
	v51 =	vmul.f32 v45, v61;
	v26 =	vmin.f32 v26, $5.000000000e+00  }
0x48e: {  	v40 =	vld [tilespmem:s15+$0x20];
	v35 =	vmul.f32 v59, v62;
	v26 =	vmul.f32 $1.442695020e+00, v26;
	v34 =	vmax.f32 v49, $-5.000000000e+00;
	v50, _, _ =	vpop (xrf2)  }
0x48f: {  	v52 =	vld [tilespmem:s21+$0xFFFFFF00];
	v41 =	vmul.f32 v48, v51;
	v34 =	vmin.f32 v34, $5.000000000e+00;
	v36 =	vperm.xlane v50, v1  }
0x490: {  	(erf) = vpow2.f32 v26;
	v26 =	vld [tilespmem:s25+$0xFFFFFF00];
	v34 =	vmul.f32 $1.442695020e+00, v34  }
0x491: {  	v54 =	vld [tilespmem:s4+$0xFFFFFF00];
	(xrf2) =	vadd.scan.msk.f32 $0xffff, v35;
	v36 =	vmax.f32 v36, $-5.000000000e+00  }
0x492: {  	v55 =	vld [tilespmem:s25+$0xFFFFFF80];
	v33 =	vpop (erf);
	(xrf2) =	vadd.scan.msk.f32 $0xffff, v41;
	v36 =	vmin.f32 v36, $5.000000000e+00  }
0x493: {  	v53 =	vld [tilespmem:s21+$0xFFFFFF80];
	v47, _, _ =	vpop (xrf2);
	v36 =	vmul.f32 $1.442695020e+00, v36  }
0x494: {  	v56 =	vld [tilespmem:s21+$0x0];
	(erf) = vpow2.f32 v34;
	v57 =	vperm.xlane v47, v1;
	v34 =	vpop (erf)  }
0x495: {  	v48 =	vld [tilespmem:s25+$0x0];
	v26 =	vmul.f32 v26, v52;
	(erf) = vpow2.f32 v36;
	v59, _, _ =	vpop (xrf2)  }
0x496: {  	v58 =	vld [tilespmem:s4+$0xFFFFFF80];
	v63 =	vmul.f32 v33, v42;
	v49 =	vperm.xlane v59, v1  }
0x497: {  	v26 =	vmul.f32 v54, v26;
	v36 =	vmax.f32 v57, $-5.000000000e+00  }
0x498: {  	v41 =	vmul.f32 v55, v53;
	[tilespmem:s14+$0xFFFFFF00] =	vst v63;
	v50 =	vld [tilespmem:s4+$0x0];
	v36 =	vmin.f32 v36, $5.000000000e+00;
	v61 =	vmax.f32 v49, $-5.000000000e+00  }
0x499: {  	v62 =	vld [tilespmem:s12+$0xE0];
	v43 =	vmul.f32 v34, v43;
	(xrf2) =	vadd.scan.msk.f32 $0xffff, v26;
	v36 =	vmul.f32 $1.442695020e+00, v36;
	v26 =	vmin.f32 v61, $5.000000000e+00  }
0x49a: {  	v55 =	vmul.f32 v48, v56;
	v37 =	vld [tilespmem:s18+$0xFFFFFF30];
	v35 =	vpop (erf);
	v26 =	vmul.f32 $1.442695020e+00, v26  }
0x49b: {  	v60 =	vld [tilespmem:s17+$0xFFFFFF30];
	v41 =	vmul.f32 v58, v41;
	[tilespmem:s14+$0xFFFFFF90] =	vst v43;
	v40 =	vmul.f32 v35, v40;
	v54, _, _ =	vpop (xrf2)  }
0x49c: {  	v63 =	vld [tilespmem:s18+$0xFFFFFFB0];
	v57, _, _ =	vpop (xrf2)  }
0x49d: {  	v56 =	vld [tilespmem:s17+$0xFFFFFFB0];
	(xrf2) =	vadd.scan.msk.f32 $0xffff, v41;
	[tilespmem:s14+$0x20] =	vst v40;
	v40 =	vmul.f32 v50, v55;
	(erf) = vpow2.f32 v36;
	v36 =	vpop (erf)  }
0x49e: {  	v58 =	vld [tilespmem:s16+$0xFFFFFF30];
	v47 =	vperm.xlane v54, v1;
	(erf) = vpow2.f32 v26;
	v26 =	vpop (erf)  }
0x49f: {  	v51 =	vld [tilespmem:s16+$0xFFFFFFB0];
	v41 =	vperm.xlane v57, v1;
	(xrf2) =	vadd.scan.msk.f32 $0xffff, v40;
	v43 =	vmul.f32 v26, v62  }
0x4a0: {  	v6 =	vnsel vm0, $0x0, v6;
	v5 =	vnsel vm0, $0x0, v5;
	v46 =	vld [tilespmem:s12+$0xFFFFFF50];
	v47 =	vmax.f32 v47, $-5.000000000e+00  }
0x4a1: {  	v37 =	vmul.f32 v60, v37;
	v48 =	vld [tilespmem:s18+$0x30];
	v47 =	vmin.f32 v47, $5.000000000e+00;
	v41 =	vmax.f32 v41, $-5.000000000e+00;
	[tilespmem:s0+$0xF0] =	vst v43  }
0x4a2: {  	v59 =	vmul.f32 $1.442695020e+00, v47;
	v41 =	vmin.f32 v41, $5.000000000e+00;
	v62 =	vmul.f32 v56, v63;
	v43 =	vld [tilespmem:s9+$0xF0]  }
0x4a3: {  	v7 =	vnsel vm0, $0x0, v7;
	v42 =	vmul.f32 v58, v37;
	v41 =	vmul.f32 $1.442695020e+00, v41;
	v61 =	vld [tilespmem:s26+$0xF0]  }
0x4a4: {  	v54 =	vadd.f32 $0.0e+00, v5;
	v50 =	vld [tilespmem:s17+$0x30];
	(erf) = vpow2.f32 v59;
	v5 =	vmul.f32 v51, v62  }
0x4a5: {  	v15 =	vsel vm1, $0x0, v15;
	v13 =	vsel vm1, $0x0, v13;
	(xrf2) =	vadd.scan.msk.f32 $0xffff, v42;
	(erf) = vpow2.f32 v41;
	v63, _, _ =	vpop (xrf2);
	v53 =	vld [tilespmem:s20+$0xF0]  }
0x4a6: {  	v16 =	vsel vm2, $0x0, v16;
	v17 =	vsel vm2, $0x0, v17;
	v60 =	vld [tilespmem:s15+$0xB0];
	v45 =	vperm.xlane v63, v1;
	(xrf2) =	vadd.scan.msk.f32 $0xffff, v5  }
0x4a7: {  	v38 =	vld [tilespmem:s12+$0xFFFFFFD0];
	v52 =	vadd.f32 $0.0e+00, v6;
	v13 =	vadd.f32 v13, v54;
	v46 =	vmul.f32 v36, v46;
	v55, _, _ =	vpop (xrf2)  }
0x4a8: {  	v44 =	vld [tilespmem:s16+$0x30];
	v37 =	vpop (erf);
	v57 =	vperm.xlane v55, v1;
	v45 =	vmax.f32 v45, $-5.000000000e+00;
	v5 =	vmul.f32 v61, v43  }
0x4a9: {  	s24 =	simm.s32 $0x5580;
	v13 =	vadd.f32 v17, v13;
	v48 =	vmul.f32 v50, v48;
	v56 =	vmin.f32 v45, $5.000000000e+00;
	v59, _, _ =	vpop (xrf2)  }
0x4aa: {  	v58 =	vld [tilespmem:s24+$0x80];
	v45 =	vmax.f32 v57, $-5.000000000e+00;
	v6 =	vpop (erf);
	v43 =	vmul.f32 $1.442695020e+00, v56;
	v5 =	vmul.f32 v53, v5  }
0x4ab: {  	v45 =	vmin.f32 v45, $5.000000000e+00;
	v47 =	vmul.f32 v6, v60;
	v60 =	vperm.xlane v59, v1  }
0x4ac: {  	v62 =	vadd.f32 v15, v52;
	v45 =	vmul.f32 $1.442695020e+00, v45;
	(erf) = vpow2.f32 v43  }
0x4ad: {  	v39 =	vld [tilespmem:s12+$0x50];
	[tilespmem:s0+$0xFFFFFF30] =	vst v46;
	v48 =	vmul.f32 v44, v48;
	v63 =	vmul.f32 v37, v38;
	v38 =	vpop (erf);
	v46 =	vmax.f32 v60, $-5.000000000e+00  }
0x4ae: {  	v17 =	vld [tilespmem:s24+$0xFFFFFF80];
	[tilespmem:s14+$0xC0] =	vst v47;
	v56 =	vmin.f32 v46, $5.000000000e+00;
	(erf) = vpow2.f32 v45;
	(xrf2) =	vadd.scan.msk.f32 $0xffff, v5;
	v5 =	vpop (erf)  }
0x4af: {  	v40 =	vadd.f32 $0.0e+00, v7;
	v50 =	vld [tilespmem:s18+$0xC0];
	v45 =	vmul.f32 $1.442695020e+00, v56;
	v57 =	vmul.f32 v5, v58;
	v58, _, _ =	vpop (xrf2)  }
0x4b0: {  	v12 =	vsel vm1, $0x0, v12;
	v16 =	vadd.f32 v16, v62;
	v61 =	vld [tilespmem:s17+$0xC0];
	(xrf2) =	vadd.scan.msk.f32 $0xffff, v48;
	v62, _, _ =	vpop (xrf2)  }
0x4b1: {  	s1 =	simm.s32 $0x8620;
	v12 =	vadd.f32 v12, v40;
	v59 =	vld [tilespmem:s24+$0xFFFFFF00];
	(erf) = vpow2.f32 v45;
	v45 =	vperm.xlane v62, v1  }
0x4b2: {  	v18 =	vsel vm2, $0x0, v18;
	v52 =	vld [tilespmem:s16+$0xC0];
	[tilespmem:s1+$0x90] =	vst v57  }
0x4b3: {  	v18 =	vadd.f32 v18, v12;
	v49 =	vld [tilespmem:s21+$0x90];
	v12 =	vmax.f32 v45, $-5.000000000e+00  }
0x4b4: {  	v22 =	vnsel vm0, $0x0, v22;
	[tilespmem:s0+$0xFFFFFFC0] =	vst v63;
	v63 =	vld [tilespmem:s25+$0x90];
	v12 =	vmin.f32 v12, $5.000000000e+00  }
0x4b5: {  	v21 =	vnsel vm0, $0x0, v21;
	v55 =	vmul.f32 v38, v39;
	v60 =	vmul.f32 v61, v50;
	v39 =	vpop (erf)  }
0x4b6: {  	v23 =	vsel vm3, $0x0, v23;
	v47 =	vperm.xlane v58, v1;
	v56 =	vld [tilespmem:s4+$0x90];
	v57 =	vmul.f32 v39, v59  }
0x4b7: {  	v24 =	vsel vm3, $0x0, v24;
	v7 =	vld [tilespmem:s15+$0x30];
	v48 =	vmul.f32 v52, v60;
	v60 =	vmul.f32 $1.442695020e+00, v12;
	v12 =	vpop (erf)  }
0x4b8: {  	v25 =	vsel vm3, $0x0, v25;
	v58 =	vld [tilespmem:s24+$0x0];
	v61 =	vmax.f32 v47, $-5.000000000e+00;
	[tilespmem:s1+$0xFFFFFEE0] =	vst v57;
	v17 =	vmul.f32 v12, v17  }
0x4b9: {  	v24 =	vadd.f32 v24, v13;
	v40 =	vmin.f32 v61, $5.000000000e+00;
	(xrf2) =	vadd.scan.msk.f32 $0xffff, v48;
	v59, _, _ =	vpop (xrf2);
	v61 =	vmul.f32 v63, v49;
	v63 =	vld [tilespmem:s21+$0xFFFFFF10]  }
0x4ba: {  	v23 =	vadd.f32 v23, v16;
	v40 =	vmul.f32 $1.442695020e+00, v40;
	v62 =	vperm.xlane v59, v1;
	v16 =	vld [tilespmem:s25+$0xFFFFFF10];
	v54, _, _ =	vpop (xrf2);
	[tilespmem:s1+$0xFFFFFF70] =	vst v17  }
0x4bb: {  	v25 =	vadd.f32 v25, v18;
	v45 =	vmul.f32 v56, v61;
	v17 =	vperm.xlane v54, v1;
	v56 =	vld [tilespmem:s21+$0xFFFFFF90]  }
0x4bc: {  	v18 =	vadd.f32 $0.0e+00, v22;
	(erf) = vpow2.f32 v40;
	v47 =	vmax.f32 v62, $-5.000000000e+00;
	v57 =	vld [tilespmem:s25+$0xFFFFFF90]  }
0x4bd: {  	[tilespmem:s0+$0x50] =	vst v55;
	(erf) = vpow2.f32 v60;
	v55 =	vld [tilespmem:s4+$0xFFFFFF10];
	v13 =	vpop (erf);
	v47 =	vmin.f32 v47, $5.000000000e+00;
	v17 =	vmax.f32 v17, $-5.000000000e+00  }
0x4be: {  	v46 =	vmul.f32 v13, v58;
	(xrf2) =	vadd.scan.msk.f32 $0xffff, v45;
	v22 =	vmul.f32 $1.442695020e+00, v47;
	v58 =	vld [tilespmem:s4+$0xFFFFFF90];
	v17 =	vmin.f32 v17, $5.000000000e+00  }
0x4bf: {  	v21 =	vadd.f32 $0.0e+00, v21;
	v42 =	vld [tilespmem:s15+$0xFFFFFF30];
	v17 =	vmul.f32 $1.442695020e+00, v17  }
0x4c0: {  	v27 =	vsel vm1, $0x0, v27;
	v41 =	vld [tilespmem:s15+$0xFFFFFFB0];
	[tilespmem:s1+$0x0] =	vst v46;
	v16 =	vmul.f32 v16, v63;
	(erf) = vpow2.f32 v22  }
0x4c1: {  	v27 =	vadd.f32 v27, v18;
	v18 =	vld [tilespmem:s25+$0x10];
	(erf) = vpow2.f32 v17;
	v17 =	vmul.f32 v57, v56  }
0x4c2: {  	v28 =	vsel vm1, $0x0, v28;
	v22 =	vld [tilespmem:s21+$0x10];
	v48 =	vmul.f32 v55, v16  }
0x4c3: {  	v21 =	vadd.f32 v28, v21;
	v28 =	vld [tilespmem:s20+$0xFFFFFF60];
	v59, _, _ =	vpop (xrf2);
	v17 =	vmul.f32 v58, v17  }
0x4c4: {  	v20 =	vnsel vm0, $0x0, v20;
	v44 =	vld [tilespmem:s26+$0xFFFFFF60];
	v60 =	vperm.xlane v59, v1;
	(xrf2) =	vadd.scan.msk.f32 $0xffff, v48  }
0x4c5: {  	v20 =	vadd.f32 $0.0e+00, v20;
	v61 =	vld [tilespmem:s4+$0x10];
	(xrf2) =	vadd.scan.msk.f32 $0xffff, v17;
	v17 =	vsel vm4, $0x0, v31  }
0x4c6: {  	v29 =	vsel vm1, $0x0, v29;
	v15 =	vld [tilespmem:s9+$0xFFFFFF60];
	v16 =	vpop (erf);
	v49 =	vmax.f32 v60, $-5.000000000e+00  }
0x4c7: {  	v20 =	vadd.f32 v29, v20;
	v43 =	vld [tilespmem:s9+$0xFFFFFFE0];
	v62 =	vmin.f32 v49, $5.000000000e+00;
	v22 =	vmul.f32 v18, v22;
	v18 =	vpop (erf)  }
0x4c8: {  	v50 =	vld [tilespmem:s26+$0xFFFFFFE0];
	v42 =	vmul.f32 v16, v42;
	v48 =	vmul.f32 $1.442695020e+00, v62;
	v29 =	vadd.f32 v17, v23;
	v17, _, _ =	vpop (xrf2)  }
0x4c9: {  	v40 =	vld [tilespmem:s9+$0x60];
	v41 =	vmul.f32 v18, v41;
	v52 =	vperm.xlane v17, v1;
	v17 =	vsel vm2, $0x0, v33  }
0x4ca: {  	v63 =	vld [tilespmem:s20+$0xFFFFFFE0];
	[tilespmem:s14+$0xFFFFFF10] =	vst v42;
	(erf) = vpow2.f32 v48;
	v22 =	vmul.f32 v61, v22  }
0x4cb: {  	v15 =	vmul.f32 v44, v15;
	v42 =	vld [tilespmem:s18+$0xFFFFFF40];
	v23 =	vsel vm4, $0x0, v30;
	v30 =	vsel vm4, $0x0, v32;
	[tilespmem:s14+$0xFFFFFFA0] =	vst v41  }
0x4cc: {  	v30 =	vadd.f32 v30, v25;
	v54 =	vld [tilespmem:s18+$0xFFFFFFC0];
	(xrf2) =	vadd.scan.msk.f32 $0xffff, v22;
	v25 =	vadd.f32 v17, v27;
	v17 =	vpop (erf)  }
0x4cd: {  	v53 =	vadd.f32 v23, v24;
	v55 =	vld [tilespmem:s17+$0xFFFFFFC0];
	v22 =	vsel vm2, $0x0, v34;
	v23 =	vmax.f32 v52, $-5.000000000e+00;
	v24 =	vpop (erf)  }
0x4ce: {  	v51 =	vld [tilespmem:s17+$0xFFFFFF40];
	v27 =	vadd.f32 v22, v21;
	v22 =	vmin.f32 v23, $5.000000000e+00;
	v7 =	vmul.f32 v24, v7  }
0x4cf: {  	v28 =	vmul.f32 v28, v15;
	v21 =	vld [tilespmem:s15+$0xC0];
	v15, _, _ =	vpop (xrf2);
	v22 =	vmul.f32 $1.442695020e+00, v22  }
0x4d0: {  	v56 =	vld [tilespmem:s16+$0xFFFFFF40];
	v23 =	vsel vm2, $0x0, v35;
	v57 =	vperm.xlane v15, v1;
	[tilespmem:s14+$0x30] =	vst v7;
	v7 =	vsel vm5, $0x0, v36  }
0x4d1: {  	(xrf2) =	vadd.scan.msk.f32 $0xffff, v28;
	v23 =	vadd.f32 v23, v20;
	v20 =	vmul.f32 v50, v43;
	(erf) = vpow2.f32 v22;
	v22 =	vld [tilespmem:s16+$0xFFFFFFC0]  }
0x4d2: {  	v45 =	vld [tilespmem:s26+$0x60];
	v58 =	vmul.f32 v55, v54;
	v60 =	vmax.f32 v57, $-5.000000000e+00;
	v61, _, _ =	vpop (xrf2)  }
0x4d3: {  	v20 =	vmul.f32 v63, v20;
	v63 =	vld [tilespmem:s24+$0x90];
	v36 =	vperm.xlane v61, v1;
	v15 =	vadd.f32 v7, v29;
	v7 =	vpop (erf)  }
0x4d4: {  	v34 =	vmin.f32 v60, $5.000000000e+00;
	v29 =	vmul.f32 v51, v42;
	v28 =	vld [tilespmem:s18+$0x40];
	v62 =	vmul.f32 v7, v21  }
0x4d5: {  	v8 =	vnsel vm0, $0x0, v8;
	v34 =	vmul.f32 $1.442695020e+00, v34;
	v59 =	vld [tilespmem:s17+$0x40];
	(xrf2) =	vadd.scan.msk.f32 $0xffff, v20  }
0x4d6: {  	v20 =	vld [tilespmem:s16+$0x40];
	v46, _, _ =	vpop (xrf2);
	v29 =	vmul.f32 v56, v29;
	v32 =	vmul.f32 v22, v58;
	v22 =	vmax.f32 v36, $-5.000000000e+00;
	[tilespmem:s14+$0xD0] =	vst v62  }
0x4d7: {  	v9 =	vsel vm1, $0x0, v9;
	v36 =	vperm.xlane v46, v1;
	v22 =	vmin.f32 v22, $5.000000000e+00;
	v47 =	vld [tilespmem:s18+$0xD0]  }
0x4d8: {  	v38 =	vsel vm5, $0x0, v38;
	(erf) = vpow2.f32 v34;
	(xrf2) =	vadd.scan.msk.f32 $0xffff, v29;
	v50 =	vmul.f32 $1.442695020e+00, v22;
	v48 =	vld [tilespmem:s17+$0xD0]  }
0x4d9: {  	v49 =	vld [tilespmem:s20+$0x60];
	v22 =	vadd.f32 v38, v30;
	v30 =	vadd.f32 $0.0e+00, v8;
	v8 =	vmax.f32 v36, $-5.000000000e+00  }
0x4da: {  	v10 =	vsel vm2, $0x0, v10;
	v28 =	vmul.f32 v59, v28;
	v51 =	vld [tilespmem:s16+$0xD0];
	(erf) = vpow2.f32 v50  }
0x4db: {  	v11 =	vsel vm3, $0x0, v11;
	v31 =	vld [tilespmem:s24+$0xFFFFFF10];
	v21 =	vsel vm5, $0x0, v37;
	v54, _, _ =	vpop (xrf2);
	v9 =	vadd.f32 v9, v30  }
0x4dc: {  	v41 =	vld [tilespmem:s15+$0xFFFFFFC0];
	(xrf2) =	vadd.scan.msk.f32 $0xffff, v32;
	v38 =	vperm.xlane v54, v1;
	v52 =	vmin.f32 v8, $5.000000000e+00;
	v20 =	vmul.f32 v20, v28;
	v8 =	vpop (erf)  }
0x4dd: {  	v35 =	vld [tilespmem:s24+$0xFFFFFF90];
	v37 =	vmul.f32 v8, v63;
	v9 =	vadd.f32 v10, v9;
	v34 =	vmul.f32 v48, v47  }
0x4de: {  	v60 =	vld [tilespmem:s12+$0xFFFFFFE0];
	v21 =	vadd.f32 v21, v53;
	v53 =	vmul.f32 $1.442695020e+00, v52;
	v56 =	vmax.f32 v38, $-5.000000000e+00;
	(xrf2) =	vadd.scan.msk.f32 $0xffff, v20  }
0x4df: {  	v29 =	vld [tilespmem:s24+$0x10];
	v10, _, _ =	vpop (xrf2);
	[tilespmem:s1+$0xA0] =	vst v37;
	v11 =	vadd.f32 v11, v9;
	v9 =	vmin.f32 v56, $5.000000000e+00;
	v33 =	vmul.f32 v51, v34  }
0x4e0: {  	(erf) = vpow2.f32 v53;
	v10 =	vperm.xlane v10, v1;
	v55 =	vld [tilespmem:s21+$0xA0]  }
0x4e1: {  	v14 =	vsel vm4, $0x0, v14;
	v37 =	vld [tilespmem:s25+$0xA0];
	v34 =	vpop (erf)  }
0x4e2: {  	v36 =	vld [tilespmem:s12+$0xFFFFFF60];
	v58 =	vmul.f32 $1.442695020e+00, v9;
	v10 =	vmax.f32 v10, $-5.000000000e+00;
	v9, _, _ =	vpop (xrf2);
	(xrf2) =	vadd.scan.msk.f32 $0xffff, v33;
	v31 =	vmul.f32 v34, v31  }
0x4e3: {  	v57 =	vmul.f32 v45, v40;
	v59 =	vld [tilespmem:s4+$0xA0];
	v10 =	vmin.f32 v10, $5.000000000e+00;
	v61 =	vperm.xlane v9, v1;
	v33 =	vpop (erf)  }
0x4e4: {  	v19 =	vsel vm5, $0x0, v19;
	v28 =	vld [tilespmem:s12+$0xF0];
	v10 =	vmul.f32 $1.442695020e+00, v10;
	[tilespmem:s1+$0xFFFFFEF0] =	vst v31;
	v35 =	vmul.f32 v33, v35  }
0x4e5: {  	v26 =	vsel vm6, $0x0, v26;
	v38 =	vmul.f32 v49, v57;
	(erf) = vpow2.f32 v58;
	v31 =	vld [tilespmem:s21+$0xFFFFFF20]  }
0x4e6: {  	v63, _, _ =	vpop (xrf2);
	v32 =	vmul.f32 v37, v55;
	v62 =	vmax.f32 v61, $-5.000000000e+00;
	(erf) = vpow2.f32 v10;
	v10 =	vld [tilespmem:s25+$0xFFFFFF20];
	[tilespmem:s1+$0xFFFFFF80] =	vst v35  }
0x4e7: {  	v11 =	vadd.f32 v14, v11;
	v43 =	vperm.xlane v63, v1;
	(xrf2) =	vadd.scan.msk.f32 $0xffff, v38;
	v37 =	vmin.f32 v62, $5.000000000e+00;
	v14 =	vld [tilespmem:s21+$0xFFFFFFA0]  }
0x4e8: {  	v20 =	vnsel vm0, $0x0, v39;
	v32 =	vmul.f32 v59, v32;
	v37 =	vmul.f32 $1.442695020e+00, v37;
	v47, _, _ =	vpop (xrf2);
	v48 =	vld [tilespmem:s25+$0xFFFFFFA0]  }
0x4e9: {  	v11 =	vadd.f32 v19, v11;
	v46 =	vmax.f32 v43, $-5.000000000e+00;
	v45 =	vld [tilespmem:s4+$0xFFFFFF20];
	v43 =	vperm.xlane v47, v1;
	v35 =	vpop (erf)  }
0x4ea: {  	v49 =	vadd.f32 $0.0e+00, v20;
	(xrf2) =	vadd.scan.msk.f32 $0xffff, v32;
	(erf) = vpow2.f32 v37;
	v20 =	vld [tilespmem:s4+$0xFFFFFFA0];
	v29 =	vmul.f32 v35, v29  }
0x4eb: {  	v30 =	vld [tilespmem:s15+$0xFFFFFF40];
	v11 =	vadd.f32 v26, v11;
	v40 =	vmin.f32 v46, $5.000000000e+00  }
0x4ec: {  	v39 =	vld [tilespmem:s15+$0x40];
	v10 =	vmul.f32 v10, v31;
	v31 =	vmax.f32 v43, $-5.000000000e+00;
	[tilespmem:s1+$0x10] =	vst v29;
	v29 =	vmul.f32 $1.442695020e+00, v40;
	v50, _, _ =	vpop (xrf2)  }
0x4ed: {  	v9 =	vld [tilespmem:s12+$0x60];
	v31 =	vmin.f32 v31, $5.000000000e+00;
	v40 =	vperm.xlane v50, v1;
	v14 =	vmul.f32 v48, v14  }
0x4ee: {  	v12 =	vnsel vm0, $0x0, v12;
	v19 =	vld [tilespmem:s21+$0x20];
	v10 =	vmul.f32 v45, v10;
	v53 =	vmul.f32 $1.442695020e+00, v31  }
0x4ef: {  	v16 =	vsel vm3, $0x0, v16;
	v51 =	vld [tilespmem:s25+$0x20];
	(erf) = vpow2.f32 v29;
	v14 =	vmul.f32 v20, v14  }
0x4f0: {  	v18 =	vsel vm3, $0x0, v18;
	v55 =	vsel vm7, $0x0, v17;
	v26 =	vld [tilespmem:s24+$0xFFFFFFA0];
	(xrf2) =	vadd.scan.msk.f32 $0xffff, v10;
	v29 =	vpop (erf);
	(erf) = vpow2.f32 v53  }
0x4f1: {  	v32 =	vadd.f32 v55, v11;
	v52 =	vld [tilespmem:s4+$0x20];
	v11, _, _ =	vpop (xrf2);
	v54 =	vmax.f32 v40, $-5.000000000e+00;
	v36 =	vmul.f32 v29, v36  }
0x4f2: {  	v16 =	vadd.f32 v16, v25;
	v31 =	vld [tilespmem:s24+$0xFFFFFF20];
	v11 =	vperm.xlane v11, v1;
	v10 =	vmin.f32 v54, $5.000000000e+00;
	v56 =	vpop (erf)  }
0x4f3: {  	v20 =	vld [tilespmem:s24+$0x20];
	v10 =	vmul.f32 $1.442695020e+00, v10;
	(xrf2) =	vadd.scan.msk.f32 $0xffff, v14;
	v42 =	vmul.f32 v56, v60;
	[tilespmem:s0+$0xFFFFFF40] =	vst v36;
	v14 =	vpop (erf)  }
0x4f4: {  	v11 =	vmax.f32 v11, $-5.000000000e+00;
	v19 =	vmul.f32 v51, v19;
	v57, _, _ =	vpop (xrf2);
	v36 =	vld [tilespmem:s9+$0xFFFFFF70];
	v30 =	vmul.f32 v14, v30  }
0x4f5: {  	v11 =	vmin.f32 v11, $5.000000000e+00;
	(erf) = vpow2.f32 v10;
	v25 =	vperm.xlane v57, v1;
	v10 =	vld [tilespmem:s26+$0xFFFFFF70]  }
0x4f6: {  	v27 =	vadd.f32 v18, v27;
	v11 =	vmul.f32 $1.442695020e+00, v11;
	v58 =	vld [tilespmem:s20+$0xFFFFFF70];
	v18 =	vmul.f32 v52, v19  }
0x4f7: {  	v13 =	vnsel vm0, $0x0, v13;
	v12 =	vadd.f32 $0.0e+00, v12;
	[tilespmem:s0+$0xFFFFFFD0] =	vst v42;
	v52 =	vld [tilespmem:s24+$0xA0];
	v19 =	vmax.f32 v25, $-5.000000000e+00  }
0x4f8: {  	v13 =	vadd.f32 $0.0e+00, v13;
	v59 =	vld [tilespmem:s9+$0xFFFFFFF0];
	[tilespmem:s14+$0xFFFFFF20] =	vst v30;
	(xrf2) =	vadd.scan.msk.f32 $0xffff, v18;
	v18 =	vmin.f32 v19, $5.000000000e+00;
	v30 =	vpop (erf)  }
0x4f9: {  	v24 =	vsel vm3, $0x0, v24;
	v48 =	vmul.f32 v17, v28;
	v19 =	vld [tilespmem:s15+$0xD0];
	v18 =	vmul.f32 $1.442695020e+00, v18;
	v62 =	vpop (erf)  }
0x4fa: {  	v17 =	vsel vm1, $0x0, v34;
	v25 =	vld [tilespmem:s18+$0xFFFFFF50];
	v10 =	vmul.f32 v10, v36;
	(erf) = vpow2.f32 v11;
	v11, _, _ =	vpop (xrf2)  }
0x4fb: {  	v23 =	vadd.f32 v24, v23;
	v61 =	vld [tilespmem:s17+$0xFFFFFF50];
	v41 =	vmul.f32 v30, v41;
	v11 =	vperm.xlane v11, v1  }
0x4fc: {  	v33 =	vsel vm1, $0x0, v33;
	v60 =	vld [tilespmem:s26+$0xFFFFFFF0];
	(erf) = vpow2.f32 v18;
	v18 =	vmul.f32 v58, v10  }
0x4fd: {  	v34 =	vadd.f32 v17, v49;
	v28 =	vld [tilespmem:s16+$0xFFFFFF50];
	v39 =	vmul.f32 v62, v39;
	[tilespmem:s14+$0xFFFFFFB0] =	vst v41;
	v17, _, _ =	vpop (xrf2);
	v11 =	vmax.f32 v11, $-5.000000000e+00  }
0x4fe: {  	v24 =	vld [tilespmem:s18+$0xFFFFFFD0];
	v50 =	vperm.xlane v17, v1;
	v10 =	vpop (erf);
	(xrf2) =	vadd.scan.msk.f32 $0xffff, v18;
	v11 =	vmin.f32 v11, $5.000000000e+00;
	v18 =	vadd.f32 v33, v12  }
0x4ff: {  	v63 =	vld [tilespmem:s17+$0xFFFFFFD0];
	v12 =	vsel vm1, $0x0, v35;
	v19 =	vmul.f32 v10, v19;
	v11 =	vmul.f32 $1.442695020e+00, v11  }
0x500: {  	[tilespmem:s14+$0x40] =	vst v39;
	v54 =	vld [tilespmem:s16+$0xFFFFFFD0];
	v17 =	vadd.f32 v12, v13;
	v12 =	vmul.f32 v61, v25;
	v13 =	vmax.f32 v50, $-5.000000000e+00  }
0x501: {  	v49 =	vld [tilespmem:s18+$0x50];
	v13 =	vmin.f32 v13, $5.000000000e+00;
	[tilespmem:s14+$0xE0] =	vst v19;
	v19 =	vsel vm6, $0x0, v29;
	(erf) = vpow2.f32 v11  }
0x502: {  	v11 =	vsel vm4, $0x0, v14;
	v14, _, _ =	vpop (xrf2);
	v13 =	vmul.f32 $1.442695020e+00, v13;
	v12 =	vmul.f32 v28, v12;
	v25 =	vld [tilespmem:s18+$0xE0]  }
0x503: {  	v28 =	vsel vm6, $0x0, v56;
	v53 =	vld [tilespmem:s17+$0xE0];
	v19 =	vadd.f32 v19, v15;
	v14 =	vperm.xlane v14, v1  }
0x504: {  	v51 =	vld [tilespmem:s17+$0x50];
	v16 =	vadd.f32 v11, v16;
	v15 =	vsel vm4, $0x0, v30;
	v30 =	vmul.f32 v60, v59  }
0x505: {  	v56 =	vld [tilespmem:s16+$0xE0];
	v55 =	vpop (erf);
	(erf) = vpow2.f32 v13;
	(xrf2) =	vadd.scan.msk.f32 $0xffff, v12;
	v12 =	vadd.f32 v28, v21;
	v14 =	vmax.f32 v14, $-5.000000000e+00  }
0x506: {  	v29 =	vld [tilespmem:s15+$0xFFFFFF50];
	v15 =	vadd.f32 v15, v27;
	v27 =	vsel vm4, $0x0, v62;
	v11 =	vpop (erf);
	v57 =	vmin.f32 v14, $5.000000000e+00  }
0x507: {  	v13 =	vld [tilespmem:s16+$0x50];
	v21 =	vmul.f32 v11, v52;
	v14 =	vadd.f32 v27, v23;
	v27 =	vmul.f32 $1.442695020e+00, v57  }
0x508: {  	v28 =	vld [tilespmem:s15+$0xFFFFFFD0];
	v9 =	vmul.f32 v55, v9;
	v25 =	vmul.f32 v53, v25;
	v58, _, _ =	vpop (xrf2)  }
0x509: {  	[tilespmem:s1+$0xB0] =	vst v21;
	v21 =	vld [tilespmem:s15+$0x50];
	(erf) = vpow2.f32 v27;
	v33 =	vperm.xlane v58, v1  }
0x50a: {  	v23 =	vmul.f32 v51, v49;
	v59 =	vld [tilespmem:s21+$0xB0];
	v25 =	vmul.f32 v56, v25  }
0x50b: {  	v24 =	vmul.f32 v63, v24;
	v60 =	vsel vm6, $0x0, v55;
	[tilespmem:s0+$0x60] =	vst v9;
	v61 =	vld [tilespmem:s25+$0xB0];
	v27 =	vpop (erf);
	v62 =	vmax.f32 v33, $-5.000000000e+00  }
0x50c: {  	v35 =	vld [tilespmem:s9+$0x70];
	v63 =	vmul.f32 v27, v31;
	v31 =	vmul.f32 v13, v23;
	(xrf2) =	vadd.scan.msk.f32 $0xffff, v25;
	v23 =	vmin.f32 v62, $5.000000000e+00  }
0x50d: {  	v9 =	vadd.f32 v60, v22;
	v22 =	vmul.f32 v54, v24;
	v24 =	vld [tilespmem:s4+$0xB0]  }
0x50e: {  	[tilespmem:s0+$0x110] =	vst v32;
	v36 =	vld [tilespmem:s26+$0x70];
	v13 =	vsel vm2, $0x0, v27  }
0x50f: {  	s8 =	simm.s32 $0x8;
	s6 =	simm.s32 $0x3580;
	s3 =	simm.s32 $0x5580;
	v33 =	vld [tilespmem:s20+$0xFFFFFFF0];
	v13 =	vadd.f32 v13, v34;
	(xrf2) =	vadd.scan.msk.f32 $0xffff, v22;
	v25 =	vmul.f32 $1.442695020e+00, v23;
	[tilespmem:s1+$0xFFFFFF00] =	vst v63;
	v23 =	vpop (erf)  }
0x510: {  	s2 =	simm.s32 $0x8620;
	[tilespmem:s0+$0x100] =	vst v48;
	s9 =	simm.s32 $0x1780;
	s26 =	simm.s32 $0x7580;
	v27 =	vmul.f32 v61, v59;
	v34, _, _ =	vpop (xrf2);
	v32 =	vld [tilespmem:s21+$0xFFFFFF30];
	v26 =	vmul.f32 v23, v26;
	v23 =	vsel vm2, $0x0, v23  }
.LBB2_12:
0x511: {  	v37 =	vld [tilespmem:s9+$0x80];
	v22 =	vadd.f32 v23, v18;
	s25 =	sadd.s32 $0x200, s25;
	v18 =	vperm.xlane v34, v1;
	(erf) = vpow2.f32 v25  }
0x512: {  	v25 =	vld [tilespmem:s25+$0x80];
	[tilespmem:s1+$0xFFFFFF90] =	vst v26;
	v23 =	vmul.f32 v24, v27;
	v24 =	vpop (erf)  }
0x513: {  	s4 =	sadd.s32 $0x200, s4;
	v26 =	vld [tilespmem:s25+$0xFFFFFF00];
	v38 =	vmul.f32 v24, v20;
	v27 =	vmax.f32 v18, $-5.000000000e+00;
	v18 =	vmul.f32 v36, v35  }
0x514: {  	v24 =	vsel vm2, $0x0, v24;
	v34 =	vld [tilespmem:s4+$0x80];
	(xrf2) =	vadd.scan.msk.f32 $0xffff, v23;
	v27 =	vmin.f32 v27, $5.000000000e+00;
	v30 =	vmul.f32 v33, v30  }
0x515: {  	v23 =	vadd.f32 v24, v17;
	v33 =	vld [tilespmem:s9+$0xFFFFFF80];
	[tilespmem:s1+$0x20] =	vst v38;
	v17 =	vmul.f32 $1.442695020e+00, v27  }
0x516: {  	v24 =	vld [tilespmem:s25+$0xFFFFFF80];
	v20, _, _ =	vpop (xrf2)  }
0x517: {  	v27 =	vld [tilespmem:s9+$0x0];
	v25 =	vmul.f32 v25, v37;
	v38 =	vperm.xlane v20, v1;
	(xrf2) =	vadd.scan.msk.f32 $0xffff, v31  }
0x518: {  	v31 =	vld [tilespmem:s25+$0x0]  }
0x519: {  	v35 =	vld [tilespmem:s9+$0xFFFFFF00];
	v25 =	vmul.f32 v34, v25;
	v37 =	vmax.f32 v38, $-5.000000000e+00;
	(erf) = vpow2.f32 v17;
	v17, _, _ =	vpop (xrf2)  }
0x51a: {  	s8 =	sadd.s32 $0x4, s8;
	v34 =	vld [tilespmem:s4+$0xFFFFFF00];
	v17 =	vperm.xlane v17, v1;
	v36 =	vmin.f32 v37, $5.000000000e+00;
	v20 =	vpop (erf)  }
0x51b: {  	p0 =	slt.u32 s8, $0x1C;
	v24 =	vmul.f32 v24, v33;
	v33 =	vld [tilespmem:s4+$0xFFFFFF80];
	(xrf2) =	vadd.scan.msk.f32 $0xffff, v25;
	v25 =	vmul.f32 $1.442695020e+00, v36;
	v36 =	vsel vm7, $0x0, v20  }
0x51c: {  	v37 =	vld [tilespmem:s4+$0x0];
	v38 =	vmax.f32 v17, $-5.000000000e+00;
	v17 =	vadd.f32 v36, v19  }
0x51d: {  	v19 =	vmul.f32 v31, v27;
	v27 =	vld [tilespmem:s6+$0xFFFFFF30];
	v31 =	vmin.f32 v38, $5.000000000e+00;
	(erf) = vpow2.f32 v25  }
0x51e: {  	v25 =	vmul.f32 v26, v35;
	v26 =	vld [tilespmem:s21+$0xFFFFFFB0];
	v35, _, _ =	vpop (xrf2);
	v36 =	vmul.f32 $1.442695020e+00, v31;
	(xrf2) =	vadd.scan.msk.f32 $0xffff, v30  }
0x51f: {  	v30 =	vld [tilespmem:s6+$0xFFFFFFB0];
	v38 =	vperm.xlane v35, v1  }
0x520: {  	v25 =	vmul.f32 v34, v25;
	v24 =	vmul.f32 v33, v24;
	v33 =	vld [tilespmem:s21+$0x30]  }
0x521: {  	v19 =	vmul.f32 v37, v19;
	v34 =	vld [tilespmem:s6+$0x30];
	v37 =	vmax.f32 v38, $-5.000000000e+00;
	(erf) = vpow2.f32 v36;
	v31, _, _ =	vpop (xrf2)  }
0x522: {  	(xrf2) =	vadd.scan.msk.f32 $0xffff, v25;
	v32 =	vmul.f32 v27, v32;
	v25 =	vmin.f32 v37, $5.000000000e+00;
	v27 =	vperm.xlane v31, v1;
	v31 =	vld [tilespmem:s15+$0xE0];
	v35 =	vpop (erf)  }
0x523: {  	v36 =	vld [tilespmem:s26+$0xFFFFFF30];
	v38 =	vmul.f32 $1.442695020e+00, v25;
	v29 =	vmul.f32 v35, v29;
	v35 =	vsel vm5, $0x0, v35  }
0x524: {  	v30 =	vmul.f32 v30, v26;
	v37 =	vld [tilespmem:s26+$0xFFFFFFB0];
	v16 =	vadd.f32 v35, v16;
	v26 =	vmax.f32 v27, $-5.000000000e+00  }
0x525: {  	(xrf2) =	vadd.scan.msk.f32 $0xffff, v24;
	v24, _, _ =	vpop (xrf2);
	v35 =	vld [tilespmem:s26+$0x30];
	(erf) = vpow2.f32 v38;
	[tilespmem:s14+$0xFFFFFF30] =	vst v29;
	v29 =	vmin.f32 v26, $5.000000000e+00  }
0x526: {  	v24 =	vperm.xlane v24, v1;
	v27 =	vld [tilespmem:s24+$0xFFFFFF30];
	v33 =	vmul.f32 v34, v33;
	v25 =	vpop (erf)  }
0x527: {  	v29 =	vmul.f32 $1.442695020e+00, v29;
	v26 =	vld [tilespmem:s24+$0xFFFFFFB0];
	v31 =	vmul.f32 v25, v31  }
0x528: {  	v34 =	vmax.f32 v24, $-5.000000000e+00;
	(xrf2) =	vadd.scan.msk.f32 $0xffff, v19;
	v19 =	vmul.f32 v36, v32;
	v24 =	vld [tilespmem:s24+$0x30];
	v32, _, _ =	vpop (xrf2)  }
0x529: {  	v34 =	vmin.f32 v34, $5.000000000e+00;
	v30 =	vmul.f32 v37, v30;
	v36 =	vld [tilespmem:s24+$0xB0];
	[tilespmem:s14+$0xF0] =	vst v31;
	v38 =	vperm.xlane v32, v1  }
0x52a: {  	v32 =	vmul.f32 $1.442695020e+00, v34;
	v33 =	vmul.f32 v35, v33;
	v34 =	vld [tilespmem:s18+$0xF0];
	v35 =	vpop (erf)  }
0x52b: {  	v39 =	vmul.f32 v35, v28;
	v37 =	vld [tilespmem:s17+$0xF0];
	(erf) = vpow2.f32 v29;
	v29 =	vmax.f32 v38, $-5.000000000e+00  }
0x52c: {  	v31, _, _ =	vpop (xrf2);
	(erf) = vpow2.f32 v32;
	(xrf2) =	vadd.scan.msk.f32 $0xffff, v19;
	v19 =	vld [tilespmem:s18+$0xFFFFFF60];
	v32 =	vsel vm5, $0x0, v35;
	v29 =	vmin.f32 v29, $5.000000000e+00  }
0x52d: {  	v31 =	vperm.xlane v31, v1;
	[tilespmem:s14+$0xFFFFFFC0] =	vst v39;
	v15 =	vadd.f32 v32, v15;
	v32 =	vld [tilespmem:s16+$0xF0];
	v29 =	vmul.f32 $1.442695020e+00, v29  }
0x52e: {  	v28 =	vpop (erf);
	v35 =	vld [tilespmem:s17+$0xFFFFFF60]  }
0x52f: {  	v31 =	vmax.f32 v31, $-5.000000000e+00;
	v38, _, _ =	vpop (xrf2);
	v39 =	vmul.f32 v28, v36;
	(xrf2) =	vadd.scan.msk.f32 $0xffff, v30;
	v30 =	vld [tilespmem:s18+$0xFFFFFFE0];
	(erf) = vpow2.f32 v29  }
0x530: {  	s24 =	sadd.s32 $0x200, s24;
	v29 =	vmin.f32 v31, $5.000000000e+00;
	v31 =	vperm.xlane v38, v1;
	v38 =	vld [tilespmem:s17+$0xFFFFFFE0];
	v34 =	vmul.f32 v37, v34  }
0x531: {  	v29 =	vmul.f32 $1.442695020e+00, v29;
	v37 =	vld [tilespmem:s24+$0x80];
	[tilespmem:s1+$0xC0] =	vst v39  }
0x532: {  	v31 =	vmax.f32 v31, $-5.000000000e+00;
	v36, _, _ =	vpop (xrf2);
	v39 =	vld [tilespmem:s21+$0xC0];
	v32 =	vmul.f32 v32, v34  }
0x533: {  	v31 =	vmin.f32 v31, $5.000000000e+00;
	v41 =	vperm.xlane v36, v1;
	(erf) = vpow2.f32 v29;
	v36 =	vld [tilespmem:s6+$0xC0]  }
0x534: {  	v35 =	vmul.f32 v35, v19;
	v40 =	vld [tilespmem:s24+$0xFFFFFF00];
	v42 =	vmul.f32 $1.442695020e+00, v31;
	v19 =	vpop (erf);
	(xrf2) =	vadd.scan.msk.f32 $0xffff, v32  }
0x535: {  	v32 =	vmax.f32 v41, $-5.000000000e+00;
	v34 =	vpop (erf);
	v41 =	vld [tilespmem:s26+$0xC0];
	v29 =	vmul.f32 v38, v30;
	v21 =	vmul.f32 v19, v21  }
0x536: {  	v30 =	vld [tilespmem:s24+$0xFFFFFF80];
	v32 =	vmin.f32 v32, $5.000000000e+00;
	v37 =	vmul.f32 v34, v37;
	(erf) = vpow2.f32 v42;
	v31, _, _ =	vpop (xrf2)  }
0x537: {  	s1 =	sadd.s32 $0x240, s1;
	v42 =	vmul.f32 $1.442695020e+00, v32;
	v38 =	vld [tilespmem:s24+$0x0];
	v31 =	vperm.xlane v31, v1;
	(xrf2) =	vadd.scan.msk.f32 $0xffff, v33;
	[tilespmem:s14+$0x50] =	vst v21  }
0x538: {  	v21 =	vsel vm5, $0x0, v19;
	[tilespmem:s1+$0x90] =	vst v37;
	v33 =	vmul.f32 v36, v39;
	v36 =	vld [tilespmem:s18+$0x60];
	v19 =	vpop (erf)  }
0x539: {  	v21 =	vadd.f32 v21, v14;
	v37 =	vld [tilespmem:s9+$0x90];
	(erf) = vpow2.f32 v42;
	v31 =	vmax.f32 v31, $-5.000000000e+00;
	v32, _, _ =	vpop (xrf2)  }
0x53a: {  	v39 =	vld [tilespmem:s25+$0x90];
	v14 =	vmin.f32 v31, $5.000000000e+00;
	v31 =	vperm.xlane v32, v1;
	v32 =	vmul.f32 v41, v33  }
0x53b: {  	v33 =	vmul.f32 $1.442695020e+00, v14;
	v41 =	vld [tilespmem:s17+$0x60];
	v14 =	vsel vm7, $0x0, v19  }
0x53c: {  	v42 =	vld [tilespmem:s4+$0x90];
	v43 =	vpop (erf);
	v31 =	vmax.f32 v31, $-5.000000000e+00;
	(xrf2) =	vadd.scan.msk.f32 $0xffff, v32;
	v12 =	vadd.f32 v14, v12  }
0x53d: {  	v32 =	vmul.f32 v43, v40;
	v14 =	vnsel vm0, $0x0, v43;
	v31 =	vmin.f32 v31, $5.000000000e+00;
	v40 =	vld [tilespmem:s16+$0xFFFFFF60]  }
0x53e: {  	v14 =	vadd.f32 $0.0e+00, v14;
	v31 =	vmul.f32 $1.442695020e+00, v31;
	(erf) = vpow2.f32 v33;
	v33 =	vld [tilespmem:s16+$0xFFFFFFE0];
	v43, _, _ =	vpop (xrf2)  }
0x53f: {  	[tilespmem:s1+$0xFFFFFEE0] =	vst v32;
	v32 =	vmul.f32 v39, v37;
	v37 =	vpop (erf);
	v39 =	vld [tilespmem:s16+$0x60];
	v43 =	vperm.xlane v43, v1  }
0x540: {  	v44 =	vld [tilespmem:s9+$0xFFFFFF10];
	v30 =	vmul.f32 v37, v30;
	v37 =	vnsel vm0, $0x0, v37;
	(erf) = vpow2.f32 v31  }
0x541: {  	v50 =	vnsel vm0, $0x0, v2;
	v31 =	vld [tilespmem:s25+$0xFFFFFF10];
	v32 =	vmul.f32 v42, v32;
	v42, _, _ =	vpop (xrf2);
	v43 =	vmax.f32 v43, $-5.000000000e+00  }
0x542: {  	v45 =	vld [tilespmem:s4+$0xFFFFFF10];
	[tilespmem:s1+$0xFFFFFF70] =	vst v30;
	v46 =	vpop (erf);
	v30 =	vperm.xlane v42, v1;
	v42 =	vadd.f32 $0.0e+00, v50;
	v47 =	vmin.f32 v43, $5.000000000e+00  }
0x543: {  	v48 =	vsel vm1, $0x0, v3;
	v2 =	vmovc v5;
	v43 =	vld [tilespmem:s9+$0xFFFFFF90];
	v38 =	vmul.f32 v46, v38;
	(xrf2) =	vadd.scan.msk.f32 $0xffff, v32;
	v49 =	vmul.f32 $1.442695020e+00, v47  }
0x544: {  	v3 =	vmovc v8;
	v5 =	vmovc v34;
	v36 =	vmul.f32 v41, v36;
	v47 =	vld [tilespmem:s25+$0xFFFFFF90];
	v30 =	vmax.f32 v30, $-5.000000000e+00;
	v41 =	vadd.f32 v48, v42  }
0x545: {  	v34 =	vsel vm2, $0x0, v4;
	v4 =	vmovc v11;
	v8 =	vld [tilespmem:s4+$0xFFFFFF90];
	[tilespmem:s1+$0x0] =	vst v38;
	v30 =	vmin.f32 v30, $5.000000000e+00;
	(erf) = vpow2.f32 v49  }
0x546: {  	v11 =	vmul.f32 v31, v44;
	v31 =	vld [tilespmem:s9+$0x10];
	v30 =	vmul.f32 $1.442695020e+00, v30;
	v32, _, _ =	vpop (xrf2);
	v34 =	vadd.f32 v34, v41  }
0x547: {  	v35 =	vmul.f32 v40, v35;
	v38 =	vld [tilespmem:s25+$0x10];
	v41 =	vperm.xlane v32, v1;
	v42 =	vpop (erf);
	v32 =	vsel vm3, $0x0, v6  }
0x548: {  	v6 =	vmovc v28;
	v11 =	vmul.f32 v45, v11;
	v40 =	vld [tilespmem:s4+$0x10];
	(erf) = vpow2.f32 v30;
	v34 =	vadd.f32 v32, v34  }
0x549: {  	v7 =	vsel vm4, $0x0, v7;
	v32 =	vld [tilespmem:s24+$0xFFFFFF10];
	v28 =	vmul.f32 v47, v43;
	v41 =	vmax.f32 v41, $-5.000000000e+00;
	v43 =	vpop (erf)  }
0x54a: {  	v30 =	vld [tilespmem:s24+$0xFFFFFF90];
	(xrf2) =	vadd.scan.msk.f32 $0xffff, v11;
	v11 =	vmul.f32 v42, v27;
	v41 =	vmin.f32 v41, $5.000000000e+00;
	v7 =	vadd.f32 v7, v34  }
0x54b: {  	v10 =	vsel vm5, $0x0, v10;
	v34 =	vmul.f32 v8, v28;
	v27 =	vld [tilespmem:s24+$0x10];
	v28 =	vmul.f32 $1.442695020e+00, v41  }
0x54c: {  	v31 =	vmul.f32 v38, v31;
	[tilespmem:s2+$0xFFFFFF10] =	vst v11;
	v11 =	vmul.f32 v43, v26;
	v26 =	vld [tilespmem:s15+$0xFFFFFF60];
	v7 =	vadd.f32 v10, v7  }
0x54d: {  	(xrf2) =	vadd.scan.msk.f32 $0xffff, v34;
	v8, _, _ =	vpop (xrf2);
	v10 =	vld [tilespmem:s21+$0xFFFFFF40];
	(erf) = vpow2.f32 v28;
	v28 =	vmul.f32 v33, v29;
	v33 =	vsel vm6, $0x0, v25  }
0x54e: {  	v34 =	vmul.f32 v39, v36;
	v29 =	vmul.f32 v40, v31;
	v38 =	vld [tilespmem:s6+$0xFFFFFF40];
	[tilespmem:s2+$0xFFFFFFA0] =	vst v11;
	v7 =	vadd.f32 v33, v7;
	v25 =	vpop (erf)  }
0x54f: {  	v11 =	vnsel vm0, $0x0, v46;
	v8 =	vperm.xlane v8, v1;
	v36 =	vld [tilespmem:s21+$0xFFFFFFC0];
	v31 =	vsel vm7, $0x0, v25  }
0x550: {  	v33 =	vadd.f32 $0.0e+00, v37;
	(xrf2) =	vadd.scan.msk.f32 $0xffff, v29;
	v29 =	vsel vm3, $0x0, v42;
	v37 =	vld [tilespmem:s6+$0xFFFFFFC0];
	v7 =	vadd.f32 v31, v7  }
0x551: {  	v31 =	vadd.f32 $0.0e+00, v11;
	v8 =	vmax.f32 v8, $-5.000000000e+00;
	v11 =	vsel vm3, $0x0, v43;
	v39 =	vld [tilespmem:s3+$0xC0];
	v40 =	vpop (erf)  }
0x552: {  	v8 =	vmin.f32 v8, $5.000000000e+00;
	v41 =	vmul.f32 v40, v24;
	v40 =	vsel vm3, $0x0, v40;
	v42 =	vld [tilespmem:s15+$0xF0];
	[tilespmem:s14+$0x110] =	vst v7  }
0x553: {  	v43 =	vmul.f32 $1.442695020e+00, v8;
	v24 =	vadd.f32 v29, v13;
	v8 =	vmul.f32 v38, v10;
	v13 =	vld [tilespmem:s26+$0xFFFFFF40];
	(xrf2) =	vadd.scan.msk.f32 $0xffff, v35  }
0x554: {  	v10 =	vadd.f32 v11, v22;
	v11 =	vadd.f32 v40, v23;
	v29, _, _ =	vpop (xrf2);
	v22 =	vld [tilespmem:s26+$0xFFFFFFC0];
	[tilespmem:s2+$0x30] =	vst v41  }
0x555: {  	v23 =	vperm.xlane v29, v1;
	(erf) = vpow2.f32 v43;
	v35 =	vld [tilespmem:s21+$0x40]  }
0x556: {  	v29 =	vmul.f32 v37, v36;
	v36 =	vld [tilespmem:s6+$0x40];
	v7 =	vpop (erf);
	(xrf2) =	vadd.scan.msk.f32 $0xffff, v28  }
0x557: {  	v23 =	vmax.f32 v23, $-5.000000000e+00;
	v28, _, _ =	vpop (xrf2);
	v37 =	vld [tilespmem:s26+$0x40];
	v40 =	vmul.f32 v7, v39;
	v25 =	vmul.f32 v25, v42  }
0x558: {  	v23 =	vmin.f32 v23, $5.000000000e+00;
	v39 =	vperm.xlane v28, v1;
	v8 =	vmul.f32 v13, v8;
	v28 =	vld [tilespmem:s3+$0xFFFFFF40]  }
0x559: {  	v13 =	vmul.f32 $1.442695020e+00, v23;
	v23 =	vld [tilespmem:s24+$0x90];
	v22 =	vmul.f32 v22, v29;
	[tilespmem:s2+$0xD0] =	vst v40  }
0x55a: {  	v29 =	vmax.f32 v39, $-5.000000000e+00;
	v38, _, _ =	vpop (xrf2);
	v39 =	vld [tilespmem:s21+$0xD0];
	[tilespmem:s14+$0x100] =	vst v25  }
0x55b: {  	v25 =	vmin.f32 v29, $5.000000000e+00;
	v40 =	vperm.xlane v38, v1;
	(erf) = vpow2.f32 v13;
	v13 =	vld [tilespmem:s6+$0xD0];
	(xrf2) =	vadd.scan.msk.f32 $0xffff, v8  }
0x55c: {  	v41 =	vmul.f32 $1.442695020e+00, v25;
	v29 =	vld [tilespmem:s3+$0xFFFFFFC0];
	v25 =	vmul.f32 v36, v35  }
0x55d: {  	v35 =	vmax.f32 v40, $-5.000000000e+00;
	v36 =	vld [tilespmem:s26+$0xD0];
	v38, _, _ =	vpop (xrf2)  }
0x55e: {  	v35 =	vmin.f32 v35, $5.000000000e+00;
	(erf) = vpow2.f32 v41;
	v8 =	vpop (erf);
	v37 =	vmul.f32 v37, v25;
	v25 =	vld [tilespmem:s3+$0x40];
	(xrf2) =	vadd.scan.msk.f32 $0xffff, v22  }
0x55f: {  	v40 =	vmul.f32 $1.442695020e+00, v35;
	v23 =	vmul.f32 v8, v23;
	v35 =	vld [tilespmem:s15+$0xFFFFFFE0]  }
0x560: {  	v38 =	vperm.xlane v38, v1;
	v13 =	vmul.f32 v13, v39;
	v22 =	vld [tilespmem:s15+$0x60];
	v39, _, _ =	vpop (xrf2)  }
0x561: {  	[tilespmem:s1+$0xA0] =	vst v23;
	(erf) = vpow2.f32 v40;
	(xrf2) =	vadd.scan.msk.f32 $0xffff, v37;
	v23 =	vperm.xlane v39, v1;
	v37 =	vld [tilespmem:s20+$0x70];
	s20 =	smov.u32 s16;
	s16 =	smov.u32 s26;
	s26 =	smov.u32 s4  }
0x562: {  	v39 =	vld [tilespmem:s9+$0xA0];
	v13 =	vmul.f32 v36, v13;
	v36 =	vmax.f32 v38, $-5.000000000e+00  }
0x563: {  	v38 =	vld [tilespmem:s25+$0xA0];
	v36 =	vmin.f32 v36, $5.000000000e+00;
	v23 =	vmax.f32 v23, $-5.000000000e+00  }
0x564: {  	v40 =	vpop (erf);
	(xrf2) =	vadd.scan.msk.f32 $0xffff, v13;
	v36 =	vmul.f32 $1.442695020e+00, v36;
	v13 =	vmin.f32 v23, $5.000000000e+00;
	v41 =	vld [tilespmem:s12+$0xFFFFFF70];
	[tilespmem:s0+$0xFFFFFF60] =	vst v17  }
0x565: {  	v17 =	vmul.f32 v40, v32;
	v23 =	vsel vm1, $0x0, v40;
	v32 =	vld [tilespmem:s4+$0xA0];
	v40, _, _ =	vpop (xrf2);
	v42 =	vmul.f32 $1.442695020e+00, v13  }
0x566: {  	v13 =	vadd.f32 v23, v14;
	v14 =	vperm.xlane v40, v1;
	(erf) = vpow2.f32 v36;
	v36 =	vld [tilespmem:s12+$0xFFFFFFF0];
	[tilespmem:s0+$0xFFFFFFF0] =	vst v12  }
0x567: {  	[tilespmem:s1+$0xFFFFFEF0] =	vst v17;
	v12 =	vpop (erf);
	(erf) = vpow2.f32 v42;
	(xrf2) =	vadd.scan.msk.f32 $0xffff, v34;
	v34 =	vmul.f32 v37, v18;
	v23 =	vld [tilespmem:s12+$0x70];
	s12 =	smov.u32 s15;
	s15 =	smov.u32 s3;
	s3 =	smov.u32 s24  }
0x568: {  	v37 =	vld [tilespmem:s9+$0xFFFFFF20];
	v42 =	vmul.f32 v12, v30;
	v30 =	vmul.f32 v38, v39;
	v14 =	vmax.f32 v14, $-5.000000000e+00;
	v18, _, _ =	vpop (xrf2)  }
0x569: {  	v12 =	vsel vm1, $0x0, v12;
	v38 =	vld [tilespmem:s25+$0xFFFFFF20];
	v14 =	vmin.f32 v14, $5.000000000e+00;
	v39 =	vperm.xlane v18, v1  }
0x56a: {  	v18 =	vadd.f32 v12, v33;
	v40 =	vld [tilespmem:s4+$0xFFFFFF20];
	[tilespmem:s1+$0xFFFFFF80] =	vst v42;
	v12 =	vmul.f32 v32, v30;
	v17 =	vpop (erf);
	v14 =	vmul.f32 $1.442695020e+00, v14  }
0x56b: {  	v30 =	vld [tilespmem:s9+$0xFFFFFFA0];
	v27 =	vmul.f32 v17, v27;
	v17 =	vsel vm1, $0x0, v17;
	v32 =	vmax.f32 v39, $-5.000000000e+00;
	v33, _, _ =	vpop (xrf2)  }
0x56c: {  	v39 =	vld [tilespmem:s25+$0xFFFFFFA0];
	(xrf2) =	vadd.scan.msk.f32 $0xffff, v12;
	v12 =	vmin.f32 v32, $5.000000000e+00;
	v32 =	vperm.xlane v33, v1;
	(erf) = vpow2.f32 v14  }
0x56d: {  	v20 =	vmul.f32 v20, v41;
	v17 =	vadd.f32 v17, v31;
	v14 =	vld [tilespmem:s4+$0xFFFFFFA0];
	[tilespmem:s1+$0x10] =	vst v27;
	v42 =	vmul.f32 $1.442695020e+00, v12  }
0x56e: {  	v19 =	vmul.f32 v19, v36;
	v27 =	vmul.f32 v38, v37;
	v31 =	vld [tilespmem:s9+$0x20];
	v32 =	vmax.f32 v32, $-5.000000000e+00;
	v33, _, _ =	vpop (xrf2)  }
0x56f: {  	v36 =	vld [tilespmem:s25+$0x20];
	v32 =	vmin.f32 v32, $5.000000000e+00;
	v41 =	vperm.xlane v33, v1;
	(erf) = vpow2.f32 v42;
	v12 =	vpop (erf);
	(xrf2) =	vadd.scan.msk.f32 $0xffff, v34  }
0x570: {  	v34 =	vmul.f32 v40, v27;
	v37 =	vld [tilespmem:s4+$0x20];
	v32 =	vmul.f32 $1.442695020e+00, v32;
	v38 =	vsel vm6, $0x0, v12;
	v40 =	vpop (erf);
	[tilespmem:s0+$0xFFFFFF50] =	vst v20  }
0x571: {  	v12 =	vmul.f32 v12, v26;
	v27 =	vld [tilespmem:s24+$0xFFFFFF20];
	v20 =	vmul.f32 v39, v30;
	v30 =	vmax.f32 v41, $-5.000000000e+00;
	v33, _, _ =	vpop (xrf2);
	[tilespmem:s0+$0xFFFFFFE0] =	vst v19  }
0x572: {  	v26 =	vld [tilespmem:s24+$0xFFFFFFA0];
	(xrf2) =	vadd.scan.msk.f32 $0xffff, v34;
	v19 =	vmin.f32 v30, $5.000000000e+00;
	(erf) = vpow2.f32 v32;
	v30 =	vperm.xlane v33, v1  }
0x573: {  	v34 =	vmul.f32 v14, v20;
	v20 =	vld [tilespmem:s24+$0x20];
	v19 =	vmul.f32 $1.442695020e+00, v19;
	[tilespmem:s14+$0xFFFFFF40] =	vst v12;
	v12 =	vsel vm6, $0x0, v40  }
0x574: {  	v33 =	vmul.f32 v40, v35;
	v31 =	vmul.f32 v36, v31;
	v32 =	vld [tilespmem:s18+$0xFFFFFF70];
	v30 =	vmax.f32 v30, $-5.000000000e+00  }
0x575: {  	(xrf2) =	vadd.scan.msk.f32 $0xffff, v34;
	v14 =	vpop (erf);
	(erf) = vpow2.f32 v19;
	v19 =	vadd.f32 v38, v16;
	v34 =	vld [tilespmem:s17+$0xFFFFFF70];
	v30 =	vmin.f32 v30, $5.000000000e+00  }
0x576: {  	v31 =	vmul.f32 v37, v31;
	v16, _, _ =	vpop (xrf2);
	v36 =	vmul.f32 v14, v28;
	v14 =	vsel vm4, $0x0, v14;
	v35 =	vld [tilespmem:s20+$0xFFFFFF70];
	[tilespmem:s14+$0xFFFFFFD0] =	vst v33  }
0x577: {  	v37 =	vperm.xlane v16, v1;
	v16 =	vadd.f32 v14, v24;
	v14 =	vld [tilespmem:s18+$0xFFFFFFF0];
	v24 =	vmul.f32 $1.442695020e+00, v30  }
0x578: {  	v12 =	vadd.f32 v12, v15;
	(xrf2) =	vadd.scan.msk.f32 $0xffff, v31;
	[tilespmem:s2+$0xFFFFFF20] =	vst v36;
	v28 =	vpop (erf);
	v30 =	vld [tilespmem:s17+$0xFFFFFFF0]  }
0x579: {  	v15 =	vmax.f32 v37, $-5.000000000e+00;
	v31 =	vld [tilespmem:s21+$0xFFFFFF50];
	v37 =	vmul.f32 v28, v29;
	v28 =	vsel vm4, $0x0, v28;
	v33, _, _ =	vpop (xrf2)  }
0x57a: {  	v15 =	vmin.f32 v15, $5.000000000e+00;
	v36 =	vld [tilespmem:s15+$0xD0];
	v32 =	vmul.f32 v34, v32;
	(erf) = vpow2.f32 v24  }
0x57b: {  	v24 =	vmul.f32 $1.442695020e+00, v15;
	v34 =	vld [tilespmem:s6+$0xFFFFFF50];
	[tilespmem:s2+$0xFFFFFFB0] =	vst v37;
	v15 =	vadd.f32 v28, v10;
	v10 =	vpop (erf);
	v28 =	vperm.xlane v33, v1  }
0x57c: {  	v29, _, _ =	vpop (xrf2);
	v33 =	vld [tilespmem:s21+$0xFFFFFFD0];
	v25 =	vmul.f32 v10, v25;
	v37 =	vsel vm4, $0x0, v10;
	v32 =	vmul.f32 v35, v32  }
0x57d: {  	v29 =	vperm.xlane v29, v1;
	(erf) = vpow2.f32 v24;
	v24 =	vld [tilespmem:s6+$0xFFFFFFD0];
	v38 =	vmax.f32 v28, $-5.000000000e+00  }
0x57e: {  	v30 =	vmul.f32 v30, v14;
	v35 =	vld [tilespmem:s16+$0xFFFFFF50];
	[tilespmem:s2+$0x40] =	vst v25;
	v10 =	vpop (erf);
	(xrf2) =	vadd.scan.msk.f32 $0xffff, v32;
	v14 =	vmin.f32 v38, $5.000000000e+00  }
0x57f: {  	v25 =	vmax.f32 v29, $-5.000000000e+00;
	v28, _, _ =	vpop (xrf2);
	v29 =	vld [tilespmem:s21+$0x50];
	v32 =	vmul.f32 v10, v36;
	v36 =	vmul.f32 $1.442695020e+00, v14  }
0x580: {  	v14 =	vmin.f32 v25, $5.000000000e+00;
	v39 =	vperm.xlane v28, v1;
	v28 =	vmul.f32 v34, v31;
	v31 =	vld [tilespmem:s6+$0x50]  }
0x581: {  	v40 =	vmul.f32 $1.442695020e+00, v14;
	v38 =	vld [tilespmem:s24+$0xA0];
	v14 =	vadd.f32 v37, v11;
	[tilespmem:s2+$0xE0] =	vst v32;
	(erf) = vpow2.f32 v36  }
0x582: {  	v11 =	vmax.f32 v39, $-5.000000000e+00;
	v25, _, _ =	vpop (xrf2);
	v24 =	vmul.f32 v24, v33;
	v32 =	vld [tilespmem:s21+$0xE0]  }
0x583: {  	v11 =	vmin.f32 v11, $5.000000000e+00;
	v25 =	vperm.xlane v25, v1;
	(erf) = vpow2.f32 v40;
	v33 =	vld [tilespmem:s6+$0xE0];
	v34 =	vpop (erf)  }
0x584: {  	v28 =	vmul.f32 v35, v28;
	v39 =	vmul.f32 $1.442695020e+00, v11;
	v35 =	vld [tilespmem:s16+$0xFFFFFFD0];
	v36 =	vsel vm6, $0x0, v34  }
0x585: {  	v22 =	vmul.f32 v34, v22;
	v25 =	vmax.f32 v25, $-5.000000000e+00;
	v31 =	vmul.f32 v31, v29;
	v37 =	vld [tilespmem:s16+$0xE0]  }
0x586: {  	v36 =	vadd.f32 v36, v21;
	v25 =	vmin.f32 v25, $5.000000000e+00;
	(erf) = vpow2.f32 v39;
	v11 =	vpop (erf);
	v34 =	vld [tilespmem:s16+$0x50];
	(xrf2) =	vadd.scan.msk.f32 $0xffff, v28  }
0x587: {  	v21 =	vmul.f32 $1.442695020e+00, v25;
	v39 =	vmul.f32 v11, v38;
	v29 =	vld [tilespmem:s15+$0xFFFFFF50];
	[tilespmem:s14+$0x60] =	vst v22  }
0x588: {  	v28 =	vld [tilespmem:s15+$0xFFFFFFD0];
	v22 =	vmul.f32 v33, v32;
	v32, _, _ =	vpop (xrf2)  }
0x589: {  	[tilespmem:s1+$0xB0] =	vst v39;
	(erf) = vpow2.f32 v21;
	v33 =	vmul.f32 v35, v24;
	v21 =	vld [tilespmem:s15+$0x50]  }
0x58a: {  	v24 =	vperm.xlane v32, v1;
	v38 =	vld [tilespmem:s9+$0xB0];
	v22 =	vmul.f32 v37, v22;
	v25 =	vpop (erf)  }
0x58b: {  	v37 =	vld [tilespmem:s25+$0xB0];
	v31 =	vmul.f32 v34, v31;
	v23 =	vmul.f32 v25, v23;
	v25 =	vsel vm7, $0x0, v25  }
.Ltmp9:
0x58c: {  	v32 =	vpop (erf);
	(xrf2) =	vadd.scan.msk.f32 $0xffff, v22;
	v22 =	vmax.f32 v24, $-5.000000000e+00;
	v35 =	vld [tilespmem:s18+$0x70];
	v34 =	vadd.f32 v25, v9;
	v9 =	vmov v36;
	s18 =	smov.u32 s21;
	s21 =	smov.u32 s9;
	(pc) =	sbr.rel @p0 .LBB2_12-.Ltmp9, $4  }
0x58d: {  	v27 =	vmul.f32 v32, v27;
	v25 =	vsel vm2, $0x0, v32;
	v24 =	vld [tilespmem:s4+$0xB0];
	v32 =	vmin.f32 v22, $5.000000000e+00;
	[tilespmem:s0+$0x70] =	vst v23  }
0x58e: {  	v13 =	vadd.f32 v25, v13;
	v25 =	vmul.f32 $1.442695020e+00, v32;
	v36 =	vld [tilespmem:s17+$0x70];
	[tilespmem:s0+$0x80] =	vst v34;
	s17 =	smov.u32 s6;
	s6 =	smov.u32 s25;
	s0 =	smov.u32 s14  }
0x58f: {  	s14 =	smov.u32 s2;
	s2 =	smov.u32 s1;
	[tilespmem:s1+$0xFFFFFF00] =	vst v27;
	v22 =	vpop (erf);
	(xrf2) =	vadd.scan.msk.f32 $0xffff, v33;
	v33 =	vld [tilespmem:s20+$0xFFFFFFF0]  }
0x590: {  	s9 =	sadd.s32 $0x200, s9;
	v32 =	vld [tilespmem:s21+$0xFFFFFF30];
	v26 =	vmul.f32 v22, v26;
	v23 =	vsel vm2, $0x0, v22;
	v27 =	vmul.f32 v37, v38;
	v34, _, _ =	vpop (xrf2)  }
0x591: {  	_ = 	snop  }
0x592: {  	v22 =	vmul.f32 v24, v27;
	_ =	sdelay $0x1  }
0x593: {  	(xrf2) =	vadd.scan.msk.f32 $0xffff, v22;
	_ =	sdelay $0x6  }
0x594: {  	v42 =	vperm.xlane v34, v1;
	v43, _, _ =	vpop (xrf2)  }
0x595: {  	v24 =	vperm.xlane v43, v1  }
0x596: {  	v22 =	vmax.f32 v42, $-5.000000000e+00;
	v44, _, _ =	vpop (xrf2)  }
0x597: {  	v22 =	vmin.f32 v22, $5.000000000e+00;
	v24 =	vmax.f32 v24, $-5.000000000e+00;
	v27 =	vperm.xlane v44, v1;
	v45, _, _ =	vpop (xrf2)  }
0x598: {  	v22 =	vmul.f32 $1.442695020e+00, v22;
	v24 =	vmin.f32 v24, $5.000000000e+00;
	v34 =	vperm.xlane v45, v1  }
0x599: {  	(erf) = vpow2.f32 v25;
	v24 =	vmul.f32 $1.442695020e+00, v24;
	v46 =	vmax.f32 v27, $-5.000000000e+00  }
0x59a: {  	(erf) = vpow2.f32 v22;
	v47 =	vmin.f32 v46, $5.000000000e+00;
	v48 =	vmax.f32 v34, $-5.000000000e+00  }
0x59b: {  	(erf) = vpow2.f32 v24;
	v22 =	vmul.f32 $1.442695020e+00, v47;
	v49 =	vmin.f32 v48, $5.000000000e+00  }
0x59c: {  	v24 =	vmul.f32 $1.442695020e+00, v49  }
0x59d: {  	(erf) = vpow2.f32 v22  }
0x59e: {  	v50 =	vld [tilespmem:s6+$0xFFFFFF30];
	(erf) = vpow2.f32 v24  }
0x59f: {  	v51 =	vld [tilespmem:s15+$0xE0]  }
0x5a0: {  	v40 =	vld [tilespmem:s24+$0xB0];
	[tilespmem:s1+$0xFFFFFF90] =	vst v26;
	v26 =	vpop (erf)  }
0x5a1: {  	v20 =	vmul.f32 v26, v20;
	v37 =	vld [tilespmem:s21+$0xFFFFFFB0]  }
0x5a2: {  	v38 =	vld [tilespmem:s6+$0xFFFFFFB0];
	v22 =	vpop (erf)  }
0x5a3: {  	v42 =	vld [tilespmem:s26+$0xFFFFFF30];
	[tilespmem:s1+$0x20] =	vst v20;
	v25 =	vpop (erf)  }
0x5a4: {  	v39 =	vld [tilespmem:s21+$0x30];
	v24 =	vpop (erf)  }
0x5a5: {  	v41 =	vld [tilespmem:s6+$0x30];
	v52 =	vmul.f32 v24, v51  }
0x5a6: {  	v43 =	vld [tilespmem:s26+$0xFFFFFFB0];
	v27 =	vpop (erf)  }
0x5a7: {  	v44 =	vld [tilespmem:s26+$0x30];
	[tilespmem:s14+$0xF0] =	vst v52;
	v20 =	vpop (erf)  }
0x5a8: {  	v32 =	vmul.f32 v50, v32;
	v53 =	vld [tilespmem:s18+$0xF0];
	v40 =	vmul.f32 v20, v40  }
0x5a9: {  	v30 =	vmul.f32 v33, v30;
	v55 =	vld [tilespmem:s17+$0xF0]  }
0x5aa: {  	(xrf2) =	vadd.scan.msk.f32 $0xffff, v31;
	v56 =	vmul.f32 v42, v32;
	v57 =	vld [tilespmem:s16+$0xF0];
	[tilespmem:s1+$0xC0] =	vst v40  }
0x5ab: {  	v54 =	vmul.f32 v38, v37;
	(xrf2) =	vadd.scan.msk.f32 $0xffff, v30;
	v59 =	vld [tilespmem:s21+$0xC0]  }
0x5ac: {  	(xrf2) =	vadd.scan.msk.f32 $0xffff, v56;
	v60 =	vld [tilespmem:s6+$0xC0]  }
0x5ad: {  	v58 =	vmul.f32 v43, v54  }
0x5ae: {  	v61 =	vmul.f32 v55, v53;
	v62 =	vld [tilespmem:s26+$0xC0]  }
0x5af: {  	v63 =	vmul.f32 v41, v39;
	(xrf2) =	vadd.scan.msk.f32 $0xffff, v58  }
0x5b0: {  	v30 =	vmul.f32 v57, v61  }
0x5b1: {  	v38 =	vmul.f32 v44, v63;
	v31 =	vmul.f32 v60, v59  }
0x5b2: {  	(xrf2) =	vadd.scan.msk.f32 $0xffff, v30  }
0x5b3: {  	(xrf2) =	vadd.scan.msk.f32 $0xffff, v38;
	v39 =	vmul.f32 v62, v31  }
0x5b4: {  	v40, _, _ =	vpop (xrf2)  }
0x5b5: {  	v41, _, _ =	vpop (xrf2);
	v31 =	vperm.xlane v40, v1;
	(xrf2) =	vadd.scan.msk.f32 $0xffff, v39  }
0x5b6: {  	v42 =	vperm.xlane v41, v1;
	v43, _, _ =	vpop (xrf2)  }
0x5b7: {  	v32 =	vperm.xlane v43, v1;
	v31 =	vmax.f32 v31, $-5.000000000e+00  }
0x5b8: {  	v30 =	vmax.f32 v42, $-5.000000000e+00;
	v31 =	vmin.f32 v31, $5.000000000e+00  }
0x5b9: {  	v44, _, _ =	vpop (xrf2);
	v30 =	vmin.f32 v30, $5.000000000e+00;
	v32 =	vmax.f32 v32, $-5.000000000e+00;
	v31 =	vmul.f32 $1.442695020e+00, v31  }
0x5ba: {  	v33 =	vperm.xlane v44, v1;
	v30 =	vmul.f32 $1.442695020e+00, v30;
	v32 =	vmin.f32 v32, $5.000000000e+00  }
0x5bb: {  	v45 =	vmul.f32 $1.442695020e+00, v32;
	(erf) = vpow2.f32 v31  }
0x5bc: {  	v48, _, _ =	vpop (xrf2);
	(erf) = vpow2.f32 v30  }
0x5bd: {  	v33 =	vmax.f32 v33, $-5.000000000e+00;
	v49 =	vperm.xlane v48, v1;
	v50, _, _ =	vpop (xrf2);
	(erf) = vpow2.f32 v45  }
0x5be: {  	v29 =	vmul.f32 v25, v29;
	v46 =	vmin.f32 v33, $5.000000000e+00;
	v32 =	vperm.xlane v50, v1  }
0x5bf: {  	v28 =	vmul.f32 v27, v28;
	v47 =	vmul.f32 $1.442695020e+00, v46;
	v51 =	vmax.f32 v49, $-5.000000000e+00;
	v52, _, _ =	vpop (xrf2)  }
0x5c0: {  	v30 =	vmin.f32 v51, $5.000000000e+00;
	v32 =	vmax.f32 v32, $-5.000000000e+00;
	v31 =	vperm.xlane v52, v1  }
0x5c1: {  	v54 =	vld [tilespmem:s24+$0xFFFFFFB0];
	[tilespmem:s14+$0xFFFFFF30] =	vst v29;
	(erf) = vpow2.f32 v47;
	v30 =	vmul.f32 $1.442695020e+00, v30;
	v32 =	vmin.f32 v32, $5.000000000e+00  }
0x5c2: {  	v58 =	vld [tilespmem:s17+$0xFFFFFF60];
	v32 =	vmul.f32 $1.442695020e+00, v32;
	v31 =	vmax.f32 v31, $-5.000000000e+00  }
0x5c3: {  	[tilespmem:s14+$0xFFFFFFC0] =	vst v28;
	v53 =	vld [tilespmem:s24+$0xFFFFFF30];
	(erf) = vpow2.f32 v30;
	v56 =	vmin.f32 v31, $5.000000000e+00  }
0x5c4: {  	v63 =	vld [tilespmem:s16+$0xFFFFFFE0];
	v33 =	vpop (erf);
	(erf) = vpow2.f32 v32;
	v31 =	vmul.f32 $1.442695020e+00, v56  }
0x5c5: {  	v55 =	vld [tilespmem:s24+$0x30];
	v29 =	vpop (erf)  }
0x5c6: {  	v57 =	vld [tilespmem:s18+$0xFFFFFF60];
	v30 =	vpop (erf);
	(erf) = vpow2.f32 v31  }
0x5c7: {  	v59 =	vld [tilespmem:s18+$0xFFFFFFE0]  }
0x5c8: {  	v60 =	vld [tilespmem:s17+$0xFFFFFFE0];
	v61 =	vmul.f32 v30, v53  }
0x5c9: {  	v62 =	vld [tilespmem:s16+$0xFFFFFF60]  }
0x5ca: {  	v45 =	vld [tilespmem:s3+$0xC0];
	[tilespmem:s2+$0xFFFFFF10] =	vst v61;
	v31 =	vpop (erf)  }
0x5cb: {  	v53 =	vld [tilespmem:s21+$0xFFFFFF40];
	v52 =	vmul.f32 v31, v54  }
0x5cc: {  	v46 =	vld [tilespmem:s6+$0xFFFFFF40];
	v32 =	vpop (erf)  }
0x5cd: {  	v49 =	vld [tilespmem:s26+$0xFFFFFF40];
	[tilespmem:s2+$0xFFFFFFA0] =	vst v52;
	v34 =	vpop (erf)  }
0x5ce: {  	v47 =	vld [tilespmem:s21+$0xFFFFFFC0];
	v38 =	vmul.f32 v34, v55  }
0x5cf: {  	v48 =	vld [tilespmem:s6+$0xFFFFFFC0];
	v28 =	vpop (erf)  }
0x5d0: {  	v50 =	vld [tilespmem:s26+$0xFFFFFFC0];
	[tilespmem:s2+$0x30] =	vst v38;
	v54 =	vmul.f32 v28, v45  }
0x5d1: {  	v39 =	vmul.f32 v58, v57;
	v55 =	vld [tilespmem:s21+$0x40]  }
0x5d2: {  	v41 =	vmul.f32 v60, v59;
	v56 =	vld [tilespmem:s6+$0x40];
	[tilespmem:s2+$0xD0] =	vst v54  }
0x5d3: {  	v57 =	vmul.f32 v62, v39;
	v58 =	vld [tilespmem:s21+$0xD0]  }
0x5d4: {  	v41 =	vmul.f32 v63, v41;
	v59 =	vld [tilespmem:s6+$0xD0]  }
0x5d5: {  	(xrf2) =	vadd.scan.msk.f32 $0xffff, v57;
	v60 =	vld [tilespmem:s26+$0x40]  }
0x5d6: {  	(xrf2) =	vadd.scan.msk.f32 $0xffff, v41;
	v37 =	vmul.f32 v46, v53;
	v61 =	vld [tilespmem:s26+$0xD0]  }
0x5d7: {  	v62 =	vmul.f32 v48, v47  }
0x5d8: {  	v37 =	vmul.f32 v49, v37;
	v40 =	vmul.f32 v56, v55  }
0x5d9: {  	v63 =	vmul.f32 v50, v62;
	v39 =	vmul.f32 v59, v58  }
0x5da: {  	(xrf2) =	vadd.scan.msk.f32 $0xffff, v37;
	v40 =	vmul.f32 v60, v40  }
0x5db: {  	(xrf2) =	vadd.scan.msk.f32 $0xffff, v63;
	v43 =	vmul.f32 v61, v39  }
0x5dc: {  	(xrf2) =	vadd.scan.msk.f32 $0xffff, v40  }
0x5dd: {  	(xrf2) =	vadd.scan.msk.f32 $0xffff, v43;
	_ =	sdelay $0x1  }
0x5de: {  	v44, _, _ =	vpop (xrf2)  }
0x5df: {  	v45, _, _ =	vpop (xrf2);
	v37 =	vperm.xlane v44, v1  }
0x5e0: {  	v38 =	vperm.xlane v45, v1  }
0x5e1: {  	v37 =	vmax.f32 v37, $-5.000000000e+00  }
0x5e2: {  	v38 =	vmax.f32 v38, $-5.000000000e+00;
	v37 =	vmin.f32 v37, $5.000000000e+00  }
0x5e3: {  	v21 =	vmul.f32 v33, v21;
	v38 =	vmin.f32 v38, $5.000000000e+00;
	v37 =	vmul.f32 $1.442695020e+00, v37;
	v46, _, _ =	vpop (xrf2)  }
0x5e4: {  	v38 =	vmul.f32 $1.442695020e+00, v38;
	v39 =	vperm.xlane v46, v1;
	v47, _, _ =	vpop (xrf2)  }
0x5e5: {  	(erf) = vpow2.f32 v37;
	v48 =	vperm.xlane v47, v1;
	v49, _, _ =	vpop (xrf2)  }
0x5e6: {  	(erf) = vpow2.f32 v38;
	v50 =	vmax.f32 v39, $-5.000000000e+00;
	v51 =	vperm.xlane v49, v1;
	v52, _, _ =	vpop (xrf2)  }
0x5e7: {  	v38 =	vmin.f32 v50, $5.000000000e+00;
	v37 =	vmax.f32 v48, $-5.000000000e+00;
	v40 =	vperm.xlane v52, v1  }
0x5e8: {  	v38 =	vmul.f32 $1.442695020e+00, v38;
	v37 =	vmin.f32 v37, $5.000000000e+00;
	v39 =	vmax.f32 v51, $-5.000000000e+00  }
0x5e9: {  	v37 =	vmul.f32 $1.442695020e+00, v37;
	v39 =	vmin.f32 v39, $5.000000000e+00;
	v40 =	vmax.f32 v40, $-5.000000000e+00  }
0x5ea: {  	(erf) = vpow2.f32 v38;
	v53 =	vmul.f32 $1.442695020e+00, v39;
	v54 =	vmin.f32 v40, $5.000000000e+00  }
0x5eb: {  	(erf) = vpow2.f32 v37;
	v55 =	vmul.f32 $1.442695020e+00, v54  }
0x5ec: {  	[tilespmem:s14+$0x50] =	vst v21;
	v56 =	vld [tilespmem:s15+$0xFFFFFF60];
	(erf) = vpow2.f32 v53  }
0x5ed: {  	v42 =	vld [tilespmem:s18+$0x60];
	(erf) = vpow2.f32 v55  }
0x5ee: {  	v57 =	vld [tilespmem:s17+$0x60]  }
0x5ef: {  	v62 =	vld [tilespmem:s20+$0x70]  }
0x5f0: {  	v59 =	vld [tilespmem:s3+$0xFFFFFF40];
	v39 =	vpop (erf)  }
0x5f1: {  	v60 =	vld [tilespmem:s3+$0xFFFFFFC0];
	v38 =	vmul.f32 v39, v56  }
0x5f2: {  	v61 =	vld [tilespmem:s3+$0xD0];
	v37 =	vpop (erf)  }
0x5f3: {  	v58 =	vld [tilespmem:s16+$0x60];
	v41 =	vpop (erf)  }
0x5f4: {  	v47 =	vld [tilespmem:s3+$0x40];
	[tilespmem:s14+$0xFFFFFF40] =	vst v38;
	v40 =	vpop (erf)  }
0x5f5: {  	v56 =	vmul.f32 v41, v59;
	v63 =	vld [tilespmem:s18+$0xFFFFFF70];
	v38 =	vpop (erf)  }
0x5f6: {  	v51 =	vld [tilespmem:s17+$0xFFFFFF70];
	v21 =	vpop (erf)  }
0x5f7: {  	v52 =	vld [tilespmem:s16+$0xFFFFFF70];
	[tilespmem:s2+$0xFFFFFF20] =	vst v56;
	v46 =	vmul.f32 v21, v61  }
0x5f8: {  	v42 =	vmul.f32 v57, v42;
	v57 =	vld [tilespmem:s21+$0xFFFFFF50]  }
0x5f9: {  	v50 =	vld [tilespmem:s6+$0xFFFFFF50];
	[tilespmem:s2+$0xE0] =	vst v46  }
0x5fa: {  	v42 =	vmul.f32 v58, v42;
	v58 =	vld [tilespmem:s21+$0xE0]  }
0x5fb: {  	v46 =	vld [tilespmem:s6+$0xE0]  }
0x5fc: {  	v59 =	vmul.f32 v40, v60;
	v60 =	vld [tilespmem:s26+$0xFFFFFF50]  }
0x5fd: {  	v35 =	vmul.f32 v36, v35;
	v61 =	vld [tilespmem:s26+$0xE0]  }
0x5fe: {  	(xrf2) =	vadd.scan.msk.f32 $0xffff, v42;
	v49 =	vmul.f32 v51, v63  }
0x5ff: {  	v35 =	vmul.f32 v62, v35;
	[tilespmem:s2+$0xFFFFFFB0] =	vst v59;
	v43 =	vmul.f32 v50, v57  }
0x600: {  	v42 =	vld [tilespmem:s21+$0xFFFFFFD0];
	v62 =	vmul.f32 v52, v49;
	v44 =	vmul.f32 v46, v58  }
0x601: {  	(xrf2) =	vadd.scan.msk.f32 $0xffff, v35;
	v63 =	vld [tilespmem:s6+$0xFFFFFFD0];
	v51 =	vmul.f32 v38, v47;
	v43 =	vmul.f32 v60, v43  }
0x602: {  	(xrf2) =	vadd.scan.msk.f32 $0xffff, v62;
	v36 =	vmul.f32 v61, v44  }
0x603: {  	v52 =	vld [tilespmem:s26+$0xFFFFFFD0];
	[tilespmem:s2+$0x40] =	vst v51;
	(xrf2) =	vadd.scan.msk.f32 $0xffff, v43  }
0x604: {  	v35 =	vld [tilespmem:s21+$0x50];
	(xrf2) =	vadd.scan.msk.f32 $0xffff, v36  }
0x605: {  	v53 =	vld [tilespmem:s6+$0x50]  }
0x606: {  	v42 =	vmul.f32 v63, v42  }
0x607: {  	v55 =	vld [tilespmem:s26+$0x50]  }
0x608: {  	v54, _, _ =	vpop (xrf2);
	v42 =	vmul.f32 v52, v42  }
0x609: {  	v43 =	vperm.xlane v54, v1  }
0x60a: {  	v35 =	vmul.f32 v53, v35;
	(xrf2) =	vadd.scan.msk.f32 $0xffff, v42  }
0x60b: {  	v43 =	vmax.f32 v43, $-5.000000000e+00;
	v58, _, _ =	vpop (xrf2)  }
0x60c: {  	v56 =	vmin.f32 v43, $5.000000000e+00;
	v35 =	vmul.f32 v55, v35;
	v59, _, _ =	vpop (xrf2)  }
0x60d: {  	v57 =	vmul.f32 $1.442695020e+00, v56;
	v60, _, _ =	vpop (xrf2);
	v42 =	vperm.xlane v58, v1  }
0x60e: {  	v43 =	vperm.xlane v59, v1;
	v63, _, _ =	vpop (xrf2);
	(xrf2) =	vadd.scan.msk.f32 $0xffff, v35  }
0x60f: {  	(erf) = vpow2.f32 v57;
	v62 =	vperm.xlane v60, v1;
	v61 =	vmax.f32 v42, $-5.000000000e+00  }
0x610: {  	v47 =	vmax.f32 v43, $-5.000000000e+00;
	v46 =	vmin.f32 v61, $5.000000000e+00;
	v48 =	vperm.xlane v63, v1  }
0x611: {  	v36 =	vmin.f32 v47, $5.000000000e+00;
	v42 =	vmax.f32 v62, $-5.000000000e+00;
	v35 =	vmul.f32 $1.442695020e+00, v46  }
0x612: {  	v36 =	vmul.f32 $1.442695020e+00, v36;
	v42 =	vmin.f32 v42, $5.000000000e+00;
	v43 =	vmax.f32 v48, $-5.000000000e+00  }
0x613: {  	v49 =	vmul.f32 $1.442695020e+00, v42;
	(erf) = vpow2.f32 v35;
	v50 =	vmin.f32 v43, $5.000000000e+00  }
0x614: {  	v51, _, _ =	vpop (xrf2);
	(erf) = vpow2.f32 v36;
	v42 =	vmul.f32 $1.442695020e+00, v50  }
0x615: {  	v52 =	vperm.xlane v51, v1;
	(erf) = vpow2.f32 v49  }
0x616: {  	(erf) = vpow2.f32 v42  }
0x617: {  	v35 =	vmax.f32 v52, $-5.000000000e+00  }
0x618: {  	v35 =	vmin.f32 v35, $5.000000000e+00;
	v54, _, _ =	vpop (xrf2)  }
0x619: {  	v53 =	vld [tilespmem:s15+$0xFFFFFFE0];
	v35 =	vmul.f32 $1.442695020e+00, v35;
	v42 =	vperm.xlane v54, v1;
	_ =	sdelay $0x1  }
0x61a: {  	v55 =	vld [tilespmem:s3+$0xE0];
	v43 =	vpop (erf);
	(erf) = vpow2.f32 v35;
	v42 =	vmax.f32 v42, $-5.000000000e+00  }
0x61b: {  	v56 =	vld [tilespmem:s3+$0xFFFFFF50];
	v45 =	vpop (erf)  }
0x61c: {  	v35 =	vpop (erf);
	v57 =	vmin.f32 v42, $5.000000000e+00  }
0x61d: {  	v36 =	vmul.f32 v37, v53;
	v58 =	vmul.f32 $1.442695020e+00, v57;
	v42 =	vpop (erf)  }
0x61e: {  	v59 =	vld [tilespmem:s3+$0xFFFFFFD0];
	v46 =	vpop (erf)  }
0x61f: {  	v60 =	vld [tilespmem:s3+$0x50];
	[tilespmem:s14+$0xFFFFFFD0] =	vst v36;
	(erf) = vpow2.f32 v58;
	v44 =	vmul.f32 v46, v55  }
0x620: {  	v47 =	vld [tilespmem:s18+$0xFFFFFFF0];
	v36 =	vmul.f32 v42, v56  }
0x621: {  	v49 =	vld [tilespmem:s17+$0xFFFFFFF0]  }
0x622: {  	v51 =	vld [tilespmem:s16+$0xFFFFFFF0];
	[tilespmem:s2+$0xFFFFFF30] =	vst v36  }
0x623: {  	[tilespmem:s2+$0xF0] =	vst v44;
	v63 =	vld [tilespmem:s21+$0xFFFFFF60];
	v44 =	vpop (erf)  }
0x624: {  	v55 =	vld [tilespmem:s6+$0xFFFFFF60];
	v62 =	vmul.f32 v44, v59  }
0x625: {  	v61 =	vld [tilespmem:s21+$0xF0]  }
0x626: {  	v53 =	vld [tilespmem:s6+$0xF0];
	[tilespmem:s2+$0xFFFFFFC0] =	vst v62  }
0x627: {  	v56 =	vld [tilespmem:s21+$0xFFFFFFE0]  }
0x628: {  	v57 =	vld [tilespmem:s6+$0xFFFFFFE0];
	v36 =	vpop (erf)  }
0x629: {  	v54 =	vld [tilespmem:s26+$0xF0];
	v48 =	vmul.f32 v36, v60  }
0x62a: {  	v47 =	vmul.f32 v49, v47;
	v58 =	vld [tilespmem:s26+$0xFFFFFF60]  }
0x62b: {  	v60 =	vld [tilespmem:s26+$0xFFFFFFE0];
	[tilespmem:s2+$0x50] =	vst v48  }
0x62c: {  	v47 =	vmul.f32 v51, v47;
	v52 =	vmul.f32 v53, v61;
	v62 =	vld [tilespmem:s21+$0x60]  }
0x62d: {  	v61 =	vmul.f32 v55, v63;
	v56 =	vmul.f32 v57, v56;
	v57 =	vld [tilespmem:s6+$0x60]  }
0x62e: {  	(xrf2) =	vadd.scan.msk.f32 $0xffff, v47;
	v63 =	vmul.f32 v54, v52  }
0x62f: {  	v58 =	vmul.f32 v58, v61;
	v59 =	vld [tilespmem:s26+$0x60]  }
0x630: {  	(xrf2) =	vadd.scan.msk.f32 $0xffff, v63  }
0x631: {  	(xrf2) =	vadd.scan.msk.f32 $0xffff, v58;
	v49 =	vmul.f32 v60, v56  }
0x632: {  	v60 =	vmul.f32 v57, v62  }
0x633: {  	(xrf2) =	vadd.scan.msk.f32 $0xffff, v49  }
0x634: {  	v47 =	vmul.f32 v59, v60;
	_ =	sdelay $0x1  }
0x635: {  	(xrf2) =	vadd.scan.msk.f32 $0xffff, v47;
	_ =	sdelay $0x1  }
0x636: {  	v61, _, _ =	vpop (xrf2)  }
0x637: {  	v47 =	vperm.xlane v61, v1  }
0x638: {  	v62, _, _ =	vpop (xrf2)  }
0x639: {  	v48 =	vperm.xlane v62, v1;
	v63, _, _ =	vpop (xrf2);
	v47 =	vmax.f32 v47, $-5.000000000e+00  }
0x63a: {  	v49 =	vperm.xlane v63, v1;
	v47 =	vmin.f32 v47, $5.000000000e+00  }
0x63b: {  	v48 =	vmax.f32 v48, $-5.000000000e+00;
	v47 =	vmul.f32 $1.442695020e+00, v47;
	v52, _, _ =	vpop (xrf2)  }
0x63c: {  	v48 =	vmin.f32 v48, $5.000000000e+00;
	v49 =	vmax.f32 v49, $-5.000000000e+00;
	v50 =	vperm.xlane v52, v1  }
0x63d: {  	v48 =	vmul.f32 $1.442695020e+00, v48;
	v49 =	vmin.f32 v49, $5.000000000e+00  }
0x63e: {  	(erf) = vpow2.f32 v47;
	v53 =	vmul.f32 $1.442695020e+00, v49;
	v50 =	vmax.f32 v50, $-5.000000000e+00;
	v56, _, _ =	vpop (xrf2)  }
0x63f: {  	(erf) = vpow2.f32 v48;
	v54 =	vmin.f32 v50, $5.000000000e+00;
	v57 =	vperm.xlane v56, v1  }
0x640: {  	(erf) = vpow2.f32 v53;
	v55 =	vmul.f32 $1.442695020e+00, v54  }
0x641: {  	v47 =	vmax.f32 v57, $-5.000000000e+00  }
0x642: {  	v58 =	vld [tilespmem:s15+$0x60];
	(erf) = vpow2.f32 v55;
	v47 =	vmin.f32 v47, $5.000000000e+00  }
0x643: {  	v47 =	vmul.f32 $1.442695020e+00, v47;
	_ =	sdelay $0x1  }
0x644: {  	v59 =	vld [tilespmem:s3+$0xFFFFFF60]  }
0x645: {  	v2 =	vnsel vm0, $0x0, v2;
	(erf) = vpow2.f32 v47  }
0x646: {  	v2 =	vadd.f32 $0.0e+00, v2;
	v62 =	vmul.f32 v43, v58;
	v63 =	vld [tilespmem:s3+$0xFFFFFFE0];
	v47 =	vpop (erf)  }
0x647: {  	v3 =	vsel vm1, $0x0, v3;
	v49 =	vpop (erf)  }
0x648: {  	v2 =	vadd.f32 v3, v2;
	[tilespmem:s14+$0x60] =	vst v62;
	v62 =	vld [tilespmem:s3+$0x60];
	v48 =	vpop (erf)  }
0x649: {  	v4 =	vsel vm2, $0x0, v4;
	v60 =	vld [tilespmem:s18+$0x70];
	v50 =	vmul.f32 v48, v59  }
0x64a: {  	v2 =	vadd.f32 v4, v2;
	v61 =	vld [tilespmem:s17+$0x70];
	v3 =	vpop (erf)  }
0x64b: {  	v56 =	vld [tilespmem:s16+$0x70];
	v63 =	vmul.f32 v3, v63;
	[tilespmem:s2+$0xFFFFFF40] =	vst v50  }
0x64c: {  	v4 =	vld [tilespmem:s21+$0xFFFFFF70]  }
0x64d: {  	v6 =	vsel vm3, $0x0, v6;
	v51 =	vsel vm2, $0x0, v26;
	v26 =	vld [tilespmem:s6+$0xFFFFFF70];
	[tilespmem:s2+$0xFFFFFFD0] =	vst v63  }
0x64e: {  	v18 =	vadd.f32 v23, v18;
	v5 =	vnsel vm0, $0x0, v5;
	v6 =	vadd.f32 v6, v2;
	v23 =	vld [tilespmem:s21+$0xFFFFFFF0];
	v2 =	vpop (erf)  }
0x64f: {  	v5 =	vadd.f32 $0.0e+00, v5;
	v58 =	vld [tilespmem:s6+$0xFFFFFFF0];
	v55 =	vmul.f32 v2, v62  }
0x650: {  	v8 =	vsel vm1, $0x0, v8;
	v59 =	vld [tilespmem:s26+$0xFFFFFF70]  }
0x651: {  	v7 =	vsel vm4, $0x0, v7;
	v5 =	vadd.f32 v8, v5;
	v60 =	vmul.f32 v61, v60;
	v61 =	vld [tilespmem:s26+$0xFFFFFFF0];
	[tilespmem:s2+$0x60] =	vst v55  }
0x652: {  	v10 =	vsel vm5, $0x0, v10;
	v11 =	vsel vm2, $0x0, v11;
	v6 =	vadd.f32 v7, v6;
	v62 =	vld [tilespmem:s21+$0x70]  }
0x653: {  	v5 =	vadd.f32 v11, v5;
	v63 =	vmul.f32 v56, v60;
	v4 =	vmul.f32 v26, v4;
	v50 =	vld [tilespmem:s6+$0x70]  }
0x654: {  	v6 =	vadd.f32 v10, v6;
	v25 =	vsel vm5, $0x0, v25;
	v23 =	vmul.f32 v58, v23  }
0x655: {  	v16 =	vadd.f32 v25, v16;
	v24 =	vsel vm6, $0x0, v24;
	(xrf2) =	vadd.scan.msk.f32 $0xffff, v63;
	v56 =	vld [tilespmem:s26+$0x70];
	v4 =	vmul.f32 v59, v4  }
0x656: {  	v6 =	vadd.f32 v24, v6;
	v27 =	vsel vm5, $0x0, v27;
	v23 =	vmul.f32 v61, v23  }
0x657: {  	v15 =	vadd.f32 v27, v15;
	v17 =	vadd.f32 v51, v17;
	v51 =	vsel vm4, $0x0, v41;
	(xrf2) =	vadd.scan.msk.f32 $0xffff, v4  }
0x658: {  	v27 =	vld [tilespmem:s3+$0xF0];
	v44 =	vsel vm5, $0x0, v44;
	v54 =	vsel vm5, $0x0, v33;
	v60 =	vmul.f32 v50, v62;
	(xrf2) =	vadd.scan.msk.f32 $0xffff, v23  }
0x659: {  	v52 =	vld [tilespmem:s15+$0xF0];
	v53 =	vsel vm4, $0x0, v40;
	v14 =	vadd.f32 v54, v14;
	v57 =	vsel vm7, $0x0, v22  }
0x65a: {  	v19 =	vadd.f32 v57, v19;
	v57 =	vsel vm7, $0x0, v29;
	v55 =	vld [tilespmem:s12+$0xFFFFFF70];
	v4 =	vmul.f32 v56, v60  }
0x65b: {  	v10 =	vadd.f32 v57, v12;
	v41 =	vsel vm7, $0x0, v47;
	v58 =	vsel vm7, $0x0, v32  }
0x65c: {  	v3 =	vsel vm6, $0x0, v3;
	v59 =	vld [tilespmem:s12+$0xFFFFFFF0];
	v6 =	vadd.f32 v58, v6;
	v58 =	vsel vm3, $0x0, v20;
	(xrf2) =	vadd.scan.msk.f32 $0xffff, v4  }
0x65d: {  	v61 =	vsel vm3, $0x0, v30;
	v30 =	vsel vm3, $0x0, v34;
	v5 =	vadd.f32 v58, v5  }
0x65e: {  	v12 =	vadd.f32 v61, v13;
	v17 =	vadd.f32 v30, v17;
	[tilespmem:s14+$0x110] =	vst v6;
	v6 =	vmul.f32 v49, v27  }
0x65f: {  	v62 =	vsel vm3, $0x0, v31;
	v31 =	vmul.f32 v32, v52;
	v32 =	vmul.f32 v22, v55;
	v55, _, _ =	vpop (xrf2)  }
0x660: {  	v50 =	vsel vm6, $0x0, v39;
	v52 =	vsel vm6, $0x0, v37;
	v57 =	vperm.xlane v55, v1  }
0x661: {  	v39 =	vsel vm7, $0x0, v35;
	v63 =	vadd.f32 v62, v18;
	v33 =	vmul.f32 v29, v59;
	v59, _, _ =	vpop (xrf2)  }
0x662: {  	v54 =	vadd.f32 v52, v15;
	v11 =	vmax.f32 v57, $-5.000000000e+00;
	v60 =	vperm.xlane v59, v1;
	v61, _, _ =	vpop (xrf2)  }
0x663: {  	v56 =	vsel vm4, $0x0, v38;
	v11 =	vmin.f32 v11, $5.000000000e+00;
	v20 =	vperm.xlane v61, v1  }
0x664: {  	v15 =	vadd.f32 v56, v17;
	v11 =	vmul.f32 $1.442695020e+00, v11;
	v17 =	vmax.f32 v60, $-5.000000000e+00  }
0x665: {  	v16 =	vadd.f32 v50, v16;
	v17 =	vmin.f32 v17, $5.000000000e+00;
	v20 =	vmax.f32 v20, $-5.000000000e+00  }
0x666: {  	[tilespmem:s0+$0xFFFFFF60] =	vst v19;
	(erf) = vpow2.f32 v11;
	v24 =	vmul.f32 $1.442695020e+00, v17;
	v25 =	vmin.f32 v20, $5.000000000e+00;
	v26, _, _ =	vpop (xrf2)  }
0x667: {  	[tilespmem:s0+$0xFFFFFFF0] =	vst v10;
	v34 =	vld [tilespmem:s12+$0x70];
	v62 =	vsel vm4, $0x0, v28;
	v17 =	vmul.f32 $1.442695020e+00, v25;
	v18 =	vperm.xlane v26, v1  }
0x668: {  	v28 =	vsel vm7, $0x0, v45;
	[tilespmem:s2+$0x100] =	vst v6;
	v5 =	vadd.f32 v62, v5;
	(erf) = vpow2.f32 v24  }
0x669: {  	[tilespmem:s0+$0xFFFFFF50] =	vst v32;
	v9 =	vadd.f32 v28, v9;
	v32 =	vld [tilespmem:s15+$0xFFFFFF70];
	(erf) = vpow2.f32 v17;
	v30 =	vmax.f32 v18, $-5.000000000e+00  }
0x66a: {  	[tilespmem:s14+$0x100] =	vst v31;
	v13 =	vadd.f32 v53, v63;
	v63 =	vsel vm5, $0x0, v21;
	v7 =	vmin.f32 v30, $5.000000000e+00  }
0x66b: {  	v37 =	vld [tilespmem:s15+$0xFFFFFFF0];
	v8 =	vadd.f32 v41, v54;
	v5 =	vadd.f32 v63, v5;
	[tilespmem:s0+$0xFFFFFFE0] =	vst v33;
	v7 =	vmul.f32 $1.442695020e+00, v7  }
0x66c: {  	v40 =	vld [tilespmem:s15+$0x70];
	v12 =	vadd.f32 v51, v12;
	v29 =	vsel vm6, $0x0, v46;
	v4 =	vmul.f32 v45, v34;
	[tilespmem:s0+$0x80] =	vst v9  }
0x66d: {  	v9 =	vadd.f32 v39, v16;
	[tilespmem:s14+$0xFFFFFFF0] =	vst v8;
	v5 =	vadd.f32 v29, v5;
	(erf) = vpow2.f32 v7  }
0x66e: {  	v31 =	vsel vm7, $0x0, v49;
	v49 =	vld [tilespmem:s3+$0xFFFFFF70];
	v33 =	vsel vm6, $0x0, v43;
	[tilespmem:s0+$0x70] =	vst v4;
	v46 =	vmul.f32 v35, v32  }
0x66f: {  	v43 =	vsel vm5, $0x0, v42;
	v38 =	vadd.f32 v33, v14;
	[tilespmem:s14+$0xFFFFFF60] =	vst v9;
	v34 =	vadd.f32 v31, v5  }
0x670: {  	v45 =	vadd.f32 v44, v13;
	v5 =	vmul.f32 v47, v37;
	v47 =	vsel vm6, $0x0, v48;
	[tilespmem:s14+$0xFFFFFF50] =	vst v46;
	v48 =	vpop (erf)  }
0x671: {  	v53 =	vld [tilespmem:s3+$0xFFFFFFF0];
	v4 =	vadd.f32 v43, v12;
	[tilespmem:s2+$0x110] =	vst v34;
	v50 =	vmul.f32 v48, v40;
	v51 =	vsel vm7, $0x0, v48;
	v52 =	vpop (erf)  }
0x672: {  	v58 =	vsel vm5, $0x0, v36;
	v57 =	vld [tilespmem:s3+$0x70];
	v3 =	vadd.f32 v3, v45;
	[tilespmem:s14+$0xFFFFFFE0] =	vst v5;
	v54 =	vadd.f32 v51, v38;
	v56 =	vpop (erf)  }
0x673: {  	v4 =	vadd.f32 v47, v4;
	[tilespmem:s14+$0x70] =	vst v50;
	v61 =	vmul.f32 v52, v49;
	v59 =	vsel vm7, $0x0, v56  }
0x674: {  	v60 =	vadd.f32 v58, v15;
	[tilespmem:s14+$0x80] =	vst v54;
	v55 =	vsel vm7, $0x0, v52;
	v3 =	vadd.f32 v59, v3  }
0x675: {  	v2 =	vsel vm6, $0x0, v2;
	v4 =	vadd.f32 v55, v4;
	[tilespmem:s2+$0xFFFFFF50] =	vst v61  }
0x676: {  	v2 =	vadd.f32 v2, v60;
	[tilespmem:s2+$0xFFFFFFF0] =	vst v3;
	v3 =	vmul.f32 v56, v53;
	v62 =	vpop (erf)  }
0x677: {  	[tilespmem:s2+$0xFFFFFF60] =	vst v4;
	v63 =	vmul.f32 v62, v57;
	v5 =	vsel vm7, $0x0, v62  }
0x678: {  	s0 =	sadd.s32 $0x3, s31;
	[tilespmem:s2+$0xFFFFFFE0] =	vst v3;
	v2 =	vadd.f32 v5, v2  }
0x679: {  	s25 =	simm.s32 $0x20;
	p0 =	sge.u32 s0, s13;
	[tilespmem:s2+$0x70] =	vst v63  }
0x67a: {  	s24 =	rddreg [dreg:$0x2];
	s26 =	simm.s32 $0x60;
	s0 =	sadd.s32 @!p0 s10, s0;
	[tilespmem:s2+$0x80] =	vst v2  }
0x67b: {  	[spmem:s24] =	stream.indirect.scatter.add.f32 [tilespmem:s22], [sflag:$0x5], $0x90, s26, s25, $0xb8;
	[tilespmem:$0x1F210] =	vst v63  }
0x67c: {  	s3 =	simm.s32 @!p0 $0x20;
	s0 =	sshll.u32 @!p0 s0, $0x2;
	_ =	swait.ge [sflag:s23], $0x1200  }
.Ltmp10:
0x67d: {  	[sflag:s23] =	ssyncset.done $0x0;
	s1 =	rddreg [dreg:$0x6];
	(pc) =	sbr.rel .LBB2_14-.Ltmp10, $4  }
0x67e: {  	s2 =	simm.s32 @!p0 $0x0;
	[sflag:s23] =	ssyncadd.s32 $0xFFFFEE00;
	s1 =	sadd.s32 @!p0 s1, s0  }
0x67f: {  	[tilespmem:s3], [sflag:$0x2] =	stream.linear.gather @!p0 [hbm4b:s1+s2], $0x20, $0x38;
	[tilespmem:$0x1F210] =	vst v63  }
0x680: {  	s0 =	sadd.s32 @!p0 s19, s0;
	s1 =	simm.s32 @!p0 $0x60  }
0x681: {  	[tilespmem:s1], [sflag:$0x2] =	stream.linear.gather @!p0 [hbm4b:s0+s2], $0x20, $0x38;
	[tilespmem:$0x1F210] =	vst v63  }
.LBB2_16:
0x682: {  	_ =	sfence.sel $0x180000  }
0x683: {  	[bflag:$0x0] =	sbarrier.arrive $0xFFFF  }
0x684: {  	_ =	strace $0x90000047  }
0x685: {  	s0 =	stileid.u32;
	[bflag:$0x2] =	sbarrier.arrive $0xFFFF  }
0x686: {  	p0 =	sne.s32 s0, $0x0;
	s0 =	rddreg [dreg:$0x3]  }
0x687: {  	s0 =	sadd.s32 @!p0 $0x100000, s0  }
0x688: {  	[sflag:s0] =	ssyncadd.tile.s32 @!p0 $0x1;
	_ =	shalt  }
.Lfunc_end2:
_tile_overlayer_lowered:
.L_overlay_start_2:
0x689: {  	(tag) =	ssettag $0x2  }
0x68a: {  	s0 =	rddreg [dreg:$0x0];
	s2 =	stileid.u32  }
0x68b: {  	s1 =	rddreg [dreg:$0x1];
	p0 =	sne.s32 s2, $0x0  }
0x68c: {  	s3 =	rddreg [dreg:$0x2];
	[bflag:$0x3] =	sbarrier.arrive $0xFFFF;
	s2 =	simm.s32 @!p0 $0x1C05  }
0x68d: {  	[timem:s3], [sflag:s2] =	dma.local @!p0 [hbm:s0], s1  }
0x68e: {  	s0 =	simm.s32 @!p0 $0x5  }
0x68f: {  	_ =	swait.ge @!p0 [sflag:s0], s1  }
0x690: {  	s1 =	ssub.s32 @!p0 $0x0, s1;
	[sflag:s0] =	ssyncset.done @!p0 $0x0  }
0x691: {  	[sflag:s0] =	ssyncadd.s32 @!p0 s1  }
0x692: {  	[bflag:$0x3] =	sbarrier.arrive $0xFFFF  }
0x693: {  	_ =	shalt  }

</sc_bundles>
